<compile_context>
chip_gen: v7x
topology: tpu7x:2x2x1
jax: 0.10.2.dev20260603
libtpu: 0.0.44.dev20260713+nightly
codegen_flags: <defaults>
</compile_context>

<pallas_src>
import functools

import jax
import jax.numpy as jnp
from jax import lax
from jax.experimental import pallas as pl
from jax.experimental.pallas import tpu as pltpu
from jax.experimental.pallas import tpu_sc as plsc

_NC = 2
_NS = 16
_NW = _NC * _NS
_C = 128
_W = 128



def _zero_acc_slice(zbuf, acc, zr, base, rpt):
  @pl.loop(0, zr)
  def _zero_rows(i):
    for l in range(_W // 16):
      zbuf[i, pl.ds(l * 16, 16)] = jnp.zeros((16,), jnp.float32)
  off = 0
  while off < rpt:
    nrows = min(zr, rpt - off)
    pltpu.sync_copy(zbuf.at[pl.ds(0, nrows)], acc.at[pl.ds(base + off, nrows)])
    off += nrows


@functools.lru_cache(maxsize=None)
def _make_agg(n_acc: int, ch: int):
  assert n_acc % (8 * _NS) == 0
  rpt = n_acc // _NS
  zr = min(rpt, 32)

  def body(table, srcr, dstr, out, idx_s, idx_d, rows0, rows1, zbuf, acc,
           sem0, sem1):
    c = lax.axis_index("c")
    s = lax.axis_index("s")
    wid = c * _NS + s

    pltpu.sync_copy(srcr.at[pl.ds(wid * ch, ch)], idx_s)
    pltpu.sync_copy(dstr.at[pl.ds(wid * ch, ch)], idx_d)
    _zero_acc_slice(zbuf, acc, zr, s * rpt, rpt)
    plsc.subcore_barrier()

    pltpu.async_copy(table.at[idx_s.at[0]], rows0, sem0)

    @pl.loop(0, ch // 2)
    def _pipe(k):
      j0 = k * 2
      pltpu.async_copy(table.at[idx_s.at[j0 + 1]], rows1, sem1)
      pltpu.make_async_copy(table.at[idx_s.at[0]], rows0, sem0).wait()
      pltpu.sync_copy(rows0, acc.at[idx_d.at[j0]], add=True)

      @pl.when(k < ch // 2 - 1)
      def _():
        pltpu.async_copy(table.at[idx_s.at[j0 + 2]], rows0, sem0)

      pltpu.make_async_copy(table.at[idx_s.at[0]], rows1, sem1).wait()
      pltpu.sync_copy(rows1, acc.at[idx_d.at[j0 + 1]], add=True)

    plsc.subcore_barrier()
    pltpu.sync_copy(acc.at[pl.ds(s * rpt, rpt)],
                    out.at[c, pl.ds(s * rpt, rpt)])

  return pl.kernel(
      body,
      out_type=jax.ShapeDtypeStruct((_NC, n_acc, _W), jnp.float32),
      mesh=plsc.VectorSubcoreMesh(core_axis_name="c", subcore_axis_name="s",
                                  num_cores=_NC, num_subcores=_NS),
      scratch_types=[
          pltpu.VMEM((ch, _C), jnp.int32),
          pltpu.VMEM((ch, _C), jnp.int32),
          pltpu.VMEM((_C, _W), jnp.float32),
          pltpu.VMEM((_C, _W), jnp.float32),
          pltpu.VMEM((zr, _W), jnp.float32),
          pltpu.VMEM_SHARED((n_acc, _W), jnp.float32),
          pltpu.SemaphoreType.DMA,
          pltpu.SemaphoreType.DMA,
      ],
  )


@functools.lru_cache(maxsize=None)
def _make_deg(n_acc: int, ch: int):
  assert n_acc % (8 * _NS) == 0
  rpt = n_acc // _NS
  zr = min(rpt, 16384 // _W)

  def body(dstr, out, idx_d, ones, zbuf, acc):
    c = lax.axis_index("c")
    s = lax.axis_index("s")
    wid = c * _NS + s

    pltpu.sync_copy(dstr.at[pl.ds(wid * ch, ch)], idx_d)

    @pl.loop(0, _C)
    def _fill_ones(i):
      for l in range(_W // 16):
        ones[i, pl.ds(l * 16, 16)] = jnp.ones((16,), jnp.float32)

    _zero_acc_slice(zbuf, acc, zr, s * rpt, rpt)
    plsc.subcore_barrier()

    @pl.loop(0, ch)
    def _scat(j):
      pltpu.sync_copy(ones, acc.at[idx_d.at[j]], add=True)

    plsc.subcore_barrier()
    pltpu.sync_copy(acc.at[pl.ds(s * rpt, rpt)],
                    out.at[c, pl.ds(s * rpt, rpt)])

  return pl.kernel(
      body,
      out_type=jax.ShapeDtypeStruct((_NC, n_acc, _W), jnp.float32),
      mesh=plsc.VectorSubcoreMesh(core_axis_name="c", subcore_axis_name="s",
                                  num_cores=_NC, num_subcores=_NS),
      scratch_types=[
          pltpu.VMEM((ch, _C), jnp.int32),
          pltpu.VMEM((_C, _W), jnp.float32),
          pltpu.VMEM((zr, _W), jnp.float32),
          pltpu.VMEM_SHARED((n_acc, _W), jnp.float32),
      ],
  )



def _prep_body(d_ref, x_ref, w_ref, dis_ref, p_ref):
  deg = d_ref[0, :, 0:1] + d_ref[1, :, 0:1] + 1.0
  dis = lax.rsqrt(deg)
  dis_ref[...] = dis
  g = jnp.dot(x_ref[...], w_ref[...], preferred_element_type=jnp.float32)
  p_ref[...] = g * dis


def _tc_prep(deg2, x, w1, br=1000):
  n, d = x.shape
  h = w1.shape[1]
  return pl.pallas_call(
      _prep_body,
      grid=(n // br,),
      in_specs=[
          pl.BlockSpec((_NC, br, _W), lambda i: (0, i, 0)),
          pl.BlockSpec((br, d), lambda i: (i, 0)),
          pl.BlockSpec((d, h), lambda i: (0, 0)),
      ],
      out_specs=[
          pl.BlockSpec((br, 1), lambda i: (i, 0)),
          pl.BlockSpec((br, h), lambda i: (i, 0)),
      ],
      out_shape=[
          jax.ShapeDtypeStruct((n, 1), jnp.float32),
          jax.ShapeDtypeStruct((n, h), jnp.float32),
      ],
  )(deg2, x, w1)


def _mid_body(s_ref, p_ref, dis_ref, b_ref, w_ref, pn_ref):
  dis = dis_ref[...]
  hid = dis * (s_ref[0] + s_ref[1] + p_ref[...]) + b_ref[...]
  hid = jnp.maximum(hid, 0.0)
  pn_ref[...] = jnp.dot(hid, w_ref[...],
                        preferred_element_type=jnp.float32) * dis


def _tc_mid(s2, p, dis, b, w, br=1000):
  n, h = p.shape
  ho = w.shape[1]
  return pl.pallas_call(
      _mid_body,
      grid=(n // br,),
      in_specs=[
          pl.BlockSpec((_NC, br, h), lambda i: (0, i, 0)),
          pl.BlockSpec((br, h), lambda i: (i, 0)),
          pl.BlockSpec((br, 1), lambda i: (i, 0)),
          pl.BlockSpec((1, h), lambda i: (0, 0)),
          pl.BlockSpec((h, ho), lambda i: (0, 0)),
      ],
      out_specs=pl.BlockSpec((br, ho), lambda i: (i, 0)),
      out_shape=jax.ShapeDtypeStruct((n, ho), jnp.float32),
  )(s2, p, dis, b, w)


def _q_body(s_ref, p_ref, dis_ref, b_ref, q_ref):
  dis = dis_ref[...]
  hid = dis * (s_ref[0] + s_ref[1] + p_ref[...]) + b_ref[...]
  q_ref[...] = jnp.maximum(hid, 0.0) * dis


def _tc_q(s3, p, dis, b, br=1000):
  n, h = p.shape
  return pl.pallas_call(
      _q_body,
      grid=(n // br,),
      in_specs=[
          pl.BlockSpec((_NC, br, h), lambda i: (0, i, 0)),
          pl.BlockSpec((br, h), lambda i: (i, 0)),
          pl.BlockSpec((br, 1), lambda i: (i, 0)),
          pl.BlockSpec((1, h), lambda i: (0, 0)),
      ],
      out_specs=pl.BlockSpec((br, h), lambda i: (i, 0)),
      out_shape=jax.ShapeDtypeStruct((n, h), jnp.float32),
  )(s3, p, dis, b)


def _out_body(t_ref, q_ref, dis_ref, w_ref, b_ref, o_ref):
  tot = t_ref[0] + t_ref[1] + q_ref[...]
  y = jnp.dot(tot, w_ref[...], preferred_element_type=jnp.float32)
  o_ref[...] = dis_ref[...] * y + b_ref[0, 0]


def _tc_out(t4, q, dis, w4, b4, br=1000):
  n, h = q.shape
  return pl.pallas_call(
      _out_body,
      grid=(n // br,),
      in_specs=[
          pl.BlockSpec((_NC, br, h), lambda i: (0, i, 0)),
          pl.BlockSpec((br, h), lambda i: (i, 0)),
          pl.BlockSpec((br, 1), lambda i: (i, 0)),
          pl.BlockSpec((h, 1), lambda i: (0, 0)),
          pl.BlockSpec((1, 1), lambda i: (0, 0)),
      ],
      out_specs=pl.BlockSpec((br, 1), lambda i: (i, 0)),
      out_shape=jax.ShapeDtypeStruct((n, 1), jnp.float32),
  )(t4, q, dis, w4, b4)



def kernel(x, edge_index, W1, b1, W2, b2, W3, b3, W4, b4):
  n, _ = x.shape
  h = W1.shape[1]
  e = edge_index.shape[1]
  ch = -(-e // (_NW * _C))
  e_pad = _NW * ch * _C
  n_acc = -(-n // (8 * _NS)) * (8 * _NS)
  if n_acc == n:
    n_acc += 8 * _NS

  src = edge_index[0]
  dst = edge_index[1]
  pad = e_pad - e
  pad_src = jnp.arange(pad, dtype=src.dtype) % n
  pad_dst = n + jnp.arange(pad, dtype=dst.dtype) % (n_acc - n)
  srcr = jnp.concatenate([src, pad_src]).reshape(_NW * ch, _C)
  dstr = jnp.concatenate([dst, pad_dst]).reshape(_NW * ch, _C)

  agg = _make_agg(n_acc, ch)
  deg2 = _make_deg(n_acc, ch)(dstr)

  dis, p1 = _tc_prep(deg2, x, W1)
  s1 = agg(p1, srcr, dstr)
  p2 = _tc_mid(s1, p1, dis, b1.reshape(1, h), W2)
  s2 = agg(p2, srcr, dstr)
  p3 = _tc_mid(s2, p2, dis, b2.reshape(1, h), W3)
  s3 = agg(p3, srcr, dstr)
  q = _tc_q(s3, p3, dis, b3.reshape(1, h))
  t4 = agg(q, srcr, dstr)
  return _tc_out(t4, q, dis, W4, b4.reshape(1, 1))

# --- scband reference (transcript-rebuilt; emitter-appended) ---
"""Pipeline reference for scband-gcn-19026705121853 (READ-ONLY COPY).

The authoritative reference and input builder live on the scoring server;
editing this copy changes nothing except your own understanding.
"""

import jax, jax.numpy as jnp
import numpy as np

N = 10000
E = 160000
D = 512
H = 128


def setup_inputs(seed: int = 0) -> dict:
    key = jax.random.key(seed)
    ks = jax.random.split(key, 12)
    x = jax.random.normal(ks[0], (N, D), dtype=jnp.float32)
    edge_index = jax.random.randint(ks[1], (2, E), 0, N, dtype=jnp.int32)
    W1 = jax.random.normal(ks[2], (D, H), dtype=jnp.float32) * (1.0 / np.sqrt(D))
    b1 = jnp.zeros((H,), dtype=jnp.float32)
    W2 = jax.random.normal(ks[3], (H, H), dtype=jnp.float32) * (1.0 / np.sqrt(H))
    b2 = jnp.zeros((H,), dtype=jnp.float32)
    W3 = jax.random.normal(ks[4], (H, H), dtype=jnp.float32) * (1.0 / np.sqrt(H))
    b3 = jnp.zeros((H,), dtype=jnp.float32)
    W4 = jax.random.normal(ks[5], (H, 1), dtype=jnp.float32) * (1.0 / np.sqrt(H))
    b4 = jnp.zeros((1,), dtype=jnp.float32)
    return {"x": x, "edge_index": edge_index, "W1": W1, "b1": b1, "W2": W2, "b2": b2, "W3": W3, "b3": b3, "W4": W4, "b4": b4}


def reference(x, edge_index, W1, b1, W2, b2, W3, b3, W4, b4):
    n = x.shape[0]
    loop = jnp.arange(n, dtype=edge_index.dtype)
    src = jnp.concatenate([edge_index[0], loop])
    dst = jnp.concatenate([edge_index[1], loop])
    # GCN symmetric normalization with self-loops: D^{-1/2} (A+I) D^{-1/2}
    deg = jax.ops.segment_sum(jnp.ones(dst.shape[0], dtype=x.dtype), dst, num_segments=n)
    dis = jnp.where(deg > 0, 1.0 / jnp.sqrt(deg), 0.0)
    norm = (dis[src] * dis[dst])[:, None]

    def conv(h, W, b):
        h = h @ W
        m = h[src] * norm
        return jax.ops.segment_sum(m, dst, num_segments=n) + b

    h = jax.nn.relu(conv(x, W1, b1))
    # dropout is identity in eval mode
    h = jax.nn.relu(conv(h, W2, b2))
    h = jax.nn.relu(conv(h, W3, b3))
    out = conv(h, W4, b4)
    return out

if __name__ == "__main__":
    import jax
    _d = setup_inputs()
    print(jax.jit(kernel)(*tuple(_d.values())))

</pallas_src>

<mosaic_0001>
#map = affine_map<(d0, d1) -> (0, 0)>
#map1 = affine_map<(d0, d1) -> (0, 0, 0)>
module attributes {stable_mosaic.version = 14 : i64} {
  func.func @body(%arg0: i32, %arg1: i32, %arg2: memref<10000x128xf32, #tpu.memory_space<hbm>>, %arg3: memref<1280x128xi32, #tpu.memory_space<hbm>>, %arg4: memref<1280x128xi32, #tpu.memory_space<hbm>>, %arg5: memref<2x10112x128xf32, #tpu.memory_space<hbm>>, %arg6: memref<40x128xi32, #tpu.memory_space<vmem>>, %arg7: memref<40x128xi32, #tpu.memory_space<vmem>>, %arg8: memref<128x128xf32, #tpu.memory_space<vmem>>, %arg9: memref<128x128xf32, #tpu.memory_space<vmem>>, %arg10: memref<32x128xf32, #tpu.memory_space<vmem>>, %arg11: memref<10112x128xf32, #tpu.memory_space<vmem_shared>>, %arg12: memref<!tpu.dma_semaphore, #tpu.memory_space<semaphore_mem>>, %arg13: memref<!tpu.dma_semaphore, #tpu.memory_space<semaphore_mem>>) attributes {dimension_semantics = [#tpu.dimension_semantics<core_parallel>, #tpu.dimension_semantics<subcore_parallel>], iteration_bounds = array<i64: 2, 16>, scalar_prefetch = 0 : i64, scratch_operands = 8 : i64, tpu.core_type = #tpu.core_type<sc_vector_subcore>, window_params = [{transform_indices = #map}, {transform_indices = #map}, {transform_indices = #map}, {transform_indices = #map1}]} {
    %mul3A = arith.constant 16 : i32
    %mul3A_0 = arith.muli %arg0, %mul3A : i32
    %add3A = arith.addi %mul3A_0, %arg1 : i32
    %mul3A_1 = arith.constant 40 : i32
    %mul3A_2 = arith.muli %add3A, %mul3A_1 : i32
    "tpu.region"() ({
      %run_scoped3A = tpu.sem_alloc : memref<!tpu.dma_semaphore, #tpu.memory_space<semaphore_mem>>
      %dma_start3A_67 = arith.constant 0 : i32
      %dma_start3A_68 = tpu.memref_slice %arg3[%mul3A_2, %dma_start3A_67] : memref<1280x128xi32, #tpu.memory_space<hbm>> -> memref<40x128xi32, #tpu.memory_space<hbm>>
      %dma_start3A_69 = arith.constant 0 : i32
      %dma_start3A_70 = tpu.memref_slice %arg3[%mul3A_2, %dma_start3A_69] : memref<1280x128xi32, #tpu.memory_space<hbm>> -> memref<40x128xi32, #tpu.memory_space<hbm>>
      tpu.enqueue_dma source(%dma_start3A_70 : memref<40x128xi32, #tpu.memory_space<hbm>>) target(%arg6 : memref<40x128xi32, #tpu.memory_space<vmem>>) target_semaphore(%run_scoped3A : memref<!tpu.dma_semaphore, #tpu.memory_space<semaphore_mem>>)
      %dma_wait3A = arith.constant 0 : i32
      %dma_wait3A_71 = tpu.memref_slice %arg3[%mul3A_2, %dma_wait3A] : memref<1280x128xi32, #tpu.memory_space<hbm>> -> memref<40x128xi32, #tpu.memory_space<hbm>>
      %dma_wait3A_72 = arith.constant 0 : i32
      %dma_wait3A_73 = tpu.memref_slice %arg3[%mul3A_2, %dma_wait3A_72] : memref<1280x128xi32, #tpu.memory_space<hbm>> -> memref<40x128xi32, #tpu.memory_space<hbm>>
      tpu.wait_dma2 semaphore(%run_scoped3A : memref<!tpu.dma_semaphore, #tpu.memory_space<semaphore_mem>>) src(%dma_wait3A_73 : memref<40x128xi32, #tpu.memory_space<hbm>>) dst(%arg6 : memref<40x128xi32, #tpu.memory_space<vmem>>)
      tpu.yield
    }) : () -> ()
    %mul3A_3 = arith.constant 40 : i32
    %mul3A_4 = arith.muli %add3A, %mul3A_3 : i32
    "tpu.region"() ({
      %run_scoped3A = tpu.sem_alloc : memref<!tpu.dma_semaphore, #tpu.memory_space<semaphore_mem>>
      %dma_start3A_67 = arith.constant 0 : i32
      %dma_start3A_68 = tpu.memref_slice %arg4[%mul3A_4, %dma_start3A_67] : memref<1280x128xi32, #tpu.memory_space<hbm>> -> memref<40x128xi32, #tpu.memory_space<hbm>>
      %dma_start3A_69 = arith.constant 0 : i32
      %dma_start3A_70 = tpu.memref_slice %arg4[%mul3A_4, %dma_start3A_69] : memref<1280x128xi32, #tpu.memory_space<hbm>> -> memref<40x128xi32, #tpu.memory_space<hbm>>
      tpu.enqueue_dma source(%dma_start3A_70 : memref<40x128xi32, #tpu.memory_space<hbm>>) target(%arg7 : memref<40x128xi32, #tpu.memory_space<vmem>>) target_semaphore(%run_scoped3A : memref<!tpu.dma_semaphore, #tpu.memory_space<semaphore_mem>>)
      %dma_wait3A = arith.constant 0 : i32
      %dma_wait3A_71 = tpu.memref_slice %arg4[%mul3A_4, %dma_wait3A] : memref<1280x128xi32, #tpu.memory_space<hbm>> -> memref<40x128xi32, #tpu.memory_space<hbm>>
      %dma_wait3A_72 = arith.constant 0 : i32
      %dma_wait3A_73 = tpu.memref_slice %arg4[%mul3A_4, %dma_wait3A_72] : memref<1280x128xi32, #tpu.memory_space<hbm>> -> memref<40x128xi32, #tpu.memory_space<hbm>>
      tpu.wait_dma2 semaphore(%run_scoped3A : memref<!tpu.dma_semaphore, #tpu.memory_space<semaphore_mem>>) src(%dma_wait3A_73 : memref<40x128xi32, #tpu.memory_space<hbm>>) dst(%arg7 : memref<40x128xi32, #tpu.memory_space<vmem>>)
      tpu.yield
    }) : () -> ()
    %mul3A_5 = arith.constant 632 : i32
    %mul3A_6 = arith.muli %arg1, %mul3A_5 : i32
    %scan3A = arith.constant 0 : i32
    %scan3A_7 = arith.constant 32 : i32
    %scan3A_8 = arith.addi %scan3A, %scan3A_7 : i32
    %scan3A_9 = arith.constant 1 : i32
    scf.for %scan3A_67 = %scan3A to %scan3A_8 step %scan3A_9  : i32 {
      %mul3A_68 = arith.constant 1 : i32
      %mul3A_69 = arith.muli %scan3A_67, %mul3A_68 : i32
      %add3A_70 = arith.constant 0 : i32
      %add3A_71 = arith.addi %add3A_70, %mul3A_69 : i32
      %broadcast_in_dim3A = arith.constant 0.000000e+00 : f32
      %broadcast_in_dim3A_72 = vector.broadcast %broadcast_in_dim3A : f32 to vector<16xf32>
      %swap3A = arith.index_cast %add3A_71 : i32 to index
      %swap3A_73 = arith.constant 0 : index
      %swap3A_74 = tpu.vector_load %arg10[%swap3A, %swap3A_73] {strides = array<i32>} : memref<32x128xf32, #tpu.memory_space<vmem>>, vector<1x16xf32>,
      %swap3A_75 = vector.shape_cast %swap3A_74 : vector<1x16xf32> to vector<16xf32>
      %swap3A_76 = vector.shape_cast %broadcast_in_dim3A_72 : vector<16xf32> to vector<1x16xf32>
      tpu.vector_store %arg10[%swap3A, %swap3A_73], %swap3A_76 {strides = array<i32>} : memref<32x128xf32, #tpu.memory_space<vmem>>, vector<1x16xf32>,
      %broadcast_in_dim3A_77 = arith.constant 0.000000e+00 : f32
      %broadcast_in_dim3A_78 = vector.broadcast %broadcast_in_dim3A_77 : f32 to vector<16xf32>
      %swap3A_79 = arith.index_cast %add3A_71 : i32 to index
      %swap3A_80 = arith.constant 16 : index
      %swap3A_81 = tpu.vector_load %arg10[%swap3A_79, %swap3A_80] {strides = array<i32>} : memref<32x128xf32, #tpu.memory_space<vmem>>, vector<1x16xf32>,
      %swap3A_82 = vector.shape_cast %swap3A_81 : vector<1x16xf32> to vector<16xf32>
      %swap3A_83 = vector.shape_cast %broadcast_in_dim3A_78 : vector<16xf32> to vector<1x16xf32>
      tpu.vector_store %arg10[%swap3A_79, %swap3A_80], %swap3A_83 {strides = array<i32>} : memref<32x128xf32, #tpu.memory_space<vmem>>, vector<1x16xf32>,
      %broadcast_in_dim3A_84 = arith.constant 0.000000e+00 : f32
      %broadcast_in_dim3A_85 = vector.broadcast %broadcast_in_dim3A_84 : f32 to vector<16xf32>
      %swap3A_86 = arith.index_cast %add3A_71 : i32 to index
      %swap3A_87 = arith.constant 32 : index
      %swap3A_88 = tpu.vector_load %arg10[%swap3A_86, %swap3A_87] {strides = array<i32>} : memref<32x128xf32, #tpu.memory_space<vmem>>, vector<1x16xf32>,
      %swap3A_89 = vector.shape_cast %swap3A_88 : vector<1x16xf32> to vector<16xf32>
      %swap3A_90 = vector.shape_cast %broadcast_in_dim3A_85 : vector<16xf32> to vector<1x16xf32>
      tpu.vector_store %arg10[%swap3A_86, %swap3A_87], %swap3A_90 {strides = array<i32>} : memref<32x128xf32, #tpu.memory_space<vmem>>, vector<1x16xf32>,
      %broadcast_in_dim3A_91 = arith.constant 0.000000e+00 : f32
      %broadcast_in_dim3A_92 = vector.broadcast %broadcast_in_dim3A_91 : f32 to vector<16xf32>
      %swap3A_93 = arith.index_cast %add3A_71 : i32 to index
      %swap3A_94 = arith.constant 48 : index
      %swap3A_95 = tpu.vector_load %arg10[%swap3A_93, %swap3A_94] {strides = array<i32>} : memref<32x128xf32, #tpu.memory_space<vmem>>, vector<1x16xf32>,
      %swap3A_96 = vector.shape_cast %swap3A_95 : vector<1x16xf32> to vector<16xf32>
      %swap3A_97 = vector.shape_cast %broadcast_in_dim3A_92 : vector<16xf32> to vector<1x16xf32>
      tpu.vector_store %arg10[%swap3A_93, %swap3A_94], %swap3A_97 {strides = array<i32>} : memref<32x128xf32, #tpu.memory_space<vmem>>, vector<1x16xf32>,
      %broadcast_in_dim3A_98 = arith.constant 0.000000e+00 : f32
      %broadcast_in_dim3A_99 = vector.broadcast %broadcast_in_dim3A_98 : f32 to vector<16xf32>
      %swap3A_100 = arith.index_cast %add3A_71 : i32 to index
      %swap3A_101 = arith.constant 64 : index
      %swap3A_102 = tpu.vector_load %arg10[%swap3A_100, %swap3A_101] {strides = array<i32>} : memref<32x128xf32, #tpu.memory_space<vmem>>, vector<1x16xf32>,
      %swap3A_103 = vector.shape_cast %swap3A_102 : vector<1x16xf32> to vector<16xf32>
      %swap3A_104 = vector.shape_cast %broadcast_in_dim3A_99 : vector<16xf32> to vector<1x16xf32>
      tpu.vector_store %arg10[%swap3A_100, %swap3A_101], %swap3A_104 {strides = array<i32>} : memref<32x128xf32, #tpu.memory_space<vmem>>, vector<1x16xf32>,
      %broadcast_in_dim3A_105 = arith.constant 0.000000e+00 : f32
      %broadcast_in_dim3A_106 = vector.broadcast %broadcast_in_dim3A_105 : f32 to vector<16xf32>
      %swap3A_107 = arith.index_cast %add3A_71 : i32 to index
      %swap3A_108 = arith.constant 80 : index
      %swap3A_109 = tpu.vector_load %arg10[%swap3A_107, %swap3A_108] {strides = array<i32>} : memref<32x128xf32, #tpu.memory_space<vmem>>, vector<1x16xf32>,
      %swap3A_110 = vector.shape_cast %swap3A_109 : vector<1x16xf32> to vector<16xf32>
      %swap3A_111 = vector.shape_cast %broadcast_in_dim3A_106 : vector<16xf32> to vector<1x16xf32>
      tpu.vector_store %arg10[%swap3A_107, %swap3A_108], %swap3A_111 {strides = array<i32>} : memref<32x128xf32, #tpu.memory_space<vmem>>, vector<1x16xf32>,
      %broadcast_in_dim3A_112 = arith.constant 0.000000e+00 : f32
      %broadcast_in_dim3A_113 = vector.broadcast %broadcast_in_dim3A_112 : f32 to vector<16xf32>
      %swap3A_114 = arith.index_cast %add3A_71 : i32 to index
      %swap3A_115 = arith.constant 96 : index
      %swap3A_116 = tpu.vector_load %arg10[%swap3A_114, %swap3A_115] {strides = array<i32>} : memref<32x128xf32, #tpu.memory_space<vmem>>, vector<1x16xf32>,
      %swap3A_117 = vector.shape_cast %swap3A_116 : vector<1x16xf32> to vector<16xf32>
      %swap3A_118 = vector.shape_cast %broadcast_in_dim3A_113 : vector<16xf32> to vector<1x16xf32>
      tpu.vector_store %arg10[%swap3A_114, %swap3A_115], %swap3A_118 {strides = array<i32>} : memref<32x128xf32, #tpu.memory_space<vmem>>, vector<1x16xf32>,
      %broadcast_in_dim3A_119 = arith.constant 0.000000e+00 : f32
      %broadcast_in_dim3A_120 = vector.broadcast %broadcast_in_dim3A_119 : f32 to vector<16xf32>
      %swap3A_121 = arith.index_cast %add3A_71 : i32 to index
      %swap3A_122 = arith.constant 112 : index
      %swap3A_123 = tpu.vector_load %arg10[%swap3A_121, %swap3A_122] {strides = array<i32>} : memref<32x128xf32, #tpu.memory_space<vmem>>, vector<1x16xf32>,
      %swap3A_124 = vector.shape_cast %swap3A_123 : vector<1x16xf32> to vector<16xf32>
      %swap3A_125 = vector.shape_cast %broadcast_in_dim3A_120 : vector<16xf32> to vector<1x16xf32>
      tpu.vector_store %arg10[%swap3A_121, %swap3A_122], %swap3A_125 {strides = array<i32>} : memref<32x128xf32, #tpu.memory_space<vmem>>, vector<1x16xf32>,
    }
    %scan3A_10 = arith.constant 32 : i32
    %add3A_11 = arith.constant 0 : i32
    %add3A_12 = arith.addi %mul3A_6, %add3A_11 : i32
    "tpu.region"() ({
      %run_scoped3A = tpu.sem_alloc : memref<!tpu.dma_semaphore, #tpu.memory_space<semaphore_mem>>
      %dma_start3A_67 = arith.constant 0 : i32
      %dma_start3A_68 = arith.constant 0 : i32
      %dma_start3A_69 = tpu.memref_slice %arg10[%dma_start3A_67, %dma_start3A_68] : memref<32x128xf32, #tpu.memory_space<vmem>> -> memref<32x128xf32, #tpu.memory_space<vmem>>
      %dma_start3A_70 = arith.constant 0 : i32
      %dma_start3A_71 = tpu.memref_slice %arg11[%add3A_12, %dma_start3A_70] : memref<10112x128xf32, #tpu.memory_space<vmem_shared>> -> memref<32x128xf32, #tpu.memory_space<vmem_shared>>
      %dma_start3A_72 = arith.constant 0 : i32
      %dma_start3A_73 = tpu.memref_slice %arg11[%add3A_12, %dma_start3A_72] : memref<10112x128xf32, #tpu.memory_space<vmem_shared>> -> memref<32x128xf32, #tpu.memory_space<vmem_shared>>
      %dma_start3A_74 = arith.constant 0 : i32
      %dma_start3A_75 = arith.constant 0 : i32
      %dma_start3A_76 = tpu.memref_slice %arg10[%dma_start3A_74, %dma_start3A_75] : memref<32x128xf32, #tpu.memory_space<vmem>> -> memref<32x128xf32, #tpu.memory_space<vmem>>
      tpu.enqueue_dma source(%dma_start3A_76 : memref<32x128xf32, #tpu.memory_space<vmem>>) target(%dma_start3A_73 : memref<32x128xf32, #tpu.memory_space<vmem_shared>>) target_semaphore(%run_scoped3A : memref<!tpu.dma_semaphore, #tpu.memory_space<semaphore_mem>>)
      %dma_wait3A = arith.constant 0 : i32
      %dma_wait3A_77 = arith.constant 0 : i32
      %dma_wait3A_78 = tpu.memref_slice %arg10[%dma_wait3A, %dma_wait3A_77] : memref<32x128xf32, #tpu.memory_space<vmem>> -> memref<32x128xf32, #tpu.memory_space<vmem>>
      %dma_wait3A_79 = arith.constant 0 : i32
      %dma_wait3A_80 = tpu.memref_slice %arg11[%add3A_12, %dma_wait3A_79] : memref<10112x128xf32, #tpu.memory_space<vmem_shared>> -> memref<32x128xf32, #tpu.memory_space<vmem_shared>>
      %dma_wait3A_81 = arith.constant 0 : i32
      %dma_wait3A_82 = tpu.memref_slice %arg11[%add3A_12, %dma_wait3A_81] : memref<10112x128xf32, #tpu.memory_space<vmem_shared>> -> memref<32x128xf32, #tpu.memory_space<vmem_shared>>
      %dma_wait3A_83 = arith.constant 0 : i32
      %dma_wait3A_84 = arith.constant 0 : i32
      %dma_wait3A_85 = tpu.memref_slice %arg10[%dma_wait3A_83, %dma_wait3A_84] : memref<32x128xf32, #tpu.memory_space<vmem>> -> memref<32x128xf32, #tpu.memory_space<vmem>>
      tpu.wait_dma2 semaphore(%run_scoped3A : memref<!tpu.dma_semaphore, #tpu.memory_space<semaphore_mem>>) src(%dma_wait3A_85 : memref<32x128xf32, #tpu.memory_space<vmem>>) dst(%dma_wait3A_82 : memref<32x128xf32, #tpu.memory_space<vmem_shared>>)
      tpu.yield
    }) : () -> ()
    %add3A_13 = arith.constant 32 : i32
    %add3A_14 = arith.addi %mul3A_6, %add3A_13 : i32
    "tpu.region"() ({
      %run_scoped3A = tpu.sem_alloc : memref<!tpu.dma_semaphore, #tpu.memory_space<semaphore_mem>>
      %dma_start3A_67 = arith.constant 0 : i32
      %dma_start3A_68 = arith.constant 0 : i32
      %dma_start3A_69 = tpu.memref_slice %arg10[%dma_start3A_67, %dma_start3A_68] : memref<32x128xf32, #tpu.memory_space<vmem>> -> memref<32x128xf32, #tpu.memory_space<vmem>>
      %dma_start3A_70 = arith.constant 0 : i32
      %dma_start3A_71 = tpu.memref_slice %arg11[%add3A_14, %dma_start3A_70] : memref<10112x128xf32, #tpu.memory_space<vmem_shared>> -> memref<32x128xf32, #tpu.memory_space<vmem_shared>>
      %dma_start3A_72 = arith.constant 0 : i32
      %dma_start3A_73 = tpu.memref_slice %arg11[%add3A_14, %dma_start3A_72] : memref<10112x128xf32, #tpu.memory_space<vmem_shared>> -> memref<32x128xf32, #tpu.memory_space<vmem_shared>>
      %dma_start3A_74 = arith.constant 0 : i32
      %dma_start3A_75 = arith.constant 0 : i32
      %dma_start3A_76 = tpu.memref_slice %arg10[%dma_start3A_74, %dma_start3A_75] : memref<32x128xf32, #tpu.memory_space<vmem>> -> memref<32x128xf32, #tpu.memory_space<vmem>>
      tpu.enqueue_dma source(%dma_start3A_76 : memref<32x128xf32, #tpu.memory_space<vmem>>) target(%dma_start3A_73 : memref<32x128xf32, #tpu.memory_space<vmem_shared>>) target_semaphore(%run_scoped3A : memref<!tpu.dma_semaphore, #tpu.memory_space<semaphore_mem>>)
      %dma_wait3A = arith.constant 0 : i32
      %dma_wait3A_77 = arith.constant 0 : i32
      %dma_wait3A_78 = tpu.memref_slice %arg10[%dma_wait3A, %dma_wait3A_77] : memref<32x128xf32, #tpu.memory_space<vmem>> -> memref<32x128xf32, #tpu.memory_space<vmem>>
      %dma_wait3A_79 = arith.constant 0 : i32
      %dma_wait3A_80 = tpu.memref_slice %arg11[%add3A_14, %dma_wait3A_79] : memref<10112x128xf32, #tpu.memory_space<vmem_shared>> -> memref<32x128xf32, #tpu.memory_space<vmem_shared>>
      %dma_wait3A_81 = arith.constant 0 : i32
      %dma_wait3A_82 = tpu.memref_slice %arg11[%add3A_14, %dma_wait3A_81] : memref<10112x128xf32, #tpu.memory_space<vmem_shared>> -> memref<32x128xf32, #tpu.memory_space<vmem_shared>>
      %dma_wait3A_83 = arith.constant 0 : i32
      %dma_wait3A_84 = arith.constant 0 : i32
      %dma_wait3A_85 = tpu.memref_slice %arg10[%dma_wait3A_83, %dma_wait3A_84] : memref<32x128xf32, #tpu.memory_space<vmem>> -> memref<32x128xf32, #tpu.memory_space<vmem>>
      tpu.wait_dma2 semaphore(%run_scoped3A : memref<!tpu.dma_semaphore, #tpu.memory_space<semaphore_mem>>) src(%dma_wait3A_85 : memref<32x128xf32, #tpu.memory_space<vmem>>) dst(%dma_wait3A_82 : memref<32x128xf32, #tpu.memory_space<vmem_shared>>)
      tpu.yield
    }) : () -> ()
    %add3A_15 = arith.constant 64 : i32
    %add3A_16 = arith.addi %mul3A_6, %add3A_15 : i32
    "tpu.region"() ({
      %run_scoped3A = tpu.sem_alloc : memref<!tpu.dma_semaphore, #tpu.memory_space<semaphore_mem>>
      %dma_start3A_67 = arith.constant 0 : i32
      %dma_start3A_68 = arith.constant 0 : i32
      %dma_start3A_69 = tpu.memref_slice %arg10[%dma_start3A_67, %dma_start3A_68] : memref<32x128xf32, #tpu.memory_space<vmem>> -> memref<32x128xf32, #tpu.memory_space<vmem>>
      %dma_start3A_70 = arith.constant 0 : i32
      %dma_start3A_71 = tpu.memref_slice %arg11[%add3A_16, %dma_start3A_70] : memref<10112x128xf32, #tpu.memory_space<vmem_shared>> -> memref<32x128xf32, #tpu.memory_space<vmem_shared>>
      %dma_start3A_72 = arith.constant 0 : i32
      %dma_start3A_73 = tpu.memref_slice %arg11[%add3A_16, %dma_start3A_72] : memref<10112x128xf32, #tpu.memory_space<vmem_shared>> -> memref<32x128xf32, #tpu.memory_space<vmem_shared>>
      %dma_start3A_74 = arith.constant 0 : i32
      %dma_start3A_75 = arith.constant 0 : i32
      %dma_start3A_76 = tpu.memref_slice %arg10[%dma_start3A_74, %dma_start3A_75] : memref<32x128xf32, #tpu.memory_space<vmem>> -> memref<32x128xf32, #tpu.memory_space<vmem>>
      tpu.enqueue_dma source(%dma_start3A_76 : memref<32x128xf32, #tpu.memory_space<vmem>>) target(%dma_start3A_73 : memref<32x128xf32, #tpu.memory_space<vmem_shared>>) target_semaphore(%run_scoped3A : memref<!tpu.dma_semaphore, #tpu.memory_space<semaphore_mem>>)
      %dma_wait3A = arith.constant 0 : i32
      %dma_wait3A_77 = arith.constant 0 : i32
      %dma_wait3A_78 = tpu.memref_slice %arg10[%dma_wait3A, %dma_wait3A_77] : memref<32x128xf32, #tpu.memory_space<vmem>> -> memref<32x128xf32, #tpu.memory_space<vmem>>
      %dma_wait3A_79 = arith.constant 0 : i32
      %dma_wait3A_80 = tpu.memref_slice %arg11[%add3A_16, %dma_wait3A_79] : memref<10112x128xf32, #tpu.memory_space<vmem_shared>> -> memref<32x128xf32, #tpu.memory_space<vmem_shared>>
      %dma_wait3A_81 = arith.constant 0 : i32
      %dma_wait3A_82 = tpu.memref_slice %arg11[%add3A_16, %dma_wait3A_81] : memref<10112x128xf32, #tpu.memory_space<vmem_shared>> -> memref<32x128xf32, #tpu.memory_space<vmem_shared>>
      %dma_wait3A_83 = arith.constant 0 : i32
      %dma_wait3A_84 = arith.constant 0 : i32
      %dma_wait3A_85 = tpu.memref_slice %arg10[%dma_wait3A_83, %dma_wait3A_84] : memref<32x128xf32, #tpu.memory_space<vmem>> -> memref<32x128xf32, #tpu.memory_space<vmem>>
      tpu.wait_dma2 semaphore(%run_scoped3A : memref<!tpu.dma_semaphore, #tpu.memory_space<semaphore_mem>>) src(%dma_wait3A_85 : memref<32x128xf32, #tpu.memory_space<vmem>>) dst(%dma_wait3A_82 : memref<32x128xf32, #tpu.memory_space<vmem_shared>>)
      tpu.yield
    }) : () -> ()
    %add3A_17 = arith.constant 96 : i32
    %add3A_18 = arith.addi %mul3A_6, %add3A_17 : i32
    "tpu.region"() ({
      %run_scoped3A = tpu.sem_alloc : memref<!tpu.dma_semaphore, #tpu.memory_space<semaphore_mem>>
      %dma_start3A_67 = arith.constant 0 : i32
      %dma_start3A_68 = arith.constant 0 : i32
      %dma_start3A_69 = tpu.memref_slice %arg10[%dma_start3A_67, %dma_start3A_68] : memref<32x128xf32, #tpu.memory_space<vmem>> -> memref<32x128xf32, #tpu.memory_space<vmem>>
      %dma_start3A_70 = arith.constant 0 : i32
      %dma_start3A_71 = tpu.memref_slice %arg11[%add3A_18, %dma_start3A_70] : memref<10112x128xf32, #tpu.memory_space<vmem_shared>> -> memref<32x128xf32, #tpu.memory_space<vmem_shared>>
      %dma_start3A_72 = arith.constant 0 : i32
      %dma_start3A_73 = tpu.memref_slice %arg11[%add3A_18, %dma_start3A_72] : memref<10112x128xf32, #tpu.memory_space<vmem_shared>> -> memref<32x128xf32, #tpu.memory_space<vmem_shared>>
      %dma_start3A_74 = arith.constant 0 : i32
      %dma_start3A_75 = arith.constant 0 : i32
      %dma_start3A_76 = tpu.memref_slice %arg10[%dma_start3A_74, %dma_start3A_75] : memref<32x128xf32, #tpu.memory_space<vmem>> -> memref<32x128xf32, #tpu.memory_space<vmem>>
      tpu.enqueue_dma source(%dma_start3A_76 : memref<32x128xf32, #tpu.memory_space<vmem>>) target(%dma_start3A_73 : memref<32x128xf32, #tpu.memory_space<vmem_shared>>) target_semaphore(%run_scoped3A : memref<!tpu.dma_semaphore, #tpu.memory_space<semaphore_mem>>)
      %dma_wait3A = arith.constant 0 : i32
      %dma_wait3A_77 = arith.constant 0 : i32
      %dma_wait3A_78 = tpu.memref_slice %arg10[%dma_wait3A, %dma_wait3A_77] : memref<32x128xf32, #tpu.memory_space<vmem>> -> memref<32x128xf32, #tpu.memory_space<vmem>>
      %dma_wait3A_79 = arith.constant 0 : i32
      %dma_wait3A_80 = tpu.memref_slice %arg11[%add3A_18, %dma_wait3A_79] : memref<10112x128xf32, #tpu.memory_space<vmem_shared>> -> memref<32x128xf32, #tpu.memory_space<vmem_shared>>
      %dma_wait3A_81 = arith.constant 0 : i32
      %dma_wait3A_82 = tpu.memref_slice %arg11[%add3A_18, %dma_wait3A_81] : memref<10112x128xf32, #tpu.memory_space<vmem_shared>> -> memref<32x128xf32, #tpu.memory_space<vmem_shared>>
      %dma_wait3A_83 = arith.constant 0 : i32
      %dma_wait3A_84 = arith.constant 0 : i32
      %dma_wait3A_85 = tpu.memref_slice %arg10[%dma_wait3A_83, %dma_wait3A_84] : memref<32x128xf32, #tpu.memory_space<vmem>> -> memref<32x128xf32, #tpu.memory_space<vmem>>
      tpu.wait_dma2 semaphore(%run_scoped3A : memref<!tpu.dma_semaphore, #tpu.memory_space<semaphore_mem>>) src(%dma_wait3A_85 : memref<32x128xf32, #tpu.memory_space<vmem>>) dst(%dma_wait3A_82 : memref<32x128xf32, #tpu.memory_space<vmem_shared>>)
      tpu.yield
    }) : () -> ()
    %add3A_19 = arith.constant 128 : i32
    %add3A_20 = arith.addi %mul3A_6, %add3A_19 : i32
    "tpu.region"() ({
      %run_scoped3A = tpu.sem_alloc : memref<!tpu.dma_semaphore, #tpu.memory_space<semaphore_mem>>
      %dma_start3A_67 = arith.constant 0 : i32
      %dma_start3A_68 = arith.constant 0 : i32
      %dma_start3A_69 = tpu.memref_slice %arg10[%dma_start3A_67, %dma_start3A_68] : memref<32x128xf32, #tpu.memory_space<vmem>> -> memref<32x128xf32, #tpu.memory_space<vmem>>
      %dma_start3A_70 = arith.constant 0 : i32
      %dma_start3A_71 = tpu.memref_slice %arg11[%add3A_20, %dma_start3A_70] : memref<10112x128xf32, #tpu.memory_space<vmem_shared>> -> memref<32x128xf32, #tpu.memory_space<vmem_shared>>
      %dma_start3A_72 = arith.constant 0 : i32
      %dma_start3A_73 = tpu.memref_slice %arg11[%add3A_20, %dma_start3A_72] : memref<10112x128xf32, #tpu.memory_space<vmem_shared>> -> memref<32x128xf32, #tpu.memory_space<vmem_shared>>
      %dma_start3A_74 = arith.constant 0 : i32
      %dma_start3A_75 = arith.constant 0 : i32
      %dma_start3A_76 = tpu.memref_slice %arg10[%dma_start3A_74, %dma_start3A_75] : memref<32x128xf32, #tpu.memory_space<vmem>> -> memref<32x128xf32, #tpu.memory_space<vmem>>
      tpu.enqueue_dma source(%dma_start3A_76 : memref<32x128xf32, #tpu.memory_space<vmem>>) target(%dma_start3A_73 : memref<32x128xf32, #tpu.memory_space<vmem_shared>>) target_semaphore(%run_scoped3A : memref<!tpu.dma_semaphore, #tpu.memory_space<semaphore_mem>>)
      %dma_wait3A = arith.constant 0 : i32
      %dma_wait3A_77 = arith.constant 0 : i32
      %dma_wait3A_78 = tpu.memref_slice %arg10[%dma_wait3A, %dma_wait3A_77] : memref<32x128xf32, #tpu.memory_space<vmem>> -> memref<32x128xf32, #tpu.memory_space<vmem>>
      %dma_wait3A_79 = arith.constant 0 : i32
      %dma_wait3A_80 = tpu.memref_slice %arg11[%add3A_20, %dma_wait3A_79] : memref<10112x128xf32, #tpu.memory_space<vmem_shared>> -> memref<32x128xf32, #tpu.memory_space<vmem_shared>>
      %dma_wait3A_81 = arith.constant 0 : i32
      %dma_wait3A_82 = tpu.memref_slice %arg11[%add3A_20, %dma_wait3A_81] : memref<10112x128xf32, #tpu.memory_space<vmem_shared>> -> memref<32x128xf32, #tpu.memory_space<vmem_shared>>
      %dma_wait3A_83 = arith.constant 0 : i32
      %dma_wait3A_84 = arith.constant 0 : i32
      %dma_wait3A_85 = tpu.memref_slice %arg10[%dma_wait3A_83, %dma_wait3A_84] : memref<32x128xf32, #tpu.memory_space<vmem>> -> memref<32x128xf32, #tpu.memory_space<vmem>>
      tpu.wait_dma2 semaphore(%run_scoped3A : memref<!tpu.dma_semaphore, #tpu.memory_space<semaphore_mem>>) src(%dma_wait3A_85 : memref<32x128xf32, #tpu.memory_space<vmem>>) dst(%dma_wait3A_82 : memref<32x128xf32, #tpu.memory_space<vmem_shared>>)
      tpu.yield
    }) : () -> ()
    %add3A_21 = arith.constant 160 : i32
    %add3A_22 = arith.addi %mul3A_6, %add3A_21 : i32
    "tpu.region"() ({
      %run_scoped3A = tpu.sem_alloc : memref<!tpu.dma_semaphore, #tpu.memory_space<semaphore_mem>>
      %dma_start3A_67 = arith.constant 0 : i32
      %dma_start3A_68 = arith.constant 0 : i32
      %dma_start3A_69 = tpu.memref_slice %arg10[%dma_start3A_67, %dma_start3A_68] : memref<32x128xf32, #tpu.memory_space<vmem>> -> memref<32x128xf32, #tpu.memory_space<vmem>>
      %dma_start3A_70 = arith.constant 0 : i32
      %dma_start3A_71 = tpu.memref_slice %arg11[%add3A_22, %dma_start3A_70] : memref<10112x128xf32, #tpu.memory_space<vmem_shared>> -> memref<32x128xf32, #tpu.memory_space<vmem_shared>>
      %dma_start3A_72 = arith.constant 0 : i32
      %dma_start3A_73 = tpu.memref_slice %arg11[%add3A_22, %dma_start3A_72] : memref<10112x128xf32, #tpu.memory_space<vmem_shared>> -> memref<32x128xf32, #tpu.memory_space<vmem_shared>>
      %dma_start3A_74 = arith.constant 0 : i32
      %dma_start3A_75 = arith.constant 0 : i32
      %dma_start3A_76 = tpu.memref_slice %arg10[%dma_start3A_74, %dma_start3A_75] : memref<32x128xf32, #tpu.memory_space<vmem>> -> memref<32x128xf32, #tpu.memory_space<vmem>>
      tpu.enqueue_dma source(%dma_start3A_76 : memref<32x128xf32, #tpu.memory_space<vmem>>) target(%dma_start3A_73 : memref<32x128xf32, #tpu.memory_space<vmem_shared>>) target_semaphore(%run_scoped3A : memref<!tpu.dma_semaphore, #tpu.memory_space<semaphore_mem>>)
      %dma_wait3A = arith.constant 0 : i32
      %dma_wait3A_77 = arith.constant 0 : i32
      %dma_wait3A_78 = tpu.memref_slice %arg10[%dma_wait3A, %dma_wait3A_77] : memref<32x128xf32, #tpu.memory_space<vmem>> -> memref<32x128xf32, #tpu.memory_space<vmem>>
      %dma_wait3A_79 = arith.constant 0 : i32
      %dma_wait3A_80 = tpu.memref_slice %arg11[%add3A_22, %dma_wait3A_79] : memref<10112x128xf32, #tpu.memory_space<vmem_shared>> -> memref<32x128xf32, #tpu.memory_space<vmem_shared>>
      %dma_wait3A_81 = arith.constant 0 : i32
      %dma_wait3A_82 = tpu.memref_slice %arg11[%add3A_22, %dma_wait3A_81] : memref<10112x128xf32, #tpu.memory_space<vmem_shared>> -> memref<32x128xf32, #tpu.memory_space<vmem_shared>>
      %dma_wait3A_83 = arith.constant 0 : i32
      %dma_wait3A_84 = arith.constant 0 : i32
      %dma_wait3A_85 = tpu.memref_slice %arg10[%dma_wait3A_83, %dma_wait3A_84] : memref<32x128xf32, #tpu.memory_space<vmem>> -> memref<32x128xf32, #tpu.memory_space<vmem>>
      tpu.wait_dma2 semaphore(%run_scoped3A : memref<!tpu.dma_semaphore, #tpu.memory_space<semaphore_mem>>) src(%dma_wait3A_85 : memref<32x128xf32, #tpu.memory_space<vmem>>) dst(%dma_wait3A_82 : memref<32x128xf32, #tpu.memory_space<vmem_shared>>)
      tpu.yield
    }) : () -> ()
    %add3A_23 = arith.constant 192 : i32
    %add3A_24 = arith.addi %mul3A_6, %add3A_23 : i32
    "tpu.region"() ({
      %run_scoped3A = tpu.sem_alloc : memref<!tpu.dma_semaphore, #tpu.memory_space<semaphore_mem>>
      %dma_start3A_67 = arith.constant 0 : i32
      %dma_start3A_68 = arith.constant 0 : i32
      %dma_start3A_69 = tpu.memref_slice %arg10[%dma_start3A_67, %dma_start3A_68] : memref<32x128xf32, #tpu.memory_space<vmem>> -> memref<32x128xf32, #tpu.memory_space<vmem>>
      %dma_start3A_70 = arith.constant 0 : i32
      %dma_start3A_71 = tpu.memref_slice %arg11[%add3A_24, %dma_start3A_70] : memref<10112x128xf32, #tpu.memory_space<vmem_shared>> -> memref<32x128xf32, #tpu.memory_space<vmem_shared>>
      %dma_start3A_72 = arith.constant 0 : i32
      %dma_start3A_73 = tpu.memref_slice %arg11[%add3A_24, %dma_start3A_72] : memref<10112x128xf32, #tpu.memory_space<vmem_shared>> -> memref<32x128xf32, #tpu.memory_space<vmem_shared>>
      %dma_start3A_74 = arith.constant 0 : i32
      %dma_start3A_75 = arith.constant 0 : i32
      %dma_start3A_76 = tpu.memref_slice %arg10[%dma_start3A_74, %dma_start3A_75] : memref<32x128xf32, #tpu.memory_space<vmem>> -> memref<32x128xf32, #tpu.memory_space<vmem>>
      tpu.enqueue_dma source(%dma_start3A_76 : memref<32x128xf32, #tpu.memory_space<vmem>>) target(%dma_start3A_73 : memref<32x128xf32, #tpu.memory_space<vmem_shared>>) target_semaphore(%run_scoped3A : memref<!tpu.dma_semaphore, #tpu.memory_space<semaphore_mem>>)
      %dma_wait3A = arith.constant 0 : i32
      %dma_wait3A_77 = arith.constant 0 : i32
      %dma_wait3A_78 = tpu.memref_slice %arg10[%dma_wait3A, %dma_wait3A_77] : memref<32x128xf32, #tpu.memory_space<vmem>> -> memref<32x128xf32, #tpu.memory_space<vmem>>
      %dma_wait3A_79 = arith.constant 0 : i32
      %dma_wait3A_80 = tpu.memref_slice %arg11[%add3A_24, %dma_wait3A_79] : memref<10112x128xf32, #tpu.memory_space<vmem_shared>> -> memref<32x128xf32, #tpu.memory_space<vmem_shared>>
      %dma_wait3A_81 = arith.constant 0 : i32
      %dma_wait3A_82 = tpu.memref_slice %arg11[%add3A_24, %dma_wait3A_81] : memref<10112x128xf32, #tpu.memory_space<vmem_shared>> -> memref<32x128xf32, #tpu.memory_space<vmem_shared>>
      %dma_wait3A_83 = arith.constant 0 : i32
      %dma_wait3A_84 = arith.constant 0 : i32
      %dma_wait3A_85 = tpu.memref_slice %arg10[%dma_wait3A_83, %dma_wait3A_84] : memref<32x128xf32, #tpu.memory_space<vmem>> -> memref<32x128xf32, #tpu.memory_space<vmem>>
      tpu.wait_dma2 semaphore(%run_scoped3A : memref<!tpu.dma_semaphore, #tpu.memory_space<semaphore_mem>>) src(%dma_wait3A_85 : memref<32x128xf32, #tpu.memory_space<vmem>>) dst(%dma_wait3A_82 : memref<32x128xf32, #tpu.memory_space<vmem_shared>>)
      tpu.yield
    }) : () -> ()
    %add3A_25 = arith.constant 224 : i32
    %add3A_26 = arith.addi %mul3A_6, %add3A_25 : i32
    "tpu.region"() ({
      %run_scoped3A = tpu.sem_alloc : memref<!tpu.dma_semaphore, #tpu.memory_space<semaphore_mem>>
      %dma_start3A_67 = arith.constant 0 : i32
      %dma_start3A_68 = arith.constant 0 : i32
      %dma_start3A_69 = tpu.memref_slice %arg10[%dma_start3A_67, %dma_start3A_68] : memref<32x128xf32, #tpu.memory_space<vmem>> -> memref<32x128xf32, #tpu.memory_space<vmem>>
      %dma_start3A_70 = arith.constant 0 : i32
      %dma_start3A_71 = tpu.memref_slice %arg11[%add3A_26, %dma_start3A_70] : memref<10112x128xf32, #tpu.memory_space<vmem_shared>> -> memref<32x128xf32, #tpu.memory_space<vmem_shared>>
      %dma_start3A_72 = arith.constant 0 : i32
      %dma_start3A_73 = tpu.memref_slice %arg11[%add3A_26, %dma_start3A_72] : memref<10112x128xf32, #tpu.memory_space<vmem_shared>> -> memref<32x128xf32, #tpu.memory_space<vmem_shared>>
      %dma_start3A_74 = arith.constant 0 : i32
      %dma_start3A_75 = arith.constant 0 : i32
      %dma_start3A_76 = tpu.memref_slice %arg10[%dma_start3A_74, %dma_start3A_75] : memref<32x128xf32, #tpu.memory_space<vmem>> -> memref<32x128xf32, #tpu.memory_space<vmem>>
      tpu.enqueue_dma source(%dma_start3A_76 : memref<32x128xf32, #tpu.memory_space<vmem>>) target(%dma_start3A_73 : memref<32x128xf32, #tpu.memory_space<vmem_shared>>) target_semaphore(%run_scoped3A : memref<!tpu.dma_semaphore, #tpu.memory_space<semaphore_mem>>)
      %dma_wait3A = arith.constant 0 : i32
      %dma_wait3A_77 = arith.constant 0 : i32
      %dma_wait3A_78 = tpu.memref_slice %arg10[%dma_wait3A, %dma_wait3A_77] : memref<32x128xf32, #tpu.memory_space<vmem>> -> memref<32x128xf32, #tpu.memory_space<vmem>>
      %dma_wait3A_79 = arith.constant 0 : i32
      %dma_wait3A_80 = tpu.memref_slice %arg11[%add3A_26, %dma_wait3A_79] : memref<10112x128xf32, #tpu.memory_space<vmem_shared>> -> memref<32x128xf32, #tpu.memory_space<vmem_shared>>
      %dma_wait3A_81 = arith.constant 0 : i32
      %dma_wait3A_82 = tpu.memref_slice %arg11[%add3A_26, %dma_wait3A_81] : memref<10112x128xf32, #tpu.memory_space<vmem_shared>> -> memref<32x128xf32, #tpu.memory_space<vmem_shared>>
      %dma_wait3A_83 = arith.constant 0 : i32
      %dma_wait3A_84 = arith.constant 0 : i32
      %dma_wait3A_85 = tpu.memref_slice %arg10[%dma_wait3A_83, %dma_wait3A_84] : memref<32x128xf32, #tpu.memory_space<vmem>> -> memref<32x128xf32, #tpu.memory_space<vmem>>
      tpu.wait_dma2 semaphore(%run_scoped3A : memref<!tpu.dma_semaphore, #tpu.memory_space<semaphore_mem>>) src(%dma_wait3A_85 : memref<32x128xf32, #tpu.memory_space<vmem>>) dst(%dma_wait3A_82 : memref<32x128xf32, #tpu.memory_space<vmem_shared>>)
      tpu.yield
    }) : () -> ()
    %add3A_27 = arith.constant 256 : i32
    %add3A_28 = arith.addi %mul3A_6, %add3A_27 : i32
    "tpu.region"() ({
      %run_scoped3A = tpu.sem_alloc : memref<!tpu.dma_semaphore, #tpu.memory_space<semaphore_mem>>
      %dma_start3A_67 = arith.constant 0 : i32
      %dma_start3A_68 = arith.constant 0 : i32
      %dma_start3A_69 = tpu.memref_slice %arg10[%dma_start3A_67, %dma_start3A_68] : memref<32x128xf32, #tpu.memory_space<vmem>> -> memref<32x128xf32, #tpu.memory_space<vmem>>
      %dma_start3A_70 = arith.constant 0 : i32
      %dma_start3A_71 = tpu.memref_slice %arg11[%add3A_28, %dma_start3A_70] : memref<10112x128xf32, #tpu.memory_space<vmem_shared>> -> memref<32x128xf32, #tpu.memory_space<vmem_shared>>
      %dma_start3A_72 = arith.constant 0 : i32
      %dma_start3A_73 = tpu.memref_slice %arg11[%add3A_28, %dma_start3A_72] : memref<10112x128xf32, #tpu.memory_space<vmem_shared>> -> memref<32x128xf32, #tpu.memory_space<vmem_shared>>
      %dma_start3A_74 = arith.constant 0 : i32
      %dma_start3A_75 = arith.constant 0 : i32
      %dma_start3A_76 = tpu.memref_slice %arg10[%dma_start3A_74, %dma_start3A_75] : memref<32x128xf32, #tpu.memory_space<vmem>> -> memref<32x128xf32, #tpu.memory_space<vmem>>
      tpu.enqueue_dma source(%dma_start3A_76 : memref<32x128xf32, #tpu.memory_space<vmem>>) target(%dma_start3A_73 : memref<32x128xf32, #tpu.memory_space<vmem_shared>>) target_semaphore(%run_scoped3A : memref<!tpu.dma_semaphore, #tpu.memory_space<semaphore_mem>>)
      %dma_wait3A = arith.constant 0 : i32
      %dma_wait3A_77 = arith.constant 0 : i32
      %dma_wait3A_78 = tpu.memref_slice %arg10[%dma_wait3A, %dma_wait3A_77] : memref<32x128xf32, #tpu.memory_space<vmem>> -> memref<32x128xf32, #tpu.memory_space<vmem>>
      %dma_wait3A_79 = arith.constant 0 : i32
      %dma_wait3A_80 = tpu.memref_slice %arg11[%add3A_28, %dma_wait3A_79] : memref<10112x128xf32, #tpu.memory_space<vmem_shared>> -> memref<32x128xf32, #tpu.memory_space<vmem_shared>>
      %dma_wait3A_81 = arith.constant 0 : i32
      %dma_wait3A_82 = tpu.memref_slice %arg11[%add3A_28, %dma_wait3A_81] : memref<10112x128xf32, #tpu.memory_space<vmem_shared>> -> memref<32x128xf32, #tpu.memory_space<vmem_shared>>
      %dma_wait3A_83 = arith.constant 0 : i32
      %dma_wait3A_84 = arith.constant 0 : i32
      %dma_wait3A_85 = tpu.memref_slice %arg10[%dma_wait3A_83, %dma_wait3A_84] : memref<32x128xf32, #tpu.memory_space<vmem>> -> memref<32x128xf32, #tpu.memory_space<vmem>>
      tpu.wait_dma2 semaphore(%run_scoped3A : memref<!tpu.dma_semaphore, #tpu.memory_space<semaphore_mem>>) src(%dma_wait3A_85 : memref<32x128xf32, #tpu.memory_space<vmem>>) dst(%dma_wait3A_82 : memref<32x128xf32, #tpu.memory_space<vmem_shared>>)
      tpu.yield
    }) : () -> ()
    %add3A_29 = arith.constant 288 : i32
    %add3A_30 = arith.addi %mul3A_6, %add3A_29 : i32
    "tpu.region"() ({
      %run_scoped3A = tpu.sem_alloc : memref<!tpu.dma_semaphore, #tpu.memory_space<semaphore_mem>>
      %dma_start3A_67 = arith.constant 0 : i32
      %dma_start3A_68 = arith.constant 0 : i32
      %dma_start3A_69 = tpu.memref_slice %arg10[%dma_start3A_67, %dma_start3A_68] : memref<32x128xf32, #tpu.memory_space<vmem>> -> memref<32x128xf32, #tpu.memory_space<vmem>>
      %dma_start3A_70 = arith.constant 0 : i32
      %dma_start3A_71 = tpu.memref_slice %arg11[%add3A_30, %dma_start3A_70] : memref<10112x128xf32, #tpu.memory_space<vmem_shared>> -> memref<32x128xf32, #tpu.memory_space<vmem_shared>>
      %dma_start3A_72 = arith.constant 0 : i32
      %dma_start3A_73 = tpu.memref_slice %arg11[%add3A_30, %dma_start3A_72] : memref<10112x128xf32, #tpu.memory_space<vmem_shared>> -> memref<32x128xf32, #tpu.memory_space<vmem_shared>>
      %dma_start3A_74 = arith.constant 0 : i32
      %dma_start3A_75 = arith.constant 0 : i32
      %dma_start3A_76 = tpu.memref_slice %arg10[%dma_start3A_74, %dma_start3A_75] : memref<32x128xf32, #tpu.memory_space<vmem>> -> memref<32x128xf32, #tpu.memory_space<vmem>>
      tpu.enqueue_dma source(%dma_start3A_76 : memref<32x128xf32, #tpu.memory_space<vmem>>) target(%dma_start3A_73 : memref<32x128xf32, #tpu.memory_space<vmem_shared>>) target_semaphore(%run_scoped3A : memref<!tpu.dma_semaphore, #tpu.memory_space<semaphore_mem>>)
      %dma_wait3A = arith.constant 0 : i32
      %dma_wait3A_77 = arith.constant 0 : i32
      %dma_wait3A_78 = tpu.memref_slice %arg10[%dma_wait3A, %dma_wait3A_77] : memref<32x128xf32, #tpu.memory_space<vmem>> -> memref<32x128xf32, #tpu.memory_space<vmem>>
      %dma_wait3A_79 = arith.constant 0 : i32
      %dma_wait3A_80 = tpu.memref_slice %arg11[%add3A_30, %dma_wait3A_79] : memref<10112x128xf32, #tpu.memory_space<vmem_shared>> -> memref<32x128xf32, #tpu.memory_space<vmem_shared>>
      %dma_wait3A_81 = arith.constant 0 : i32
      %dma_wait3A_82 = tpu.memref_slice %arg11[%add3A_30, %dma_wait3A_81] : memref<10112x128xf32, #tpu.memory_space<vmem_shared>> -> memref<32x128xf32, #tpu.memory_space<vmem_shared>>
      %dma_wait3A_83 = arith.constant 0 : i32
      %dma_wait3A_84 = arith.constant 0 : i32
      %dma_wait3A_85 = tpu.memref_slice %arg10[%dma_wait3A_83, %dma_wait3A_84] : memref<32x128xf32, #tpu.memory_space<vmem>> -> memref<32x128xf32, #tpu.memory_space<vmem>>
      tpu.wait_dma2 semaphore(%run_scoped3A : memref<!tpu.dma_semaphore, #tpu.memory_space<semaphore_mem>>) src(%dma_wait3A_85 : memref<32x128xf32, #tpu.memory_space<vmem>>) dst(%dma_wait3A_82 : memref<32x128xf32, #tpu.memory_space<vmem_shared>>)
      tpu.yield
    }) : () -> ()
    %add3A_31 = arith.constant 320 : i32
    %add3A_32 = arith.addi %mul3A_6, %add3A_31 : i32
    "tpu.region"() ({
      %run_scoped3A = tpu.sem_alloc : memref<!tpu.dma_semaphore, #tpu.memory_space<semaphore_mem>>
      %dma_start3A_67 = arith.constant 0 : i32
      %dma_start3A_68 = arith.constant 0 : i32
      %dma_start3A_69 = tpu.memref_slice %arg10[%dma_start3A_67, %dma_start3A_68] : memref<32x128xf32, #tpu.memory_space<vmem>> -> memref<32x128xf32, #tpu.memory_space<vmem>>
      %dma_start3A_70 = arith.constant 0 : i32
      %dma_start3A_71 = tpu.memref_slice %arg11[%add3A_32, %dma_start3A_70] : memref<10112x128xf32, #tpu.memory_space<vmem_shared>> -> memref<32x128xf32, #tpu.memory_space<vmem_shared>>
      %dma_start3A_72 = arith.constant 0 : i32
      %dma_start3A_73 = tpu.memref_slice %arg11[%add3A_32, %dma_start3A_72] : memref<10112x128xf32, #tpu.memory_space<vmem_shared>> -> memref<32x128xf32, #tpu.memory_space<vmem_shared>>
      %dma_start3A_74 = arith.constant 0 : i32
      %dma_start3A_75 = arith.constant 0 : i32
      %dma_start3A_76 = tpu.memref_slice %arg10[%dma_start3A_74, %dma_start3A_75] : memref<32x128xf32, #tpu.memory_space<vmem>> -> memref<32x128xf32, #tpu.memory_space<vmem>>
      tpu.enqueue_dma source(%dma_start3A_76 : memref<32x128xf32, #tpu.memory_space<vmem>>) target(%dma_start3A_73 : memref<32x128xf32, #tpu.memory_space<vmem_shared>>) target_semaphore(%run_scoped3A : memref<!tpu.dma_semaphore, #tpu.memory_space<semaphore_mem>>)
      %dma_wait3A = arith.constant 0 : i32
      %dma_wait3A_77 = arith.constant 0 : i32
      %dma_wait3A_78 = tpu.memref_slice %arg10[%dma_wait3A, %dma_wait3A_77] : memref<32x128xf32, #tpu.memory_space<vmem>> -> memref<32x128xf32, #tpu.memory_space<vmem>>
      %dma_wait3A_79 = arith.constant 0 : i32
      %dma_wait3A_80 = tpu.memref_slice %arg11[%add3A_32, %dma_wait3A_79] : memref<10112x128xf32, #tpu.memory_space<vmem_shared>> -> memref<32x128xf32, #tpu.memory_space<vmem_shared>>
      %dma_wait3A_81 = arith.constant 0 : i32
      %dma_wait3A_82 = tpu.memref_slice %arg11[%add3A_32, %dma_wait3A_81] : memref<10112x128xf32, #tpu.memory_space<vmem_shared>> -> memref<32x128xf32, #tpu.memory_space<vmem_shared>>
      %dma_wait3A_83 = arith.constant 0 : i32
      %dma_wait3A_84 = arith.constant 0 : i32
      %dma_wait3A_85 = tpu.memref_slice %arg10[%dma_wait3A_83, %dma_wait3A_84] : memref<32x128xf32, #tpu.memory_space<vmem>> -> memref<32x128xf32, #tpu.memory_space<vmem>>
      tpu.wait_dma2 semaphore(%run_scoped3A : memref<!tpu.dma_semaphore, #tpu.memory_space<semaphore_mem>>) src(%dma_wait3A_85 : memref<32x128xf32, #tpu.memory_space<vmem>>) dst(%dma_wait3A_82 : memref<32x128xf32, #tpu.memory_space<vmem_shared>>)
      tpu.yield
    }) : () -> ()
    %add3A_33 = arith.constant 352 : i32
    %add3A_34 = arith.addi %mul3A_6, %add3A_33 : i32
    "tpu.region"() ({
      %run_scoped3A = tpu.sem_alloc : memref<!tpu.dma_semaphore, #tpu.memory_space<semaphore_mem>>
      %dma_start3A_67 = arith.constant 0 : i32
      %dma_start3A_68 = arith.constant 0 : i32
      %dma_start3A_69 = tpu.memref_slice %arg10[%dma_start3A_67, %dma_start3A_68] : memref<32x128xf32, #tpu.memory_space<vmem>> -> memref<32x128xf32, #tpu.memory_space<vmem>>
      %dma_start3A_70 = arith.constant 0 : i32
      %dma_start3A_71 = tpu.memref_slice %arg11[%add3A_34, %dma_start3A_70] : memref<10112x128xf32, #tpu.memory_space<vmem_shared>> -> memref<32x128xf32, #tpu.memory_space<vmem_shared>>
      %dma_start3A_72 = arith.constant 0 : i32
      %dma_start3A_73 = tpu.memref_slice %arg11[%add3A_34, %dma_start3A_72] : memref<10112x128xf32, #tpu.memory_space<vmem_shared>> -> memref<32x128xf32, #tpu.memory_space<vmem_shared>>
      %dma_start3A_74 = arith.constant 0 : i32
      %dma_start3A_75 = arith.constant 0 : i32
      %dma_start3A_76 = tpu.memref_slice %arg10[%dma_start3A_74, %dma_start3A_75] : memref<32x128xf32, #tpu.memory_space<vmem>> -> memref<32x128xf32, #tpu.memory_space<vmem>>
      tpu.enqueue_dma source(%dma_start3A_76 : memref<32x128xf32, #tpu.memory_space<vmem>>) target(%dma_start3A_73 : memref<32x128xf32, #tpu.memory_space<vmem_shared>>) target_semaphore(%run_scoped3A : memref<!tpu.dma_semaphore, #tpu.memory_space<semaphore_mem>>)
      %dma_wait3A = arith.constant 0 : i32
      %dma_wait3A_77 = arith.constant 0 : i32
      %dma_wait3A_78 = tpu.memref_slice %arg10[%dma_wait3A, %dma_wait3A_77] : memref<32x128xf32, #tpu.memory_space<vmem>> -> memref<32x128xf32, #tpu.memory_space<vmem>>
      %dma_wait3A_79 = arith.constant 0 : i32
      %dma_wait3A_80 = tpu.memref_slice %arg11[%add3A_34, %dma_wait3A_79] : memref<10112x128xf32, #tpu.memory_space<vmem_shared>> -> memref<32x128xf32, #tpu.memory_space<vmem_shared>>
      %dma_wait3A_81 = arith.constant 0 : i32
      %dma_wait3A_82 = tpu.memref_slice %arg11[%add3A_34, %dma_wait3A_81] : memref<10112x128xf32, #tpu.memory_space<vmem_shared>> -> memref<32x128xf32, #tpu.memory_space<vmem_shared>>
      %dma_wait3A_83 = arith.constant 0 : i32
      %dma_wait3A_84 = arith.constant 0 : i32
      %dma_wait3A_85 = tpu.memref_slice %arg10[%dma_wait3A_83, %dma_wait3A_84] : memref<32x128xf32, #tpu.memory_space<vmem>> -> memref<32x128xf32, #tpu.memory_space<vmem>>
      tpu.wait_dma2 semaphore(%run_scoped3A : memref<!tpu.dma_semaphore, #tpu.memory_space<semaphore_mem>>) src(%dma_wait3A_85 : memref<32x128xf32, #tpu.memory_space<vmem>>) dst(%dma_wait3A_82 : memref<32x128xf32, #tpu.memory_space<vmem_shared>>)
      tpu.yield
    }) : () -> ()
    %add3A_35 = arith.constant 384 : i32
    %add3A_36 = arith.addi %mul3A_6, %add3A_35 : i32
    "tpu.region"() ({
      %run_scoped3A = tpu.sem_alloc : memref<!tpu.dma_semaphore, #tpu.memory_space<semaphore_mem>>
      %dma_start3A_67 = arith.constant 0 : i32
      %dma_start3A_68 = arith.constant 0 : i32
      %dma_start3A_69 = tpu.memref_slice %arg10[%dma_start3A_67, %dma_start3A_68] : memref<32x128xf32, #tpu.memory_space<vmem>> -> memref<32x128xf32, #tpu.memory_space<vmem>>
      %dma_start3A_70 = arith.constant 0 : i32
      %dma_start3A_71 = tpu.memref_slice %arg11[%add3A_36, %dma_start3A_70] : memref<10112x128xf32, #tpu.memory_space<vmem_shared>> -> memref<32x128xf32, #tpu.memory_space<vmem_shared>>
      %dma_start3A_72 = arith.constant 0 : i32
      %dma_start3A_73 = tpu.memref_slice %arg11[%add3A_36, %dma_start3A_72] : memref<10112x128xf32, #tpu.memory_space<vmem_shared>> -> memref<32x128xf32, #tpu.memory_space<vmem_shared>>
      %dma_start3A_74 = arith.constant 0 : i32
      %dma_start3A_75 = arith.constant 0 : i32
      %dma_start3A_76 = tpu.memref_slice %arg10[%dma_start3A_74, %dma_start3A_75] : memref<32x128xf32, #tpu.memory_space<vmem>> -> memref<32x128xf32, #tpu.memory_space<vmem>>
      tpu.enqueue_dma source(%dma_start3A_76 : memref<32x128xf32, #tpu.memory_space<vmem>>) target(%dma_start3A_73 : memref<32x128xf32, #tpu.memory_space<vmem_shared>>) target_semaphore(%run_scoped3A : memref<!tpu.dma_semaphore, #tpu.memory_space<semaphore_mem>>)
      %dma_wait3A = arith.constant 0 : i32
      %dma_wait3A_77 = arith.constant 0 : i32
      %dma_wait3A_78 = tpu.memref_slice %arg10[%dma_wait3A, %dma_wait3A_77] : memref<32x128xf32, #tpu.memory_space<vmem>> -> memref<32x128xf32, #tpu.memory_space<vmem>>
      %dma_wait3A_79 = arith.constant 0 : i32
      %dma_wait3A_80 = tpu.memref_slice %arg11[%add3A_36, %dma_wait3A_79] : memref<10112x128xf32, #tpu.memory_space<vmem_shared>> -> memref<32x128xf32, #tpu.memory_space<vmem_shared>>
      %dma_wait3A_81 = arith.constant 0 : i32
      %dma_wait3A_82 = tpu.memref_slice %arg11[%add3A_36, %dma_wait3A_81] : memref<10112x128xf32, #tpu.memory_space<vmem_shared>> -> memref<32x128xf32, #tpu.memory_space<vmem_shared>>
      %dma_wait3A_83 = arith.constant 0 : i32
      %dma_wait3A_84 = arith.constant 0 : i32
      %dma_wait3A_85 = tpu.memref_slice %arg10[%dma_wait3A_83, %dma_wait3A_84] : memref<32x128xf32, #tpu.memory_space<vmem>> -> memref<32x128xf32, #tpu.memory_space<vmem>>
      tpu.wait_dma2 semaphore(%run_scoped3A : memref<!tpu.dma_semaphore, #tpu.memory_space<semaphore_mem>>) src(%dma_wait3A_85 : memref<32x128xf32, #tpu.memory_space<vmem>>) dst(%dma_wait3A_82 : memref<32x128xf32, #tpu.memory_space<vmem_shared>>)
      tpu.yield
    }) : () -> ()
    %add3A_37 = arith.constant 416 : i32
    %add3A_38 = arith.addi %mul3A_6, %add3A_37 : i32
    "tpu.region"() ({
      %run_scoped3A = tpu.sem_alloc : memref<!tpu.dma_semaphore, #tpu.memory_space<semaphore_mem>>
      %dma_start3A_67 = arith.constant 0 : i32
      %dma_start3A_68 = arith.constant 0 : i32
      %dma_start3A_69 = tpu.memref_slice %arg10[%dma_start3A_67, %dma_start3A_68] : memref<32x128xf32, #tpu.memory_space<vmem>> -> memref<32x128xf32, #tpu.memory_space<vmem>>
      %dma_start3A_70 = arith.constant 0 : i32
      %dma_start3A_71 = tpu.memref_slice %arg11[%add3A_38, %dma_start3A_70] : memref<10112x128xf32, #tpu.memory_space<vmem_shared>> -> memref<32x128xf32, #tpu.memory_space<vmem_shared>>
      %dma_start3A_72 = arith.constant 0 : i32
      %dma_start3A_73 = tpu.memref_slice %arg11[%add3A_38, %dma_start3A_72] : memref<10112x128xf32, #tpu.memory_space<vmem_shared>> -> memref<32x128xf32, #tpu.memory_space<vmem_shared>>
      %dma_start3A_74 = arith.constant 0 : i32
      %dma_start3A_75 = arith.constant 0 : i32
      %dma_start3A_76 = tpu.memref_slice %arg10[%dma_start3A_74, %dma_start3A_75] : memref<32x128xf32, #tpu.memory_space<vmem>> -> memref<32x128xf32, #tpu.memory_space<vmem>>
      tpu.enqueue_dma source(%dma_start3A_76 : memref<32x128xf32, #tpu.memory_space<vmem>>) target(%dma_start3A_73 : memref<32x128xf32, #tpu.memory_space<vmem_shared>>) target_semaphore(%run_scoped3A : memref<!tpu.dma_semaphore, #tpu.memory_space<semaphore_mem>>)
      %dma_wait3A = arith.constant 0 : i32
      %dma_wait3A_77 = arith.constant 0 : i32
      %dma_wait3A_78 = tpu.memref_slice %arg10[%dma_wait3A, %dma_wait3A_77] : memref<32x128xf32, #tpu.memory_space<vmem>> -> memref<32x128xf32, #tpu.memory_space<vmem>>
      %dma_wait3A_79 = arith.constant 0 : i32
      %dma_wait3A_80 = tpu.memref_slice %arg11[%add3A_38, %dma_wait3A_79] : memref<10112x128xf32, #tpu.memory_space<vmem_shared>> -> memref<32x128xf32, #tpu.memory_space<vmem_shared>>
      %dma_wait3A_81 = arith.constant 0 : i32
      %dma_wait3A_82 = tpu.memref_slice %arg11[%add3A_38, %dma_wait3A_81] : memref<10112x128xf32, #tpu.memory_space<vmem_shared>> -> memref<32x128xf32, #tpu.memory_space<vmem_shared>>
      %dma_wait3A_83 = arith.constant 0 : i32
      %dma_wait3A_84 = arith.constant 0 : i32
      %dma_wait3A_85 = tpu.memref_slice %arg10[%dma_wait3A_83, %dma_wait3A_84] : memref<32x128xf32, #tpu.memory_space<vmem>> -> memref<32x128xf32, #tpu.memory_space<vmem>>
      tpu.wait_dma2 semaphore(%run_scoped3A : memref<!tpu.dma_semaphore, #tpu.memory_space<semaphore_mem>>) src(%dma_wait3A_85 : memref<32x128xf32, #tpu.memory_space<vmem>>) dst(%dma_wait3A_82 : memref<32x128xf32, #tpu.memory_space<vmem_shared>>)
      tpu.yield
    }) : () -> ()
    %add3A_39 = arith.constant 448 : i32
    %add3A_40 = arith.addi %mul3A_6, %add3A_39 : i32
    "tpu.region"() ({
      %run_scoped3A = tpu.sem_alloc : memref<!tpu.dma_semaphore, #tpu.memory_space<semaphore_mem>>
      %dma_start3A_67 = arith.constant 0 : i32
      %dma_start3A_68 = arith.constant 0 : i32
      %dma_start3A_69 = tpu.memref_slice %arg10[%dma_start3A_67, %dma_start3A_68] : memref<32x128xf32, #tpu.memory_space<vmem>> -> memref<32x128xf32, #tpu.memory_space<vmem>>
      %dma_start3A_70 = arith.constant 0 : i32
      %dma_start3A_71 = tpu.memref_slice %arg11[%add3A_40, %dma_start3A_70] : memref<10112x128xf32, #tpu.memory_space<vmem_shared>> -> memref<32x128xf32, #tpu.memory_space<vmem_shared>>
      %dma_start3A_72 = arith.constant 0 : i32
      %dma_start3A_73 = tpu.memref_slice %arg11[%add3A_40, %dma_start3A_72] : memref<10112x128xf32, #tpu.memory_space<vmem_shared>> -> memref<32x128xf32, #tpu.memory_space<vmem_shared>>
      %dma_start3A_74 = arith.constant 0 : i32
      %dma_start3A_75 = arith.constant 0 : i32
      %dma_start3A_76 = tpu.memref_slice %arg10[%dma_start3A_74, %dma_start3A_75] : memref<32x128xf32, #tpu.memory_space<vmem>> -> memref<32x128xf32, #tpu.memory_space<vmem>>
      tpu.enqueue_dma source(%dma_start3A_76 : memref<32x128xf32, #tpu.memory_space<vmem>>) target(%dma_start3A_73 : memref<32x128xf32, #tpu.memory_space<vmem_shared>>) target_semaphore(%run_scoped3A : memref<!tpu.dma_semaphore, #tpu.memory_space<semaphore_mem>>)
      %dma_wait3A = arith.constant 0 : i32
      %dma_wait3A_77 = arith.constant 0 : i32
      %dma_wait3A_78 = tpu.memref_slice %arg10[%dma_wait3A, %dma_wait3A_77] : memref<32x128xf32, #tpu.memory_space<vmem>> -> memref<32x128xf32, #tpu.memory_space<vmem>>
      %dma_wait3A_79 = arith.constant 0 : i32
      %dma_wait3A_80 = tpu.memref_slice %arg11[%add3A_40, %dma_wait3A_79] : memref<10112x128xf32, #tpu.memory_space<vmem_shared>> -> memref<32x128xf32, #tpu.memory_space<vmem_shared>>
      %dma_wait3A_81 = arith.constant 0 : i32
      %dma_wait3A_82 = tpu.memref_slice %arg11[%add3A_40, %dma_wait3A_81] : memref<10112x128xf32, #tpu.memory_space<vmem_shared>> -> memref<32x128xf32, #tpu.memory_space<vmem_shared>>
      %dma_wait3A_83 = arith.constant 0 : i32
      %dma_wait3A_84 = arith.constant 0 : i32
      %dma_wait3A_85 = tpu.memref_slice %arg10[%dma_wait3A_83, %dma_wait3A_84] : memref<32x128xf32, #tpu.memory_space<vmem>> -> memref<32x128xf32, #tpu.memory_space<vmem>>
      tpu.wait_dma2 semaphore(%run_scoped3A : memref<!tpu.dma_semaphore, #tpu.memory_space<semaphore_mem>>) src(%dma_wait3A_85 : memref<32x128xf32, #tpu.memory_space<vmem>>) dst(%dma_wait3A_82 : memref<32x128xf32, #tpu.memory_space<vmem_shared>>)
      tpu.yield
    }) : () -> ()
    %add3A_41 = arith.constant 480 : i32
    %add3A_42 = arith.addi %mul3A_6, %add3A_41 : i32
    "tpu.region"() ({
      %run_scoped3A = tpu.sem_alloc : memref<!tpu.dma_semaphore, #tpu.memory_space<semaphore_mem>>
      %dma_start3A_67 = arith.constant 0 : i32
      %dma_start3A_68 = arith.constant 0 : i32
      %dma_start3A_69 = tpu.memref_slice %arg10[%dma_start3A_67, %dma_start3A_68] : memref<32x128xf32, #tpu.memory_space<vmem>> -> memref<32x128xf32, #tpu.memory_space<vmem>>
      %dma_start3A_70 = arith.constant 0 : i32
      %dma_start3A_71 = tpu.memref_slice %arg11[%add3A_42, %dma_start3A_70] : memref<10112x128xf32, #tpu.memory_space<vmem_shared>> -> memref<32x128xf32, #tpu.memory_space<vmem_shared>>
      %dma_start3A_72 = arith.constant 0 : i32
      %dma_start3A_73 = tpu.memref_slice %arg11[%add3A_42, %dma_start3A_72] : memref<10112x128xf32, #tpu.memory_space<vmem_shared>> -> memref<32x128xf32, #tpu.memory_space<vmem_shared>>
      %dma_start3A_74 = arith.constant 0 : i32
      %dma_start3A_75 = arith.constant 0 : i32
      %dma_start3A_76 = tpu.memref_slice %arg10[%dma_start3A_74, %dma_start3A_75] : memref<32x128xf32, #tpu.memory_space<vmem>> -> memref<32x128xf32, #tpu.memory_space<vmem>>
      tpu.enqueue_dma source(%dma_start3A_76 : memref<32x128xf32, #tpu.memory_space<vmem>>) target(%dma_start3A_73 : memref<32x128xf32, #tpu.memory_space<vmem_shared>>) target_semaphore(%run_scoped3A : memref<!tpu.dma_semaphore, #tpu.memory_space<semaphore_mem>>)
      %dma_wait3A = arith.constant 0 : i32
      %dma_wait3A_77 = arith.constant 0 : i32
      %dma_wait3A_78 = tpu.memref_slice %arg10[%dma_wait3A, %dma_wait3A_77] : memref<32x128xf32, #tpu.memory_space<vmem>> -> memref<32x128xf32, #tpu.memory_space<vmem>>
      %dma_wait3A_79 = arith.constant 0 : i32
      %dma_wait3A_80 = tpu.memref_slice %arg11[%add3A_42, %dma_wait3A_79] : memref<10112x128xf32, #tpu.memory_space<vmem_shared>> -> memref<32x128xf32, #tpu.memory_space<vmem_shared>>
      %dma_wait3A_81 = arith.constant 0 : i32
      %dma_wait3A_82 = tpu.memref_slice %arg11[%add3A_42, %dma_wait3A_81] : memref<10112x128xf32, #tpu.memory_space<vmem_shared>> -> memref<32x128xf32, #tpu.memory_space<vmem_shared>>
      %dma_wait3A_83 = arith.constant 0 : i32
      %dma_wait3A_84 = arith.constant 0 : i32
      %dma_wait3A_85 = tpu.memref_slice %arg10[%dma_wait3A_83, %dma_wait3A_84] : memref<32x128xf32, #tpu.memory_space<vmem>> -> memref<32x128xf32, #tpu.memory_space<vmem>>
      tpu.wait_dma2 semaphore(%run_scoped3A : memref<!tpu.dma_semaphore, #tpu.memory_space<semaphore_mem>>) src(%dma_wait3A_85 : memref<32x128xf32, #tpu.memory_space<vmem>>) dst(%dma_wait3A_82 : memref<32x128xf32, #tpu.memory_space<vmem_shared>>)
      tpu.yield
    }) : () -> ()
    %add3A_43 = arith.constant 512 : i32
    %add3A_44 = arith.addi %mul3A_6, %add3A_43 : i32
    "tpu.region"() ({
      %run_scoped3A = tpu.sem_alloc : memref<!tpu.dma_semaphore, #tpu.memory_space<semaphore_mem>>
      %dma_start3A_67 = arith.constant 0 : i32
      %dma_start3A_68 = arith.constant 0 : i32
      %dma_start3A_69 = tpu.memref_slice %arg10[%dma_start3A_67, %dma_start3A_68] : memref<32x128xf32, #tpu.memory_space<vmem>> -> memref<32x128xf32, #tpu.memory_space<vmem>>
      %dma_start3A_70 = arith.constant 0 : i32
      %dma_start3A_71 = tpu.memref_slice %arg11[%add3A_44, %dma_start3A_70] : memref<10112x128xf32, #tpu.memory_space<vmem_shared>> -> memref<32x128xf32, #tpu.memory_space<vmem_shared>>
      %dma_start3A_72 = arith.constant 0 : i32
      %dma_start3A_73 = tpu.memref_slice %arg11[%add3A_44, %dma_start3A_72] : memref<10112x128xf32, #tpu.memory_space<vmem_shared>> -> memref<32x128xf32, #tpu.memory_space<vmem_shared>>
      %dma_start3A_74 = arith.constant 0 : i32
      %dma_start3A_75 = arith.constant 0 : i32
      %dma_start3A_76 = tpu.memref_slice %arg10[%dma_start3A_74, %dma_start3A_75] : memref<32x128xf32, #tpu.memory_space<vmem>> -> memref<32x128xf32, #tpu.memory_space<vmem>>
      tpu.enqueue_dma source(%dma_start3A_76 : memref<32x128xf32, #tpu.memory_space<vmem>>) target(%dma_start3A_73 : memref<32x128xf32, #tpu.memory_space<vmem_shared>>) target_semaphore(%run_scoped3A : memref<!tpu.dma_semaphore, #tpu.memory_space<semaphore_mem>>)
      %dma_wait3A = arith.constant 0 : i32
      %dma_wait3A_77 = arith.constant 0 : i32
      %dma_wait3A_78 = tpu.memref_slice %arg10[%dma_wait3A, %dma_wait3A_77] : memref<32x128xf32, #tpu.memory_space<vmem>> -> memref<32x128xf32, #tpu.memory_space<vmem>>
      %dma_wait3A_79 = arith.constant 0 : i32
      %dma_wait3A_80 = tpu.memref_slice %arg11[%add3A_44, %dma_wait3A_79] : memref<10112x128xf32, #tpu.memory_space<vmem_shared>> -> memref<32x128xf32, #tpu.memory_space<vmem_shared>>
      %dma_wait3A_81 = arith.constant 0 : i32
      %dma_wait3A_82 = tpu.memref_slice %arg11[%add3A_44, %dma_wait3A_81] : memref<10112x128xf32, #tpu.memory_space<vmem_shared>> -> memref<32x128xf32, #tpu.memory_space<vmem_shared>>
      %dma_wait3A_83 = arith.constant 0 : i32
      %dma_wait3A_84 = arith.constant 0 : i32
      %dma_wait3A_85 = tpu.memref_slice %arg10[%dma_wait3A_83, %dma_wait3A_84] : memref<32x128xf32, #tpu.memory_space<vmem>> -> memref<32x128xf32, #tpu.memory_space<vmem>>
      tpu.wait_dma2 semaphore(%run_scoped3A : memref<!tpu.dma_semaphore, #tpu.memory_space<semaphore_mem>>) src(%dma_wait3A_85 : memref<32x128xf32, #tpu.memory_space<vmem>>) dst(%dma_wait3A_82 : memref<32x128xf32, #tpu.memory_space<vmem_shared>>)
      tpu.yield
    }) : () -> ()
    %add3A_45 = arith.constant 544 : i32
    %add3A_46 = arith.addi %mul3A_6, %add3A_45 : i32
    "tpu.region"() ({
      %run_scoped3A = tpu.sem_alloc : memref<!tpu.dma_semaphore, #tpu.memory_space<semaphore_mem>>
      %dma_start3A_67 = arith.constant 0 : i32
      %dma_start3A_68 = arith.constant 0 : i32
      %dma_start3A_69 = tpu.memref_slice %arg10[%dma_start3A_67, %dma_start3A_68] : memref<32x128xf32, #tpu.memory_space<vmem>> -> memref<32x128xf32, #tpu.memory_space<vmem>>
      %dma_start3A_70 = arith.constant 0 : i32
      %dma_start3A_71 = tpu.memref_slice %arg11[%add3A_46, %dma_start3A_70] : memref<10112x128xf32, #tpu.memory_space<vmem_shared>> -> memref<32x128xf32, #tpu.memory_space<vmem_shared>>
      %dma_start3A_72 = arith.constant 0 : i32
      %dma_start3A_73 = tpu.memref_slice %arg11[%add3A_46, %dma_start3A_72] : memref<10112x128xf32, #tpu.memory_space<vmem_shared>> -> memref<32x128xf32, #tpu.memory_space<vmem_shared>>
      %dma_start3A_74 = arith.constant 0 : i32
      %dma_start3A_75 = arith.constant 0 : i32
      %dma_start3A_76 = tpu.memref_slice %arg10[%dma_start3A_74, %dma_start3A_75] : memref<32x128xf32, #tpu.memory_space<vmem>> -> memref<32x128xf32, #tpu.memory_space<vmem>>
      tpu.enqueue_dma source(%dma_start3A_76 : memref<32x128xf32, #tpu.memory_space<vmem>>) target(%dma_start3A_73 : memref<32x128xf32, #tpu.memory_space<vmem_shared>>) target_semaphore(%run_scoped3A : memref<!tpu.dma_semaphore, #tpu.memory_space<semaphore_mem>>)
      %dma_wait3A = arith.constant 0 : i32
      %dma_wait3A_77 = arith.constant 0 : i32
      %dma_wait3A_78 = tpu.memref_slice %arg10[%dma_wait3A, %dma_wait3A_77] : memref<32x128xf32, #tpu.memory_space<vmem>> -> memref<32x128xf32, #tpu.memory_space<vmem>>
      %dma_wait3A_79 = arith.constant 0 : i32
      %dma_wait3A_80 = tpu.memref_slice %arg11[%add3A_46, %dma_wait3A_79] : memref<10112x128xf32, #tpu.memory_space<vmem_shared>> -> memref<32x128xf32, #tpu.memory_space<vmem_shared>>
      %dma_wait3A_81 = arith.constant 0 : i32
      %dma_wait3A_82 = tpu.memref_slice %arg11[%add3A_46, %dma_wait3A_81] : memref<10112x128xf32, #tpu.memory_space<vmem_shared>> -> memref<32x128xf32, #tpu.memory_space<vmem_shared>>
      %dma_wait3A_83 = arith.constant 0 : i32
      %dma_wait3A_84 = arith.constant 0 : i32
      %dma_wait3A_85 = tpu.memref_slice %arg10[%dma_wait3A_83, %dma_wait3A_84] : memref<32x128xf32, #tpu.memory_space<vmem>> -> memref<32x128xf32, #tpu.memory_space<vmem>>
      tpu.wait_dma2 semaphore(%run_scoped3A : memref<!tpu.dma_semaphore, #tpu.memory_space<semaphore_mem>>) src(%dma_wait3A_85 : memref<32x128xf32, #tpu.memory_space<vmem>>) dst(%dma_wait3A_82 : memref<32x128xf32, #tpu.memory_space<vmem_shared>>)
      tpu.yield
    }) : () -> ()
    %add3A_47 = arith.constant 576 : i32
    %add3A_48 = arith.addi %mul3A_6, %add3A_47 : i32
    "tpu.region"() ({
      %run_scoped3A = tpu.sem_alloc : memref<!tpu.dma_semaphore, #tpu.memory_space<semaphore_mem>>
      %dma_start3A_67 = arith.constant 0 : i32
      %dma_start3A_68 = arith.constant 0 : i32
      %dma_start3A_69 = tpu.memref_slice %arg10[%dma_start3A_67, %dma_start3A_68] : memref<32x128xf32, #tpu.memory_space<vmem>> -> memref<32x128xf32, #tpu.memory_space<vmem>>
      %dma_start3A_70 = arith.constant 0 : i32
      %dma_start3A_71 = tpu.memref_slice %arg11[%add3A_48, %dma_start3A_70] : memref<10112x128xf32, #tpu.memory_space<vmem_shared>> -> memref<32x128xf32, #tpu.memory_space<vmem_shared>>
      %dma_start3A_72 = arith.constant 0 : i32
      %dma_start3A_73 = tpu.memref_slice %arg11[%add3A_48, %dma_start3A_72] : memref<10112x128xf32, #tpu.memory_space<vmem_shared>> -> memref<32x128xf32, #tpu.memory_space<vmem_shared>>
      %dma_start3A_74 = arith.constant 0 : i32
      %dma_start3A_75 = arith.constant 0 : i32
      %dma_start3A_76 = tpu.memref_slice %arg10[%dma_start3A_74, %dma_start3A_75] : memref<32x128xf32, #tpu.memory_space<vmem>> -> memref<32x128xf32, #tpu.memory_space<vmem>>
      tpu.enqueue_dma source(%dma_start3A_76 : memref<32x128xf32, #tpu.memory_space<vmem>>) target(%dma_start3A_73 : memref<32x128xf32, #tpu.memory_space<vmem_shared>>) target_semaphore(%run_scoped3A : memref<!tpu.dma_semaphore, #tpu.memory_space<semaphore_mem>>)
      %dma_wait3A = arith.constant 0 : i32
      %dma_wait3A_77 = arith.constant 0 : i32
      %dma_wait3A_78 = tpu.memref_slice %arg10[%dma_wait3A, %dma_wait3A_77] : memref<32x128xf32, #tpu.memory_space<vmem>> -> memref<32x128xf32, #tpu.memory_space<vmem>>
      %dma_wait3A_79 = arith.constant 0 : i32
      %dma_wait3A_80 = tpu.memref_slice %arg11[%add3A_48, %dma_wait3A_79] : memref<10112x128xf32, #tpu.memory_space<vmem_shared>> -> memref<32x128xf32, #tpu.memory_space<vmem_shared>>
      %dma_wait3A_81 = arith.constant 0 : i32
      %dma_wait3A_82 = tpu.memref_slice %arg11[%add3A_48, %dma_wait3A_81] : memref<10112x128xf32, #tpu.memory_space<vmem_shared>> -> memref<32x128xf32, #tpu.memory_space<vmem_shared>>
      %dma_wait3A_83 = arith.constant 0 : i32
      %dma_wait3A_84 = arith.constant 0 : i32
      %dma_wait3A_85 = tpu.memref_slice %arg10[%dma_wait3A_83, %dma_wait3A_84] : memref<32x128xf32, #tpu.memory_space<vmem>> -> memref<32x128xf32, #tpu.memory_space<vmem>>
      tpu.wait_dma2 semaphore(%run_scoped3A : memref<!tpu.dma_semaphore, #tpu.memory_space<semaphore_mem>>) src(%dma_wait3A_85 : memref<32x128xf32, #tpu.memory_space<vmem>>) dst(%dma_wait3A_82 : memref<32x128xf32, #tpu.memory_space<vmem_shared>>)
      tpu.yield
    }) : () -> ()
    %add3A_49 = arith.constant 608 : i32
    %add3A_50 = arith.addi %mul3A_6, %add3A_49 : i32
    "tpu.region"() ({
      %run_scoped3A = tpu.sem_alloc : memref<!tpu.dma_semaphore, #tpu.memory_space<semaphore_mem>>
      %dma_start3A_67 = arith.constant 0 : i32
      %dma_start3A_68 = arith.constant 0 : i32
      %dma_start3A_69 = tpu.memref_slice %arg10[%dma_start3A_67, %dma_start3A_68] : memref<32x128xf32, #tpu.memory_space<vmem>> -> memref<24x128xf32, #tpu.memory_space<vmem>>
      %dma_start3A_70 = arith.constant 0 : i32
      %dma_start3A_71 = tpu.memref_slice %arg11[%add3A_50, %dma_start3A_70] : memref<10112x128xf32, #tpu.memory_space<vmem_shared>> -> memref<24x128xf32, #tpu.memory_space<vmem_shared>>
      %dma_start3A_72 = arith.constant 0 : i32
      %dma_start3A_73 = tpu.memref_slice %arg11[%add3A_50, %dma_start3A_72] : memref<10112x128xf32, #tpu.memory_space<vmem_shared>> -> memref<24x128xf32, #tpu.memory_space<vmem_shared>>
      %dma_start3A_74 = arith.constant 0 : i32
      %dma_start3A_75 = arith.constant 0 : i32
      %dma_start3A_76 = tpu.memref_slice %arg10[%dma_start3A_74, %dma_start3A_75] : memref<32x128xf32, #tpu.memory_space<vmem>> -> memref<24x128xf32, #tpu.memory_space<vmem>>
      tpu.enqueue_dma source(%dma_start3A_76 : memref<24x128xf32, #tpu.memory_space<vmem>>) target(%dma_start3A_73 : memref<24x128xf32, #tpu.memory_space<vmem_shared>>) target_semaphore(%run_scoped3A : memref<!tpu.dma_semaphore, #tpu.memory_space<semaphore_mem>>)
      %dma_wait3A = arith.constant 0 : i32
      %dma_wait3A_77 = arith.constant 0 : i32
      %dma_wait3A_78 = tpu.memref_slice %arg10[%dma_wait3A, %dma_wait3A_77] : memref<32x128xf32, #tpu.memory_space<vmem>> -> memref<24x128xf32, #tpu.memory_space<vmem>>
      %dma_wait3A_79 = arith.constant 0 : i32
      %dma_wait3A_80 = tpu.memref_slice %arg11[%add3A_50, %dma_wait3A_79] : memref<10112x128xf32, #tpu.memory_space<vmem_shared>> -> memref<24x128xf32, #tpu.memory_space<vmem_shared>>
      %dma_wait3A_81 = arith.constant 0 : i32
      %dma_wait3A_82 = tpu.memref_slice %arg11[%add3A_50, %dma_wait3A_81] : memref<10112x128xf32, #tpu.memory_space<vmem_shared>> -> memref<24x128xf32, #tpu.memory_space<vmem_shared>>
      %dma_wait3A_83 = arith.constant 0 : i32
      %dma_wait3A_84 = arith.constant 0 : i32
      %dma_wait3A_85 = tpu.memref_slice %arg10[%dma_wait3A_83, %dma_wait3A_84] : memref<32x128xf32, #tpu.memory_space<vmem>> -> memref<24x128xf32, #tpu.memory_space<vmem>>
      tpu.wait_dma2 semaphore(%run_scoped3A : memref<!tpu.dma_semaphore, #tpu.memory_space<semaphore_mem>>) src(%dma_wait3A_85 : memref<24x128xf32, #tpu.memory_space<vmem>>) dst(%dma_wait3A_82 : memref<24x128xf32, #tpu.memory_space<vmem_shared>>)
      tpu.yield
    }) : () -> ()
    %barrier3A = arith.constant 0 : index
    tpu.barrier barrier_id(%barrier3A)
    %dma_start3A = arith.constant 0 : i32
    %dma_start3A_51 = arith.constant 0 : i32
    %dma_start3A_52 = tpu.memref_slice %arg6[%dma_start3A, %dma_start3A_51] : memref<40x128xi32, #tpu.memory_space<vmem>> -> memref<1x128xi32, #tpu.memory_space<vmem>>
    %dma_start3A_53 = tpu.memref_squeeze %dma_start3A_52 : memref<1x128xi32, #tpu.memory_space<vmem>> -> memref<128xi32, #tpu.memory_space<vmem>>
    %dma_start3A_54 = arith.constant 0 : i32
    %dma_start3A_55 = arith.constant 0 : i32
    %dma_start3A_56 = tpu.memref_slice %arg2[%dma_start3A_54, %dma_start3A_55] : memref<10000x128xf32, #tpu.memory_space<hbm>> -> memref<10000x128xf32, #tpu.memory_space<hbm>>
    tpu.enqueue_indirect_dma source(%dma_start3A_56 : memref<10000x128xf32, #tpu.memory_space<hbm>>) target(%arg8 : memref<128x128xf32, #tpu.memory_space<vmem>>) offsets(%dma_start3A_53 : memref<128xi32, #tpu.memory_space<vmem>>) semaphore(%arg12 : memref<!tpu.dma_semaphore, #tpu.memory_space<semaphore_mem>>)
    %scan3A_57 = arith.constant 0 : i32
    %scan3A_58 = arith.constant 20 : i32
    %scan3A_59 = arith.addi %scan3A_57, %scan3A_58 : i32
    %scan3A_60 = arith.constant 1 : i32
    scf.for %scan3A_67 = %scan3A_57 to %scan3A_59 step %scan3A_60  : i32 {
      %mul3A_68 = arith.constant 1 : i32
      %mul3A_69 = arith.muli %scan3A_67, %mul3A_68 : i32
      %add3A_70 = arith.constant 0 : i32
      %add3A_71 = arith.addi %add3A_70, %mul3A_69 : i32
      %mul3A_72 = arith.constant 2 : i32
      %mul3A_73 = arith.muli %add3A_71, %mul3A_72 : i32
      %add3A_74 = arith.constant 1 : i32
      %add3A_75 = arith.addi %mul3A_73, %add3A_74 : i32
      %dma_start3A_76 = arith.constant 0 : i32
      %dma_start3A_77 = tpu.memref_slice %arg6[%add3A_75, %dma_start3A_76] : memref<40x128xi32, #tpu.memory_space<vmem>> -> memref<1x128xi32, #tpu.memory_space<vmem>>
      %dma_start3A_78 = tpu.memref_squeeze %dma_start3A_77 : memref<1x128xi32, #tpu.memory_space<vmem>> -> memref<128xi32, #tpu.memory_space<vmem>>
      %dma_start3A_79 = arith.constant 0 : i32
      %dma_start3A_80 = arith.constant 0 : i32
      %dma_start3A_81 = tpu.memref_slice %arg2[%dma_start3A_79, %dma_start3A_80] : memref<10000x128xf32, #tpu.memory_space<hbm>> -> memref<10000x128xf32, #tpu.memory_space<hbm>>
      tpu.enqueue_indirect_dma source(%dma_start3A_81 : memref<10000x128xf32, #tpu.memory_space<hbm>>) target(%arg9 : memref<128x128xf32, #tpu.memory_space<vmem>>) offsets(%dma_start3A_78 : memref<128xi32, #tpu.memory_space<vmem>>) semaphore(%arg13 : memref<!tpu.dma_semaphore, #tpu.memory_space<semaphore_mem>>)
      %dma_wait3A = arith.constant 0 : i32
      %dma_wait3A_82 = arith.constant 0 : i32
      %dma_wait3A_83 = tpu.memref_slice %arg6[%dma_wait3A, %dma_wait3A_82] : memref<40x128xi32, #tpu.memory_space<vmem>> -> memref<1x128xi32, #tpu.memory_space<vmem>>
      %dma_wait3A_84 = tpu.memref_squeeze %dma_wait3A_83 : memref<1x128xi32, #tpu.memory_space<vmem>> -> memref<128xi32, #tpu.memory_space<vmem>>
      %dma_wait3A_85 = arith.constant 0 : i32
      %dma_wait3A_86 = arith.constant 0 : i32
      %dma_wait3A_87 = tpu.memref_slice %arg2[%dma_wait3A_85, %dma_wait3A_86] : memref<10000x128xf32, #tpu.memory_space<hbm>> -> memref<10000x128xf32, #tpu.memory_space<hbm>>
      tpu.wait_indirect_dma semaphore(%arg12 : memref<!tpu.dma_semaphore, #tpu.memory_space<semaphore_mem>>) src(%dma_wait3A_87 : memref<10000x128xf32, #tpu.memory_space<hbm>>) dst(%arg8 : memref<128x128xf32, #tpu.memory_space<vmem>>)
      "tpu.region"() ({
        %run_scoped3A = tpu.sem_alloc : memref<!tpu.dma_semaphore, #tpu.memory_space<semaphore_mem>>
        %dma_start3A_99 = arith.constant 0 : i32
        %dma_start3A_100 = tpu.memref_slice %arg7[%mul3A_73, %dma_start3A_99] : memref<40x128xi32, #tpu.memory_space<vmem>> -> memref<1x128xi32, #tpu.memory_space<vmem>>
        %dma_start3A_101 = tpu.memref_squeeze %dma_start3A_100 : memref<1x128xi32, #tpu.memory_space<vmem>> -> memref<128xi32, #tpu.memory_space<vmem>>
        %dma_start3A_102 = arith.constant 0 : i32
        %dma_start3A_103 = arith.constant 0 : i32
        %dma_start3A_104 = tpu.memref_slice %arg11[%dma_start3A_102, %dma_start3A_103] : memref<10112x128xf32, #tpu.memory_space<vmem_shared>> -> memref<10112x128xf32, #tpu.memory_space<vmem_shared>>
        tpu.enqueue_indirect_dma source(%arg8 : memref<128x128xf32, #tpu.memory_space<vmem>>) target(%dma_start3A_104 : memref<10112x128xf32, #tpu.memory_space<vmem_shared>>) offsets(%dma_start3A_101 : memref<128xi32, #tpu.memory_space<vmem>>) semaphore(%run_scoped3A : memref<!tpu.dma_semaphore, #tpu.memory_space<semaphore_mem>>) {add = true}
        %dma_wait3A_105 = arith.constant 0 : i32
        %dma_wait3A_106 = tpu.memref_slice %arg7[%mul3A_73, %dma_wait3A_105] : memref<40x128xi32, #tpu.memory_space<vmem>> -> memref<1x128xi32, #tpu.memory_space<vmem>>
        %dma_wait3A_107 = tpu.memref_squeeze %dma_wait3A_106 : memref<1x128xi32, #tpu.memory_space<vmem>> -> memref<128xi32, #tpu.memory_space<vmem>>
        %dma_wait3A_108 = arith.constant 0 : i32
        %dma_wait3A_109 = arith.constant 0 : i32
        %dma_wait3A_110 = tpu.memref_slice %arg11[%dma_wait3A_108, %dma_wait3A_109] : memref<10112x128xf32, #tpu.memory_space<vmem_shared>> -> memref<10112x128xf32, #tpu.memory_space<vmem_shared>>
        tpu.wait_indirect_dma semaphore(%run_scoped3A : memref<!tpu.dma_semaphore, #tpu.memory_space<semaphore_mem>>) src(%arg8 : memref<128x128xf32, #tpu.memory_space<vmem>>) dst(%dma_wait3A_110 : memref<10112x128xf32, #tpu.memory_space<vmem_shared>>)
        tpu.yield
      }) : () -> ()
      %lt3A = arith.constant 19 : i32
      %lt3A_88 = arith.cmpi slt, %add3A_71, %lt3A : i32
      %convert_element_type3A = arith.extui %lt3A_88 : i1 to i32
      %cond3A = arith.constant 0 : i32
      %cond3A_89 = arith.cmpi ne, %convert_element_type3A, %cond3A : i32
      scf.if %cond3A_89 {
        %add3A_99 = arith.constant 2 : i32
        %add3A_100 = arith.addi %mul3A_73, %add3A_99 : i32
        %dma_start3A_101 = arith.constant 0 : i32
        %dma_start3A_102 = tpu.memref_slice %arg6[%add3A_100, %dma_start3A_101] : memref<40x128xi32, #tpu.memory_space<vmem>> -> memref<1x128xi32, #tpu.memory_space<vmem>>
        %dma_start3A_103 = tpu.memref_squeeze %dma_start3A_102 : memref<1x128xi32, #tpu.memory_space<vmem>> -> memref<128xi32, #tpu.memory_space<vmem>>
        %dma_start3A_104 = arith.constant 0 : i32
        %dma_start3A_105 = arith.constant 0 : i32
        %dma_start3A_106 = tpu.memref_slice %arg2[%dma_start3A_104, %dma_start3A_105] : memref<10000x128xf32, #tpu.memory_space<hbm>> -> memref<10000x128xf32, #tpu.memory_space<hbm>>
        tpu.enqueue_indirect_dma source(%dma_start3A_106 : memref<10000x128xf32, #tpu.memory_space<hbm>>) target(%arg8 : memref<128x128xf32, #tpu.memory_space<vmem>>) offsets(%dma_start3A_103 : memref<128xi32, #tpu.memory_space<vmem>>) semaphore(%arg12 : memref<!tpu.dma_semaphore, #tpu.memory_space<semaphore_mem>>)
      } else {
      }
      %dma_wait3A_90 = arith.constant 0 : i32
      %dma_wait3A_91 = arith.constant 0 : i32
      %dma_wait3A_92 = tpu.memref_slice %arg6[%dma_wait3A_90, %dma_wait3A_91] : memref<40x128xi32, #tpu.memory_space<vmem>> -> memref<1x128xi32, #tpu.memory_space<vmem>>
      %dma_wait3A_93 = tpu.memref_squeeze %dma_wait3A_92 : memref<1x128xi32, #tpu.memory_space<vmem>> -> memref<128xi32, #tpu.memory_space<vmem>>
      %dma_wait3A_94 = arith.constant 0 : i32
      %dma_wait3A_95 = arith.constant 0 : i32
      %dma_wait3A_96 = tpu.memref_slice %arg2[%dma_wait3A_94, %dma_wait3A_95] : memref<10000x128xf32, #tpu.memory_space<hbm>> -> memref<10000x128xf32, #tpu.memory_space<hbm>>
      tpu.wait_indirect_dma semaphore(%arg13 : memref<!tpu.dma_semaphore, #tpu.memory_space<semaphore_mem>>) src(%dma_wait3A_96 : memref<10000x128xf32, #tpu.memory_space<hbm>>) dst(%arg9 : memref<128x128xf32, #tpu.memory_space<vmem>>)
      %add3A_97 = arith.constant 1 : i32
      %add3A_98 = arith.addi %mul3A_73, %add3A_97 : i32
      "tpu.region"() ({
        %run_scoped3A = tpu.sem_alloc : memref<!tpu.dma_semaphore, #tpu.memory_space<semaphore_mem>>
        %dma_start3A_99 = arith.constant 0 : i32
        %dma_start3A_100 = tpu.memref_slice %arg7[%add3A_98, %dma_start3A_99] : memref<40x128xi32, #tpu.memory_space<vmem>> -> memref<1x128xi32, #tpu.memory_space<vmem>>
        %dma_start3A_101 = tpu.memref_squeeze %dma_start3A_100 : memref<1x128xi32, #tpu.memory_space<vmem>> -> memref<128xi32, #tpu.memory_space<vmem>>
        %dma_start3A_102 = arith.constant 0 : i32
        %dma_start3A_103 = arith.constant 0 : i32
        %dma_start3A_104 = tpu.memref_slice %arg11[%dma_start3A_102, %dma_start3A_103] : memref<10112x128xf32, #tpu.memory_space<vmem_shared>> -> memref<10112x128xf32, #tpu.memory_space<vmem_shared>>
        tpu.enqueue_indirect_dma source(%arg9 : memref<128x128xf32, #tpu.memory_space<vmem>>) target(%dma_start3A_104 : memref<10112x128xf32, #tpu.memory_space<vmem_shared>>) offsets(%dma_start3A_101 : memref<128xi32, #tpu.memory_space<vmem>>) semaphore(%run_scoped3A : memref<!tpu.dma_semaphore, #tpu.memory_space<semaphore_mem>>) {add = true}
        %dma_wait3A_105 = arith.constant 0 : i32
        %dma_wait3A_106 = tpu.memref_slice %arg7[%add3A_98, %dma_wait3A_105] : memref<40x128xi32, #tpu.memory_space<vmem>> -> memref<1x128xi32, #tpu.memory_space<vmem>>
        %dma_wait3A_107 = tpu.memref_squeeze %dma_wait3A_106 : memref<1x128xi32, #tpu.memory_space<vmem>> -> memref<128xi32, #tpu.memory_space<vmem>>
        %dma_wait3A_108 = arith.constant 0 : i32
        %dma_wait3A_109 = arith.constant 0 : i32
        %dma_wait3A_110 = tpu.memref_slice %arg11[%dma_wait3A_108, %dma_wait3A_109] : memref<10112x128xf32, #tpu.memory_space<vmem_shared>> -> memref<10112x128xf32, #tpu.memory_space<vmem_shared>>
        tpu.wait_indirect_dma semaphore(%run_scoped3A : memref<!tpu.dma_semaphore, #tpu.memory_space<semaphore_mem>>) src(%arg9 : memref<128x128xf32, #tpu.memory_space<vmem>>) dst(%dma_wait3A_110 : memref<10112x128xf32, #tpu.memory_space<vmem_shared>>)
        tpu.yield
      }) : () -> ()
    }
    %scan3A_61 = arith.constant 20 : i32
    %barrier3A_62 = arith.constant 0 : index
    tpu.barrier barrier_id(%barrier3A_62)
    %mul3A_63 = arith.constant 632 : i32
    %mul3A_64 = arith.muli %arg1, %mul3A_63 : i32
    %mul3A_65 = arith.constant 632 : i32
    %mul3A_66 = arith.muli %arg1, %mul3A_65 : i32
    "tpu.region"() ({
      %run_scoped3A = tpu.sem_alloc : memref<!tpu.dma_semaphore, #tpu.memory_space<semaphore_mem>>
      %dma_start3A_67 = arith.constant 0 : i32
      %dma_start3A_68 = tpu.memref_slice %arg5[%arg0, %mul3A_66, %dma_start3A_67] : memref<2x10112x128xf32, #tpu.memory_space<hbm>> -> memref<1x632x128xf32, #tpu.memory_space<hbm>>
      %dma_start3A_69 = tpu.memref_squeeze %dma_start3A_68 : memref<1x632x128xf32, #tpu.memory_space<hbm>> -> memref<632x128xf32, #tpu.memory_space<hbm>>
      %dma_start3A_70 = arith.constant 0 : i32
      %dma_start3A_71 = tpu.memref_slice %arg11[%mul3A_64, %dma_start3A_70] : memref<10112x128xf32, #tpu.memory_space<vmem_shared>> -> memref<632x128xf32, #tpu.memory_space<vmem_shared>>
      tpu.enqueue_dma source(%dma_start3A_71 : memref<632x128xf32, #tpu.memory_space<vmem_shared>>) target(%dma_start3A_69 : memref<632x128xf32, #tpu.memory_space<hbm>>) target_semaphore(%run_scoped3A : memref<!tpu.dma_semaphore, #tpu.memory_space<semaphore_mem>>)
      %dma_wait3A = arith.constant 0 : i32
      %dma_wait3A_72 = tpu.memref_slice %arg5[%arg0, %mul3A_66, %dma_wait3A] : memref<2x10112x128xf32, #tpu.memory_space<hbm>> -> memref<1x632x128xf32, #tpu.memory_space<hbm>>
      %dma_wait3A_73 = tpu.memref_squeeze %dma_wait3A_72 : memref<1x632x128xf32, #tpu.memory_space<hbm>> -> memref<632x128xf32, #tpu.memory_space<hbm>>
      %dma_wait3A_74 = arith.constant 0 : i32
      %dma_wait3A_75 = tpu.memref_slice %arg11[%mul3A_64, %dma_wait3A_74] : memref<10112x128xf32, #tpu.memory_space<vmem_shared>> -> memref<632x128xf32, #tpu.memory_space<vmem_shared>>
      tpu.wait_dma2 semaphore(%run_scoped3A : memref<!tpu.dma_semaphore, #tpu.memory_space<semaphore_mem>>) src(%dma_wait3A_75 : memref<632x128xf32, #tpu.memory_space<vmem_shared>>) dst(%dma_wait3A_73 : memref<632x128xf32, #tpu.memory_space<hbm>>)
      tpu.yield
    }) : () -> ()
    return
  }
}

#map = affine_map<(d0, d1) -> (0, 0)>
#map1 = affine_map<(d0, d1) -> (0, 0, 0)>
module attributes {stable_mosaic.version = 14 : i64} {
  func.func @body(%arg0: i32, %arg1: i32, %arg2: memref<10000x128xf32, #tpu.memory_space<hbm>>, %arg3: memref<1280x128xi32, #tpu.memory_space<hbm>>, %arg4: memref<1280x128xi32, #tpu.memory_space<hbm>>, %arg5: memref<2x10112x128xf32, #tpu.memory_space<hbm>>, %arg6: memref<40x128xi32, #tpu.memory_space<vmem>>, %arg7: memref<40x128xi32, #tpu.memory_space<vmem>>, %arg8: memref<128x128xf32, #tpu.memory_space<vmem>>, %arg9: memref<128x128xf32, #tpu.memory_space<vmem>>, %arg10: memref<32x128xf32, #tpu.memory_space<vmem>>, %arg11: memref<10112x128xf32, #tpu.memory_space<vmem_shared>>, %arg12: memref<!tpu.dma_semaphore, #tpu.memory_space<semaphore_mem>>, %arg13: memref<!tpu.dma_semaphore, #tpu.memory_space<semaphore_mem>>) attributes {dimension_semantics = [#tpu.dimension_semantics<core_parallel>, #tpu.dimension_semantics<subcore_parallel>], iteration_bounds = array<i64: 2, 16>, scalar_prefetch = 0 : i64, scratch_operands = 8 : i64, tpu.core_type = #tpu.core_type<sc_vector_subcore>, window_params = [{transform_indices = #map}, {transform_indices = #map}, {transform_indices = #map}, {transform_indices = #map1}]} {
    %mul3A = arith.constant 16 : i32
    %mul3A_0 = arith.muli %arg0, %mul3A : i32
    %add3A = arith.addi %mul3A_0, %arg1 : i32
    %mul3A_1 = arith.constant 40 : i32
    %mul3A_2 = arith.muli %add3A, %mul3A_1 : i32
    "tpu.region"() ({
      %run_scoped3A = tpu.sem_alloc : memref<!tpu.dma_semaphore, #tpu.memory_space<semaphore_mem>>
      %dma_start3A_67 = arith.constant 0 : i32
      %dma_start3A_68 = tpu.memref_slice %arg3[%mul3A_2, %dma_start3A_67] : memref<1280x128xi32, #tpu.memory_space<hbm>> -> memref<40x128xi32, #tpu.memory_space<hbm>>
      %dma_start3A_69 = arith.constant 0 : i32
      %dma_start3A_70 = tpu.memref_slice %arg3[%mul3A_2, %dma_start3A_69] : memref<1280x128xi32, #tpu.memory_space<hbm>> -> memref<40x128xi32, #tpu.memory_space<hbm>>
      tpu.enqueue_dma source(%dma_start3A_70 : memref<40x128xi32, #tpu.memory_space<hbm>>) target(%arg6 : memref<40x128xi32, #tpu.memory_space<vmem>>) target_semaphore(%run_scoped3A : memref<!tpu.dma_semaphore, #tpu.memory_space<semaphore_mem>>)
      %dma_wait3A = arith.constant 0 : i32
      %dma_wait3A_71 = tpu.memref_slice %arg3[%mul3A_2, %dma_wait3A] : memref<1280x128xi32, #tpu.memory_space<hbm>> -> memref<40x128xi32, #tpu.memory_space<hbm>>
      %dma_wait3A_72 = arith.constant 0 : i32
      %dma_wait3A_73 = tpu.memref_slice %arg3[%mul3A_2, %dma_wait3A_72] : memref<1280x128xi32, #tpu.memory_space<hbm>> -> memref<40x128xi32, #tpu.memory_space<hbm>>
      tpu.wait_dma2 semaphore(%run_scoped3A : memref<!tpu.dma_semaphore, #tpu.memory_space<semaphore_mem>>) src(%dma_wait3A_73 : memref<40x128xi32, #tpu.memory_space<hbm>>) dst(%arg6 : memref<40x128xi32, #tpu.memory_space<vmem>>)
      tpu.yield
    }) : () -> ()
    %mul3A_3 = arith.constant 40 : i32
    %mul3A_4 = arith.muli %add3A, %mul3A_3 : i32
    "tpu.region"() ({
      %run_scoped3A = tpu.sem_alloc : memref<!tpu.dma_semaphore, #tpu.memory_space<semaphore_mem>>
      %dma_start3A_67 = arith.constant 0 : i32
      %dma_start3A_68 = tpu.memref_slice %arg4[%mul3A_4, %dma_start3A_67] : memref<1280x128xi32, #tpu.memory_space<hbm>> -> memref<40x128xi32, #tpu.memory_space<hbm>>
      %dma_start3A_69 = arith.constant 0 : i32
      %dma_start3A_70 = tpu.memref_slice %arg4[%mul3A_4, %dma_start3A_69] : memref<1280x128xi32, #tpu.memory_space<hbm>> -> memref<40x128xi32, #tpu.memory_space<hbm>>
      tpu.enqueue_dma source(%dma_start3A_70 : memref<40x128xi32, #tpu.memory_space<hbm>>) target(%arg7 : memref<40x128xi32, #tpu.memory_space<vmem>>) target_semaphore(%run_scoped3A : memref<!tpu.dma_semaphore, #tpu.memory_space<semaphore_mem>>)
      %dma_wait3A = arith.constant 0 : i32
      %dma_wait3A_71 = tpu.memref_slice %arg4[%mul3A_4, %dma_wait3A] : memref<1280x128xi32, #tpu.memory_space<hbm>> -> memref<40x128xi32, #tpu.memory_space<hbm>>
      %dma_wait3A_72 = arith.constant 0 : i32
      %dma_wait3A_73 = tpu.memref_slice %arg4[%mul3A_4, %dma_wait3A_72] : memref<1280x128xi32, #tpu.memory_space<hbm>> -> memref<40x128xi32, #tpu.memory_space<hbm>>
      tpu.wait_dma2 semaphore(%run_scoped3A : memref<!tpu.dma_semaphore, #tpu.memory_space<semaphore_mem>>) src(%dma_wait3A_73 : memref<40x128xi32, #tpu.memory_space<hbm>>) dst(%arg7 : memref<40x128xi32, #tpu.memory_space<vmem>>)
      tpu.yield
    }) : () -> ()
    %mul3A_5 = arith.constant 632 : i32
    %mul3A_6 = arith.muli %arg1, %mul3A_5 : i32
    %scan3A = arith.constant 0 : i32
    %scan3A_7 = arith.constant 32 : i32
    %scan3A_8 = arith.addi %scan3A, %scan3A_7 : i32
    %scan3A_9 = arith.constant 1 : i32
    scf.for %scan3A_67 = %scan3A to %scan3A_8 step %scan3A_9  : i32 {
      %mul3A_68 = arith.constant 1 : i32
      %mul3A_69 = arith.muli %scan3A_67, %mul3A_68 : i32
      %add3A_70 = arith.constant 0 : i32
      %add3A_71 = arith.addi %add3A_70, %mul3A_69 : i32
      %broadcast_in_dim3A = arith.constant 0.000000e+00 : f32
      %broadcast_in_dim3A_72 = vector.broadcast %broadcast_in_dim3A : f32 to vector<16xf32>
      %swap3A = arith.index_cast %add3A_71 : i32 to index
      %swap3A_73 = arith.constant 0 : index
      %swap3A_74 = tpu.vector_load %arg10[%swap3A, %swap3A_73] {strides = array<i32>} : memref<32x128xf32, #tpu.memory_space<vmem>>, vector<1x16xf32>,
      %swap3A_75 = vector.shape_cast %swap3A_74 : vector<1x16xf32> to vector<16xf32>
      %swap3A_76 = vector.shape_cast %broadcast_in_dim3A_72 : vector<16xf32> to vector<1x16xf32>
      tpu.vector_store %arg10[%swap3A, %swap3A_73], %swap3A_76 {strides = array<i32>} : memref<32x128xf32, #tpu.memory_space<vmem>>, vector<1x16xf32>,
      %broadcast_in_dim3A_77 = arith.constant 0.000000e+00 : f32
      %broadcast_in_dim3A_78 = vector.broadcast %broadcast_in_dim3A_77 : f32 to vector<16xf32>
      %swap3A_79 = arith.index_cast %add3A_71 : i32 to index
      %swap3A_80 = arith.constant 16 : index
      %swap3A_81 = tpu.vector_load %arg10[%swap3A_79, %swap3A_80] {strides = array<i32>} : memref<32x128xf32, #tpu.memory_space<vmem>>, vector<1x16xf32>,
      %swap3A_82 = vector.shape_cast %swap3A_81 : vector<1x16xf32> to vector<16xf32>
      %swap3A_83 = vector.shape_cast %broadcast_in_dim3A_78 : vector<16xf32> to vector<1x16xf32>
      tpu.vector_store %arg10[%swap3A_79, %swap3A_80], %swap3A_83 {strides = array<i32>} : memref<32x128xf32, #tpu.memory_space<vmem>>, vector<1x16xf32>,
      %broadcast_in_dim3A_84 = arith.constant 0.000000e+00 : f32
      %broadcast_in_dim3A_85 = vector.broadcast %broadcast_in_dim3A_84 : f32 to vector<16xf32>
      %swap3A_86 = arith.index_cast %add3A_71 : i32 to index
      %swap3A_87 = arith.constant 32 : index
      %swap3A_88 = tpu.vector_load %arg10[%swap3A_86, %swap3A_87] {strides = array<i32>} : memref<32x128xf32, #tpu.memory_space<vmem>>, vector<1x16xf32>,
      %swap3A_89 = vector.shape_cast %swap3A_88 : vector<1x16xf32> to vector<16xf32>
      %swap3A_90 = vector.shape_cast %broadcast_in_dim3A_85 : vector<16xf32> to vector<1x16xf32>
      tpu.vector_store %arg10[%swap3A_86, %swap3A_87], %swap3A_90 {strides = array<i32>} : memref<32x128xf32, #tpu.memory_space<vmem>>, vector<1x16xf32>,
      %broadcast_in_dim3A_91 = arith.constant 0.000000e+00 : f32
      %broadcast_in_dim3A_92 = vector.broadcast %broadcast_in_dim3A_91 : f32 to vector<16xf32>
      %swap3A_93 = arith.index_cast %add3A_71 : i32 to index
      %swap3A_94 = arith.constant 48 : index
      %swap3A_95 = tpu.vector_load %arg10[%swap3A_93, %swap3A_94] {strides = array<i32>} : memref<32x128xf32, #tpu.memory_space<vmem>>, vector<1x16xf32>,
      %swap3A_96 = vector.shape_cast %swap3A_95 : vector<1x16xf32> to vector<16xf32>
      %swap3A_97 = vector.shape_cast %broadcast_in_dim3A_92 : vector<16xf32> to vector<1x16xf32>
      tpu.vector_store %arg10[%swap3A_93, %swap3A_94], %swap3A_97 {strides = array<i32>} : memref<32x128xf32, #tpu.memory_space<vmem>>, vector<1x16xf32>,
      %broadcast_in_dim3A_98 = arith.constant 0.000000e+00 : f32
      %broadcast_in_dim3A_99 = vector.broadcast %broadcast_in_dim3A_98 : f32 to vector<16xf32>
      %swap3A_100 = arith.index_cast %add3A_71 : i32 to index
      %swap3A_101 = arith.constant 64 : index
      %swap3A_102 = tpu.vector_load %arg10[%swap3A_100, %swap3A_101] {strides = array<i32>} : memref<32x128xf32, #tpu.memory_space<vmem>>, vector<1x16xf32>,
      %swap3A_103 = vector.shape_cast %swap3A_102 : vector<1x16xf32> to vector<16xf32>
      %swap3A_104 = vector.shape_cast %broadcast_in_dim3A_99 : vector<16xf32> to vector<1x16xf32>
      tpu.vector_store %arg10[%swap3A_100, %swap3A_101], %swap3A_104 {strides = array<i32>} : memref<32x128xf32, #tpu.memory_space<vmem>>, vector<1x16xf32>,
      %broadcast_in_dim3A_105 = arith.constant 0.000000e+00 : f32
      %broadcast_in_dim3A_106 = vector.broadcast %broadcast_in_dim3A_105 : f32 to vector<16xf32>
      %swap3A_107 = arith.index_cast %add3A_71 : i32 to index
      %swap3A_108 = arith.constant 80 : index
      %swap3A_109 = tpu.vector_load %arg10[%swap3A_107, %swap3A_108] {strides = array<i32>} : memref<32x128xf32, #tpu.memory_space<vmem>>, vector<1x16xf32>,
      %swap3A_110 = vector.shape_cast %swap3A_109 : vector<1x16xf32> to vector<16xf32>
      %swap3A_111 = vector.shape_cast %broadcast_in_dim3A_106 : vector<16xf32> to vector<1x16xf32>
      tpu.vector_store %arg10[%swap3A_107, %swap3A_108], %swap3A_111 {strides = array<i32>} : memref<32x128xf32, #tpu.memory_space<vmem>>, vector<1x16xf32>,
      %broadcast_in_dim3A_112 = arith.constant 0.000000e+00 : f32
      %broadcast_in_dim3A_113 = vector.broadcast %broadcast_in_dim3A_112 : f32 to vector<16xf32>
      %swap3A_114 = arith.index_cast %add3A_71 : i32 to index
      %swap3A_115 = arith.constant 96 : index
      %swap3A_116 = tpu.vector_load %arg10[%swap3A_114, %swap3A_115] {strides = array<i32>} : memref<32x128xf32, #tpu.memory_space<vmem>>, vector<1x16xf32>,
      %swap3A_117 = vector.shape_cast %swap3A_116 : vector<1x16xf32> to vector<16xf32>
      %swap3A_118 = vector.shape_cast %broadcast_in_dim3A_113 : vector<16xf32> to vector<1x16xf32>
      tpu.vector_store %arg10[%swap3A_114, %swap3A_115], %swap3A_118 {strides = array<i32>} : memref<32x128xf32, #tpu.memory_space<vmem>>, vector<1x16xf32>,
      %broadcast_in_dim3A_119 = arith.constant 0.000000e+00 : f32
      %broadcast_in_dim3A_120 = vector.broadcast %broadcast_in_dim3A_119 : f32 to vector<16xf32>
      %swap3A_121 = arith.index_cast %add3A_71 : i32 to index
      %swap3A_122 = arith.constant 112 : index
      %swap3A_123 = tpu.vector_load %arg10[%swap3A_121, %swap3A_122] {strides = array<i32>} : memref<32x128xf32, #tpu.memory_space<vmem>>, vector<1x16xf32>,
      %swap3A_124 = vector.shape_cast %swap3A_123 : vector<1x16xf32> to vector<16xf32>
      %swap3A_125 = vector.shape_cast %broadcast_in_dim3A_120 : vector<16xf32> to vector<1x16xf32>
      tpu.vector_store %arg10[%swap3A_121, %swap3A_122], %swap3A_125 {strides = array<i32>} : memref<32x128xf32, #tpu.memory_space<vmem>>, vector<1x16xf32>,
    }
    %scan3A_10 = arith.constant 32 : i32
    %add3A_11 = arith.constant 0 : i32
    %add3A_12 = arith.addi %mul3A_6, %add3A_11 : i32
    "tpu.region"() ({
      %run_scoped3A = tpu.sem_alloc : memref<!tpu.dma_semaphore, #tpu.memory_space<semaphore_mem>>
      %dma_start3A_67 = arith.constant 0 : i32
      %dma_start3A_68 = arith.constant 0 : i32
      %dma_start3A_69 = tpu.memref_slice %arg10[%dma_start3A_67, %dma_start3A_68] : memref<32x128xf32, #tpu.memory_space<vmem>> -> memref<32x128xf32, #tpu.memory_space<vmem>>
      %dma_start3A_70 = arith.constant 0 : i32
      %dma_start3A_71 = tpu.memref_slice %arg11[%add3A_12, %dma_start3A_70] : memref<10112x128xf32, #tpu.memory_space<vmem_shared>> -> memref<32x128xf32, #tpu.memory_space<vmem_shared>>
      %dma_start3A_72 = arith.constant 0 : i32
      %dma_start3A_73 = tpu.memref_slice %arg11[%add3A_12, %dma_start3A_72] : memref<10112x128xf32, #tpu.memory_space<vmem_shared>> -> memref<32x128xf32, #tpu.memory_space<vmem_shared>>
      %dma_start3A_74 = arith.constant 0 : i32
      %dma_start3A_75 = arith.constant 0 : i32
      %dma_start3A_76 = tpu.memref_slice %arg10[%dma_start3A_74, %dma_start3A_75] : memref<32x128xf32, #tpu.memory_space<vmem>> -> memref<32x128xf32, #tpu.memory_space<vmem>>
      tpu.enqueue_dma source(%dma_start3A_76 : memref<32x128xf32, #tpu.memory_space<vmem>>) target(%dma_start3A_73 : memref<32x128xf32, #tpu.memory_space<vmem_shared>>) target_semaphore(%run_scoped3A : memref<!tpu.dma_semaphore, #tpu.memory_space<semaphore_mem>>)
      %dma_wait3A = arith.constant 0 : i32
      %dma_wait3A_77 = arith.constant 0 : i32
      %dma_wait3A_78 = tpu.memref_slice %arg10[%dma_wait3A, %dma_wait3A_77] : memref<32x128xf32, #tpu.memory_space<vmem>> -> memref<32x128xf32, #tpu.memory_space<vmem>>
      %dma_wait3A_79 = arith.constant 0 : i32
      %dma_wait3A_80 = tpu.memref_slice %arg11[%add3A_12, %dma_wait3A_79] : memref<10112x128xf32, #tpu.memory_space<vmem_shared>> -> memref<32x128xf32, #tpu.memory_space<vmem_shared>>
      %dma_wait3A_81 = arith.constant 0 : i32
      %dma_wait3A_82 = tpu.memref_slice %arg11[%add3A_12, %dma_wait3A_81] : memref<10112x128xf32, #tpu.memory_space<vmem_shared>> -> memref<32x128xf32, #tpu.memory_space<vmem_shared>>
      %dma_wait3A_83 = arith.constant 0 : i32
      %dma_wait3A_84 = arith.constant 0 : i32
      %dma_wait3A_85 = tpu.memref_slice %arg10[%dma_wait3A_83, %dma_wait3A_84] : memref<32x128xf32, #tpu.memory_space<vmem>> -> memref<32x128xf32, #tpu.memory_space<vmem>>
      tpu.wait_dma2 semaphore(%run_scoped3A : memref<!tpu.dma_semaphore, #tpu.memory_space<semaphore_mem>>) src(%dma_wait3A_85 : memref<32x128xf32, #tpu.memory_space<vmem>>) dst(%dma_wait3A_82 : memref<32x128xf32, #tpu.memory_space<vmem_shared>>)
      tpu.yield
    }) : () -> ()
    %add3A_13 = arith.constant 32 : i32
    %add3A_14 = arith.addi %mul3A_6, %add3A_13 : i32
    "tpu.region"() ({
      %run_scoped3A = tpu.sem_alloc : memref<!tpu.dma_semaphore, #tpu.memory_space<semaphore_mem>>
      %dma_start3A_67 = arith.constant 0 : i32
      %dma_start3A_68 = arith.constant 0 : i32
      %dma_start3A_69 = tpu.memref_slice %arg10[%dma_start3A_67, %dma_start3A_68] : memref<32x128xf32, #tpu.memory_space<vmem>> -> memref<32x128xf32, #tpu.memory_space<vmem>>
      %dma_start3A_70 = arith.constant 0 : i32
      %dma_start3A_71 = tpu.memref_slice %arg11[%add3A_14, %dma_start3A_70] : memref<10112x128xf32, #tpu.memory_space<vmem_shared>> -> memref<32x128xf32, #tpu.memory_space<vmem_shared>>
      %dma_start3A_72 = arith.constant 0 : i32
      %dma_start3A_73 = tpu.memref_slice %arg11[%add3A_14, %dma_start3A_72] : memref<10112x128xf32, #tpu.memory_space<vmem_shared>> -> memref<32x128xf32, #tpu.memory_space<vmem_shared>>
      %dma_start3A_74 = arith.constant 0 : i32
      %dma_start3A_75 = arith.constant 0 : i32
      %dma_start3A_76 = tpu.memref_slice %arg10[%dma_start3A_74, %dma_start3A_75] : memref<32x128xf32, #tpu.memory_space<vmem>> -> memref<32x128xf32, #tpu.memory_space<vmem>>
      tpu.enqueue_dma source(%dma_start3A_76 : memref<32x128xf32, #tpu.memory_space<vmem>>) target(%dma_start3A_73 : memref<32x128xf32, #tpu.memory_space<vmem_shared>>) target_semaphore(%run_scoped3A : memref<!tpu.dma_semaphore, #tpu.memory_space<semaphore_mem>>)
      %dma_wait3A = arith.constant 0 : i32
      %dma_wait3A_77 = arith.constant 0 : i32
      %dma_wait3A_78 = tpu.memref_slice %arg10[%dma_wait3A, %dma_wait3A_77] : memref<32x128xf32, #tpu.memory_space<vmem>> -> memref<32x128xf32, #tpu.memory_space<vmem>>
      %dma_wait3A_79 = arith.constant 0 : i32
      %dma_wait3A_80 = tpu.memref_slice %arg11[%add3A_14, %dma_wait3A_79] : memref<10112x128xf32, #tpu.memory_space<vmem_shared>> -> memref<32x128xf32, #tpu.memory_space<vmem_shared>>
      %dma_wait3A_81 = arith.constant 0 : i32
      %dma_wait3A_82 = tpu.memref_slice %arg11[%add3A_14, %dma_wait3A_81] : memref<10112x128xf32, #tpu.memory_space<vmem_shared>> -> memref<32x128xf32, #tpu.memory_space<vmem_shared>>
      %dma_wait3A_83 = arith.constant 0 : i32
      %dma_wait3A_84 = arith.constant 0 : i32
      %dma_wait3A_85 = tpu.memref_slice %arg10[%dma_wait3A_83, %dma_wait3A_84] : memref<32x128xf32, #tpu.memory_space<vmem>> -> memref<32x128xf32, #tpu.memory_space<vmem>>
      tpu.wait_dma2 semaphore(%run_scoped3A : memref<!tpu.dma_semaphore, #tpu.memory_space<semaphore_mem>>) src(%dma_wait3A_85 : memref<32x128xf32, #tpu.memory_space<vmem>>) dst(%dma_wait3A_82 : memref<32x128xf32, #tpu.memory_space<vmem_shared>>)
      tpu.yield
    }) : () -> ()
    %add3A_15 = arith.constant 64 : i32
    %add3A_16 = arith.addi %mul3A_6, %add3A_15 : i32
    "tpu.region"() ({
      %run_scoped3A = tpu.sem_alloc : memref<!tpu.dma_semaphore, #tpu.memory_space<semaphore_mem>>
      %dma_start3A_67 = arith.constant 0 : i32
      %dma_start3A_68 = arith.constant 0 : i32
      %dma_start3A_69 = tpu.memref_slice %arg10[%dma_start3A_67, %dma_start3A_68] : memref<32x128xf32, #tpu.memory_space<vmem>> -> memref<32x128xf32, #tpu.memory_space<vmem>>
      %dma_start3A_70 = arith.constant 0 : i32
      %dma_start3A_71 = tpu.memref_slice %arg11[%add3A_16, %dma_start3A_70] : memref<10112x128xf32, #tpu.memory_space<vmem_shared>> -> memref<32x128xf32, #tpu.memory_space<vmem_shared>>
      %dma_start3A_72 = arith.constant 0 : i32
      %dma_start3A_73 = tpu.memref_slice %arg11[%add3A_16, %dma_start3A_72] : memref<10112x128xf32, #tpu.memory_space<vmem_shared>> -> memref<32x128xf32, #tpu.memory_space<vmem_shared>>
      %dma_start3A_74 = arith.constant 0 : i32
      %dma_start3A_75 = arith.constant 0 : i32
      %dma_start3A_76 = tpu.memref_slice %arg10[%dma_start3A_74, %dma_start3A_75] : memref<32x128xf32, #tpu.memory_space<vmem>> -> memref<32x128xf32, #tpu.memory_space<vmem>>
      tpu.enqueue_dma source(%dma_start3A_76 : memref<32x128xf32, #tpu.memory_space<vmem>>) target(%dma_start3A_73 : memref<32x128xf32, #tpu.memory_space<vmem_shared>>) target_semaphore(%run_scoped3A : memref<!tpu.dma_semaphore, #tpu.memory_space<semaphore_mem>>)
      %dma_wait3A = arith.constant 0 : i32
      %dma_wait3A_77 = arith.constant 0 : i32
      %dma_wait3A_78 = tpu.memref_slice %arg10[%dma_wait3A, %dma_wait3A_77] : memref<32x128xf32, #tpu.memory_space<vmem>> -> memref<32x128xf32, #tpu.memory_space<vmem>>
      %dma_wait3A_79 = arith.constant 0 : i32
      %dma_wait3A_80 = tpu.memref_slice %arg11[%add3A_16, %dma_wait3A_79] : memref<10112x128xf32, #tpu.memory_space<vmem_shared>> -> memref<32x128xf32, #tpu.memory_space<vmem_shared>>
      %dma_wait3A_81 = arith.constant 0 : i32
      %dma_wait3A_82 = tpu.memref_slice %arg11[%add3A_16, %dma_wait3A_81] : memref<10112x128xf32, #tpu.memory_space<vmem_shared>> -> memref<32x128xf32, #tpu.memory_space<vmem_shared>>
      %dma_wait3A_83 = arith.constant 0 : i32
      %dma_wait3A_84 = arith.constant 0 : i32
      %dma_wait3A_85 = tpu.memref_slice %arg10[%dma_wait3A_83, %dma_wait3A_84] : memref<32x128xf32, #tpu.memory_space<vmem>> -> memref<32x128xf32, #tpu.memory_space<vmem>>
      tpu.wait_dma2 semaphore(%run_scoped3A : memref<!tpu.dma_semaphore, #tpu.memory_space<semaphore_mem>>) src(%dma_wait3A_85 : memref<32x128xf32, #tpu.memory_space<vmem>>) dst(%dma_wait3A_82 : memref<32x128xf32, #tpu.memory_space<vmem_shared>>)
      tpu.yield
    }) : () -> ()
    %add3A_17 = arith.constant 96 : i32
    %add3A_18 = arith.addi %mul3A_6, %add3A_17 : i32
    "tpu.region"() ({
      %run_scoped3A = tpu.sem_alloc : memref<!tpu.dma_semaphore, #tpu.memory_space<semaphore_mem>>
      %dma_start3A_67 = arith.constant 0 : i32
      %dma_start3A_68 = arith.constant 0 : i32
      %dma_start3A_69 = tpu.memref_slice %arg10[%dma_start3A_67, %dma_start3A_68] : memref<32x128xf32, #tpu.memory_space<vmem>> -> memref<32x128xf32, #tpu.memory_space<vmem>>
      %dma_start3A_70 = arith.constant 0 : i32
      %dma_start3A_71 = tpu.memref_slice %arg11[%add3A_18, %dma_start3A_70] : memref<10112x128xf32, #tpu.memory_space<vmem_shared>> -> memref<32x128xf32, #tpu.memory_space<vmem_shared>>
      %dma_start3A_72 = arith.constant 0 : i32
      %dma_start3A_73 = tpu.memref_slice %arg11[%add3A_18, %dma_start3A_72] : memref<10112x128xf32, #tpu.memory_space<vmem_shared>> -> memref<32x128xf32, #tpu.memory_space<vmem_shared>>
      %dma_start3A_74 = arith.constant 0 : i32
      %dma_start3A_75 = arith.constant 0 : i32
      %dma_start3A_76 = tpu.memref_slice %arg10[%dma_start3A_74, %dma_start3A_75] : memref<32x128xf32, #tpu.memory_space<vmem>> -> memref<32x128xf32, #tpu.memory_space<vmem>>
      tpu.enqueue_dma source(%dma_start3A_76 : memref<32x128xf32, #tpu.memory_space<vmem>>) target(%dma_start3A_73 : memref<32x128xf32, #tpu.memory_space<vmem_shared>>) target_semaphore(%run_scoped3A : memref<!tpu.dma_semaphore, #tpu.memory_space<semaphore_mem>>)
      %dma_wait3A = arith.constant 0 : i32
      %dma_wait3A_77 = arith.constant 0 : i32
      %dma_wait3A_78 = tpu.memref_slice %arg10[%dma_wait3A, %dma_wait3A_77] : memref<32x128xf32, #tpu.memory_space<vmem>> -> memref<32x128xf32, #tpu.memory_space<vmem>>
      %dma_wait3A_79 = arith.constant 0 : i32
      %dma_wait3A_80 = tpu.memref_slice %arg11[%add3A_18, %dma_wait3A_79] : memref<10112x128xf32, #tpu.memory_space<vmem_shared>> -> memref<32x128xf32, #tpu.memory_space<vmem_shared>>
      %dma_wait3A_81 = arith.constant 0 : i32
      %dma_wait3A_82 = tpu.memref_slice %arg11[%add3A_18, %dma_wait3A_81] : memref<10112x128xf32, #tpu.memory_space<vmem_shared>> -> memref<32x128xf32, #tpu.memory_space<vmem_shared>>
      %dma_wait3A_83 = arith.constant 0 : i32
      %dma_wait3A_84 = arith.constant 0 : i32
      %dma_wait3A_85 = tpu.memref_slice %arg10[%dma_wait3A_83, %dma_wait3A_84] : memref<32x128xf32, #tpu.memory_space<vmem>> -> memref<32x128xf32, #tpu.memory_space<vmem>>
      tpu.wait_dma2 semaphore(%run_scoped3A : memref<!tpu.dma_semaphore, #tpu.memory_space<semaphore_mem>>) src(%dma_wait3A_85 : memref<32x128xf32, #tpu.memory_space<vmem>>) dst(%dma_wait3A_82 : memref<32x128xf32, #tpu.memory_space<vmem_shared>>)
      tpu.yield
    }) : () -> ()
    %add3A_19 = arith.constant 128 : i32
    %add3A_20 = arith.addi %mul3A_6, %add3A_19 : i32
    "tpu.region"() ({
      %run_scoped3A = tpu.sem_alloc : memref<!tpu.dma_semaphore, #tpu.memory_space<semaphore_mem>>
      %dma_start3A_67 = arith.constant 0 : i32
      %dma_start3A_68 = arith.constant 0 : i32
      %dma_start3A_69 = tpu.memref_slice %arg10[%dma_start3A_67, %dma_start3A_68] : memref<32x128xf32, #tpu.memory_space<vmem>> -> memref<32x128xf32, #tpu.memory_space<vmem>>
      %dma_start3A_70 = arith.constant 0 : i32
      %dma_start3A_71 = tpu.memref_slice %arg11[%add3A_20, %dma_start3A_70] : memref<10112x128xf32, #tpu.memory_space<vmem_shared>> -> memref<32x128xf32, #tpu.memory_space<vmem_shared>>
      %dma_start3A_72 = arith.constant 0 : i32
      %dma_start3A_73 = tpu.memref_slice %arg11[%add3A_20, %dma_start3A_72] : memref<10112x128xf32, #tpu.memory_space<vmem_shared>> -> memref<32x128xf32, #tpu.memory_space<vmem_shared>>
      %dma_start3A_74 = arith.constant 0 : i32
      %dma_start3A_75 = arith.constant 0 : i32
      %dma_start3A_76 = tpu.memref_slice %arg10[%dma_start3A_74, %dma_start3A_75] : memref<32x128xf32, #tpu.memory_space<vmem>> -> memref<32x128xf32, #tpu.memory_space<vmem>>
      tpu.enqueue_dma source(%dma_start3A_76 : memref<32x128xf32, #tpu.memory_space<vmem>>) target(%dma_start3A_73 : memref<32x128xf32, #tpu.memory_space<vmem_shared>>) target_semaphore(%run_scoped3A : memref<!tpu.dma_semaphore, #tpu.memory_space<semaphore_mem>>)
      %dma_wait3A = arith.constant 0 : i32
      %dma_wait3A_77 = arith.constant 0 : i32
      %dma_wait3A_78 = tpu.memref_slice %arg10[%dma_wait3A, %dma_wait3A_77] : memref<32x128xf32, #tpu.memory_space<vmem>> -> memref<32x128xf32, #tpu.memory_space<vmem>>
      %dma_wait3A_79 = arith.constant 0 : i32
      %dma_wait3A_80 = tpu.memref_slice %arg11[%add3A_20, %dma_wait3A_79] : memref<10112x128xf32, #tpu.memory_space<vmem_shared>> -> memref<32x128xf32, #tpu.memory_space<vmem_shared>>
      %dma_wait3A_81 = arith.constant 0 : i32
      %dma_wait3A_82 = tpu.memref_slice %arg11[%add3A_20, %dma_wait3A_81] : memref<10112x128xf32, #tpu.memory_space<vmem_shared>> -> memref<32x128xf32, #tpu.memory_space<vmem_shared>>
      %dma_wait3A_83 = arith.constant 0 : i32
      %dma_wait3A_84 = arith.constant 0 : i32
      %dma_wait3A_85 = tpu.memref_slice %arg10[%dma_wait3A_83, %dma_wait3A_84] : memref<32x128xf32, #tpu.memory_space<vmem>> -> memref<32x128xf32, #tpu.memory_space<vmem>>
      tpu.wait_dma2 semaphore(%run_scoped3A : memref<!tpu.dma_semaphore, #tpu.memory_space<semaphore_mem>>) src(%dma_wait3A_85 : memref<32x128xf32, #tpu.memory_space<vmem>>) dst(%dma_wait3A_82 : memref<32x128xf32, #tpu.memory_space<vmem_shared>>)
      tpu.yield
    }) : () -> ()
    %add3A_21 = arith.constant 160 : i32
    %add3A_22 = arith.addi %mul3A_6, %add3A_21 : i32
    "tpu.region"() ({
      %run_scoped3A = tpu.sem_alloc : memref<!tpu.dma_semaphore, #tpu.memory_space<semaphore_mem>>
      %dma_start3A_67 = arith.constant 0 : i32
      %dma_start3A_68 = arith.constant 0 : i32
      %dma_start3A_69 = tpu.memref_slice %arg10[%dma_start3A_67, %dma_start3A_68] : memref<32x128xf32, #tpu.memory_space<vmem>> -> memref<32x128xf32, #tpu.memory_space<vmem>>
      %dma_start3A_70 = arith.constant 0 : i32
      %dma_start3A_71 = tpu.memref_slice %arg11[%add3A_22, %dma_start3A_70] : memref<10112x128xf32, #tpu.memory_space<vmem_shared>> -> memref<32x128xf32, #tpu.memory_space<vmem_shared>>
      %dma_start3A_72 = arith.constant 0 : i32
      %dma_start3A_73 = tpu.memref_slice %arg11[%add3A_22, %dma_start3A_72] : memref<10112x128xf32, #tpu.memory_space<vmem_shared>> -> memref<32x128xf32, #tpu.memory_space<vmem_shared>>
      %dma_start3A_74 = arith.constant 0 : i32
      %dma_start3A_75 = arith.constant 0 : i32
      %dma_start3A_76 = tpu.memref_slice %arg10[%dma_start3A_74, %dma_start3A_75] : memref<32x128xf32, #tpu.memory_space<vmem>> -> memref<32x128xf32, #tpu.memory_space<vmem>>
      tpu.enqueue_dma source(%dma_start3A_76 : memref<32x128xf32, #tpu.memory_space<vmem>>) target(%dma_start3A_73 : memref<32x128xf32, #tpu.memory_space<vmem_shared>>) target_semaphore(%run_scoped3A : memref<!tpu.dma_semaphore, #tpu.memory_space<semaphore_mem>>)
      %dma_wait3A = arith.constant 0 : i32
      %dma_wait3A_77 = arith.constant 0 : i32
      %dma_wait3A_78 = tpu.memref_slice %arg10[%dma_wait3A, %dma_wait3A_77] : memref<32x128xf32, #tpu.memory_space<vmem>> -> memref<32x128xf32, #tpu.memory_space<vmem>>
      %dma_wait3A_79 = arith.constant 0 : i32
      %dma_wait3A_80 = tpu.memref_slice %arg11[%add3A_22, %dma_wait3A_79] : memref<10112x128xf32, #tpu.memory_space<vmem_shared>> -> memref<32x128xf32, #tpu.memory_space<vmem_shared>>
      %dma_wait3A_81 = arith.constant 0 : i32
      %dma_wait3A_82 = tpu.memref_slice %arg11[%add3A_22, %dma_wait3A_81] : memref<10112x128xf32, #tpu.memory_space<vmem_shared>> -> memref<32x128xf32, #tpu.memory_space<vmem_shared>>
      %dma_wait3A_83 = arith.constant 0 : i32
      %dma_wait3A_84 = arith.constant 0 : i32
      %dma_wait3A_85 = tpu.memref_slice %arg10[%dma_wait3A_83, %dma_wait3A_84] : memref<32x128xf32, #tpu.memory_space<vmem>> -> memref<32x128xf32, #tpu.memory_space<vmem>>
      tpu.wait_dma2 semaphore(%run_scoped3A : memref<!tpu.dma_semaphore, #tpu.memory_space<semaphore_mem>>) src(%dma_wait3A_85 : memref<32x128xf32, #tpu.memory_space<vmem>>) dst(%dma_wait3A_82 : memref<32x128xf32, #tpu.memory_space<vmem_shared>>)
      tpu.yield
    }) : () -> ()
    %add3A_23 = arith.constant 192 : i32
    %add3A_24 = arith.addi %mul3A_6, %add3A_23 : i32
    "tpu.region"() ({
      %run_scoped3A = tpu.sem_alloc : memref<!tpu.dma_semaphore, #tpu.memory_space<semaphore_mem>>
      %dma_start3A_67 = arith.constant 0 : i32
      %dma_start3A_68 = arith.constant 0 : i32
      %dma_start3A_69 = tpu.memref_slice %arg10[%dma_start3A_67, %dma_start3A_68] : memref<32x128xf32, #tpu.memory_space<vmem>> -> memref<32x128xf32, #tpu.memory_space<vmem>>
      %dma_start3A_70 = arith.constant 0 : i32
      %dma_start3A_71 = tpu.memref_slice %arg11[%add3A_24, %dma_start3A_70] : memref<10112x128xf32, #tpu.memory_space<vmem_shared>> -> memref<32x128xf32, #tpu.memory_space<vmem_shared>>
      %dma_start3A_72 = arith.constant 0 : i32
      %dma_start3A_73 = tpu.memref_slice %arg11[%add3A_24, %dma_start3A_72] : memref<10112x128xf32, #tpu.memory_space<vmem_shared>> -> memref<32x128xf32, #tpu.memory_space<vmem_shared>>
      %dma_start3A_74 = arith.constant 0 : i32
      %dma_start3A_75 = arith.constant 0 : i32
      %dma_start3A_76 = tpu.memref_slice %arg10[%dma_start3A_74, %dma_start3A_75] : memref<32x128xf32, #tpu.memory_space<vmem>> -> memref<32x128xf32, #tpu.memory_space<vmem>>
      tpu.enqueue_dma source(%dma_start3A_76 : memref<32x128xf32, #tpu.memory_space<vmem>>) target(%dma_start3A_73 : memref<32x128xf32, #tpu.memory_space<vmem_shared>>) target_semaphore(%run_scoped3A : memref<!tpu.dma_semaphore, #tpu.memory_space<semaphore_mem>>)
      %dma_wait3A = arith.constant 0 : i32
      %dma_wait3A_77 = arith.constant 0 : i32
      %dma_wait3A_78 = tpu.memref_slice %arg10[%dma_wait3A, %dma_wait3A_77] : memref<32x128xf32, #tpu.memory_space<vmem>> -> memref<32x128xf32, #tpu.memory_space<vmem>>
      %dma_wait3A_79 = arith.constant 0 : i32
      %dma_wait3A_80 = tpu.memref_slice %arg11[%add3A_24, %dma_wait3A_79] : memref<10112x128xf32, #tpu.memory_space<vmem_shared>> -> memref<32x128xf32, #tpu.memory_space<vmem_shared>>
      %dma_wait3A_81 = arith.constant 0 : i32
      %dma_wait3A_82 = tpu.memref_slice %arg11[%add3A_24, %dma_wait3A_81] : memref<10112x128xf32, #tpu.memory_space<vmem_shared>> -> memref<32x128xf32, #tpu.memory_space<vmem_shared>>
      %dma_wait3A_83 = arith.constant 0 : i32
      %dma_wait3A_84 = arith.constant 0 : i32
      %dma_wait3A_85 = tpu.memref_slice %arg10[%dma_wait3A_83, %dma_wait3A_84] : memref<32x128xf32, #tpu.memory_space<vmem>> -> memref<32x128xf32, #tpu.memory_space<vmem>>
      tpu.wait_dma2 semaphore(%run_scoped3A : memref<!tpu.dma_semaphore, #tpu.memory_space<semaphore_mem>>) src(%dma_wait3A_85 : memref<32x128xf32, #tpu.memory_space<vmem>>) dst(%dma_wait3A_82 : memref<32x128xf32, #tpu.memory_space<vmem_shared>>)
      tpu.yield
    }) : () -> ()
    %add3A_25 = arith.constant 224 : i32
    %add3A_26 = arith.addi %mul3A_6, %add3A_25 : i32
    "tpu.region"() ({
      %run_scoped3A = tpu.sem_alloc : memref<!tpu.dma_semaphore, #tpu.memory_space<semaphore_mem>>
      %dma_start3A_67 = arith.constant 0 : i32
      %dma_start3A_68 = arith.constant 0 : i32
      %dma_start3A_69 = tpu.memref_slice %arg10[%dma_start3A_67, %dma_start3A_68] : memref<32x128xf32, #tpu.memory_space<vmem>> -> memref<32x128xf32, #tpu.memory_space<vmem>>
      %dma_start3A_70 = arith.constant 0 : i32
      %dma_start3A_71 = tpu.memref_slice %arg11[%add3A_26, %dma_start3A_70] : memref<10112x128xf32, #tpu.memory_space<vmem_shared>> -> memref<32x128xf32, #tpu.memory_space<vmem_shared>>
      %dma_start3A_72 = arith.constant 0 : i32
      %dma_start3A_73 = tpu.memref_slice %arg11[%add3A_26, %dma_start3A_72] : memref<10112x128xf32, #tpu.memory_space<vmem_shared>> -> memref<32x128xf32, #tpu.memory_space<vmem_shared>>
      %dma_start3A_74 = arith.constant 0 : i32
      %dma_start3A_75 = arith.constant 0 : i32
      %dma_start3A_76 = tpu.memref_slice %arg10[%dma_start3A_74, %dma_start3A_75] : memref<32x128xf32, #tpu.memory_space<vmem>> -> memref<32x128xf32, #tpu.memory_space<vmem>>
      tpu.enqueue_dma source(%dma_start3A_76 : memref<32x128xf32, #tpu.memory_space<vmem>>) target(%dma_start3A_73 : memref<32x128xf32, #tpu.memory_space<vmem_shared>>) target_semaphore(%run_scoped3A : memref<!tpu.dma_semaphore, #tpu.memory_space<semaphore_mem>>)
      %dma_wait3A = arith.constant 0 : i32
      %dma_wait3A_77 = arith.constant 0 : i32
      %dma_wait3A_78 = tpu.memref_slice %arg10[%dma_wait3A, %dma_wait3A_77] : memref<32x128xf32, #tpu.memory_space<vmem>> -> memref<32x128xf32, #tpu.memory_space<vmem>>
      %dma_wait3A_79 = arith.constant 0 : i32
      %dma_wait3A_80 = tpu.memref_slice %arg11[%add3A_26, %dma_wait3A_79] : memref<10112x128xf32, #tpu.memory_space<vmem_shared>> -> memref<32x128xf32, #tpu.memory_space<vmem_shared>>
      %dma_wait3A_81 = arith.constant 0 : i32
      %dma_wait3A_82 = tpu.memref_slice %arg11[%add3A_26, %dma_wait3A_81] : memref<10112x128xf32, #tpu.memory_space<vmem_shared>> -> memref<32x128xf32, #tpu.memory_space<vmem_shared>>
      %dma_wait3A_83 = arith.constant 0 : i32
      %dma_wait3A_84 = arith.constant 0 : i32
      %dma_wait3A_85 = tpu.memref_slice %arg10[%dma_wait3A_83, %dma_wait3A_84] : memref<32x128xf32, #tpu.memory_space<vmem>> -> memref<32x128xf32, #tpu.memory_space<vmem>>
      tpu.wait_dma2 semaphore(%run_scoped3A : memref<!tpu.dma_semaphore, #tpu.memory_space<semaphore_mem>>) src(%dma_wait3A_85 : memref<32x128xf32, #tpu.memory_space<vmem>>) dst(%dma_wait3A_82 : memref<32x128xf32, #tpu.memory_space<vmem_shared>>)
      tpu.yield
    }) : () -> ()
    %add3A_27 = arith.constant 256 : i32
    %add3A_28 = arith.addi %mul3A_6, %add3A_27 : i32
    "tpu.region"() ({
      %run_scoped3A = tpu.sem_alloc : memref<!tpu.dma_semaphore, #tpu.memory_space<semaphore_mem>>
      %dma_start3A_67 = arith.constant 0 : i32
      %dma_start3A_68 = arith.constant 0 : i32
      %dma_start3A_69 = tpu.memref_slice %arg10[%dma_start3A_67, %dma_start3A_68] : memref<32x128xf32, #tpu.memory_space<vmem>> -> memref<32x128xf32, #tpu.memory_space<vmem>>
      %dma_start3A_70 = arith.constant 0 : i32
      %dma_start3A_71 = tpu.memref_slice %arg11[%add3A_28, %dma_start3A_70] : memref<10112x128xf32, #tpu.memory_space<vmem_shared>> -> memref<32x128xf32, #tpu.memory_space<vmem_shared>>
      %dma_start3A_72 = arith.constant 0 : i32
      %dma_start3A_73 = tpu.memref_slice %arg11[%add3A_28, %dma_start3A_72] : memref<10112x128xf32, #tpu.memory_space<vmem_shared>> -> memref<32x128xf32, #tpu.memory_space<vmem_shared>>
      %dma_start3A_74 = arith.constant 0 : i32
      %dma_start3A_75 = arith.constant 0 : i32
      %dma_start3A_76 = tpu.memref_slice %arg10[%dma_start3A_74, %dma_start3A_75] : memref<32x128xf32, #tpu.memory_space<vmem>> -> memref<32x128xf32, #tpu.memory_space<vmem>>
      tpu.enqueue_dma source(%dma_start3A_76 : memref<32x128xf32, #tpu.memory_space<vmem>>) target(%dma_start3A_73 : memref<32x128xf32, #tpu.memory_space<vmem_shared>>) target_semaphore(%run_scoped3A : memref<!tpu.dma_semaphore, #tpu.memory_space<semaphore_mem>>)
      %dma_wait3A = arith.constant 0 : i32
      %dma_wait3A_77 = arith.constant 0 : i32
      %dma_wait3A_78 = tpu.memref_slice %arg10[%dma_wait3A, %dma_wait3A_77] : memref<32x128xf32, #tpu.memory_space<vmem>> -> memref<32x128xf32, #tpu.memory_space<vmem>>
      %dma_wait3A_79 = arith.constant 0 : i32
      %dma_wait3A_80 = tpu.memref_slice %arg11[%add3A_28, %dma_wait3A_79] : memref<10112x128xf32, #tpu.memory_space<vmem_shared>> -> memref<32x128xf32, #tpu.memory_space<vmem_shared>>
      %dma_wait3A_81 = arith.constant 0 : i32
      %dma_wait3A_82 = tpu.memref_slice %arg11[%add3A_28, %dma_wait3A_81] : memref<10112x128xf32, #tpu.memory_space<vmem_shared>> -> memref<32x128xf32, #tpu.memory_space<vmem_shared>>
      %dma_wait3A_83 = arith.constant 0 : i32
      %dma_wait3A_84 = arith.constant 0 : i32
      %dma_wait3A_85 = tpu.memref_slice %arg10[%dma_wait3A_83, %dma_wait3A_84] : memref<32x128xf32, #tpu.memory_space<vmem>> -> memref<32x128xf32, #tpu.memory_space<vmem>>
      tpu.wait_dma2 semaphore(%run_scoped3A : memref<!tpu.dma_semaphore, #tpu.memory_space<semaphore_mem>>) src(%dma_wait3A_85 : memref<32x128xf32, #tpu.memory_space<vmem>>) dst(%dma_wait3A_82 : memref<32x128xf32, #tpu.memory_space<vmem_shared>>)
      tpu.yield
    }) : () -> ()
    %add3A_29 = arith.constant 288 : i32
    %add3A_30 = arith.addi %mul3A_6, %add3A_29 : i32
    "tpu.region"() ({
      %run_scoped3A = tpu.sem_alloc : memref<!tpu.dma_semaphore, #tpu.memory_space<semaphore_mem>>
      %dma_start3A_67 = arith.constant 0 : i32
      %dma_start3A_68 = arith.constant 0 : i32
      %dma_start3A_69 = tpu.memref_slice %arg10[%dma_start3A_67, %dma_start3A_68] : memref<32x128xf32, #tpu.memory_space<vmem>> -> memref<32x128xf32, #tpu.memory_space<vmem>>
      %dma_start3A_70 = arith.constant 0 : i32
      %dma_start3A_71 = tpu.memref_slice %arg11[%add3A_30, %dma_start3A_70] : memref<10112x128xf32, #tpu.memory_space<vmem_shared>> -> memref<32x128xf32, #tpu.memory_space<vmem_shared>>
      %dma_start3A_72 = arith.constant 0 : i32
      %dma_start3A_73 = tpu.memref_slice %arg11[%add3A_30, %dma_start3A_72] : memref<10112x128xf32, #tpu.memory_space<vmem_shared>> -> memref<32x128xf32, #tpu.memory_space<vmem_shared>>
      %dma_start3A_74 = arith.constant 0 : i32
      %dma_start3A_75 = arith.constant 0 : i32
      %dma_start3A_76 = tpu.memref_slice %arg10[%dma_start3A_74, %dma_start3A_75] : memref<32x128xf32, #tpu.memory_space<vmem>> -> memref<32x128xf32, #tpu.memory_space<vmem>>
      tpu.enqueue_dma source(%dma_start3A_76 : memref<32x128xf32, #tpu.memory_space<vmem>>) target(%dma_start3A_73 : memref<32x128xf32, #tpu.memory_space<vmem_shared>>) target_semaphore(%run_scoped3A : memref<!tpu.dma_semaphore, #tpu.memory_space<semaphore_mem>>)
      %dma_wait3A = arith.constant 0 : i32
      %dma_wait3A_77 = arith.constant 0 : i32
      %dma_wait3A_78 = tpu.memref_slice %arg10[%dma_wait3A, %dma_wait3A_77] : memref<32x128xf32, #tpu.memory_space<vmem>> -> memref<32x128xf32, #tpu.memory_space<vmem>>
      %dma_wait3A_79 = arith.constant 0 : i32
      %dma_wait3A_80 = tpu.memref_slice %arg11[%add3A_30, %dma_wait3A_79] : memref<10112x128xf32, #tpu.memory_space<vmem_shared>> -> memref<32x128xf32, #tpu.memory_space<vmem_shared>>
      %dma_wait3A_81 = arith.constant 0 : i32
      %dma_wait3A_82 = tpu.memref_slice %arg11[%add3A_30, %dma_wait3A_81] : memref<10112x128xf32, #tpu.memory_space<vmem_shared>> -> memref<32x128xf32, #tpu.memory_space<vmem_shared>>
      %dma_wait3A_83 = arith.constant 0 : i32
      %dma_wait3A_84 = arith.constant 0 : i32
      %dma_wait3A_85 = tpu.memref_slice %arg10[%dma_wait3A_83, %dma_wait3A_84] : memref<32x128xf32, #tpu.memory_space<vmem>> -> memref<32x128xf32, #tpu.memory_space<vmem>>
      tpu.wait_dma2 semaphore(%run_scoped3A : memref<!tpu.dma_semaphore, #tpu.memory_space<semaphore_mem>>) src(%dma_wait3A_85 : memref<32x128xf32, #tpu.memory_space<vmem>>) dst(%dma_wait3A_82 : memref<32x128xf32, #tpu.memory_space<vmem_shared>>)
      tpu.yield
    }) : () -> ()
    %add3A_31 = arith.constant 320 : i32
    %add3A_32 = arith.addi %mul3A_6, %add3A_31 : i32
    "tpu.region"() ({
      %run_scoped3A = tpu.sem_alloc : memref<!tpu.dma_semaphore, #tpu.memory_space<semaphore_mem>>
      %dma_start3A_67 = arith.constant 0 : i32
      %dma_start3A_68 = arith.constant 0 : i32
      %dma_start3A_69 = tpu.memref_slice %arg10[%dma_start3A_67, %dma_start3A_68] : memref<32x128xf32, #tpu.memory_space<vmem>> -> memref<32x128xf32, #tpu.memory_space<vmem>>
      %dma_start3A_70 = arith.constant 0 : i32
      %dma_start3A_71 = tpu.memref_slice %arg11[%add3A_32, %dma_start3A_70] : memref<10112x128xf32, #tpu.memory_space<vmem_shared>> -> memref<32x128xf32, #tpu.memory_space<vmem_shared>>
      %dma_start3A_72 = arith.constant 0 : i32
      %dma_start3A_73 = tpu.memref_slice %arg11[%add3A_32, %dma_start3A_72] : memref<10112x128xf32, #tpu.memory_space<vmem_shared>> -> memref<32x128xf32, #tpu.memory_space<vmem_shared>>
      %dma_start3A_74 = arith.constant 0 : i32
      %dma_start3A_75 = arith.constant 0 : i32
      %dma_start3A_76 = tpu.memref_slice %arg10[%dma_start3A_74, %dma_start3A_75] : memref<32x128xf32, #tpu.memory_space<vmem>> -> memref<32x128xf32, #tpu.memory_space<vmem>>
      tpu.enqueue_dma source(%dma_start3A_76 : memref<32x128xf32, #tpu.memory_space<vmem>>) target(%dma_start3A_73 : memref<32x128xf32, #tpu.memory_space<vmem_shared>>) target_semaphore(%run_scoped3A : memref<!tpu.dma_semaphore, #tpu.memory_space<semaphore_mem>>)
      %dma_wait3A = arith.constant 0 : i32
      %dma_wait3A_77 = arith.constant 0 : i32
      %dma_wait3A_78 = tpu.memref_slice %arg10[%dma_wait3A, %dma_wait3A_77] : memref<32x128xf32, #tpu.memory_space<vmem>> -> memref<32x128xf32, #tpu.memory_space<vmem>>
      %dma_wait3A_79 = arith.constant 0 : i32
      %dma_wait3A_80 = tpu.memref_slice %arg11[%add3A_32, %dma_wait3A_79] : memref<10112x128xf32, #tpu.memory_space<vmem_shared>> -> memref<32x128xf32, #tpu.memory_space<vmem_shared>>
      %dma_wait3A_81 = arith.constant 0 : i32
      %dma_wait3A_82 = tpu.memref_slice %arg11[%add3A_32, %dma_wait3A_81] : memref<10112x128xf32, #tpu.memory_space<vmem_shared>> -> memref<32x128xf32, #tpu.memory_space<vmem_shared>>
      %dma_wait3A_83 = arith.constant 0 : i32
      %dma_wait3A_84 = arith.constant 0 : i32
      %dma_wait3A_85 = tpu.memref_slice %arg10[%dma_wait3A_83, %dma_wait3A_84] : memref<32x128xf32, #tpu.memory_space<vmem>> -> memref<32x128xf32, #tpu.memory_space<vmem>>
      tpu.wait_dma2 semaphore(%run_scoped3A : memref<!tpu.dma_semaphore, #tpu.memory_space<semaphore_mem>>) src(%dma_wait3A_85 : memref<32x128xf32, #tpu.memory_space<vmem>>) dst(%dma_wait3A_82 : memref<32x128xf32, #tpu.memory_space<vmem_shared>>)
      tpu.yield
    }) : () -> ()
    %add3A_33 = arith.constant 352 : i32
    %add3A_34 = arith.addi %mul3A_6, %add3A_33 : i32
    "tpu.region"() ({
      %run_scoped3A = tpu.sem_alloc : memref<!tpu.dma_semaphore, #tpu.memory_space<semaphore_mem>>
      %dma_start3A_67 = arith.constant 0 : i32
      %dma_start3A_68 = arith.constant 0 : i32
      %dma_start3A_69 = tpu.memref_slice %arg10[%dma_start3A_67, %dma_start3A_68] : memref<32x128xf32, #tpu.memory_space<vmem>> -> memref<32x128xf32, #tpu.memory_space<vmem>>
      %dma_start3A_70 = arith.constant 0 : i32
      %dma_start3A_71 = tpu.memref_slice %arg11[%add3A_34, %dma_start3A_70] : memref<10112x128xf32, #tpu.memory_space<vmem_shared>> -> memref<32x128xf32, #tpu.memory_space<vmem_shared>>
      %dma_start3A_72 = arith.constant 0 : i32
      %dma_start3A_73 = tpu.memref_slice %arg11[%add3A_34, %dma_start3A_72] : memref<10112x128xf32, #tpu.memory_space<vmem_shared>> -> memref<32x128xf32, #tpu.memory_space<vmem_shared>>
      %dma_start3A_74 = arith.constant 0 : i32
      %dma_start3A_75 = arith.constant 0 : i32
      %dma_start3A_76 = tpu.memref_slice %arg10[%dma_start3A_74, %dma_start3A_75] : memref<32x128xf32, #tpu.memory_space<vmem>> -> memref<32x128xf32, #tpu.memory_space<vmem>>
      tpu.enqueue_dma source(%dma_start3A_76 : memref<32x128xf32, #tpu.memory_space<vmem>>) target(%dma_start3A_73 : memref<32x128xf32, #tpu.memory_space<vmem_shared>>) target_semaphore(%run_scoped3A : memref<!tpu.dma_semaphore, #tpu.memory_space<semaphore_mem>>)
      %dma_wait3A = arith.constant 0 : i32
      %dma_wait3A_77 = arith.constant 0 : i32
      %dma_wait3A_78 = tpu.memref_slice %arg10[%dma_wait3A, %dma_wait3A_77] : memref<32x128xf32, #tpu.memory_space<vmem>> -> memref<32x128xf32, #tpu.memory_space<vmem>>
      %dma_wait3A_79 = arith.constant 0 : i32
      %dma_wait3A_80 = tpu.memref_slice %arg11[%add3A_34, %dma_wait3A_79] : memref<10112x128xf32, #tpu.memory_space<vmem_shared>> -> memref<32x128xf32, #tpu.memory_space<vmem_shared>>
      %dma_wait3A_81 = arith.constant 0 : i32
      %dma_wait3A_82 = tpu.memref_slice %arg11[%add3A_34, %dma_wait3A_81] : memref<10112x128xf32, #tpu.memory_space<vmem_shared>> -> memref<32x128xf32, #tpu.memory_space<vmem_shared>>
      %dma_wait3A_83 = arith.constant 0 : i32
      %dma_wait3A_84 = arith.constant 0 : i32
      %dma_wait3A_85 = tpu.memref_slice %arg10[%dma_wait3A_83, %dma_wait3A_84] : memref<32x128xf32, #tpu.memory_space<vmem>> -> memref<32x128xf32, #tpu.memory_space<vmem>>
      tpu.wait_dma2 semaphore(%run_scoped3A : memref<!tpu.dma_semaphore, #tpu.memory_space<semaphore_mem>>) src(%dma_wait3A_85 : memref<32x128xf32, #tpu.memory_space<vmem>>) dst(%dma_wait3A_82 : memref<32x128xf32, #tpu.memory_space<vmem_shared>>)
      tpu.yield
    }) : () -> ()
    %add3A_35 = arith.constant 384 : i32
    %add3A_36 = arith.addi %mul3A_6, %add3A_35 : i32
    "tpu.region"() ({
      %run_scoped3A = tpu.sem_alloc : memref<!tpu.dma_semaphore, #tpu.memory_space<semaphore_mem>>
      %dma_start3A_67 = arith.constant 0 : i32
      %dma_start3A_68 = arith.constant 0 : i32
      %dma_start3A_69 = tpu.memref_slice %arg10[%dma_start3A_67, %dma_start3A_68] : memref<32x128xf32, #tpu.memory_space<vmem>> -> memref<32x128xf32, #tpu.memory_space<vmem>>
      %dma_start3A_70 = arith.constant 0 : i32
      %dma_start3A_71 = tpu.memref_slice %arg11[%add3A_36, %dma_start3A_70] : memref<10112x128xf32, #tpu.memory_space<vmem_shared>> -> memref<32x128xf32, #tpu.memory_space<vmem_shared>>
      %dma_start3A_72 = arith.constant 0 : i32
      %dma_start3A_73 = tpu.memref_slice %arg11[%add3A_36, %dma_start3A_72] : memref<10112x128xf32, #tpu.memory_space<vmem_shared>> -> memref<32x128xf32, #tpu.memory_space<vmem_shared>>
      %dma_start3A_74 = arith.constant 0 : i32
      %dma_start3A_75 = arith.constant 0 : i32
      %dma_start3A_76 = tpu.memref_slice %arg10[%dma_start3A_74, %dma_start3A_75] : memref<32x128xf32, #tpu.memory_space<vmem>> -> memref<32x128xf32, #tpu.memory_space<vmem>>
      tpu.enqueue_dma source(%dma_start3A_76 : memref<32x128xf32, #tpu.memory_space<vmem>>) target(%dma_start3A_73 : memref<32x128xf32, #tpu.memory_space<vmem_shared>>) target_semaphore(%run_scoped3A : memref<!tpu.dma_semaphore, #tpu.memory_space<semaphore_mem>>)
      %dma_wait3A = arith.constant 0 : i32
      %dma_wait3A_77 = arith.constant 0 : i32
      %dma_wait3A_78 = tpu.memref_slice %arg10[%dma_wait3A, %dma_wait3A_77] : memref<32x128xf32, #tpu.memory_space<vmem>> -> memref<32x128xf32, #tpu.memory_space<vmem>>
      %dma_wait3A_79 = arith.constant 0 : i32
      %dma_wait3A_80 = tpu.memref_slice %arg11[%add3A_36, %dma_wait3A_79] : memref<10112x128xf32, #tpu.memory_space<vmem_shared>> -> memref<32x128xf32, #tpu.memory_space<vmem_shared>>
      %dma_wait3A_81 = arith.constant 0 : i32
      %dma_wait3A_82 = tpu.memref_slice %arg11[%add3A_36, %dma_wait3A_81] : memref<10112x128xf32, #tpu.memory_space<vmem_shared>> -> memref<32x128xf32, #tpu.memory_space<vmem_shared>>
      %dma_wait3A_83 = arith.constant 0 : i32
      %dma_wait3A_84 = arith.constant 0 : i32
      %dma_wait3A_85 = tpu.memref_slice %arg10[%dma_wait3A_83, %dma_wait3A_84] : memref<32x128xf32, #tpu.memory_space<vmem>> -> memref<32x128xf32, #tpu.memory_space<vmem>>
      tpu.wait_dma2 semaphore(%run_scoped3A : memref<!tpu.dma_semaphore, #tpu.memory_space<semaphore_mem>>) src(%dma_wait3A_85 : memref<32x128xf32, #tpu.memory_space<vmem>>) dst(%dma_wait3A_82 : memref<32x128xf32, #tpu.memory_space<vmem_shared>>)
      tpu.yield
    }) : () -> ()
    %add3A_37 = arith.constant 416 : i32
    %add3A_38 = arith.addi %mul3A_6, %add3A_37 : i32
    "tpu.region"() ({
      %run_scoped3A = tpu.sem_alloc : memref<!tpu.dma_semaphore, #tpu.memory_space<semaphore_mem>>
      %dma_start3A_67 = arith.constant 0 : i32
      %dma_start3A_68 = arith.constant 0 : i32
      %dma_start3A_69 = tpu.memref_slice %arg10[%dma_start3A_67, %dma_start3A_68] : memref<32x128xf32, #tpu.memory_space<vmem>> -> memref<32x128xf32, #tpu.memory_space<vmem>>
      %dma_start3A_70 = arith.constant 0 : i32
      %dma_start3A_71 = tpu.memref_slice %arg11[%add3A_38, %dma_start3A_70] : memref<10112x128xf32, #tpu.memory_space<vmem_shared>> -> memref<32x128xf32, #tpu.memory_space<vmem_shared>>
      %dma_start3A_72 = arith.constant 0 : i32
      %dma_start3A_73 = tpu.memref_slice %arg11[%add3A_38, %dma_start3A_72] : memref<10112x128xf32, #tpu.memory_space<vmem_shared>> -> memref<32x128xf32, #tpu.memory_space<vmem_shared>>
      %dma_start3A_74 = arith.constant 0 : i32
      %dma_start3A_75 = arith.constant 0 : i32
      %dma_start3A_76 = tpu.memref_slice %arg10[%dma_start3A_74, %dma_start3A_75] : memref<32x128xf32, #tpu.memory_space<vmem>> -> memref<32x128xf32, #tpu.memory_space<vmem>>
      tpu.enqueue_dma source(%dma_start3A_76 : memref<32x128xf32, #tpu.memory_space<vmem>>) target(%dma_start3A_73 : memref<32x128xf32, #tpu.memory_space<vmem_shared>>) target_semaphore(%run_scoped3A : memref<!tpu.dma_semaphore, #tpu.memory_space<semaphore_mem>>)
      %dma_wait3A = arith.constant 0 : i32
      %dma_wait3A_77 = arith.constant 0 : i32
      %dma_wait3A_78 = tpu.memref_slice %arg10[%dma_wait3A, %dma_wait3A_77] : memref<32x128xf32, #tpu.memory_space<vmem>> -> memref<32x128xf32, #tpu.memory_space<vmem>>
      %dma_wait3A_79 = arith.constant 0 : i32
      %dma_wait3A_80 = tpu.memref_slice %arg11[%add3A_38, %dma_wait3A_79] : memref<10112x128xf32, #tpu.memory_space<vmem_shared>> -> memref<32x128xf32, #tpu.memory_space<vmem_shared>>
      %dma_wait3A_81 = arith.constant 0 : i32
      %dma_wait3A_82 = tpu.memref_slice %arg11[%add3A_38, %dma_wait3A_81] : memref<10112x128xf32, #tpu.memory_space<vmem_shared>> -> memref<32x128xf32, #tpu.memory_space<vmem_shared>>
      %dma_wait3A_83 = arith.constant 0 : i32
      %dma_wait3A_84 = arith.constant 0 : i32
      %dma_wait3A_85 = tpu.memref_slice %arg10[%dma_wait3A_83, %dma_wait3A_84] : memref<32x128xf32, #tpu.memory_space<vmem>> -> memref<32x128xf32, #tpu.memory_space<vmem>>
      tpu.wait_dma2 semaphore(%run_scoped3A : memref<!tpu.dma_semaphore, #tpu.memory_space<semaphore_mem>>) src(%dma_wait3A_85 : memref<32x128xf32, #tpu.memory_space<vmem>>) dst(%dma_wait3A_82 : memref<32x128xf32, #tpu.memory_space<vmem_shared>>)
      tpu.yield
    }) : () -> ()
    %add3A_39 = arith.constant 448 : i32
    %add3A_40 = arith.addi %mul3A_6, %add3A_39 : i32
    "tpu.region"() ({
      %run_scoped3A = tpu.sem_alloc : memref<!tpu.dma_semaphore, #tpu.memory_space<semaphore_mem>>
      %dma_start3A_67 = arith.constant 0 : i32
      %dma_start3A_68 = arith.constant 0 : i32
      %dma_start3A_69 = tpu.memref_slice %arg10[%dma_start3A_67, %dma_start3A_68] : memref<32x128xf32, #tpu.memory_space<vmem>> -> memref<32x128xf32, #tpu.memory_space<vmem>>
      %dma_start3A_70 = arith.constant 0 : i32
      %dma_start3A_71 = tpu.memref_slice %arg11[%add3A_40, %dma_start3A_70] : memref<10112x128xf32, #tpu.memory_space<vmem_shared>> -> memref<32x128xf32, #tpu.memory_space<vmem_shared>>
      %dma_start3A_72 = arith.constant 0 : i32
      %dma_start3A_73 = tpu.memref_slice %arg11[%add3A_40, %dma_start3A_72] : memref<10112x128xf32, #tpu.memory_space<vmem_shared>> -> memref<32x128xf32, #tpu.memory_space<vmem_shared>>
      %dma_start3A_74 = arith.constant 0 : i32
      %dma_start3A_75 = arith.constant 0 : i32
      %dma_start3A_76 = tpu.memref_slice %arg10[%dma_start3A_74, %dma_start3A_75] : memref<32x128xf32, #tpu.memory_space<vmem>> -> memref<32x128xf32, #tpu.memory_space<vmem>>
      tpu.enqueue_dma source(%dma_start3A_76 : memref<32x128xf32, #tpu.memory_space<vmem>>) target(%dma_start3A_73 : memref<32x128xf32, #tpu.memory_space<vmem_shared>>) target_semaphore(%run_scoped3A : memref<!tpu.dma_semaphore, #tpu.memory_space<semaphore_mem>>)
      %dma_wait3A = arith.constant 0 : i32
      %dma_wait3A_77 = arith.constant 0 : i32
      %dma_wait3A_78 = tpu.memref_slice %arg10[%dma_wait3A, %dma_wait3A_77] : memref<32x128xf32, #tpu.memory_space<vmem>> -> memref<32x128xf32, #tpu.memory_space<vmem>>
      %dma_wait3A_79 = arith.constant 0 : i32
      %dma_wait3A_80 = tpu.memref_slice %arg11[%add3A_40, %dma_wait3A_79] : memref<10112x128xf32, #tpu.memory_space<vmem_shared>> -> memref<32x128xf32, #tpu.memory_space<vmem_shared>>
      %dma_wait3A_81 = arith.constant 0 : i32
      %dma_wait3A_82 = tpu.memref_slice %arg11[%add3A_40, %dma_wait3A_81] : memref<10112x128xf32, #tpu.memory_space<vmem_shared>> -> memref<32x128xf32, #tpu.memory_space<vmem_shared>>
      %dma_wait3A_83 = arith.constant 0 : i32
      %dma_wait3A_84 = arith.constant 0 : i32
      %dma_wait3A_85 = tpu.memref_slice %arg10[%dma_wait3A_83, %dma_wait3A_84] : memref<32x128xf32, #tpu.memory_space<vmem>> -> memref<32x128xf32, #tpu.memory_space<vmem>>
      tpu.wait_dma2 semaphore(%run_scoped3A : memref<!tpu.dma_semaphore, #tpu.memory_space<semaphore_mem>>) src(%dma_wait3A_85 : memref<32x128xf32, #tpu.memory_space<vmem>>) dst(%dma_wait3A_82 : memref<32x128xf32, #tpu.memory_space<vmem_shared>>)
      tpu.yield
    }) : () -> ()
    %add3A_41 = arith.constant 480 : i32
    %add3A_42 = arith.addi %mul3A_6, %add3A_41 : i32
    "tpu.region"() ({
      %run_scoped3A = tpu.sem_alloc : memref<!tpu.dma_semaphore, #tpu.memory_space<semaphore_mem>>
      %dma_start3A_67 = arith.constant 0 : i32
      %dma_start3A_68 = arith.constant 0 : i32
      %dma_start3A_69 = tpu.memref_slice %arg10[%dma_start3A_67, %dma_start3A_68] : memref<32x128xf32, #tpu.memory_space<vmem>> -> memref<32x128xf32, #tpu.memory_space<vmem>>
      %dma_start3A_70 = arith.constant 0 : i32
      %dma_start3A_71 = tpu.memref_slice %arg11[%add3A_42, %dma_start3A_70] : memref<10112x128xf32, #tpu.memory_space<vmem_shared>> -> memref<32x128xf32, #tpu.memory_space<vmem_shared>>
      %dma_start3A_72 = arith.constant 0 : i32
      %dma_start3A_73 = tpu.memref_slice %arg11[%add3A_42, %dma_start3A_72] : memref<10112x128xf32, #tpu.memory_space<vmem_shared>> -> memref<32x128xf32, #tpu.memory_space<vmem_shared>>
      %dma_start3A_74 = arith.constant 0 : i32
      %dma_start3A_75 = arith.constant 0 : i32
      %dma_start3A_76 = tpu.memref_slice %arg10[%dma_start3A_74, %dma_start3A_75] : memref<32x128xf32, #tpu.memory_space<vmem>> -> memref<32x128xf32, #tpu.memory_space<vmem>>
      tpu.enqueue_dma source(%dma_start3A_76 : memref<32x128xf32, #tpu.memory_space<vmem>>) target(%dma_start3A_73 : memref<32x128xf32, #tpu.memory_space<vmem_shared>>) target_semaphore(%run_scoped3A : memref<!tpu.dma_semaphore, #tpu.memory_space<semaphore_mem>>)
      %dma_wait3A = arith.constant 0 : i32
      %dma_wait3A_77 = arith.constant 0 : i32
      %dma_wait3A_78 = tpu.memref_slice %arg10[%dma_wait3A, %dma_wait3A_77] : memref<32x128xf32, #tpu.memory_space<vmem>> -> memref<32x128xf32, #tpu.memory_space<vmem>>
      %dma_wait3A_79 = arith.constant 0 : i32
      %dma_wait3A_80 = tpu.memref_slice %arg11[%add3A_42, %dma_wait3A_79] : memref<10112x128xf32, #tpu.memory_space<vmem_shared>> -> memref<32x128xf32, #tpu.memory_space<vmem_shared>>
      %dma_wait3A_81 = arith.constant 0 : i32
      %dma_wait3A_82 = tpu.memref_slice %arg11[%add3A_42, %dma_wait3A_81] : memref<10112x128xf32, #tpu.memory_space<vmem_shared>> -> memref<32x128xf32, #tpu.memory_space<vmem_shared>>
      %dma_wait3A_83 = arith.constant 0 : i32
      %dma_wait3A_84 = arith.constant 0 : i32
      %dma_wait3A_85 = tpu.memref_slice %arg10[%dma_wait3A_83, %dma_wait3A_84] : memref<32x128xf32, #tpu.memory_space<vmem>> -> memref<32x128xf32, #tpu.memory_space<vmem>>
      tpu.wait_dma2 semaphore(%run_scoped3A : memref<!tpu.dma_semaphore, #tpu.memory_space<semaphore_mem>>) src(%dma_wait3A_85 : memref<32x128xf32, #tpu.memory_space<vmem>>) dst(%dma_wait3A_82 : memref<32x128xf32, #tpu.memory_space<vmem_shared>>)
      tpu.yield
    }) : () -> ()
    %add3A_43 = arith.constant 512 : i32
    %add3A_44 = arith.addi %mul3A_6, %add3A_43 : i32
    "tpu.region"() ({
      %run_scoped3A = tpu.sem_alloc : memref<!tpu.dma_semaphore, #tpu.memory_space<semaphore_mem>>
      %dma_start3A_67 = arith.constant 0 : i32
      %dma_start3A_68 = arith.constant 0 : i32
      %dma_start3A_69 = tpu.memref_slice %arg10[%dma_start3A_67, %dma_start3A_68] : memref<32x128xf32, #tpu.memory_space<vmem>> -> memref<32x128xf32, #tpu.memory_space<vmem>>
      %dma_start3A_70 = arith.constant 0 : i32
      %dma_start3A_71 = tpu.memref_slice %arg11[%add3A_44, %dma_start3A_70] : memref<10112x128xf32, #tpu.memory_space<vmem_shared>> -> memref<32x128xf32, #tpu.memory_space<vmem_shared>>
      %dma_start3A_72 = arith.constant 0 : i32
      %dma_start3A_73 = tpu.memref_slice %arg11[%add3A_44, %dma_start3A_72] : memref<10112x128xf32, #tpu.memory_space<vmem_shared>> -> memref<32x128xf32, #tpu.memory_space<vmem_shared>>
      %dma_start3A_74 = arith.constant 0 : i32
      %dma_start3A_75 = arith.constant 0 : i32
      %dma_start3A_76 = tpu.memref_slice %arg10[%dma_start3A_74, %dma_start3A_75] : memref<32x128xf32, #tpu.memory_space<vmem>> -> memref<32x128xf32, #tpu.memory_space<vmem>>
      tpu.enqueue_dma source(%dma_start3A_76 : memref<32x128xf32, #tpu.memory_space<vmem>>) target(%dma_start3A_73 : memref<32x128xf32, #tpu.memory_space<vmem_shared>>) target_semaphore(%run_scoped3A : memref<!tpu.dma_semaphore, #tpu.memory_space<semaphore_mem>>)
      %dma_wait3A = arith.constant 0 : i32
      %dma_wait3A_77 = arith.constant 0 : i32
      %dma_wait3A_78 = tpu.memref_slice %arg10[%dma_wait3A, %dma_wait3A_77] : memref<32x128xf32, #tpu.memory_space<vmem>> -> memref<32x128xf32, #tpu.memory_space<vmem>>
      %dma_wait3A_79 = arith.constant 0 : i32
      %dma_wait3A_80 = tpu.memref_slice %arg11[%add3A_44, %dma_wait3A_79] : memref<10112x128xf32, #tpu.memory_space<vmem_shared>> -> memref<32x128xf32, #tpu.memory_space<vmem_shared>>
      %dma_wait3A_81 = arith.constant 0 : i32
      %dma_wait3A_82 = tpu.memref_slice %arg11[%add3A_44, %dma_wait3A_81] : memref<10112x128xf32, #tpu.memory_space<vmem_shared>> -> memref<32x128xf32, #tpu.memory_space<vmem_shared>>
      %dma_wait3A_83 = arith.constant 0 : i32
      %dma_wait3A_84 = arith.constant 0 : i32
      %dma_wait3A_85 = tpu.memref_slice %arg10[%dma_wait3A_83, %dma_wait3A_84] : memref<32x128xf32, #tpu.memory_space<vmem>> -> memref<32x128xf32, #tpu.memory_space<vmem>>
      tpu.wait_dma2 semaphore(%run_scoped3A : memref<!tpu.dma_semaphore, #tpu.memory_space<semaphore_mem>>) src(%dma_wait3A_85 : memref<32x128xf32, #tpu.memory_space<vmem>>) dst(%dma_wait3A_82 : memref<32x128xf32, #tpu.memory_space<vmem_shared>>)
      tpu.yield
    }) : () -> ()
    %add3A_45 = arith.constant 544 : i32
    %add3A_46 = arith.addi %mul3A_6, %add3A_45 : i32
    "tpu.region"() ({
      %run_scoped3A = tpu.sem_alloc : memref<!tpu.dma_semaphore, #tpu.memory_space<semaphore_mem>>
      %dma_start3A_67 = arith.constant 0 : i32
      %dma_start3A_68 = arith.constant 0 : i32
      %dma_start3A_69 = tpu.memref_slice %arg10[%dma_start3A_67, %dma_start3A_68] : memref<32x128xf32, #tpu.memory_space<vmem>> -> memref<32x128xf32, #tpu.memory_space<vmem>>
      %dma_start3A_70 = arith.constant 0 : i32
      %dma_start3A_71 = tpu.memref_slice %arg11[%add3A_46, %dma_start3A_70] : memref<10112x128xf32, #tpu.memory_space<vmem_shared>> -> memref<32x128xf32, #tpu.memory_space<vmem_shared>>
      %dma_start3A_72 = arith.constant 0 : i32
      %dma_start3A_73 = tpu.memref_slice %arg11[%add3A_46, %dma_start3A_72] : memref<10112x128xf32, #tpu.memory_space<vmem_shared>> -> memref<32x128xf32, #tpu.memory_space<vmem_shared>>
      %dma_start3A_74 = arith.constant 0 : i32
      %dma_start3A_75 = arith.constant 0 : i32
      %dma_start3A_76 = tpu.memref_slice %arg10[%dma_start3A_74, %dma_start3A_75] : memref<32x128xf32, #tpu.memory_space<vmem>> -> memref<32x128xf32, #tpu.memory_space<vmem>>
      tpu.enqueue_dma source(%dma_start3A_76 : memref<32x128xf32, #tpu.memory_space<vmem>>) target(%dma_start3A_73 : memref<32x128xf32, #tpu.memory_space<vmem_shared>>) target_semaphore(%run_scoped3A : memref<!tpu.dma_semaphore, #tpu.memory_space<semaphore_mem>>)
      %dma_wait3A = arith.constant 0 : i32
      %dma_wait3A_77 = arith.constant 0 : i32
      %dma_wait3A_78 = tpu.memref_slice %arg10[%dma_wait3A, %dma_wait3A_77] : memref<32x128xf32, #tpu.memory_space<vmem>> -> memref<32x128xf32, #tpu.memory_space<vmem>>
      %dma_wait3A_79 = arith.constant 0 : i32
      %dma_wait3A_80 = tpu.memref_slice %arg11[%add3A_46, %dma_wait3A_79] : memref<10112x128xf32, #tpu.memory_space<vmem_shared>> -> memref<32x128xf32, #tpu.memory_space<vmem_shared>>
      %dma_wait3A_81 = arith.constant 0 : i32
      %dma_wait3A_82 = tpu.memref_slice %arg11[%add3A_46, %dma_wait3A_81] : memref<10112x128xf32, #tpu.memory_space<vmem_shared>> -> memref<32x128xf32, #tpu.memory_space<vmem_shared>>
      %dma_wait3A_83 = arith.constant 0 : i32
      %dma_wait3A_84 = arith.constant 0 : i32
      %dma_wait3A_85 = tpu.memref_slice %arg10[%dma_wait3A_83, %dma_wait3A_84] : memref<32x128xf32, #tpu.memory_space<vmem>> -> memref<32x128xf32, #tpu.memory_space<vmem>>
      tpu.wait_dma2 semaphore(%run_scoped3A : memref<!tpu.dma_semaphore, #tpu.memory_space<semaphore_mem>>) src(%dma_wait3A_85 : memref<32x128xf32, #tpu.memory_space<vmem>>) dst(%dma_wait3A_82 : memref<32x128xf32, #tpu.memory_space<vmem_shared>>)
      tpu.yield
    }) : () -> ()
    %add3A_47 = arith.constant 576 : i32
    %add3A_48 = arith.addi %mul3A_6, %add3A_47 : i32
    "tpu.region"() ({
      %run_scoped3A = tpu.sem_alloc : memref<!tpu.dma_semaphore, #tpu.memory_space<semaphore_mem>>
      %dma_start3A_67 = arith.constant 0 : i32
      %dma_start3A_68 = arith.constant 0 : i32
      %dma_start3A_69 = tpu.memref_slice %arg10[%dma_start3A_67, %dma_start3A_68] : memref<32x128xf32, #tpu.memory_space<vmem>> -> memref<32x128xf32, #tpu.memory_space<vmem>>
      %dma_start3A_70 = arith.constant 0 : i32
      %dma_start3A_71 = tpu.memref_slice %arg11[%add3A_48, %dma_start3A_70] : memref<10112x128xf32, #tpu.memory_space<vmem_shared>> -> memref<32x128xf32, #tpu.memory_space<vmem_shared>>
      %dma_start3A_72 = arith.constant 0 : i32
      %dma_start3A_73 = tpu.memref_slice %arg11[%add3A_48, %dma_start3A_72] : memref<10112x128xf32, #tpu.memory_space<vmem_shared>> -> memref<32x128xf32, #tpu.memory_space<vmem_shared>>
      %dma_start3A_74 = arith.constant 0 : i32
      %dma_start3A_75 = arith.constant 0 : i32
      %dma_start3A_76 = tpu.memref_slice %arg10[%dma_start3A_74, %dma_start3A_75] : memref<32x128xf32, #tpu.memory_space<vmem>> -> memref<32x128xf32, #tpu.memory_space<vmem>>
      tpu.enqueue_dma source(%dma_start3A_76 : memref<32x128xf32, #tpu.memory_space<vmem>>) target(%dma_start3A_73 : memref<32x128xf32, #tpu.memory_space<vmem_shared>>) target_semaphore(%run_scoped3A : memref<!tpu.dma_semaphore, #tpu.memory_space<semaphore_mem>>)
      %dma_wait3A = arith.constant 0 : i32
      %dma_wait3A_77 = arith.constant 0 : i32
      %dma_wait3A_78 = tpu.memref_slice %arg10[%dma_wait3A, %dma_wait3A_77] : memref<32x128xf32, #tpu.memory_space<vmem>> -> memref<32x128xf32, #tpu.memory_space<vmem>>
      %dma_wait3A_79 = arith.constant 0 : i32
      %dma_wait3A_80 = tpu.memref_slice %arg11[%add3A_48, %dma_wait3A_79] : memref<10112x128xf32, #tpu.memory_space<vmem_shared>> -> memref<32x128xf32, #tpu.memory_space<vmem_shared>>
      %dma_wait3A_81 = arith.constant 0 : i32
      %dma_wait3A_82 = tpu.memref_slice %arg11[%add3A_48, %dma_wait3A_81] : memref<10112x128xf32, #tpu.memory_space<vmem_shared>> -> memref<32x128xf32, #tpu.memory_space<vmem_shared>>
      %dma_wait3A_83 = arith.constant 0 : i32
      %dma_wait3A_84 = arith.constant 0 : i32
      %dma_wait3A_85 = tpu.memref_slice %arg10[%dma_wait3A_83, %dma_wait3A_84] : memref<32x128xf32, #tpu.memory_space<vmem>> -> memref<32x128xf32, #tpu.memory_space<vmem>>
      tpu.wait_dma2 semaphore(%run_scoped3A : memref<!tpu.dma_semaphore, #tpu.memory_space<semaphore_mem>>) src(%dma_wait3A_85 : memref<32x128xf32, #tpu.memory_space<vmem>>) dst(%dma_wait3A_82 : memref<32x128xf32, #tpu.memory_space<vmem_shared>>)
      tpu.yield
    }) : () -> ()
    %add3A_49 = arith.constant 608 : i32
    %add3A_50 = arith.addi %mul3A_6, %add3A_49 : i32
    "tpu.region"() ({
      %run_scoped3A = tpu.sem_alloc : memref<!tpu.dma_semaphore, #tpu.memory_space<semaphore_mem>>
      %dma_start3A_67 = arith.constant 0 : i32
      %dma_start3A_68 = arith.constant 0 : i32
      %dma_start3A_69 = tpu.memref_slice %arg10[%dma_start3A_67, %dma_start3A_68] : memref<32x128xf32, #tpu.memory_space<vmem>> -> memref<24x128xf32, #tpu.memory_space<vmem>>
      %dma_start3A_70 = arith.constant 0 : i32
      %dma_start3A_71 = tpu.memref_slice %arg11[%add3A_50, %dma_start3A_70] : memref<10112x128xf32, #tpu.memory_space<vmem_shared>> -> memref<24x128xf32, #tpu.memory_space<vmem_shared>>
      %dma_start3A_72 = arith.constant 0 : i32
      %dma_start3A_73 = tpu.memref_slice %arg11[%add3A_50, %dma_start3A_72] : memref<10112x128xf32, #tpu.memory_space<vmem_shared>> -> memref<24x128xf32, #tpu.memory_space<vmem_shared>>
      %dma_start3A_74 = arith.constant 0 : i32
      %dma_start3A_75 = arith.constant 0 : i32
      %dma_start3A_76 = tpu.memref_slice %arg10[%dma_start3A_74, %dma_start3A_75] : memref<32x128xf32, #tpu.memory_space<vmem>> -> memref<24x128xf32, #tpu.memory_space<vmem>>
      tpu.enqueue_dma source(%dma_start3A_76 : memref<24x128xf32, #tpu.memory_space<vmem>>) target(%dma_start3A_73 : memref<24x128xf32, #tpu.memory_space<vmem_shared>>) target_semaphore(%run_scoped3A : memref<!tpu.dma_semaphore, #tpu.memory_space<semaphore_mem>>)
      %dma_wait3A = arith.constant 0 : i32
      %dma_wait3A_77 = arith.constant 0 : i32
      %dma_wait3A_78 = tpu.memref_slice %arg10[%dma_wait3A, %dma_wait3A_77] : memref<32x128xf32, #tpu.memory_space<vmem>> -> memref<24x128xf32, #tpu.memory_space<vmem>>
      %dma_wait3A_79 = arith.constant 0 : i32
      %dma_wait3A_80 = tpu.memref_slice %arg11[%add3A_50, %dma_wait3A_79] : memref<10112x128xf32, #tpu.memory_space<vmem_shared>> -> memref<24x128xf32, #tpu.memory_space<vmem_shared>>
      %dma_wait3A_81 = arith.constant 0 : i32
      %dma_wait3A_82 = tpu.memref_slice %arg11[%add3A_50, %dma_wait3A_81] : memref<10112x128xf32, #tpu.memory_space<vmem_shared>> -> memref<24x128xf32, #tpu.memory_space<vmem_shared>>
      %dma_wait3A_83 = arith.constant 0 : i32
      %dma_wait3A_84 = arith.constant 0 : i32
      %dma_wait3A_85 = tpu.memref_slice %arg10[%dma_wait3A_83, %dma_wait3A_84] : memref<32x128xf32, #tpu.memory_space<vmem>> -> memref<24x128xf32, #tpu.memory_space<vmem>>
      tpu.wait_dma2 semaphore(%run_scoped3A : memref<!tpu.dma_semaphore, #tpu.memory_space<semaphore_mem>>) src(%dma_wait3A_85 : memref<24x128xf32, #tpu.memory_space<vmem>>) dst(%dma_wait3A_82 : memref<24x128xf32, #tpu.memory_space<vmem_shared>>)
      tpu.yield
    }) : () -> ()
    %barrier3A = arith.constant 0 : index
    tpu.barrier barrier_id(%barrier3A)
    %dma_start3A = arith.constant 0 : i32
    %dma_start3A_51 = arith.constant 0 : i32
    %dma_start3A_52 = tpu.memref_slice %arg6[%dma_start3A, %dma_start3A_51] : memref<40x128xi32, #tpu.memory_space<vmem>> -> memref<1x128xi32, #tpu.memory_space<vmem>>
    %dma_start3A_53 = tpu.memref_squeeze %dma_start3A_52 : memref<1x128xi32, #tpu.memory_space<vmem>> -> memref<128xi32, #tpu.memory_space<vmem>>
    %dma_start3A_54 = arith.constant 0 : i32
    %dma_start3A_55 = arith.constant 0 : i32
    %dma_start3A_56 = tpu.memref_slice %arg2[%dma_start3A_54, %dma_start3A_55] : memref<10000x128xf32, #tpu.memory_space<hbm>> -> memref<10000x128xf32, #tpu.memory_space<hbm>>
    tpu.enqueue_indirect_dma source(%dma_start3A_56 : memref<10000x128xf32, #tpu.memory_space<hbm>>) target(%arg8 : memref<128x128xf32, #tpu.memory_space<vmem>>) offsets(%dma_start3A_53 : memref<128xi32, #tpu.memory_space<vmem>>) semaphore(%arg12 : memref<!tpu.dma_semaphore, #tpu.memory_space<semaphore_mem>>)
    %scan3A_57 = arith.constant 0 : i32
    %scan3A_58 = arith.constant 20 : i32
    %scan3A_59 = arith.addi %scan3A_57, %scan3A_58 : i32
    %scan3A_60 = arith.constant 1 : i32
    scf.for %scan3A_67 = %scan3A_57 to %scan3A_59 step %scan3A_60  : i32 {
      %mul3A_68 = arith.constant 1 : i32
      %mul3A_69 = arith.muli %scan3A_67, %mul3A_68 : i32
      %add3A_70 = arith.constant 0 : i32
      %add3A_71 = arith.addi %add3A_70, %mul3A_69 : i32
      %mul3A_72 = arith.constant 2 : i32
      %mul3A_73 = arith.muli %add3A_71, %mul3A_72 : i32
      %add3A_74 = arith.constant 1 : i32
      %add3A_75 = arith.addi %mul3A_73, %add3A_74 : i32
      %dma_start3A_76 = arith.constant 0 : i32
      %dma_start3A_77 = tpu.memref_slice %arg6[%add3A_75, %dma_start3A_76] : memref<40x128xi32, #tpu.memory_space<vmem>> -> memref<1x128xi32, #tpu.memory_space<vmem>>
      %dma_start3A_78 = tpu.memref_squeeze %dma_start3A_77 : memref<1x128xi32, #tpu.memory_space<vmem>> -> memref<128xi32, #tpu.memory_space<vmem>>
      %dma_start3A_79 = arith.constant 0 : i32
      %dma_start3A_80 = arith.constant 0 : i32
      %dma_start3A_81 = tpu.memref_slice %arg2[%dma_start3A_79, %dma_start3A_80] : memref<10000x128xf32, #tpu.memory_space<hbm>> -> memref<10000x128xf32, #tpu.memory_space<hbm>>
      tpu.enqueue_indirect_dma source(%dma_start3A_81 : memref<10000x128xf32, #tpu.memory_space<hbm>>) target(%arg9 : memref<128x128xf32, #tpu.memory_space<vmem>>) offsets(%dma_start3A_78 : memref<128xi32, #tpu.memory_space<vmem>>) semaphore(%arg13 : memref<!tpu.dma_semaphore, #tpu.memory_space<semaphore_mem>>)
      %dma_wait3A = arith.constant 0 : i32
      %dma_wait3A_82 = arith.constant 0 : i32
      %dma_wait3A_83 = tpu.memref_slice %arg6[%dma_wait3A, %dma_wait3A_82] : memref<40x128xi32, #tpu.memory_space<vmem>> -> memref<1x128xi32, #tpu.memory_space<vmem>>
      %dma_wait3A_84 = tpu.memref_squeeze %dma_wait3A_83 : memref<1x128xi32, #tpu.memory_space<vmem>> -> memref<128xi32, #tpu.memory_space<vmem>>
      %dma_wait3A_85 = arith.constant 0 : i32
      %dma_wait3A_86 = arith.constant 0 : i32
      %dma_wait3A_87 = tpu.memref_slice %arg2[%dma_wait3A_85, %dma_wait3A_86] : memref<10000x128xf32, #tpu.memory_space<hbm>> -> memref<10000x128xf32, #tpu.memory_space<hbm>>
      tpu.wait_indirect_dma semaphore(%arg12 : memref<!tpu.dma_semaphore, #tpu.memory_space<semaphore_mem>>) src(%dma_wait3A_87 : memref<10000x128xf32, #tpu.memory_space<hbm>>) dst(%arg8 : memref<128x128xf32, #tpu.memory_space<vmem>>)
      "tpu.region"() ({
        %run_scoped3A = tpu.sem_alloc : memref<!tpu.dma_semaphore, #tpu.memory_space<semaphore_mem>>
        %dma_start3A_99 = arith.constant 0 : i32
        %dma_start3A_100 = tpu.memref_slice %arg7[%mul3A_73, %dma_start3A_99] : memref<40x128xi32, #tpu.memory_space<vmem>> -> memref<1x128xi32, #tpu.memory_space<vmem>>
        %dma_start3A_101 = tpu.memref_squeeze %dma_start3A_100 : memref<1x128xi32, #tpu.memory_space<vmem>> -> memref<128xi32, #tpu.memory_space<vmem>>
        %dma_start3A_102 = arith.constant 0 : i32
        %dma_start3A_103 = arith.constant 0 : i32
        %dma_start3A_104 = tpu.memref_slice %arg11[%dma_start3A_102, %dma_start3A_103] : memref<10112x128xf32, #tpu.memory_space<vmem_shared>> -> memref<10112x128xf32, #tpu.memory_space<vmem_shared>>
        tpu.enqueue_indirect_dma source(%arg8 : memref<128x128xf32, #tpu.memory_space<vmem>>) target(%dma_start3A_104 : memref<10112x128xf32, #tpu.memory_space<vmem_shared>>) offsets(%dma_start3A_101 : memref<128xi32, #tpu.memory_space<vmem>>) semaphore(%run_scoped3A : memref<!tpu.dma_semaphore, #tpu.memory_space<semaphore_mem>>) {add = true}
        %dma_wait3A_105 = arith.constant 0 : i32
        %dma_wait3A_106 = tpu.memref_slice %arg7[%mul3A_73, %dma_wait3A_105] : memref<40x128xi32, #tpu.memory_space<vmem>> -> memref<1x128xi32, #tpu.memory_space<vmem>>
        %dma_wait3A_107 = tpu.memref_squeeze %dma_wait3A_106 : memref<1x128xi32, #tpu.memory_space<vmem>> -> memref<128xi32, #tpu.memory_space<vmem>>
        %dma_wait3A_108 = arith.constant 0 : i32
        %dma_wait3A_109 = arith.constant 0 : i32
        %dma_wait3A_110 = tpu.memref_slice %arg11[%dma_wait3A_108, %dma_wait3A_109] : memref<10112x128xf32, #tpu.memory_space<vmem_shared>> -> memref<10112x128xf32, #tpu.memory_space<vmem_shared>>
        tpu.wait_indirect_dma semaphore(%run_scoped3A : memref<!tpu.dma_semaphore, #tpu.memory_space<semaphore_mem>>) src(%arg8 : memref<128x128xf32, #tpu.memory_space<vmem>>) dst(%dma_wait3A_110 : memref<10112x128xf32, #tpu.memory_space<vmem_shared>>)
        tpu.yield
      }) : () -> ()
      %lt3A = arith.constant 19 : i32
      %lt3A_88 = arith.cmpi slt, %add3A_71, %lt3A : i32
      %convert_element_type3A = arith.extui %lt3A_88 : i1 to i32
      %cond3A = arith.constant 0 : i32
      %cond3A_89 = arith.cmpi ne, %convert_element_type3A, %cond3A : i32
      scf.if %cond3A_89 {
        %add3A_99 = arith.constant 2 : i32
        %add3A_100 = arith.addi %mul3A_73, %add3A_99 : i32
        %dma_start3A_101 = arith.constant 0 : i32
        %dma_start3A_102 = tpu.memref_slice %arg6[%add3A_100, %dma_start3A_101] : memref<40x128xi32, #tpu.memory_space<vmem>> -> memref<1x128xi32, #tpu.memory_space<vmem>>
        %dma_start3A_103 = tpu.memref_squeeze %dma_start3A_102 : memref<1x128xi32, #tpu.memory_space<vmem>> -> memref<128xi32, #tpu.memory_space<vmem>>
        %dma_start3A_104 = arith.constant 0 : i32
        %dma_start3A_105 = arith.constant 0 : i32
        %dma_start3A_106 = tpu.memref_slice %arg2[%dma_start3A_104, %dma_start3A_105] : memref<10000x128xf32, #tpu.memory_space<hbm>> -> memref<10000x128xf32, #tpu.memory_space<hbm>>
        tpu.enqueue_indirect_dma source(%dma_start3A_106 : memref<10000x128xf32, #tpu.memory_space<hbm>>) target(%arg8 : memref<128x128xf32, #tpu.memory_space<vmem>>) offsets(%dma_start3A_103 : memref<128xi32, #tpu.memory_space<vmem>>) semaphore(%arg12 : memref<!tpu.dma_semaphore, #tpu.memory_space<semaphore_mem>>)
      } else {
      }
      %dma_wait3A_90 = arith.constant 0 : i32
      %dma_wait3A_91 = arith.constant 0 : i32
      %dma_wait3A_92 = tpu.memref_slice %arg6[%dma_wait3A_90, %dma_wait3A_91] : memref<40x128xi32, #tpu.memory_space<vmem>> -> memref<1x128xi32, #tpu.memory_space<vmem>>
      %dma_wait3A_93 = tpu.memref_squeeze %dma_wait3A_92 : memref<1x128xi32, #tpu.memory_space<vmem>> -> memref<128xi32, #tpu.memory_space<vmem>>
      %dma_wait3A_94 = arith.constant 0 : i32
      %dma_wait3A_95 = arith.constant 0 : i32
      %dma_wait3A_96 = tpu.memref_slice %arg2[%dma_wait3A_94, %dma_wait3A_95] : memref<10000x128xf32, #tpu.memory_space<hbm>> -> memref<10000x128xf32, #tpu.memory_space<hbm>>
      tpu.wait_indirect_dma semaphore(%arg13 : memref<!tpu.dma_semaphore, #tpu.memory_space<semaphore_mem>>) src(%dma_wait3A_96 : memref<10000x128xf32, #tpu.memory_space<hbm>>) dst(%arg9 : memref<128x128xf32, #tpu.memory_space<vmem>>)
      %add3A_97 = arith.constant 1 : i32
      %add3A_98 = arith.addi %mul3A_73, %add3A_97 : i32
      "tpu.region"() ({
        %run_scoped3A = tpu.sem_alloc : memref<!tpu.dma_semaphore, #tpu.memory_space<semaphore_mem>>
        %dma_start3A_99 = arith.constant 0 : i32
        %dma_start3A_100 = tpu.memref_slice %arg7[%add3A_98, %dma_start3A_99] : memref<40x128xi32, #tpu.memory_space<vmem>> -> memref<1x128xi32, #tpu.memory_space<vmem>>
        %dma_start3A_101 = tpu.memref_squeeze %dma_start3A_100 : memref<1x128xi32, #tpu.memory_space<vmem>> -> memref<128xi32, #tpu.memory_space<vmem>>
        %dma_start3A_102 = arith.constant 0 : i32
        %dma_start3A_103 = arith.constant 0 : i32
        %dma_start3A_104 = tpu.memref_slice %arg11[%dma_start3A_102, %dma_start3A_103] : memref<10112x128xf32, #tpu.memory_space<vmem_shared>> -> memref<10112x128xf32, #tpu.memory_space<vmem_shared>>
        tpu.enqueue_indirect_dma source(%arg9 : memref<128x128xf32, #tpu.memory_space<vmem>>) target(%dma_start3A_104 : memref<10112x128xf32, #tpu.memory_space<vmem_shared>>) offsets(%dma_start3A_101 : memref<128xi32, #tpu.memory_space<vmem>>) semaphore(%run_scoped3A : memref<!tpu.dma_semaphore, #tpu.memory_space<semaphore_mem>>) {add = true}
        %dma_wait3A_105 = arith.constant 0 : i32
        %dma_wait3A_106 = tpu.memref_slice %arg7[%add3A_98, %dma_wait3A_105] : memref<40x128xi32, #tpu.memory_space<vmem>> -> memref<1x128xi32, #tpu.memory_space<vmem>>
        %dma_wait3A_107 = tpu.memref_squeeze %dma_wait3A_106 : memref<1x128xi32, #tpu.memory_space<vmem>> -> memref<128xi32, #tpu.memory_space<vmem>>
        %dma_wait3A_108 = arith.constant 0 : i32
        %dma_wait3A_109 = arith.constant 0 : i32
        %dma_wait3A_110 = tpu.memref_slice %arg11[%dma_wait3A_108, %dma_wait3A_109] : memref<10112x128xf32, #tpu.memory_space<vmem_shared>> -> memref<10112x128xf32, #tpu.memory_space<vmem_shared>>
        tpu.wait_indirect_dma semaphore(%run_scoped3A : memref<!tpu.dma_semaphore, #tpu.memory_space<semaphore_mem>>) src(%arg9 : memref<128x128xf32, #tpu.memory_space<vmem>>) dst(%dma_wait3A_110 : memref<10112x128xf32, #tpu.memory_space<vmem_shared>>)
        tpu.yield
      }) : () -> ()
    }
    %scan3A_61 = arith.constant 20 : i32
    %barrier3A_62 = arith.constant 0 : index
    tpu.barrier barrier_id(%barrier3A_62)
    %mul3A_63 = arith.constant 632 : i32
    %mul3A_64 = arith.muli %arg1, %mul3A_63 : i32
    %mul3A_65 = arith.constant 632 : i32
    %mul3A_66 = arith.muli %arg1, %mul3A_65 : i32
    "tpu.region"() ({
      %run_scoped3A = tpu.sem_alloc : memref<!tpu.dma_semaphore, #tpu.memory_space<semaphore_mem>>
      %dma_start3A_67 = arith.constant 0 : i32
      %dma_start3A_68 = tpu.memref_slice %arg5[%arg0, %mul3A_66, %dma_start3A_67] : memref<2x10112x128xf32, #tpu.memory_space<hbm>> -> memref<1x632x128xf32, #tpu.memory_space<hbm>>
      %dma_start3A_69 = tpu.memref_squeeze %dma_start3A_68 : memref<1x632x128xf32, #tpu.memory_space<hbm>> -> memref<632x128xf32, #tpu.memory_space<hbm>>
      %dma_start3A_70 = arith.constant 0 : i32
      %dma_start3A_71 = tpu.memref_slice %arg11[%mul3A_64, %dma_start3A_70] : memref<10112x128xf32, #tpu.memory_space<vmem_shared>> -> memref<632x128xf32, #tpu.memory_space<vmem_shared>>
      tpu.enqueue_dma source(%dma_start3A_71 : memref<632x128xf32, #tpu.memory_space<vmem_shared>>) target(%dma_start3A_69 : memref<632x128xf32, #tpu.memory_space<hbm>>) target_semaphore(%run_scoped3A : memref<!tpu.dma_semaphore, #tpu.memory_space<semaphore_mem>>)
      %dma_wait3A = arith.constant 0 : i32
      %dma_wait3A_72 = tpu.memref_slice %arg5[%arg0, %mul3A_66, %dma_wait3A] : memref<2x10112x128xf32, #tpu.memory_space<hbm>> -> memref<1x632x128xf32, #tpu.memory_space<hbm>>
      %dma_wait3A_73 = tpu.memref_squeeze %dma_wait3A_72 : memref<1x632x128xf32, #tpu.memory_space<hbm>> -> memref<632x128xf32, #tpu.memory_space<hbm>>
      %dma_wait3A_74 = arith.constant 0 : i32
      %dma_wait3A_75 = tpu.memref_slice %arg11[%mul3A_64, %dma_wait3A_74] : memref<10112x128xf32, #tpu.memory_space<vmem_shared>> -> memref<632x128xf32, #tpu.memory_space<vmem_shared>>
      tpu.wait_dma2 semaphore(%run_scoped3A : memref<!tpu.dma_semaphore, #tpu.memory_space<semaphore_mem>>) src(%dma_wait3A_75 : memref<632x128xf32, #tpu.memory_space<vmem_shared>>) dst(%dma_wait3A_73 : memref<632x128xf32, #tpu.memory_space<hbm>>)
      tpu.yield
    }) : () -> ()
    return
  }
}

#map = affine_map<(d0, d1) -> (0, 0)>
#map1 = affine_map<(d0, d1) -> (0, 0, 0)>
module attributes {stable_mosaic.version = 14 : i64} {
  func.func @body(%arg0: i32, %arg1: i32, %arg2: memref<10000x128xf32, #tpu.memory_space<hbm>>, %arg3: memref<1280x128xi32, #tpu.memory_space<hbm>>, %arg4: memref<1280x128xi32, #tpu.memory_space<hbm>>, %arg5: memref<2x10112x128xf32, #tpu.memory_space<hbm>>, %arg6: memref<40x128xi32, #tpu.memory_space<vmem>>, %arg7: memref<40x128xi32, #tpu.memory_space<vmem>>, %arg8: memref<128x128xf32, #tpu.memory_space<vmem>>, %arg9: memref<128x128xf32, #tpu.memory_space<vmem>>, %arg10: memref<32x128xf32, #tpu.memory_space<vmem>>, %arg11: memref<10112x128xf32, #tpu.memory_space<vmem_shared>>, %arg12: memref<!tpu.dma_semaphore, #tpu.memory_space<semaphore_mem>>, %arg13: memref<!tpu.dma_semaphore, #tpu.memory_space<semaphore_mem>>) attributes {dimension_semantics = [#tpu.dimension_semantics<core_parallel>, #tpu.dimension_semantics<subcore_parallel>], iteration_bounds = array<i64: 2, 16>, scalar_prefetch = 0 : i64, scratch_operands = 8 : i64, tpu.core_type = #tpu.core_type<sc_vector_subcore>, window_params = [{transform_indices = #map}, {transform_indices = #map}, {transform_indices = #map}, {transform_indices = #map1}]} {
    %mul3A = arith.constant 16 : i32
    %mul3A_0 = arith.muli %arg0, %mul3A : i32
    %add3A = arith.addi %mul3A_0, %arg1 : i32
    %mul3A_1 = arith.constant 40 : i32
    %mul3A_2 = arith.muli %add3A, %mul3A_1 : i32
    "tpu.region"() ({
      %run_scoped3A = tpu.sem_alloc : memref<!tpu.dma_semaphore, #tpu.memory_space<semaphore_mem>>
      %dma_start3A_67 = arith.constant 0 : i32
      %dma_start3A_68 = tpu.memref_slice %arg3[%mul3A_2, %dma_start3A_67] : memref<1280x128xi32, #tpu.memory_space<hbm>> -> memref<40x128xi32, #tpu.memory_space<hbm>>
      %dma_start3A_69 = arith.constant 0 : i32
      %dma_start3A_70 = tpu.memref_slice %arg3[%mul3A_2, %dma_start3A_69] : memref<1280x128xi32, #tpu.memory_space<hbm>> -> memref<40x128xi32, #tpu.memory_space<hbm>>
      tpu.enqueue_dma source(%dma_start3A_70 : memref<40x128xi32, #tpu.memory_space<hbm>>) target(%arg6 : memref<40x128xi32, #tpu.memory_space<vmem>>) target_semaphore(%run_scoped3A : memref<!tpu.dma_semaphore, #tpu.memory_space<semaphore_mem>>)
      %dma_wait3A = arith.constant 0 : i32
      %dma_wait3A_71 = tpu.memref_slice %arg3[%mul3A_2, %dma_wait3A] : memref<1280x128xi32, #tpu.memory_space<hbm>> -> memref<40x128xi32, #tpu.memory_space<hbm>>
      %dma_wait3A_72 = arith.constant 0 : i32
      %dma_wait3A_73 = tpu.memref_slice %arg3[%mul3A_2, %dma_wait3A_72] : memref<1280x128xi32, #tpu.memory_space<hbm>> -> memref<40x128xi32, #tpu.memory_space<hbm>>
      tpu.wait_dma2 semaphore(%run_scoped3A : memref<!tpu.dma_semaphore, #tpu.memory_space<semaphore_mem>>) src(%dma_wait3A_73 : memref<40x128xi32, #tpu.memory_space<hbm>>) dst(%arg6 : memref<40x128xi32, #tpu.memory_space<vmem>>)
      tpu.yield
    }) : () -> ()
    %mul3A_3 = arith.constant 40 : i32
    %mul3A_4 = arith.muli %add3A, %mul3A_3 : i32
    "tpu.region"() ({
      %run_scoped3A = tpu.sem_alloc : memref<!tpu.dma_semaphore, #tpu.memory_space<semaphore_mem>>
      %dma_start3A_67 = arith.constant 0 : i32
      %dma_start3A_68 = tpu.memref_slice %arg4[%mul3A_4, %dma_start3A_67] : memref<1280x128xi32, #tpu.memory_space<hbm>> -> memref<40x128xi32, #tpu.memory_space<hbm>>
      %dma_start3A_69 = arith.constant 0 : i32
      %dma_start3A_70 = tpu.memref_slice %arg4[%mul3A_4, %dma_start3A_69] : memref<1280x128xi32, #tpu.memory_space<hbm>> -> memref<40x128xi32, #tpu.memory_space<hbm>>
      tpu.enqueue_dma source(%dma_start3A_70 : memref<40x128xi32, #tpu.memory_space<hbm>>) target(%arg7 : memref<40x128xi32, #tpu.memory_space<vmem>>) target_semaphore(%run_scoped3A : memref<!tpu.dma_semaphore, #tpu.memory_space<semaphore_mem>>)
      %dma_wait3A = arith.constant 0 : i32
      %dma_wait3A_71 = tpu.memref_slice %arg4[%mul3A_4, %dma_wait3A] : memref<1280x128xi32, #tpu.memory_space<hbm>> -> memref<40x128xi32, #tpu.memory_space<hbm>>
      %dma_wait3A_72 = arith.constant 0 : i32
      %dma_wait3A_73 = tpu.memref_slice %arg4[%mul3A_4, %dma_wait3A_72] : memref<1280x128xi32, #tpu.memory_space<hbm>> -> memref<40x128xi32, #tpu.memory_space<hbm>>
      tpu.wait_dma2 semaphore(%run_scoped3A : memref<!tpu.dma_semaphore, #tpu.memory_space<semaphore_mem>>) src(%dma_wait3A_73 : memref<40x128xi32, #tpu.memory_space<hbm>>) dst(%arg7 : memref<40x128xi32, #tpu.memory_space<vmem>>)
      tpu.yield
    }) : () -> ()
    %mul3A_5 = arith.constant 632 : i32
    %mul3A_6 = arith.muli %arg1, %mul3A_5 : i32
    %scan3A = arith.constant 0 : i32
    %scan3A_7 = arith.constant 32 : i32
    %scan3A_8 = arith.addi %scan3A, %scan3A_7 : i32
    %scan3A_9 = arith.constant 1 : i32
    scf.for %scan3A_67 = %scan3A to %scan3A_8 step %scan3A_9  : i32 {
      %mul3A_68 = arith.constant 1 : i32
      %mul3A_69 = arith.muli %scan3A_67, %mul3A_68 : i32
      %add3A_70 = arith.constant 0 : i32
      %add3A_71 = arith.addi %add3A_70, %mul3A_69 : i32
      %broadcast_in_dim3A = arith.constant 0.000000e+00 : f32
      %broadcast_in_dim3A_72 = vector.broadcast %broadcast_in_dim3A : f32 to vector<16xf32>
      %swap3A = arith.index_cast %add3A_71 : i32 to index
      %swap3A_73 = arith.constant 0 : index
      %swap3A_74 = tpu.vector_load %arg10[%swap3A, %swap3A_73] {strides = array<i32>} : memref<32x128xf32, #tpu.memory_space<vmem>>, vector<1x16xf32>,
      %swap3A_75 = vector.shape_cast %swap3A_74 : vector<1x16xf32> to vector<16xf32>
      %swap3A_76 = vector.shape_cast %broadcast_in_dim3A_72 : vector<16xf32> to vector<1x16xf32>
      tpu.vector_store %arg10[%swap3A, %swap3A_73], %swap3A_76 {strides = array<i32>} : memref<32x128xf32, #tpu.memory_space<vmem>>, vector<1x16xf32>,
      %broadcast_in_dim3A_77 = arith.constant 0.000000e+00 : f32
      %broadcast_in_dim3A_78 = vector.broadcast %broadcast_in_dim3A_77 : f32 to vector<16xf32>
      %swap3A_79 = arith.index_cast %add3A_71 : i32 to index
      %swap3A_80 = arith.constant 16 : index
      %swap3A_81 = tpu.vector_load %arg10[%swap3A_79, %swap3A_80] {strides = array<i32>} : memref<32x128xf32, #tpu.memory_space<vmem>>, vector<1x16xf32>,
      %swap3A_82 = vector.shape_cast %swap3A_81 : vector<1x16xf32> to vector<16xf32>
      %swap3A_83 = vector.shape_cast %broadcast_in_dim3A_78 : vector<16xf32> to vector<1x16xf32>
      tpu.vector_store %arg10[%swap3A_79, %swap3A_80], %swap3A_83 {strides = array<i32>} : memref<32x128xf32, #tpu.memory_space<vmem>>, vector<1x16xf32>,
      %broadcast_in_dim3A_84 = arith.constant 0.000000e+00 : f32
      %broadcast_in_dim3A_85 = vector.broadcast %broadcast_in_dim3A_84 : f32 to vector<16xf32>
      %swap3A_86 = arith.index_cast %add3A_71 : i32 to index
      %swap3A_87 = arith.constant 32 : index
      %swap3A_88 = tpu.vector_load %arg10[%swap3A_86, %swap3A_87] {strides = array<i32>} : memref<32x128xf32, #tpu.memory_space<vmem>>, vector<1x16xf32>,
      %swap3A_89 = vector.shape_cast %swap3A_88 : vector<1x16xf32> to vector<16xf32>
      %swap3A_90 = vector.shape_cast %broadcast_in_dim3A_85 : vector<16xf32> to vector<1x16xf32>
      tpu.vector_store %arg10[%swap3A_86, %swap3A_87], %swap3A_90 {strides = array<i32>} : memref<32x128xf32, #tpu.memory_space<vmem>>, vector<1x16xf32>,
      %broadcast_in_dim3A_91 = arith.constant 0.000000e+00 : f32
      %broadcast_in_dim3A_92 = vector.broadcast %broadcast_in_dim3A_91 : f32 to vector<16xf32>
      %swap3A_93 = arith.index_cast %add3A_71 : i32 to index
      %swap3A_94 = arith.constant 48 : index
      %swap3A_95 = tpu.vector_load %arg10[%swap3A_93, %swap3A_94] {strides = array<i32>} : memref<32x128xf32, #tpu.memory_space<vmem>>, vector<1x16xf32>,
      %swap3A_96 = vector.shape_cast %swap3A_95 : vector<1x16xf32> to vector<16xf32>
      %swap3A_97 = vector.shape_cast %broadcast_in_dim3A_92 : vector<16xf32> to vector<1x16xf32>
      tpu.vector_store %arg10[%swap3A_93, %swap3A_94], %swap3A_97 {strides = array<i32>} : memref<32x128xf32, #tpu.memory_space<vmem>>, vector<1x16xf32>,
      %broadcast_in_dim3A_98 = arith.constant 0.000000e+00 : f32
      %broadcast_in_dim3A_99 = vector.broadcast %broadcast_in_dim3A_98 : f32 to vector<16xf32>
      %swap3A_100 = arith.index_cast %add3A_71 : i32 to index
      %swap3A_101 = arith.constant 64 : index
      %swap3A_102 = tpu.vector_load %arg10[%swap3A_100, %swap3A_101] {strides = array<i32>} : memref<32x128xf32, #tpu.memory_space<vmem>>, vector<1x16xf32>,
      %swap3A_103 = vector.shape_cast %swap3A_102 : vector<1x16xf32> to vector<16xf32>
      %swap3A_104 = vector.shape_cast %broadcast_in_dim3A_99 : vector<16xf32> to vector<1x16xf32>
      tpu.vector_store %arg10[%swap3A_100, %swap3A_101], %swap3A_104 {strides = array<i32>} : memref<32x128xf32, #tpu.memory_space<vmem>>, vector<1x16xf32>,
      %broadcast_in_dim3A_105 = arith.constant 0.000000e+00 : f32
      %broadcast_in_dim3A_106 = vector.broadcast %broadcast_in_dim3A_105 : f32 to vector<16xf32>
      %swap3A_107 = arith.index_cast %add3A_71 : i32 to index
      %swap3A_108 = arith.constant 80 : index
      %swap3A_109 = tpu.vector_load %arg10[%swap3A_107, %swap3A_108] {strides = array<i32>} : memref<32x128xf32, #tpu.memory_space<vmem>>, vector<1x16xf32>,
      %swap3A_110 = vector.shape_cast %swap3A_109 : vector<1x16xf32> to vector<16xf32>
      %swap3A_111 = vector.shape_cast %broadcast_in_dim3A_106 : vector<16xf32> to vector<1x16xf32>
      tpu.vector_store %arg10[%swap3A_107, %swap3A_108], %swap3A_111 {strides = array<i32>} : memref<32x128xf32, #tpu.memory_space<vmem>>, vector<1x16xf32>,
      %broadcast_in_dim3A_112 = arith.constant 0.000000e+00 : f32
      %broadcast_in_dim3A_113 = vector.broadcast %broadcast_in_dim3A_112 : f32 to vector<16xf32>
      %swap3A_114 = arith.index_cast %add3A_71 : i32 to index
      %swap3A_115 = arith.constant 96 : index
      %swap3A_116 = tpu.vector_load %arg10[%swap3A_114, %swap3A_115] {strides = array<i32>} : memref<32x128xf32, #tpu.memory_space<vmem>>, vector<1x16xf32>,
      %swap3A_117 = vector.shape_cast %swap3A_116 : vector<1x16xf32> to vector<16xf32>
      %swap3A_118 = vector.shape_cast %broadcast_in_dim3A_113 : vector<16xf32> to vector<1x16xf32>
      tpu.vector_store %arg10[%swap3A_114, %swap3A_115], %swap3A_118 {strides = array<i32>} : memref<32x128xf32, #tpu.memory_space<vmem>>, vector<1x16xf32>,
      %broadcast_in_dim3A_119 = arith.constant 0.000000e+00 : f32
      %broadcast_in_dim3A_120 = vector.broadcast %broadcast_in_dim3A_119 : f32 to vector<16xf32>
      %swap3A_121 = arith.index_cast %add3A_71 : i32 to index
      %swap3A_122 = arith.constant 112 : index
      %swap3A_123 = tpu.vector_load %arg10[%swap3A_121, %swap3A_122] {strides = array<i32>} : memref<32x128xf32, #tpu.memory_space<vmem>>, vector<1x16xf32>,
      %swap3A_124 = vector.shape_cast %swap3A_123 : vector<1x16xf32> to vector<16xf32>
      %swap3A_125 = vector.shape_cast %broadcast_in_dim3A_120 : vector<16xf32> to vector<1x16xf32>
      tpu.vector_store %arg10[%swap3A_121, %swap3A_122], %swap3A_125 {strides = array<i32>} : memref<32x128xf32, #tpu.memory_space<vmem>>, vector<1x16xf32>,
    }
    %scan3A_10 = arith.constant 32 : i32
    %add3A_11 = arith.constant 0 : i32
    %add3A_12 = arith.addi %mul3A_6, %add3A_11 : i32
    "tpu.region"() ({
      %run_scoped3A = tpu.sem_alloc : memref<!tpu.dma_semaphore, #tpu.memory_space<semaphore_mem>>
      %dma_start3A_67 = arith.constant 0 : i32
      %dma_start3A_68 = arith.constant 0 : i32
      %dma_start3A_69 = tpu.memref_slice %arg10[%dma_start3A_67, %dma_start3A_68] : memref<32x128xf32, #tpu.memory_space<vmem>> -> memref<32x128xf32, #tpu.memory_space<vmem>>
      %dma_start3A_70 = arith.constant 0 : i32
      %dma_start3A_71 = tpu.memref_slice %arg11[%add3A_12, %dma_start3A_70] : memref<10112x128xf32, #tpu.memory_space<vmem_shared>> -> memref<32x128xf32, #tpu.memory_space<vmem_shared>>
      %dma_start3A_72 = arith.constant 0 : i32
      %dma_start3A_73 = tpu.memref_slice %arg11[%add3A_12, %dma_start3A_72] : memref<10112x128xf32, #tpu.memory_space<vmem_shared>> -> memref<32x128xf32, #tpu.memory_space<vmem_shared>>
      %dma_start3A_74 = arith.constant 0 : i32
      %dma_start3A_75 = arith.constant 0 : i32
      %dma_start3A_76 = tpu.memref_slice %arg10[%dma_start3A_74, %dma_start3A_75] : memref<32x128xf32, #tpu.memory_space<vmem>> -> memref<32x128xf32, #tpu.memory_space<vmem>>
      tpu.enqueue_dma source(%dma_start3A_76 : memref<32x128xf32, #tpu.memory_space<vmem>>) target(%dma_start3A_73 : memref<32x128xf32, #tpu.memory_space<vmem_shared>>) target_semaphore(%run_scoped3A : memref<!tpu.dma_semaphore, #tpu.memory_space<semaphore_mem>>)
      %dma_wait3A = arith.constant 0 : i32
      %dma_wait3A_77 = arith.constant 0 : i32
      %dma_wait3A_78 = tpu.memref_slice %arg10[%dma_wait3A, %dma_wait3A_77] : memref<32x128xf32, #tpu.memory_space<vmem>> -> memref<32x128xf32, #tpu.memory_space<vmem>>
      %dma_wait3A_79 = arith.constant 0 : i32
      %dma_wait3A_80 = tpu.memref_slice %arg11[%add3A_12, %dma_wait3A_79] : memref<10112x128xf32, #tpu.memory_space<vmem_shared>> -> memref<32x128xf32, #tpu.memory_space<vmem_shared>>
      %dma_wait3A_81 = arith.constant 0 : i32
      %dma_wait3A_82 = tpu.memref_slice %arg11[%add3A_12, %dma_wait3A_81] : memref<10112x128xf32, #tpu.memory_space<vmem_shared>> -> memref<32x128xf32, #tpu.memory_space<vmem_shared>>
      %dma_wait3A_83 = arith.constant 0 : i32
      %dma_wait3A_84 = arith.constant 0 : i32
      %dma_wait3A_85 = tpu.memref_slice %arg10[%dma_wait3A_83, %dma_wait3A_84] : memref<32x128xf32, #tpu.memory_space<vmem>> -> memref<32x128xf32, #tpu.memory_space<vmem>>
      tpu.wait_dma2 semaphore(%run_scoped3A : memref<!tpu.dma_semaphore, #tpu.memory_space<semaphore_mem>>) src(%dma_wait3A_85 : memref<32x128xf32, #tpu.memory_space<vmem>>) dst(%dma_wait3A_82 : memref<32x128xf32, #tpu.memory_space<vmem_shared>>)
      tpu.yield
    }) : () -> ()
    %add3A_13 = arith.constant 32 : i32
    %add3A_14 = arith.addi %mul3A_6, %add3A_13 : i32
    "tpu.region"() ({
      %run_scoped3A = tpu.sem_alloc : memref<!tpu.dma_semaphore, #tpu.memory_space<semaphore_mem>>
      %dma_start3A_67 = arith.constant 0 : i32
      %dma_start3A_68 = arith.constant 0 : i32
      %dma_start3A_69 = tpu.memref_slice %arg10[%dma_start3A_67, %dma_start3A_68] : memref<32x128xf32, #tpu.memory_space<vmem>> -> memref<32x128xf32, #tpu.memory_space<vmem>>
      %dma_start3A_70 = arith.constant 0 : i32
      %dma_start3A_71 = tpu.memref_slice %arg11[%add3A_14, %dma_start3A_70] : memref<10112x128xf32, #tpu.memory_space<vmem_shared>> -> memref<32x128xf32, #tpu.memory_space<vmem_shared>>
      %dma_start3A_72 = arith.constant 0 : i32
      %dma_start3A_73 = tpu.memref_slice %arg11[%add3A_14, %dma_start3A_72] : memref<10112x128xf32, #tpu.memory_space<vmem_shared>> -> memref<32x128xf32, #tpu.memory_space<vmem_shared>>
      %dma_start3A_74 = arith.constant 0 : i32
      %dma_start3A_75 = arith.constant 0 : i32
      %dma_start3A_76 = tpu.memref_slice %arg10[%dma_start3A_74, %dma_start3A_75] : memref<32x128xf32, #tpu.memory_space<vmem>> -> memref<32x128xf32, #tpu.memory_space<vmem>>
      tpu.enqueue_dma source(%dma_start3A_76 : memref<32x128xf32, #tpu.memory_space<vmem>>) target(%dma_start3A_73 : memref<32x128xf32, #tpu.memory_space<vmem_shared>>) target_semaphore(%run_scoped3A : memref<!tpu.dma_semaphore, #tpu.memory_space<semaphore_mem>>)
      %dma_wait3A = arith.constant 0 : i32
      %dma_wait3A_77 = arith.constant 0 : i32
      %dma_wait3A_78 = tpu.memref_slice %arg10[%dma_wait3A, %dma_wait3A_77] : memref<32x128xf32, #tpu.memory_space<vmem>> -> memref<32x128xf32, #tpu.memory_space<vmem>>
      %dma_wait3A_79 = arith.constant 0 : i32
      %dma_wait3A_80 = tpu.memref_slice %arg11[%add3A_14, %dma_wait3A_79] : memref<10112x128xf32, #tpu.memory_space<vmem_shared>> -> memref<32x128xf32, #tpu.memory_space<vmem_shared>>
      %dma_wait3A_81 = arith.constant 0 : i32
      %dma_wait3A_82 = tpu.memref_slice %arg11[%add3A_14, %dma_wait3A_81] : memref<10112x128xf32, #tpu.memory_space<vmem_shared>> -> memref<32x128xf32, #tpu.memory_space<vmem_shared>>
      %dma_wait3A_83 = arith.constant 0 : i32
      %dma_wait3A_84 = arith.constant 0 : i32
      %dma_wait3A_85 = tpu.memref_slice %arg10[%dma_wait3A_83, %dma_wait3A_84] : memref<32x128xf32, #tpu.memory_space<vmem>> -> memref<32x128xf32, #tpu.memory_space<vmem>>
      tpu.wait_dma2 semaphore(%run_scoped3A : memref<!tpu.dma_semaphore, #tpu.memory_space<semaphore_mem>>) src(%dma_wait3A_85 : memref<32x128xf32, #tpu.memory_space<vmem>>) dst(%dma_wait3A_82 : memref<32x128xf32, #tpu.memory_space<vmem_shared>>)
      tpu.yield
    }) : () -> ()
    %add3A_15 = arith.constant 64 : i32
    %add3A_16 = arith.addi %mul3A_6, %add3A_15 : i32
    "tpu.region"() ({
      %run_scoped3A = tpu.sem_alloc : memref<!tpu.dma_semaphore, #tpu.memory_space<semaphore_mem>>
      %dma_start3A_67 = arith.constant 0 : i32
      %dma_start3A_68 = arith.constant 0 : i32
      %dma_start3A_69 = tpu.memref_slice %arg10[%dma_start3A_67, %dma_start3A_68] : memref<32x128xf32, #tpu.memory_space<vmem>> -> memref<32x128xf32, #tpu.memory_space<vmem>>
      %dma_start3A_70 = arith.constant 0 : i32
      %dma_start3A_71 = tpu.memref_slice %arg11[%add3A_16, %dma_start3A_70] : memref<10112x128xf32, #tpu.memory_space<vmem_shared>> -> memref<32x128xf32, #tpu.memory_space<vmem_shared>>
      %dma_start3A_72 = arith.constant 0 : i32
      %dma_start3A_73 = tpu.memref_slice %arg11[%add3A_16, %dma_start3A_72] : memref<10112x128xf32, #tpu.memory_space<vmem_shared>> -> memref<32x128xf32, #tpu.memory_space<vmem_shared>>
      %dma_start3A_74 = arith.constant 0 : i32
      %dma_start3A_75 = arith.constant 0 : i32
      %dma_start3A_76 = tpu.memref_slice %arg10[%dma_start3A_74, %dma_start3A_75] : memref<32x128xf32, #tpu.memory_space<vmem>> -> memref<32x128xf32, #tpu.memory_space<vmem>>
      tpu.enqueue_dma source(%dma_start3A_76 : memref<32x128xf32, #tpu.memory_space<vmem>>) target(%dma_start3A_73 : memref<32x128xf32, #tpu.memory_space<vmem_shared>>) target_semaphore(%run_scoped3A : memref<!tpu.dma_semaphore, #tpu.memory_space<semaphore_mem>>)
      %dma_wait3A = arith.constant 0 : i32
      %dma_wait3A_77 = arith.constant 0 : i32
      %dma_wait3A_78 = tpu.memref_slice %arg10[%dma_wait3A, %dma_wait3A_77] : memref<32x128xf32, #tpu.memory_space<vmem>> -> memref<32x128xf32, #tpu.memory_space<vmem>>
      %dma_wait3A_79 = arith.constant 0 : i32
      %dma_wait3A_80 = tpu.memref_slice %arg11[%add3A_16, %dma_wait3A_79] : memref<10112x128xf32, #tpu.memory_space<vmem_shared>> -> memref<32x128xf32, #tpu.memory_space<vmem_shared>>
      %dma_wait3A_81 = arith.constant 0 : i32
      %dma_wait3A_82 = tpu.memref_slice %arg11[%add3A_16, %dma_wait3A_81] : memref<10112x128xf32, #tpu.memory_space<vmem_shared>> -> memref<32x128xf32, #tpu.memory_space<vmem_shared>>
      %dma_wait3A_83 = arith.constant 0 : i32
      %dma_wait3A_84 = arith.constant 0 : i32
      %dma_wait3A_85 = tpu.memref_slice %arg10[%dma_wait3A_83, %dma_wait3A_84] : memref<32x128xf32, #tpu.memory_space<vmem>> -> memref<32x128xf32, #tpu.memory_space<vmem>>
      tpu.wait_dma2 semaphore(%run_scoped3A : memref<!tpu.dma_semaphore, #tpu.memory_space<semaphore_mem>>) src(%dma_wait3A_85 : memref<32x128xf32, #tpu.memory_space<vmem>>) dst(%dma_wait3A_82 : memref<32x128xf32, #tpu.memory_space<vmem_shared>>)
      tpu.yield
    }) : () -> ()
    %add3A_17 = arith.constant 96 : i32
    %add3A_18 = arith.addi %mul3A_6, %add3A_17 : i32
    "tpu.region"() ({
      %run_scoped3A = tpu.sem_alloc : memref<!tpu.dma_semaphore, #tpu.memory_space<semaphore_mem>>
      %dma_start3A_67 = arith.constant 0 : i32
      %dma_start3A_68 = arith.constant 0 : i32
      %dma_start3A_69 = tpu.memref_slice %arg10[%dma_start3A_67, %dma_start3A_68] : memref<32x128xf32, #tpu.memory_space<vmem>> -> memref<32x128xf32, #tpu.memory_space<vmem>>
      %dma_start3A_70 = arith.constant 0 : i32
      %dma_start3A_71 = tpu.memref_slice %arg11[%add3A_18, %dma_start3A_70] : memref<10112x128xf32, #tpu.memory_space<vmem_shared>> -> memref<32x128xf32, #tpu.memory_space<vmem_shared>>
      %dma_start3A_72 = arith.constant 0 : i32
      %dma_start3A_73 = tpu.memref_slice %arg11[%add3A_18, %dma_start3A_72] : memref<10112x128xf32, #tpu.memory_space<vmem_shared>> -> memref<32x128xf32, #tpu.memory_space<vmem_shared>>
      %dma_start3A_74 = arith.constant 0 : i32
      %dma_start3A_75 = arith.constant 0 : i32
      %dma_start3A_76 = tpu.memref_slice %arg10[%dma_start3A_74, %dma_start3A_75] : memref<32x128xf32, #tpu.memory_space<vmem>> -> memref<32x128xf32, #tpu.memory_space<vmem>>
      tpu.enqueue_dma source(%dma_start3A_76 : memref<32x128xf32, #tpu.memory_space<vmem>>) target(%dma_start3A_73 : memref<32x128xf32, #tpu.memory_space<vmem_shared>>) target_semaphore(%run_scoped3A : memref<!tpu.dma_semaphore, #tpu.memory_space<semaphore_mem>>)
      %dma_wait3A = arith.constant 0 : i32
      %dma_wait3A_77 = arith.constant 0 : i32
      %dma_wait3A_78 = tpu.memref_slice %arg10[%dma_wait3A, %dma_wait3A_77] : memref<32x128xf32, #tpu.memory_space<vmem>> -> memref<32x128xf32, #tpu.memory_space<vmem>>
      %dma_wait3A_79 = arith.constant 0 : i32
      %dma_wait3A_80 = tpu.memref_slice %arg11[%add3A_18, %dma_wait3A_79] : memref<10112x128xf32, #tpu.memory_space<vmem_shared>> -> memref<32x128xf32, #tpu.memory_space<vmem_shared>>
      %dma_wait3A_81 = arith.constant 0 : i32
      %dma_wait3A_82 = tpu.memref_slice %arg11[%add3A_18, %dma_wait3A_81] : memref<10112x128xf32, #tpu.memory_space<vmem_shared>> -> memref<32x128xf32, #tpu.memory_space<vmem_shared>>
      %dma_wait3A_83 = arith.constant 0 : i32
      %dma_wait3A_84 = arith.constant 0 : i32
      %dma_wait3A_85 = tpu.memref_slice %arg10[%dma_wait3A_83, %dma_wait3A_84] : memref<32x128xf32, #tpu.memory_space<vmem>> -> memref<32x128xf32, #tpu.memory_space<vmem>>
      tpu.wait_dma2 semaphore(%run_scoped3A : memref<!tpu.dma_semaphore, #tpu.memory_space<semaphore_mem>>) src(%dma_wait3A_85 : memref<32x128xf32, #tpu.memory_space<vmem>>) dst(%dma_wait3A_82 : memref<32x128xf32, #tpu.memory_space<vmem_shared>>)
      tpu.yield
    }) : () -> ()
    %add3A_19 = arith.constant 128 : i32
    %add3A_20 = arith.addi %mul3A_6, %add3A_19 : i32
    "tpu.region"() ({
      %run_scoped3A = tpu.sem_alloc : memref<!tpu.dma_semaphore, #tpu.memory_space<semaphore_mem>>
      %dma_start3A_67 = arith.constant 0 : i32
      %dma_start3A_68 = arith.constant 0 : i32
      %dma_start3A_69 = tpu.memref_slice %arg10[%dma_start3A_67, %dma_start3A_68] : memref<32x128xf32, #tpu.memory_space<vmem>> -> memref<32x128xf32, #tpu.memory_space<vmem>>
      %dma_start3A_70 = arith.constant 0 : i32
      %dma_start3A_71 = tpu.memref_slice %arg11[%add3A_20, %dma_start3A_70] : memref<10112x128xf32, #tpu.memory_space<vmem_shared>> -> memref<32x128xf32, #tpu.memory_space<vmem_shared>>
      %dma_start3A_72 = arith.constant 0 : i32
      %dma_start3A_73 = tpu.memref_slice %arg11[%add3A_20, %dma_start3A_72] : memref<10112x128xf32, #tpu.memory_space<vmem_shared>> -> memref<32x128xf32, #tpu.memory_space<vmem_shared>>
      %dma_start3A_74 = arith.constant 0 : i32
      %dma_start3A_75 = arith.constant 0 : i32
      %dma_start3A_76 = tpu.memref_slice %arg10[%dma_start3A_74, %dma_start3A_75] : memref<32x128xf32, #tpu.memory_space<vmem>> -> memref<32x128xf32, #tpu.memory_space<vmem>>
      tpu.enqueue_dma source(%dma_start3A_76 : memref<32x128xf32, #tpu.memory_space<vmem>>) target(%dma_start3A_73 : memref<32x128xf32, #tpu.memory_space<vmem_shared>>) target_semaphore(%run_scoped3A : memref<!tpu.dma_semaphore, #tpu.memory_space<semaphore_mem>>)
      %dma_wait3A = arith.constant 0 : i32
      %dma_wait3A_77 = arith.constant 0 : i32
      %dma_wait3A_78 = tpu.memref_slice %arg10[%dma_wait3A, %dma_wait3A_77] : memref<32x128xf32, #tpu.memory_space<vmem>> -> memref<32x128xf32, #tpu.memory_space<vmem>>
      %dma_wait3A_79 = arith.constant 0 : i32
      %dma_wait3A_80 = tpu.memref_slice %arg11[%add3A_20, %dma_wait3A_79] : memref<10112x128xf32, #tpu.memory_space<vmem_shared>> -> memref<32x128xf32, #tpu.memory_space<vmem_shared>>
      %dma_wait3A_81 = arith.constant 0 : i32
      %dma_wait3A_82 = tpu.memref_slice %arg11[%add3A_20, %dma_wait3A_81] : memref<10112x128xf32, #tpu.memory_space<vmem_shared>> -> memref<32x128xf32, #tpu.memory_space<vmem_shared>>
      %dma_wait3A_83 = arith.constant 0 : i32
      %dma_wait3A_84 = arith.constant 0 : i32
      %dma_wait3A_85 = tpu.memref_slice %arg10[%dma_wait3A_83, %dma_wait3A_84] : memref<32x128xf32, #tpu.memory_space<vmem>> -> memref<32x128xf32, #tpu.memory_space<vmem>>
      tpu.wait_dma2 semaphore(%run_scoped3A : memref<!tpu.dma_semaphore, #tpu.memory_space<semaphore_mem>>) src(%dma_wait3A_85 : memref<32x128xf32, #tpu.memory_space<vmem>>) dst(%dma_wait3A_82 : memref<32x128xf32, #tpu.memory_space<vmem_shared>>)
      tpu.yield
    }) : () -> ()
    %add3A_21 = arith.constant 160 : i32
    %add3A_22 = arith.addi %mul3A_6, %add3A_21 : i32
    "tpu.region"() ({
      %run_scoped3A = tpu.sem_alloc : memref<!tpu.dma_semaphore, #tpu.memory_space<semaphore_mem>>
      %dma_start3A_67 = arith.constant 0 : i32
      %dma_start3A_68 = arith.constant 0 : i32
      %dma_start3A_69 = tpu.memref_slice %arg10[%dma_start3A_67, %dma_start3A_68] : memref<32x128xf32, #tpu.memory_space<vmem>> -> memref<32x128xf32, #tpu.memory_space<vmem>>
      %dma_start3A_70 = arith.constant 0 : i32
      %dma_start3A_71 = tpu.memref_slice %arg11[%add3A_22, %dma_start3A_70] : memref<10112x128xf32, #tpu.memory_space<vmem_shared>> -> memref<32x128xf32, #tpu.memory_space<vmem_shared>>
      %dma_start3A_72 = arith.constant 0 : i32
      %dma_start3A_73 = tpu.memref_slice %arg11[%add3A_22, %dma_start3A_72] : memref<10112x128xf32, #tpu.memory_space<vmem_shared>> -> memref<32x128xf32, #tpu.memory_space<vmem_shared>>
      %dma_start3A_74 = arith.constant 0 : i32
      %dma_start3A_75 = arith.constant 0 : i32
      %dma_start3A_76 = tpu.memref_slice %arg10[%dma_start3A_74, %dma_start3A_75] : memref<32x128xf32, #tpu.memory_space<vmem>> -> memref<32x128xf32, #tpu.memory_space<vmem>>
      tpu.enqueue_dma source(%dma_start3A_76 : memref<32x128xf32, #tpu.memory_space<vmem>>) target(%dma_start3A_73 : memref<32x128xf32, #tpu.memory_space<vmem_shared>>) target_semaphore(%run_scoped3A : memref<!tpu.dma_semaphore, #tpu.memory_space<semaphore_mem>>)
      %dma_wait3A = arith.constant 0 : i32
      %dma_wait3A_77 = arith.constant 0 : i32
      %dma_wait3A_78 = tpu.memref_slice %arg10[%dma_wait3A, %dma_wait3A_77] : memref<32x128xf32, #tpu.memory_space<vmem>> -> memref<32x128xf32, #tpu.memory_space<vmem>>
      %dma_wait3A_79 = arith.constant 0 : i32
      %dma_wait3A_80 = tpu.memref_slice %arg11[%add3A_22, %dma_wait3A_79] : memref<10112x128xf32, #tpu.memory_space<vmem_shared>> -> memref<32x128xf32, #tpu.memory_space<vmem_shared>>
      %dma_wait3A_81 = arith.constant 0 : i32
      %dma_wait3A_82 = tpu.memref_slice %arg11[%add3A_22, %dma_wait3A_81] : memref<10112x128xf32, #tpu.memory_space<vmem_shared>> -> memref<32x128xf32, #tpu.memory_space<vmem_shared>>
      %dma_wait3A_83 = arith.constant 0 : i32
      %dma_wait3A_84 = arith.constant 0 : i32
      %dma_wait3A_85 = tpu.memref_slice %arg10[%dma_wait3A_83, %dma_wait3A_84] : memref<32x128xf32, #tpu.memory_space<vmem>> -> memref<32x128xf32, #tpu.memory_space<vmem>>
      tpu.wait_dma2 semaphore(%run_scoped3A : memref<!tpu.dma_semaphore, #tpu.memory_space<semaphore_mem>>) src(%dma_wait3A_85 : memref<32x128xf32, #tpu.memory_space<vmem>>) dst(%dma_wait3A_82 : memref<32x128xf32, #tpu.memory_space<vmem_shared>>)
      tpu.yield
    }) : () -> ()
    %add3A_23 = arith.constant 192 : i32
    %add3A_24 = arith.addi %mul3A_6, %add3A_23 : i32
    "tpu.region"() ({
      %run_scoped3A = tpu.sem_alloc : memref<!tpu.dma_semaphore, #tpu.memory_space<semaphore_mem>>
      %dma_start3A_67 = arith.constant 0 : i32
      %dma_start3A_68 = arith.constant 0 : i32
      %dma_start3A_69 = tpu.memref_slice %arg10[%dma_start3A_67, %dma_start3A_68] : memref<32x128xf32, #tpu.memory_space<vmem>> -> memref<32x128xf32, #tpu.memory_space<vmem>>
      %dma_start3A_70 = arith.constant 0 : i32
      %dma_start3A_71 = tpu.memref_slice %arg11[%add3A_24, %dma_start3A_70] : memref<10112x128xf32, #tpu.memory_space<vmem_shared>> -> memref<32x128xf32, #tpu.memory_space<vmem_shared>>
      %dma_start3A_72 = arith.constant 0 : i32
      %dma_start3A_73 = tpu.memref_slice %arg11[%add3A_24, %dma_start3A_72] : memref<10112x128xf32, #tpu.memory_space<vmem_shared>> -> memref<32x128xf32, #tpu.memory_space<vmem_shared>>
      %dma_start3A_74 = arith.constant 0 : i32
      %dma_start3A_75 = arith.constant 0 : i32
      %dma_start3A_76 = tpu.memref_slice %arg10[%dma_start3A_74, %dma_start3A_75] : memref<32x128xf32, #tpu.memory_space<vmem>> -> memref<32x128xf32, #tpu.memory_space<vmem>>
      tpu.enqueue_dma source(%dma_start3A_76 : memref<32x128xf32, #tpu.memory_space<vmem>>) target(%dma_start3A_73 : memref<32x128xf32, #tpu.memory_space<vmem_shared>>) target_semaphore(%run_scoped3A : memref<!tpu.dma_semaphore, #tpu.memory_space<semaphore_mem>>)
      %dma_wait3A = arith.constant 0 : i32
      %dma_wait3A_77 = arith.constant 0 : i32
      %dma_wait3A_78 = tpu.memref_slice %arg10[%dma_wait3A, %dma_wait3A_77] : memref<32x128xf32, #tpu.memory_space<vmem>> -> memref<32x128xf32, #tpu.memory_space<vmem>>
      %dma_wait3A_79 = arith.constant 0 : i32
      %dma_wait3A_80 = tpu.memref_slice %arg11[%add3A_24, %dma_wait3A_79] : memref<10112x128xf32, #tpu.memory_space<vmem_shared>> -> memref<32x128xf32, #tpu.memory_space<vmem_shared>>
      %dma_wait3A_81 = arith.constant 0 : i32
      %dma_wait3A_82 = tpu.memref_slice %arg11[%add3A_24, %dma_wait3A_81] : memref<10112x128xf32, #tpu.memory_space<vmem_shared>> -> memref<32x128xf32, #tpu.memory_space<vmem_shared>>
      %dma_wait3A_83 = arith.constant 0 : i32
      %dma_wait3A_84 = arith.constant 0 : i32
      %dma_wait3A_85 = tpu.memref_slice %arg10[%dma_wait3A_83, %dma_wait3A_84] : memref<32x128xf32, #tpu.memory_space<vmem>> -> memref<32x128xf32, #tpu.memory_space<vmem>>
      tpu.wait_dma2 semaphore(%run_scoped3A : memref<!tpu.dma_semaphore, #tpu.memory_space<semaphore_mem>>) src(%dma_wait3A_85 : memref<32x128xf32, #tpu.memory_space<vmem>>) dst(%dma_wait3A_82 : memref<32x128xf32, #tpu.memory_space<vmem_shared>>)
      tpu.yield
    }) : () -> ()
    %add3A_25 = arith.constant 224 : i32
    %add3A_26 = arith.addi %mul3A_6, %add3A_25 : i32
    "tpu.region"() ({
      %run_scoped3A = tpu.sem_alloc : memref<!tpu.dma_semaphore, #tpu.memory_space<semaphore_mem>>
      %dma_start3A_67 = arith.constant 0 : i32
      %dma_start3A_68 = arith.constant 0 : i32
      %dma_start3A_69 = tpu.memref_slice %arg10[%dma_start3A_67, %dma_start3A_68] : memref<32x128xf32, #tpu.memory_space<vmem>> -> memref<32x128xf32, #tpu.memory_space<vmem>>
      %dma_start3A_70 = arith.constant 0 : i32
      %dma_start3A_71 = tpu.memref_slice %arg11[%add3A_26, %dma_start3A_70] : memref<10112x128xf32, #tpu.memory_space<vmem_shared>> -> memref<32x128xf32, #tpu.memory_space<vmem_shared>>
      %dma_start3A_72 = arith.constant 0 : i32
      %dma_start3A_73 = tpu.memref_slice %arg11[%add3A_26, %dma_start3A_72] : memref<10112x128xf32, #tpu.memory_space<vmem_shared>> -> memref<32x128xf32, #tpu.memory_space<vmem_shared>>
      %dma_start3A_74 = arith.constant 0 : i32
      %dma_start3A_75 = arith.constant 0 : i32
      %dma_start3A_76 = tpu.memref_slice %arg10[%dma_start3A_74, %dma_start3A_75] : memref<32x128xf32, #tpu.memory_space<vmem>> -> memref<32x128xf32, #tpu.memory_space<vmem>>
      tpu.enqueue_dma source(%dma_start3A_76 : memref<32x128xf32, #tpu.memory_space<vmem>>) target(%dma_start3A_73 : memref<32x128xf32, #tpu.memory_space<vmem_shared>>) target_semaphore(%run_scoped3A : memref<!tpu.dma_semaphore, #tpu.memory_space<semaphore_mem>>)
      %dma_wait3A = arith.constant 0 : i32
      %dma_wait3A_77 = arith.constant 0 : i32
      %dma_wait3A_78 = tpu.memref_slice %arg10[%dma_wait3A, %dma_wait3A_77] : memref<32x128xf32, #tpu.memory_space<vmem>> -> memref<32x128xf32, #tpu.memory_space<vmem>>
      %dma_wait3A_79 = arith.constant 0 : i32
      %dma_wait3A_80 = tpu.memref_slice %arg11[%add3A_26, %dma_wait3A_79] : memref<10112x128xf32, #tpu.memory_space<vmem_shared>> -> memref<32x128xf32, #tpu.memory_space<vmem_shared>>
      %dma_wait3A_81 = arith.constant 0 : i32
      %dma_wait3A_82 = tpu.memref_slice %arg11[%add3A_26, %dma_wait3A_81] : memref<10112x128xf32, #tpu.memory_space<vmem_shared>> -> memref<32x128xf32, #tpu.memory_space<vmem_shared>>
      %dma_wait3A_83 = arith.constant 0 : i32
      %dma_wait3A_84 = arith.constant 0 : i32
      %dma_wait3A_85 = tpu.memref_slice %arg10[%dma_wait3A_83, %dma_wait3A_84] : memref<32x128xf32, #tpu.memory_space<vmem>> -> memref<32x128xf32, #tpu.memory_space<vmem>>
      tpu.wait_dma2 semaphore(%run_scoped3A : memref<!tpu.dma_semaphore, #tpu.memory_space<semaphore_mem>>) src(%dma_wait3A_85 : memref<32x128xf32, #tpu.memory_space<vmem>>) dst(%dma_wait3A_82 : memref<32x128xf32, #tpu.memory_space<vmem_shared>>)
      tpu.yield
    }) : () -> ()
    %add3A_27 = arith.constant 256 : i32
    %add3A_28 = arith.addi %mul3A_6, %add3A_27 : i32
    "tpu.region"() ({
      %run_scoped3A = tpu.sem_alloc : memref<!tpu.dma_semaphore, #tpu.memory_space<semaphore_mem>>
      %dma_start3A_67 = arith.constant 0 : i32
      %dma_start3A_68 = arith.constant 0 : i32
      %dma_start3A_69 = tpu.memref_slice %arg10[%dma_start3A_67, %dma_start3A_68] : memref<32x128xf32, #tpu.memory_space<vmem>> -> memref<32x128xf32, #tpu.memory_space<vmem>>
      %dma_start3A_70 = arith.constant 0 : i32
      %dma_start3A_71 = tpu.memref_slice %arg11[%add3A_28, %dma_start3A_70] : memref<10112x128xf32, #tpu.memory_space<vmem_shared>> -> memref<32x128xf32, #tpu.memory_space<vmem_shared>>
      %dma_start3A_72 = arith.constant 0 : i32
      %dma_start3A_73 = tpu.memref_slice %arg11[%add3A_28, %dma_start3A_72] : memref<10112x128xf32, #tpu.memory_space<vmem_shared>> -> memref<32x128xf32, #tpu.memory_space<vmem_shared>>
      %dma_start3A_74 = arith.constant 0 : i32
      %dma_start3A_75 = arith.constant 0 : i32
      %dma_start3A_76 = tpu.memref_slice %arg10[%dma_start3A_74, %dma_start3A_75] : memref<32x128xf32, #tpu.memory_space<vmem>> -> memref<32x128xf32, #tpu.memory_space<vmem>>
      tpu.enqueue_dma source(%dma_start3A_76 : memref<32x128xf32, #tpu.memory_space<vmem>>) target(%dma_start3A_73 : memref<32x128xf32, #tpu.memory_space<vmem_shared>>) target_semaphore(%run_scoped3A : memref<!tpu.dma_semaphore, #tpu.memory_space<semaphore_mem>>)
      %dma_wait3A = arith.constant 0 : i32
      %dma_wait3A_77 = arith.constant 0 : i32
      %dma_wait3A_78 = tpu.memref_slice %arg10[%dma_wait3A, %dma_wait3A_77] : memref<32x128xf32, #tpu.memory_space<vmem>> -> memref<32x128xf32, #tpu.memory_space<vmem>>
      %dma_wait3A_79 = arith.constant 0 : i32
      %dma_wait3A_80 = tpu.memref_slice %arg11[%add3A_28, %dma_wait3A_79] : memref<10112x128xf32, #tpu.memory_space<vmem_shared>> -> memref<32x128xf32, #tpu.memory_space<vmem_shared>>
      %dma_wait3A_81 = arith.constant 0 : i32
      %dma_wait3A_82 = tpu.memref_slice %arg11[%add3A_28, %dma_wait3A_81] : memref<10112x128xf32, #tpu.memory_space<vmem_shared>> -> memref<32x128xf32, #tpu.memory_space<vmem_shared>>
      %dma_wait3A_83 = arith.constant 0 : i32
      %dma_wait3A_84 = arith.constant 0 : i32
      %dma_wait3A_85 = tpu.memref_slice %arg10[%dma_wait3A_83, %dma_wait3A_84] : memref<32x128xf32, #tpu.memory_space<vmem>> -> memref<32x128xf32, #tpu.memory_space<vmem>>
      tpu.wait_dma2 semaphore(%run_scoped3A : memref<!tpu.dma_semaphore, #tpu.memory_space<semaphore_mem>>) src(%dma_wait3A_85 : memref<32x128xf32, #tpu.memory_space<vmem>>) dst(%dma_wait3A_82 : memref<32x128xf32, #tpu.memory_space<vmem_shared>>)
      tpu.yield
    }) : () -> ()
    %add3A_29 = arith.constant 288 : i32
    %add3A_30 = arith.addi %mul3A_6, %add3A_29 : i32
    "tpu.region"() ({
      %run_scoped3A = tpu.sem_alloc : memref<!tpu.dma_semaphore, #tpu.memory_space<semaphore_mem>>
      %dma_start3A_67 = arith.constant 0 : i32
      %dma_start3A_68 = arith.constant 0 : i32
      %dma_start3A_69 = tpu.memref_slice %arg10[%dma_start3A_67, %dma_start3A_68] : memref<32x128xf32, #tpu.memory_space<vmem>> -> memref<32x128xf32, #tpu.memory_space<vmem>>
      %dma_start3A_70 = arith.constant 0 : i32
      %dma_start3A_71 = tpu.memref_slice %arg11[%add3A_30, %dma_start3A_70] : memref<10112x128xf32, #tpu.memory_space<vmem_shared>> -> memref<32x128xf32, #tpu.memory_space<vmem_shared>>
      %dma_start3A_72 = arith.constant 0 : i32
      %dma_start3A_73 = tpu.memref_slice %arg11[%add3A_30, %dma_start3A_72] : memref<10112x128xf32, #tpu.memory_space<vmem_shared>> -> memref<32x128xf32, #tpu.memory_space<vmem_shared>>
      %dma_start3A_74 = arith.constant 0 : i32
      %dma_start3A_75 = arith.constant 0 : i32
      %dma_start3A_76 = tpu.memref_slice %arg10[%dma_start3A_74, %dma_start3A_75] : memref<32x128xf32, #tpu.memory_space<vmem>> -> memref<32x128xf32, #tpu.memory_space<vmem>>
      tpu.enqueue_dma source(%dma_start3A_76 : memref<32x128xf32, #tpu.memory_space<vmem>>) target(%dma_start3A_73 : memref<32x128xf32, #tpu.memory_space<vmem_shared>>) target_semaphore(%run_scoped3A : memref<!tpu.dma_semaphore, #tpu.memory_space<semaphore_mem>>)
      %dma_wait3A = arith.constant 0 : i32
      %dma_wait3A_77 = arith.constant 0 : i32
      %dma_wait3A_78 = tpu.memref_slice %arg10[%dma_wait3A, %dma_wait3A_77] : memref<32x128xf32, #tpu.memory_space<vmem>> -> memref<32x128xf32, #tpu.memory_space<vmem>>
      %dma_wait3A_79 = arith.constant 0 : i32
      %dma_wait3A_80 = tpu.memref_slice %arg11[%add3A_30, %dma_wait3A_79] : memref<10112x128xf32, #tpu.memory_space<vmem_shared>> -> memref<32x128xf32, #tpu.memory_space<vmem_shared>>
      %dma_wait3A_81 = arith.constant 0 : i32
      %dma_wait3A_82 = tpu.memref_slice %arg11[%add3A_30, %dma_wait3A_81] : memref<10112x128xf32, #tpu.memory_space<vmem_shared>> -> memref<32x128xf32, #tpu.memory_space<vmem_shared>>
      %dma_wait3A_83 = arith.constant 0 : i32
      %dma_wait3A_84 = arith.constant 0 : i32
      %dma_wait3A_85 = tpu.memref_slice %arg10[%dma_wait3A_83, %dma_wait3A_84] : memref<32x128xf32, #tpu.memory_space<vmem>> -> memref<32x128xf32, #tpu.memory_space<vmem>>
      tpu.wait_dma2 semaphore(%run_scoped3A : memref<!tpu.dma_semaphore, #tpu.memory_space<semaphore_mem>>) src(%dma_wait3A_85 : memref<32x128xf32, #tpu.memory_space<vmem>>) dst(%dma_wait3A_82 : memref<32x128xf32, #tpu.memory_space<vmem_shared>>)
      tpu.yield
    }) : () -> ()
    %add3A_31 = arith.constant 320 : i32
    %add3A_32 = arith.addi %mul3A_6, %add3A_31 : i32
    "tpu.region"() ({
      %run_scoped3A = tpu.sem_alloc : memref<!tpu.dma_semaphore, #tpu.memory_space<semaphore_mem>>
      %dma_start3A_67 = arith.constant 0 : i32
      %dma_start3A_68 = arith.constant 0 : i32
      %dma_start3A_69 = tpu.memref_slice %arg10[%dma_start3A_67, %dma_start3A_68] : memref<32x128xf32, #tpu.memory_space<vmem>> -> memref<32x128xf32, #tpu.memory_space<vmem>>
      %dma_start3A_70 = arith.constant 0 : i32
      %dma_start3A_71 = tpu.memref_slice %arg11[%add3A_32, %dma_start3A_70] : memref<10112x128xf32, #tpu.memory_space<vmem_shared>> -> memref<32x128xf32, #tpu.memory_space<vmem_shared>>
      %dma_start3A_72 = arith.constant 0 : i32
      %dma_start3A_73 = tpu.memref_slice %arg11[%add3A_32, %dma_start3A_72] : memref<10112x128xf32, #tpu.memory_space<vmem_shared>> -> memref<32x128xf32, #tpu.memory_space<vmem_shared>>
      %dma_start3A_74 = arith.constant 0 : i32
      %dma_start3A_75 = arith.constant 0 : i32
      %dma_start3A_76 = tpu.memref_slice %arg10[%dma_start3A_74, %dma_start3A_75] : memref<32x128xf32, #tpu.memory_space<vmem>> -> memref<32x128xf32, #tpu.memory_space<vmem>>
      tpu.enqueue_dma source(%dma_start3A_76 : memref<32x128xf32, #tpu.memory_space<vmem>>) target(%dma_start3A_73 : memref<32x128xf32, #tpu.memory_space<vmem_shared>>) target_semaphore(%run_scoped3A : memref<!tpu.dma_semaphore, #tpu.memory_space<semaphore_mem>>)
      %dma_wait3A = arith.constant 0 : i32
      %dma_wait3A_77 = arith.constant 0 : i32
      %dma_wait3A_78 = tpu.memref_slice %arg10[%dma_wait3A, %dma_wait3A_77] : memref<32x128xf32, #tpu.memory_space<vmem>> -> memref<32x128xf32, #tpu.memory_space<vmem>>
      %dma_wait3A_79 = arith.constant 0 : i32
      %dma_wait3A_80 = tpu.memref_slice %arg11[%add3A_32, %dma_wait3A_79] : memref<10112x128xf32, #tpu.memory_space<vmem_shared>> -> memref<32x128xf32, #tpu.memory_space<vmem_shared>>
      %dma_wait3A_81 = arith.constant 0 : i32
      %dma_wait3A_82 = tpu.memref_slice %arg11[%add3A_32, %dma_wait3A_81] : memref<10112x128xf32, #tpu.memory_space<vmem_shared>> -> memref<32x128xf32, #tpu.memory_space<vmem_shared>>
      %dma_wait3A_83 = arith.constant 0 : i32
      %dma_wait3A_84 = arith.constant 0 : i32
      %dma_wait3A_85 = tpu.memref_slice %arg10[%dma_wait3A_83, %dma_wait3A_84] : memref<32x128xf32, #tpu.memory_space<vmem>> -> memref<32x128xf32, #tpu.memory_space<vmem>>
      tpu.wait_dma2 semaphore(%run_scoped3A : memref<!tpu.dma_semaphore, #tpu.memory_space<semaphore_mem>>) src(%dma_wait3A_85 : memref<32x128xf32, #tpu.memory_space<vmem>>) dst(%dma_wait3A_82 : memref<32x128xf32, #tpu.memory_space<vmem_shared>>)
      tpu.yield
    }) : () -> ()
    %add3A_33 = arith.constant 352 : i32
    %add3A_34 = arith.addi %mul3A_6, %add3A_33 : i32
    "tpu.region"() ({
      %run_scoped3A = tpu.sem_alloc : memref<!tpu.dma_semaphore, #tpu.memory_space<semaphore_mem>>
      %dma_start3A_67 = arith.constant 0 : i32
      %dma_start3A_68 = arith.constant 0 : i32
      %dma_start3A_69 = tpu.memref_slice %arg10[%dma_start3A_67, %dma_start3A_68] : memref<32x128xf32, #tpu.memory_space<vmem>> -> memref<32x128xf32, #tpu.memory_space<vmem>>
      %dma_start3A_70 = arith.constant 0 : i32
      %dma_start3A_71 = tpu.memref_slice %arg11[%add3A_34, %dma_start3A_70] : memref<10112x128xf32, #tpu.memory_space<vmem_shared>> -> memref<32x128xf32, #tpu.memory_space<vmem_shared>>
      %dma_start3A_72 = arith.constant 0 : i32
      %dma_start3A_73 = tpu.memref_slice %arg11[%add3A_34, %dma_start3A_72] : memref<10112x128xf32, #tpu.memory_space<vmem_shared>> -> memref<32x128xf32, #tpu.memory_space<vmem_shared>>
      %dma_start3A_74 = arith.constant 0 : i32
      %dma_start3A_75 = arith.constant 0 : i32
      %dma_start3A_76 = tpu.memref_slice %arg10[%dma_start3A_74, %dma_start3A_75] : memref<32x128xf32, #tpu.memory_space<vmem>> -> memref<32x128xf32, #tpu.memory_space<vmem>>
      tpu.enqueue_dma source(%dma_start3A_76 : memref<32x128xf32, #tpu.memory_space<vmem>>) target(%dma_start3A_73 : memref<32x128xf32, #tpu.memory_space<vmem_shared>>) target_semaphore(%run_scoped3A : memref<!tpu.dma_semaphore, #tpu.memory_space<semaphore_mem>>)
      %dma_wait3A = arith.constant 0 : i32
      %dma_wait3A_77 = arith.constant 0 : i32
      %dma_wait3A_78 = tpu.memref_slice %arg10[%dma_wait3A, %dma_wait3A_77] : memref<32x128xf32, #tpu.memory_space<vmem>> -> memref<32x128xf32, #tpu.memory_space<vmem>>
      %dma_wait3A_79 = arith.constant 0 : i32
      %dma_wait3A_80 = tpu.memref_slice %arg11[%add3A_34, %dma_wait3A_79] : memref<10112x128xf32, #tpu.memory_space<vmem_shared>> -> memref<32x128xf32, #tpu.memory_space<vmem_shared>>
      %dma_wait3A_81 = arith.constant 0 : i32
      %dma_wait3A_82 = tpu.memref_slice %arg11[%add3A_34, %dma_wait3A_81] : memref<10112x128xf32, #tpu.memory_space<vmem_shared>> -> memref<32x128xf32, #tpu.memory_space<vmem_shared>>
      %dma_wait3A_83 = arith.constant 0 : i32
      %dma_wait3A_84 = arith.constant 0 : i32
      %dma_wait3A_85 = tpu.memref_slice %arg10[%dma_wait3A_83, %dma_wait3A_84] : memref<32x128xf32, #tpu.memory_space<vmem>> -> memref<32x128xf32, #tpu.memory_space<vmem>>
      tpu.wait_dma2 semaphore(%run_scoped3A : memref<!tpu.dma_semaphore, #tpu.memory_space<semaphore_mem>>) src(%dma_wait3A_85 : memref<32x128xf32, #tpu.memory_space<vmem>>) dst(%dma_wait3A_82 : memref<32x128xf32, #tpu.memory_space<vmem_shared>>)
      tpu.yield
    }) : () -> ()
    %add3A_35 = arith.constant 384 : i32
    %add3A_36 = arith.addi %mul3A_6, %add3A_35 : i32
    "tpu.region"() ({
      %run_scoped3A = tpu.sem_alloc : memref<!tpu.dma_semaphore, #tpu.memory_space<semaphore_mem>>
      %dma_start3A_67 = arith.constant 0 : i32
      %dma_start3A_68 = arith.constant 0 : i32
      %dma_start3A_69 = tpu.memref_slice %arg10[%dma_start3A_67, %dma_start3A_68] : memref<32x128xf32, #tpu.memory_space<vmem>> -> memref<32x128xf32, #tpu.memory_space<vmem>>
      %dma_start3A_70 = arith.constant 0 : i32
      %dma_start3A_71 = tpu.memref_slice %arg11[%add3A_36, %dma_start3A_70] : memref<10112x128xf32, #tpu.memory_space<vmem_shared>> -> memref<32x128xf32, #tpu.memory_space<vmem_shared>>
      %dma_start3A_72 = arith.constant 0 : i32
      %dma_start3A_73 = tpu.memref_slice %arg11[%add3A_36, %dma_start3A_72] : memref<10112x128xf32, #tpu.memory_space<vmem_shared>> -> memref<32x128xf32, #tpu.memory_space<vmem_shared>>
      %dma_start3A_74 = arith.constant 0 : i32
      %dma_start3A_75 = arith.constant 0 : i32
      %dma_start3A_76 = tpu.memref_slice %arg10[%dma_start3A_74, %dma_start3A_75] : memref<32x128xf32, #tpu.memory_space<vmem>> -> memref<32x128xf32, #tpu.memory_space<vmem>>
      tpu.enqueue_dma source(%dma_start3A_76 : memref<32x128xf32, #tpu.memory_space<vmem>>) target(%dma_start3A_73 : memref<32x128xf32, #tpu.memory_space<vmem_shared>>) target_semaphore(%run_scoped3A : memref<!tpu.dma_semaphore, #tpu.memory_space<semaphore_mem>>)
      %dma_wait3A = arith.constant 0 : i32
      %dma_wait3A_77 = arith.constant 0 : i32
      %dma_wait3A_78 = tpu.memref_slice %arg10[%dma_wait3A, %dma_wait3A_77] : memref<32x128xf32, #tpu.memory_space<vmem>> -> memref<32x128xf32, #tpu.memory_space<vmem>>
      %dma_wait3A_79 = arith.constant 0 : i32
      %dma_wait3A_80 = tpu.memref_slice %arg11[%add3A_36, %dma_wait3A_79] : memref<10112x128xf32, #tpu.memory_space<vmem_shared>> -> memref<32x128xf32, #tpu.memory_space<vmem_shared>>
      %dma_wait3A_81 = arith.constant 0 : i32
      %dma_wait3A_82 = tpu.memref_slice %arg11[%add3A_36, %dma_wait3A_81] : memref<10112x128xf32, #tpu.memory_space<vmem_shared>> -> memref<32x128xf32, #tpu.memory_space<vmem_shared>>
      %dma_wait3A_83 = arith.constant 0 : i32
      %dma_wait3A_84 = arith.constant 0 : i32
      %dma_wait3A_85 = tpu.memref_slice %arg10[%dma_wait3A_83, %dma_wait3A_84] : memref<32x128xf32, #tpu.memory_space<vmem>> -> memref<32x128xf32, #tpu.memory_space<vmem>>
      tpu.wait_dma2 semaphore(%run_scoped3A : memref<!tpu.dma_semaphore, #tpu.memory_space<semaphore_mem>>) src(%dma_wait3A_85 : memref<32x128xf32, #tpu.memory_space<vmem>>) dst(%dma_wait3A_82 : memref<32x128xf32, #tpu.memory_space<vmem_shared>>)
      tpu.yield
    }) : () -> ()
    %add3A_37 = arith.constant 416 : i32
    %add3A_38 = arith.addi %mul3A_6, %add3A_37 : i32
    "tpu.region"() ({
      %run_scoped3A = tpu.sem_alloc : memref<!tpu.dma_semaphore, #tpu.memory_space<semaphore_mem>>
      %dma_start3A_67 = arith.constant 0 : i32
      %dma_start3A_68 = arith.constant 0 : i32
      %dma_start3A_69 = tpu.memref_slice %arg10[%dma_start3A_67, %dma_start3A_68] : memref<32x128xf32, #tpu.memory_space<vmem>> -> memref<32x128xf32, #tpu.memory_space<vmem>>
      %dma_start3A_70 = arith.constant 0 : i32
      %dma_start3A_71 = tpu.memref_slice %arg11[%add3A_38, %dma_start3A_70] : memref<10112x128xf32, #tpu.memory_space<vmem_shared>> -> memref<32x128xf32, #tpu.memory_space<vmem_shared>>
      %dma_start3A_72 = arith.constant 0 : i32
      %dma_start3A_73 = tpu.memref_slice %arg11[%add3A_38, %dma_start3A_72] : memref<10112x128xf32, #tpu.memory_space<vmem_shared>> -> memref<32x128xf32, #tpu.memory_space<vmem_shared>>
      %dma_start3A_74 = arith.constant 0 : i32
      %dma_start3A_75 = arith.constant 0 : i32
      %dma_start3A_76 = tpu.memref_slice %arg10[%dma_start3A_74, %dma_start3A_75] : memref<32x128xf32, #tpu.memory_space<vmem>> -> memref<32x128xf32, #tpu.memory_space<vmem>>
      tpu.enqueue_dma source(%dma_start3A_76 : memref<32x128xf32, #tpu.memory_space<vmem>>) target(%dma_start3A_73 : memref<32x128xf32, #tpu.memory_space<vmem_shared>>) target_semaphore(%run_scoped3A : memref<!tpu.dma_semaphore, #tpu.memory_space<semaphore_mem>>)
      %dma_wait3A = arith.constant 0 : i32
      %dma_wait3A_77 = arith.constant 0 : i32
      %dma_wait3A_78 = tpu.memref_slice %arg10[%dma_wait3A, %dma_wait3A_77] : memref<32x128xf32, #tpu.memory_space<vmem>> -> memref<32x128xf32, #tpu.memory_space<vmem>>
      %dma_wait3A_79 = arith.constant 0 : i32
      %dma_wait3A_80 = tpu.memref_slice %arg11[%add3A_38, %dma_wait3A_79] : memref<10112x128xf32, #tpu.memory_space<vmem_shared>> -> memref<32x128xf32, #tpu.memory_space<vmem_shared>>
      %dma_wait3A_81 = arith.constant 0 : i32
      %dma_wait3A_82 = tpu.memref_slice %arg11[%add3A_38, %dma_wait3A_81] : memref<10112x128xf32, #tpu.memory_space<vmem_shared>> -> memref<32x128xf32, #tpu.memory_space<vmem_shared>>
      %dma_wait3A_83 = arith.constant 0 : i32
      %dma_wait3A_84 = arith.constant 0 : i32
      %dma_wait3A_85 = tpu.memref_slice %arg10[%dma_wait3A_83, %dma_wait3A_84] : memref<32x128xf32, #tpu.memory_space<vmem>> -> memref<32x128xf32, #tpu.memory_space<vmem>>
      tpu.wait_dma2 semaphore(%run_scoped3A : memref<!tpu.dma_semaphore, #tpu.memory_space<semaphore_mem>>) src(%dma_wait3A_85 : memref<32x128xf32, #tpu.memory_space<vmem>>) dst(%dma_wait3A_82 : memref<32x128xf32, #tpu.memory_space<vmem_shared>>)
      tpu.yield
    }) : () -> ()
    %add3A_39 = arith.constant 448 : i32
    %add3A_40 = arith.addi %mul3A_6, %add3A_39 : i32
    "tpu.region"() ({
      %run_scoped3A = tpu.sem_alloc : memref<!tpu.dma_semaphore, #tpu.memory_space<semaphore_mem>>
      %dma_start3A_67 = arith.constant 0 : i32
      %dma_start3A_68 = arith.constant 0 : i32
      %dma_start3A_69 = tpu.memref_slice %arg10[%dma_start3A_67, %dma_start3A_68] : memref<32x128xf32, #tpu.memory_space<vmem>> -> memref<32x128xf32, #tpu.memory_space<vmem>>
      %dma_start3A_70 = arith.constant 0 : i32
      %dma_start3A_71 = tpu.memref_slice %arg11[%add3A_40, %dma_start3A_70] : memref<10112x128xf32, #tpu.memory_space<vmem_shared>> -> memref<32x128xf32, #tpu.memory_space<vmem_shared>>
      %dma_start3A_72 = arith.constant 0 : i32
      %dma_start3A_73 = tpu.memref_slice %arg11[%add3A_40, %dma_start3A_72] : memref<10112x128xf32, #tpu.memory_space<vmem_shared>> -> memref<32x128xf32, #tpu.memory_space<vmem_shared>>
      %dma_start3A_74 = arith.constant 0 : i32
      %dma_start3A_75 = arith.constant 0 : i32
      %dma_start3A_76 = tpu.memref_slice %arg10[%dma_start3A_74, %dma_start3A_75] : memref<32x128xf32, #tpu.memory_space<vmem>> -> memref<32x128xf32, #tpu.memory_space<vmem>>
      tpu.enqueue_dma source(%dma_start3A_76 : memref<32x128xf32, #tpu.memory_space<vmem>>) target(%dma_start3A_73 : memref<32x128xf32, #tpu.memory_space<vmem_shared>>) target_semaphore(%run_scoped3A : memref<!tpu.dma_semaphore, #tpu.memory_space<semaphore_mem>>)
      %dma_wait3A = arith.constant 0 : i32
      %dma_wait3A_77 = arith.constant 0 : i32
      %dma_wait3A_78 = tpu.memref_slice %arg10[%dma_wait3A, %dma_wait3A_77] : memref<32x128xf32, #tpu.memory_space<vmem>> -> memref<32x128xf32, #tpu.memory_space<vmem>>
      %dma_wait3A_79 = arith.constant 0 : i32
      %dma_wait3A_80 = tpu.memref_slice %arg11[%add3A_40, %dma_wait3A_79] : memref<10112x128xf32, #tpu.memory_space<vmem_shared>> -> memref<32x128xf32, #tpu.memory_space<vmem_shared>>
      %dma_wait3A_81 = arith.constant 0 : i32
      %dma_wait3A_82 = tpu.memref_slice %arg11[%add3A_40, %dma_wait3A_81] : memref<10112x128xf32, #tpu.memory_space<vmem_shared>> -> memref<32x128xf32, #tpu.memory_space<vmem_shared>>
      %dma_wait3A_83 = arith.constant 0 : i32
      %dma_wait3A_84 = arith.constant 0 : i32
      %dma_wait3A_85 = tpu.memref_slice %arg10[%dma_wait3A_83, %dma_wait3A_84] : memref<32x128xf32, #tpu.memory_space<vmem>> -> memref<32x128xf32, #tpu.memory_space<vmem>>
      tpu.wait_dma2 semaphore(%run_scoped3A : memref<!tpu.dma_semaphore, #tpu.memory_space<semaphore_mem>>) src(%dma_wait3A_85 : memref<32x128xf32, #tpu.memory_space<vmem>>) dst(%dma_wait3A_82 : memref<32x128xf32, #tpu.memory_space<vmem_shared>>)
      tpu.yield
    }) : () -> ()
    %add3A_41 = arith.constant 480 : i32
    %add3A_42 = arith.addi %mul3A_6, %add3A_41 : i32
    "tpu.region"() ({
      %run_scoped3A = tpu.sem_alloc : memref<!tpu.dma_semaphore, #tpu.memory_space<semaphore_mem>>
      %dma_start3A_67 = arith.constant 0 : i32
      %dma_start3A_68 = arith.constant 0 : i32
      %dma_start3A_69 = tpu.memref_slice %arg10[%dma_start3A_67, %dma_start3A_68] : memref<32x128xf32, #tpu.memory_space<vmem>> -> memref<32x128xf32, #tpu.memory_space<vmem>>
      %dma_start3A_70 = arith.constant 0 : i32
      %dma_start3A_71 = tpu.memref_slice %arg11[%add3A_42, %dma_start3A_70] : memref<10112x128xf32, #tpu.memory_space<vmem_shared>> -> memref<32x128xf32, #tpu.memory_space<vmem_shared>>
      %dma_start3A_72 = arith.constant 0 : i32
      %dma_start3A_73 = tpu.memref_slice %arg11[%add3A_42, %dma_start3A_72] : memref<10112x128xf32, #tpu.memory_space<vmem_shared>> -> memref<32x128xf32, #tpu.memory_space<vmem_shared>>
      %dma_start3A_74 = arith.constant 0 : i32
      %dma_start3A_75 = arith.constant 0 : i32
      %dma_start3A_76 = tpu.memref_slice %arg10[%dma_start3A_74, %dma_start3A_75] : memref<32x128xf32, #tpu.memory_space<vmem>> -> memref<32x128xf32, #tpu.memory_space<vmem>>
      tpu.enqueue_dma source(%dma_start3A_76 : memref<32x128xf32, #tpu.memory_space<vmem>>) target(%dma_start3A_73 : memref<32x128xf32, #tpu.memory_space<vmem_shared>>) target_semaphore(%run_scoped3A : memref<!tpu.dma_semaphore, #tpu.memory_space<semaphore_mem>>)
      %dma_wait3A = arith.constant 0 : i32
      %dma_wait3A_77 = arith.constant 0 : i32
      %dma_wait3A_78 = tpu.memref_slice %arg10[%dma_wait3A, %dma_wait3A_77] : memref<32x128xf32, #tpu.memory_space<vmem>> -> memref<32x128xf32, #tpu.memory_space<vmem>>
      %dma_wait3A_79 = arith.constant 0 : i32
      %dma_wait3A_80 = tpu.memref_slice %arg11[%add3A_42, %dma_wait3A_79] : memref<10112x128xf32, #tpu.memory_space<vmem_shared>> -> memref<32x128xf32, #tpu.memory_space<vmem_shared>>
      %dma_wait3A_81 = arith.constant 0 : i32
      %dma_wait3A_82 = tpu.memref_slice %arg11[%add3A_42, %dma_wait3A_81] : memref<10112x128xf32, #tpu.memory_space<vmem_shared>> -> memref<32x128xf32, #tpu.memory_space<vmem_shared>>
      %dma_wait3A_83 = arith.constant 0 : i32
      %dma_wait3A_84 = arith.constant 0 : i32
      %dma_wait3A_85 = tpu.memref_slice %arg10[%dma_wait3A_83, %dma_wait3A_84] : memref<32x128xf32, #tpu.memory_space<vmem>> -> memref<32x128xf32, #tpu.memory_space<vmem>>
      tpu.wait_dma2 semaphore(%run_scoped3A : memref<!tpu.dma_semaphore, #tpu.memory_space<semaphore_mem>>) src(%dma_wait3A_85 : memref<32x128xf32, #tpu.memory_space<vmem>>) dst(%dma_wait3A_82 : memref<32x128xf32, #tpu.memory_space<vmem_shared>>)
      tpu.yield
    }) : () -> ()
    %add3A_43 = arith.constant 512 : i32
    %add3A_44 = arith.addi %mul3A_6, %add3A_43 : i32
    "tpu.region"() ({
      %run_scoped3A = tpu.sem_alloc : memref<!tpu.dma_semaphore, #tpu.memory_space<semaphore_mem>>
      %dma_start3A_67 = arith.constant 0 : i32
      %dma_start3A_68 = arith.constant 0 : i32
      %dma_start3A_69 = tpu.memref_slice %arg10[%dma_start3A_67, %dma_start3A_68] : memref<32x128xf32, #tpu.memory_space<vmem>> -> memref<32x128xf32, #tpu.memory_space<vmem>>
      %dma_start3A_70 = arith.constant 0 : i32
      %dma_start3A_71 = tpu.memref_slice %arg11[%add3A_44, %dma_start3A_70] : memref<10112x128xf32, #tpu.memory_space<vmem_shared>> -> memref<32x128xf32, #tpu.memory_space<vmem_shared>>
      %dma_start3A_72 = arith.constant 0 : i32
      %dma_start3A_73 = tpu.memref_slice %arg11[%add3A_44, %dma_start3A_72] : memref<10112x128xf32, #tpu.memory_space<vmem_shared>> -> memref<32x128xf32, #tpu.memory_space<vmem_shared>>
      %dma_start3A_74 = arith.constant 0 : i32
      %dma_start3A_75 = arith.constant 0 : i32
      %dma_start3A_76 = tpu.memref_slice %arg10[%dma_start3A_74, %dma_start3A_75] : memref<32x128xf32, #tpu.memory_space<vmem>> -> memref<32x128xf32, #tpu.memory_space<vmem>>
      tpu.enqueue_dma source(%dma_start3A_76 : memref<32x128xf32, #tpu.memory_space<vmem>>) target(%dma_start3A_73 : memref<32x128xf32, #tpu.memory_space<vmem_shared>>) target_semaphore(%run_scoped3A : memref<!tpu.dma_semaphore, #tpu.memory_space<semaphore_mem>>)
      %dma_wait3A = arith.constant 0 : i32
      %dma_wait3A_77 = arith.constant 0 : i32
      %dma_wait3A_78 = tpu.memref_slice %arg10[%dma_wait3A, %dma_wait3A_77] : memref<32x128xf32, #tpu.memory_space<vmem>> -> memref<32x128xf32, #tpu.memory_space<vmem>>
      %dma_wait3A_79 = arith.constant 0 : i32
      %dma_wait3A_80 = tpu.memref_slice %arg11[%add3A_44, %dma_wait3A_79] : memref<10112x128xf32, #tpu.memory_space<vmem_shared>> -> memref<32x128xf32, #tpu.memory_space<vmem_shared>>
      %dma_wait3A_81 = arith.constant 0 : i32
      %dma_wait3A_82 = tpu.memref_slice %arg11[%add3A_44, %dma_wait3A_81] : memref<10112x128xf32, #tpu.memory_space<vmem_shared>> -> memref<32x128xf32, #tpu.memory_space<vmem_shared>>
      %dma_wait3A_83 = arith.constant 0 : i32
      %dma_wait3A_84 = arith.constant 0 : i32
      %dma_wait3A_85 = tpu.memref_slice %arg10[%dma_wait3A_83, %dma_wait3A_84] : memref<32x128xf32, #tpu.memory_space<vmem>> -> memref<32x128xf32, #tpu.memory_space<vmem>>
      tpu.wait_dma2 semaphore(%run_scoped3A : memref<!tpu.dma_semaphore, #tpu.memory_space<semaphore_mem>>) src(%dma_wait3A_85 : memref<32x128xf32, #tpu.memory_space<vmem>>) dst(%dma_wait3A_82 : memref<32x128xf32, #tpu.memory_space<vmem_shared>>)
      tpu.yield
    }) : () -> ()
    %add3A_45 = arith.constant 544 : i32
    %add3A_46 = arith.addi %mul3A_6, %add3A_45 : i32
    "tpu.region"() ({
      %run_scoped3A = tpu.sem_alloc : memref<!tpu.dma_semaphore, #tpu.memory_space<semaphore_mem>>
      %dma_start3A_67 = arith.constant 0 : i32
      %dma_start3A_68 = arith.constant 0 : i32
      %dma_start3A_69 = tpu.memref_slice %arg10[%dma_start3A_67, %dma_start3A_68] : memref<32x128xf32, #tpu.memory_space<vmem>> -> memref<32x128xf32, #tpu.memory_space<vmem>>
      %dma_start3A_70 = arith.constant 0 : i32
      %dma_start3A_71 = tpu.memref_slice %arg11[%add3A_46, %dma_start3A_70] : memref<10112x128xf32, #tpu.memory_space<vmem_shared>> -> memref<32x128xf32, #tpu.memory_space<vmem_shared>>
      %dma_start3A_72 = arith.constant 0 : i32
      %dma_start3A_73 = tpu.memref_slice %arg11[%add3A_46, %dma_start3A_72] : memref<10112x128xf32, #tpu.memory_space<vmem_shared>> -> memref<32x128xf32, #tpu.memory_space<vmem_shared>>
      %dma_start3A_74 = arith.constant 0 : i32
      %dma_start3A_75 = arith.constant 0 : i32
      %dma_start3A_76 = tpu.memref_slice %arg10[%dma_start3A_74, %dma_start3A_75] : memref<32x128xf32, #tpu.memory_space<vmem>> -> memref<32x128xf32, #tpu.memory_space<vmem>>
      tpu.enqueue_dma source(%dma_start3A_76 : memref<32x128xf32, #tpu.memory_space<vmem>>) target(%dma_start3A_73 : memref<32x128xf32, #tpu.memory_space<vmem_shared>>) target_semaphore(%run_scoped3A : memref<!tpu.dma_semaphore, #tpu.memory_space<semaphore_mem>>)
      %dma_wait3A = arith.constant 0 : i32
      %dma_wait3A_77 = arith.constant 0 : i32
      %dma_wait3A_78 = tpu.memref_slice %arg10[%dma_wait3A, %dma_wait3A_77] : memref<32x128xf32, #tpu.memory_space<vmem>> -> memref<32x128xf32, #tpu.memory_space<vmem>>
      %dma_wait3A_79 = arith.constant 0 : i32
      %dma_wait3A_80 = tpu.memref_slice %arg11[%add3A_46, %dma_wait3A_79] : memref<10112x128xf32, #tpu.memory_space<vmem_shared>> -> memref<32x128xf32, #tpu.memory_space<vmem_shared>>
      %dma_wait3A_81 = arith.constant 0 : i32
      %dma_wait3A_82 = tpu.memref_slice %arg11[%add3A_46, %dma_wait3A_81] : memref<10112x128xf32, #tpu.memory_space<vmem_shared>> -> memref<32x128xf32, #tpu.memory_space<vmem_shared>>
      %dma_wait3A_83 = arith.constant 0 : i32
      %dma_wait3A_84 = arith.constant 0 : i32
      %dma_wait3A_85 = tpu.memref_slice %arg10[%dma_wait3A_83, %dma_wait3A_84] : memref<32x128xf32, #tpu.memory_space<vmem>> -> memref<32x128xf32, #tpu.memory_space<vmem>>
      tpu.wait_dma2 semaphore(%run_scoped3A : memref<!tpu.dma_semaphore, #tpu.memory_space<semaphore_mem>>) src(%dma_wait3A_85 : memref<32x128xf32, #tpu.memory_space<vmem>>) dst(%dma_wait3A_82 : memref<32x128xf32, #tpu.memory_space<vmem_shared>>)
      tpu.yield
    }) : () -> ()
    %add3A_47 = arith.constant 576 : i32
    %add3A_48 = arith.addi %mul3A_6, %add3A_47 : i32
    "tpu.region"() ({
      %run_scoped3A = tpu.sem_alloc : memref<!tpu.dma_semaphore, #tpu.memory_space<semaphore_mem>>
      %dma_start3A_67 = arith.constant 0 : i32
      %dma_start3A_68 = arith.constant 0 : i32
      %dma_start3A_69 = tpu.memref_slice %arg10[%dma_start3A_67, %dma_start3A_68] : memref<32x128xf32, #tpu.memory_space<vmem>> -> memref<32x128xf32, #tpu.memory_space<vmem>>
      %dma_start3A_70 = arith.constant 0 : i32
      %dma_start3A_71 = tpu.memref_slice %arg11[%add3A_48, %dma_start3A_70] : memref<10112x128xf32, #tpu.memory_space<vmem_shared>> -> memref<32x128xf32, #tpu.memory_space<vmem_shared>>
      %dma_start3A_72 = arith.constant 0 : i32
      %dma_start3A_73 = tpu.memref_slice %arg11[%add3A_48, %dma_start3A_72] : memref<10112x128xf32, #tpu.memory_space<vmem_shared>> -> memref<32x128xf32, #tpu.memory_space<vmem_shared>>
      %dma_start3A_74 = arith.constant 0 : i32
      %dma_start3A_75 = arith.constant 0 : i32
      %dma_start3A_76 = tpu.memref_slice %arg10[%dma_start3A_74, %dma_start3A_75] : memref<32x128xf32, #tpu.memory_space<vmem>> -> memref<32x128xf32, #tpu.memory_space<vmem>>
      tpu.enqueue_dma source(%dma_start3A_76 : memref<32x128xf32, #tpu.memory_space<vmem>>) target(%dma_start3A_73 : memref<32x128xf32, #tpu.memory_space<vmem_shared>>) target_semaphore(%run_scoped3A : memref<!tpu.dma_semaphore, #tpu.memory_space<semaphore_mem>>)
      %dma_wait3A = arith.constant 0 : i32
      %dma_wait3A_77 = arith.constant 0 : i32
      %dma_wait3A_78 = tpu.memref_slice %arg10[%dma_wait3A, %dma_wait3A_77] : memref<32x128xf32, #tpu.memory_space<vmem>> -> memref<32x128xf32, #tpu.memory_space<vmem>>
      %dma_wait3A_79 = arith.constant 0 : i32
      %dma_wait3A_80 = tpu.memref_slice %arg11[%add3A_48, %dma_wait3A_79] : memref<10112x128xf32, #tpu.memory_space<vmem_shared>> -> memref<32x128xf32, #tpu.memory_space<vmem_shared>>
      %dma_wait3A_81 = arith.constant 0 : i32
      %dma_wait3A_82 = tpu.memref_slice %arg11[%add3A_48, %dma_wait3A_81] : memref<10112x128xf32, #tpu.memory_space<vmem_shared>> -> memref<32x128xf32, #tpu.memory_space<vmem_shared>>
      %dma_wait3A_83 = arith.constant 0 : i32
      %dma_wait3A_84 = arith.constant 0 : i32
      %dma_wait3A_85 = tpu.memref_slice %arg10[%dma_wait3A_83, %dma_wait3A_84] : memref<32x128xf32, #tpu.memory_space<vmem>> -> memref<32x128xf32, #tpu.memory_space<vmem>>
      tpu.wait_dma2 semaphore(%run_scoped3A : memref<!tpu.dma_semaphore, #tpu.memory_space<semaphore_mem>>) src(%dma_wait3A_85 : memref<32x128xf32, #tpu.memory_space<vmem>>) dst(%dma_wait3A_82 : memref<32x128xf32, #tpu.memory_space<vmem_shared>>)
      tpu.yield
    }) : () -> ()
    %add3A_49 = arith.constant 608 : i32
    %add3A_50 = arith.addi %mul3A_6, %add3A_49 : i32
    "tpu.region"() ({
      %run_scoped3A = tpu.sem_alloc : memref<!tpu.dma_semaphore, #tpu.memory_space<semaphore_mem>>
      %dma_start3A_67 = arith.constant 0 : i32
      %dma_start3A_68 = arith.constant 0 : i32
      %dma_start3A_69 = tpu.memref_slice %arg10[%dma_start3A_67, %dma_start3A_68] : memref<32x128xf32, #tpu.memory_space<vmem>> -> memref<24x128xf32, #tpu.memory_space<vmem>>
      %dma_start3A_70 = arith.constant 0 : i32
      %dma_start3A_71 = tpu.memref_slice %arg11[%add3A_50, %dma_start3A_70] : memref<10112x128xf32, #tpu.memory_space<vmem_shared>> -> memref<24x128xf32, #tpu.memory_space<vmem_shared>>
      %dma_start3A_72 = arith.constant 0 : i32
      %dma_start3A_73 = tpu.memref_slice %arg11[%add3A_50, %dma_start3A_72] : memref<10112x128xf32, #tpu.memory_space<vmem_shared>> -> memref<24x128xf32, #tpu.memory_space<vmem_shared>>
      %dma_start3A_74 = arith.constant 0 : i32
      %dma_start3A_75 = arith.constant 0 : i32
      %dma_start3A_76 = tpu.memref_slice %arg10[%dma_start3A_74, %dma_start3A_75] : memref<32x128xf32, #tpu.memory_space<vmem>> -> memref<24x128xf32, #tpu.memory_space<vmem>>
      tpu.enqueue_dma source(%dma_start3A_76 : memref<24x128xf32, #tpu.memory_space<vmem>>) target(%dma_start3A_73 : memref<24x128xf32, #tpu.memory_space<vmem_shared>>) target_semaphore(%run_scoped3A : memref<!tpu.dma_semaphore, #tpu.memory_space<semaphore_mem>>)
      %dma_wait3A = arith.constant 0 : i32
      %dma_wait3A_77 = arith.constant 0 : i32
      %dma_wait3A_78 = tpu.memref_slice %arg10[%dma_wait3A, %dma_wait3A_77] : memref<32x128xf32, #tpu.memory_space<vmem>> -> memref<24x128xf32, #tpu.memory_space<vmem>>
      %dma_wait3A_79 = arith.constant 0 : i32
      %dma_wait3A_80 = tpu.memref_slice %arg11[%add3A_50, %dma_wait3A_79] : memref<10112x128xf32, #tpu.memory_space<vmem_shared>> -> memref<24x128xf32, #tpu.memory_space<vmem_shared>>
      %dma_wait3A_81 = arith.constant 0 : i32
      %dma_wait3A_82 = tpu.memref_slice %arg11[%add3A_50, %dma_wait3A_81] : memref<10112x128xf32, #tpu.memory_space<vmem_shared>> -> memref<24x128xf32, #tpu.memory_space<vmem_shared>>
      %dma_wait3A_83 = arith.constant 0 : i32
      %dma_wait3A_84 = arith.constant 0 : i32
      %dma_wait3A_85 = tpu.memref_slice %arg10[%dma_wait3A_83, %dma_wait3A_84] : memref<32x128xf32, #tpu.memory_space<vmem>> -> memref<24x128xf32, #tpu.memory_space<vmem>>
      tpu.wait_dma2 semaphore(%run_scoped3A : memref<!tpu.dma_semaphore, #tpu.memory_space<semaphore_mem>>) src(%dma_wait3A_85 : memref<24x128xf32, #tpu.memory_space<vmem>>) dst(%dma_wait3A_82 : memref<24x128xf32, #tpu.memory_space<vmem_shared>>)
      tpu.yield
    }) : () -> ()
    %barrier3A = arith.constant 0 : index
    tpu.barrier barrier_id(%barrier3A)
    %dma_start3A = arith.constant 0 : i32
    %dma_start3A_51 = arith.constant 0 : i32
    %dma_start3A_52 = tpu.memref_slice %arg6[%dma_start3A, %dma_start3A_51] : memref<40x128xi32, #tpu.memory_space<vmem>> -> memref<1x128xi32, #tpu.memory_space<vmem>>
    %dma_start3A_53 = tpu.memref_squeeze %dma_start3A_52 : memref<1x128xi32, #tpu.memory_space<vmem>> -> memref<128xi32, #tpu.memory_space<vmem>>
    %dma_start3A_54 = arith.constant 0 : i32
    %dma_start3A_55 = arith.constant 0 : i32
    %dma_start3A_56 = tpu.memref_slice %arg2[%dma_start3A_54, %dma_start3A_55] : memref<10000x128xf32, #tpu.memory_space<hbm>> -> memref<10000x128xf32, #tpu.memory_space<hbm>>
    tpu.enqueue_indirect_dma source(%dma_start3A_56 : memref<10000x128xf32, #tpu.memory_space<hbm>>) target(%arg8 : memref<128x128xf32, #tpu.memory_space<vmem>>) offsets(%dma_start3A_53 : memref<128xi32, #tpu.memory_space<vmem>>) semaphore(%arg12 : memref<!tpu.dma_semaphore, #tpu.memory_space<semaphore_mem>>)
    %scan3A_57 = arith.constant 0 : i32
    %scan3A_58 = arith.constant 20 : i32
    %scan3A_59 = arith.addi %scan3A_57, %scan3A_58 : i32
    %scan3A_60 = arith.constant 1 : i32
    scf.for %scan3A_67 = %scan3A_57 to %scan3A_59 step %scan3A_60  : i32 {
      %mul3A_68 = arith.constant 1 : i32
      %mul3A_69 = arith.muli %scan3A_67, %mul3A_68 : i32
      %add3A_70 = arith.constant 0 : i32
      %add3A_71 = arith.addi %add3A_70, %mul3A_69 : i32
      %mul3A_72 = arith.constant 2 : i32
      %mul3A_73 = arith.muli %add3A_71, %mul3A_72 : i32
      %add3A_74 = arith.constant 1 : i32
      %add3A_75 = arith.addi %mul3A_73, %add3A_74 : i32
      %dma_start3A_76 = arith.constant 0 : i32
      %dma_start3A_77 = tpu.memref_slice %arg6[%add3A_75, %dma_start3A_76] : memref<40x128xi32, #tpu.memory_space<vmem>> -> memref<1x128xi32, #tpu.memory_space<vmem>>
      %dma_start3A_78 = tpu.memref_squeeze %dma_start3A_77 : memref<1x128xi32, #tpu.memory_space<vmem>> -> memref<128xi32, #tpu.memory_space<vmem>>
      %dma_start3A_79 = arith.constant 0 : i32
      %dma_start3A_80 = arith.constant 0 : i32
      %dma_start3A_81 = tpu.memref_slice %arg2[%dma_start3A_79, %dma_start3A_80] : memref<10000x128xf32, #tpu.memory_space<hbm>> -> memref<10000x128xf32, #tpu.memory_space<hbm>>
      tpu.enqueue_indirect_dma source(%dma_start3A_81 : memref<10000x128xf32, #tpu.memory_space<hbm>>) target(%arg9 : memref<128x128xf32, #tpu.memory_space<vmem>>) offsets(%dma_start3A_78 : memref<128xi32, #tpu.memory_space<vmem>>) semaphore(%arg13 : memref<!tpu.dma_semaphore, #tpu.memory_space<semaphore_mem>>)
      %dma_wait3A = arith.constant 0 : i32
      %dma_wait3A_82 = arith.constant 0 : i32
      %dma_wait3A_83 = tpu.memref_slice %arg6[%dma_wait3A, %dma_wait3A_82] : memref<40x128xi32, #tpu.memory_space<vmem>> -> memref<1x128xi32, #tpu.memory_space<vmem>>
      %dma_wait3A_84 = tpu.memref_squeeze %dma_wait3A_83 : memref<1x128xi32, #tpu.memory_space<vmem>> -> memref<128xi32, #tpu.memory_space<vmem>>
      %dma_wait3A_85 = arith.constant 0 : i32
      %dma_wait3A_86 = arith.constant 0 : i32
      %dma_wait3A_87 = tpu.memref_slice %arg2[%dma_wait3A_85, %dma_wait3A_86] : memref<10000x128xf32, #tpu.memory_space<hbm>> -> memref<10000x128xf32, #tpu.memory_space<hbm>>
      tpu.wait_indirect_dma semaphore(%arg12 : memref<!tpu.dma_semaphore, #tpu.memory_space<semaphore_mem>>) src(%dma_wait3A_87 : memref<10000x128xf32, #tpu.memory_space<hbm>>) dst(%arg8 : memref<128x128xf32, #tpu.memory_space<vmem>>)
      "tpu.region"() ({
        %run_scoped3A = tpu.sem_alloc : memref<!tpu.dma_semaphore, #tpu.memory_space<semaphore_mem>>
        %dma_start3A_99 = arith.constant 0 : i32
        %dma_start3A_100 = tpu.memref_slice %arg7[%mul3A_73, %dma_start3A_99] : memref<40x128xi32, #tpu.memory_space<vmem>> -> memref<1x128xi32, #tpu.memory_space<vmem>>
        %dma_start3A_101 = tpu.memref_squeeze %dma_start3A_100 : memref<1x128xi32, #tpu.memory_space<vmem>> -> memref<128xi32, #tpu.memory_space<vmem>>
        %dma_start3A_102 = arith.constant 0 : i32
        %dma_start3A_103 = arith.constant 0 : i32
        %dma_start3A_104 = tpu.memref_slice %arg11[%dma_start3A_102, %dma_start3A_103] : memref<10112x128xf32, #tpu.memory_space<vmem_shared>> -> memref<10112x128xf32, #tpu.memory_space<vmem_shared>>
        tpu.enqueue_indirect_dma source(%arg8 : memref<128x128xf32, #tpu.memory_space<vmem>>) target(%dma_start3A_104 : memref<10112x128xf32, #tpu.memory_space<vmem_shared>>) offsets(%dma_start3A_101 : memref<128xi32, #tpu.memory_space<vmem>>) semaphore(%run_scoped3A : memref<!tpu.dma_semaphore, #tpu.memory_space<semaphore_mem>>) {add = true}
        %dma_wait3A_105 = arith.constant 0 : i32
        %dma_wait3A_106 = tpu.memref_slice %arg7[%mul3A_73, %dma_wait3A_105] : memref<40x128xi32, #tpu.memory_space<vmem>> -> memref<1x128xi32, #tpu.memory_space<vmem>>
        %dma_wait3A_107 = tpu.memref_squeeze %dma_wait3A_106 : memref<1x128xi32, #tpu.memory_space<vmem>> -> memref<128xi32, #tpu.memory_space<vmem>>
        %dma_wait3A_108 = arith.constant 0 : i32
        %dma_wait3A_109 = arith.constant 0 : i32
        %dma_wait3A_110 = tpu.memref_slice %arg11[%dma_wait3A_108, %dma_wait3A_109] : memref<10112x128xf32, #tpu.memory_space<vmem_shared>> -> memref<10112x128xf32, #tpu.memory_space<vmem_shared>>
        tpu.wait_indirect_dma semaphore(%run_scoped3A : memref<!tpu.dma_semaphore, #tpu.memory_space<semaphore_mem>>) src(%arg8 : memref<128x128xf32, #tpu.memory_space<vmem>>) dst(%dma_wait3A_110 : memref<10112x128xf32, #tpu.memory_space<vmem_shared>>)
        tpu.yield
      }) : () -> ()
      %lt3A = arith.constant 19 : i32
      %lt3A_88 = arith.cmpi slt, %add3A_71, %lt3A : i32
      %convert_element_type3A = arith.extui %lt3A_88 : i1 to i32
      %cond3A = arith.constant 0 : i32
      %cond3A_89 = arith.cmpi ne, %convert_element_type3A, %cond3A : i32
      scf.if %cond3A_89 {
        %add3A_99 = arith.constant 2 : i32
        %add3A_100 = arith.addi %mul3A_73, %add3A_99 : i32
        %dma_start3A_101 = arith.constant 0 : i32
        %dma_start3A_102 = tpu.memref_slice %arg6[%add3A_100, %dma_start3A_101] : memref<40x128xi32, #tpu.memory_space<vmem>> -> memref<1x128xi32, #tpu.memory_space<vmem>>
        %dma_start3A_103 = tpu.memref_squeeze %dma_start3A_102 : memref<1x128xi32, #tpu.memory_space<vmem>> -> memref<128xi32, #tpu.memory_space<vmem>>
        %dma_start3A_104 = arith.constant 0 : i32
        %dma_start3A_105 = arith.constant 0 : i32
        %dma_start3A_106 = tpu.memref_slice %arg2[%dma_start3A_104, %dma_start3A_105] : memref<10000x128xf32, #tpu.memory_space<hbm>> -> memref<10000x128xf32, #tpu.memory_space<hbm>>
        tpu.enqueue_indirect_dma source(%dma_start3A_106 : memref<10000x128xf32, #tpu.memory_space<hbm>>) target(%arg8 : memref<128x128xf32, #tpu.memory_space<vmem>>) offsets(%dma_start3A_103 : memref<128xi32, #tpu.memory_space<vmem>>) semaphore(%arg12 : memref<!tpu.dma_semaphore, #tpu.memory_space<semaphore_mem>>)
      } else {
      }
      %dma_wait3A_90 = arith.constant 0 : i32
      %dma_wait3A_91 = arith.constant 0 : i32
      %dma_wait3A_92 = tpu.memref_slice %arg6[%dma_wait3A_90, %dma_wait3A_91] : memref<40x128xi32, #tpu.memory_space<vmem>> -> memref<1x128xi32, #tpu.memory_space<vmem>>
      %dma_wait3A_93 = tpu.memref_squeeze %dma_wait3A_92 : memref<1x128xi32, #tpu.memory_space<vmem>> -> memref<128xi32, #tpu.memory_space<vmem>>
      %dma_wait3A_94 = arith.constant 0 : i32
      %dma_wait3A_95 = arith.constant 0 : i32
      %dma_wait3A_96 = tpu.memref_slice %arg2[%dma_wait3A_94, %dma_wait3A_95] : memref<10000x128xf32, #tpu.memory_space<hbm>> -> memref<10000x128xf32, #tpu.memory_space<hbm>>
      tpu.wait_indirect_dma semaphore(%arg13 : memref<!tpu.dma_semaphore, #tpu.memory_space<semaphore_mem>>) src(%dma_wait3A_96 : memref<10000x128xf32, #tpu.memory_space<hbm>>) dst(%arg9 : memref<128x128xf32, #tpu.memory_space<vmem>>)
      %add3A_97 = arith.constant 1 : i32
      %add3A_98 = arith.addi %mul3A_73, %add3A_97 : i32
      "tpu.region"() ({
        %run_scoped3A = tpu.sem_alloc : memref<!tpu.dma_semaphore, #tpu.memory_space<semaphore_mem>>
        %dma_start3A_99 = arith.constant 0 : i32
        %dma_start3A_100 = tpu.memref_slice %arg7[%add3A_98, %dma_start3A_99] : memref<40x128xi32, #tpu.memory_space<vmem>> -> memref<1x128xi32, #tpu.memory_space<vmem>>
        %dma_start3A_101 = tpu.memref_squeeze %dma_start3A_100 : memref<1x128xi32, #tpu.memory_space<vmem>> -> memref<128xi32, #tpu.memory_space<vmem>>
        %dma_start3A_102 = arith.constant 0 : i32
        %dma_start3A_103 = arith.constant 0 : i32
        %dma_start3A_104 = tpu.memref_slice %arg11[%dma_start3A_102, %dma_start3A_103] : memref<10112x128xf32, #tpu.memory_space<vmem_shared>> -> memref<10112x128xf32, #tpu.memory_space<vmem_shared>>
        tpu.enqueue_indirect_dma source(%arg9 : memref<128x128xf32, #tpu.memory_space<vmem>>) target(%dma_start3A_104 : memref<10112x128xf32, #tpu.memory_space<vmem_shared>>) offsets(%dma_start3A_101 : memref<128xi32, #tpu.memory_space<vmem>>) semaphore(%run_scoped3A : memref<!tpu.dma_semaphore, #tpu.memory_space<semaphore_mem>>) {add = true}
        %dma_wait3A_105 = arith.constant 0 : i32
        %dma_wait3A_106 = tpu.memref_slice %arg7[%add3A_98, %dma_wait3A_105] : memref<40x128xi32, #tpu.memory_space<vmem>> -> memref<1x128xi32, #tpu.memory_space<vmem>>
        %dma_wait3A_107 = tpu.memref_squeeze %dma_wait3A_106 : memref<1x128xi32, #tpu.memory_space<vmem>> -> memref<128xi32, #tpu.memory_space<vmem>>
        %dma_wait3A_108 = arith.constant 0 : i32
        %dma_wait3A_109 = arith.constant 0 : i32
        %dma_wait3A_110 = tpu.memref_slice %arg11[%dma_wait3A_108, %dma_wait3A_109] : memref<10112x128xf32, #tpu.memory_space<vmem_shared>> -> memref<10112x128xf32, #tpu.memory_space<vmem_shared>>
        tpu.wait_indirect_dma semaphore(%run_scoped3A : memref<!tpu.dma_semaphore, #tpu.memory_space<semaphore_mem>>) src(%arg9 : memref<128x128xf32, #tpu.memory_space<vmem>>) dst(%dma_wait3A_110 : memref<10112x128xf32, #tpu.memory_space<vmem_shared>>)
        tpu.yield
      }) : () -> ()
    }
    %scan3A_61 = arith.constant 20 : i32
    %barrier3A_62 = arith.constant 0 : index
    tpu.barrier barrier_id(%barrier3A_62)
    %mul3A_63 = arith.constant 632 : i32
    %mul3A_64 = arith.muli %arg1, %mul3A_63 : i32
    %mul3A_65 = arith.constant 632 : i32
    %mul3A_66 = arith.muli %arg1, %mul3A_65 : i32
    "tpu.region"() ({
      %run_scoped3A = tpu.sem_alloc : memref<!tpu.dma_semaphore, #tpu.memory_space<semaphore_mem>>
      %dma_start3A_67 = arith.constant 0 : i32
      %dma_start3A_68 = tpu.memref_slice %arg5[%arg0, %mul3A_66, %dma_start3A_67] : memref<2x10112x128xf32, #tpu.memory_space<hbm>> -> memref<1x632x128xf32, #tpu.memory_space<hbm>>
      %dma_start3A_69 = tpu.memref_squeeze %dma_start3A_68 : memref<1x632x128xf32, #tpu.memory_space<hbm>> -> memref<632x128xf32, #tpu.memory_space<hbm>>
      %dma_start3A_70 = arith.constant 0 : i32
      %dma_start3A_71 = tpu.memref_slice %arg11[%mul3A_64, %dma_start3A_70] : memref<10112x128xf32, #tpu.memory_space<vmem_shared>> -> memref<632x128xf32, #tpu.memory_space<vmem_shared>>
      tpu.enqueue_dma source(%dma_start3A_71 : memref<632x128xf32, #tpu.memory_space<vmem_shared>>) target(%dma_start3A_69 : memref<632x128xf32, #tpu.memory_space<hbm>>) target_semaphore(%run_scoped3A : memref<!tpu.dma_semaphore, #tpu.memory_space<semaphore_mem>>)
      %dma_wait3A = arith.constant 0 : i32
      %dma_wait3A_72 = tpu.memref_slice %arg5[%arg0, %mul3A_66, %dma_wait3A] : memref<2x10112x128xf32, #tpu.memory_space<hbm>> -> memref<1x632x128xf32, #tpu.memory_space<hbm>>
      %dma_wait3A_73 = tpu.memref_squeeze %dma_wait3A_72 : memref<1x632x128xf32, #tpu.memory_space<hbm>> -> memref<632x128xf32, #tpu.memory_space<hbm>>
      %dma_wait3A_74 = arith.constant 0 : i32
      %dma_wait3A_75 = tpu.memref_slice %arg11[%mul3A_64, %dma_wait3A_74] : memref<10112x128xf32, #tpu.memory_space<vmem_shared>> -> memref<632x128xf32, #tpu.memory_space<vmem_shared>>
      tpu.wait_dma2 semaphore(%run_scoped3A : memref<!tpu.dma_semaphore, #tpu.memory_space<semaphore_mem>>) src(%dma_wait3A_75 : memref<632x128xf32, #tpu.memory_space<vmem_shared>>) dst(%dma_wait3A_73 : memref<632x128xf32, #tpu.memory_space<hbm>>)
      tpu.yield
    }) : () -> ()
    return
  }
}

#map = affine_map<(d0, d1) -> (0, 0)>
#map1 = affine_map<(d0, d1) -> (0, 0, 0)>
module attributes {stable_mosaic.version = 14 : i64} {
  func.func @body(%arg0: i32, %arg1: i32, %arg2: memref<1280x128xi32, #tpu.memory_space<hbm>>, %arg3: memref<2x10112x128xf32, #tpu.memory_space<hbm>>, %arg4: memref<40x128xi32, #tpu.memory_space<vmem>>, %arg5: memref<128x128xf32, #tpu.memory_space<vmem>>, %arg6: memref<128x128xf32, #tpu.memory_space<vmem>>, %arg7: memref<10112x128xf32, #tpu.memory_space<vmem_shared>>) attributes {dimension_semantics = [#tpu.dimension_semantics<core_parallel>, #tpu.dimension_semantics<subcore_parallel>], iteration_bounds = array<i64: 2, 16>, scalar_prefetch = 0 : i64, scratch_operands = 4 : i64, tpu.core_type = #tpu.core_type<sc_vector_subcore>, window_params = [{transform_indices = #map}, {transform_indices = #map1}]} {
    %mul3A = arith.constant 16 : i32
    %mul3A_0 = arith.muli %arg0, %mul3A : i32
    %add3A = arith.addi %mul3A_0, %arg1 : i32
    %mul3A_1 = arith.constant 40 : i32
    %mul3A_2 = arith.muli %add3A, %mul3A_1 : i32
    "tpu.region"() ({
      %run_scoped3A = tpu.sem_alloc : memref<!tpu.dma_semaphore, #tpu.memory_space<semaphore_mem>>
      %dma_start3A = arith.constant 0 : i32
      %dma_start3A_34 = tpu.memref_slice %arg2[%mul3A_2, %dma_start3A] : memref<1280x128xi32, #tpu.memory_space<hbm>> -> memref<40x128xi32, #tpu.memory_space<hbm>>
      %dma_start3A_35 = arith.constant 0 : i32
      %dma_start3A_36 = tpu.memref_slice %arg2[%mul3A_2, %dma_start3A_35] : memref<1280x128xi32, #tpu.memory_space<hbm>> -> memref<40x128xi32, #tpu.memory_space<hbm>>
      tpu.enqueue_dma source(%dma_start3A_36 : memref<40x128xi32, #tpu.memory_space<hbm>>) target(%arg4 : memref<40x128xi32, #tpu.memory_space<vmem>>) target_semaphore(%run_scoped3A : memref<!tpu.dma_semaphore, #tpu.memory_space<semaphore_mem>>)
      %dma_wait3A = arith.constant 0 : i32
      %dma_wait3A_37 = tpu.memref_slice %arg2[%mul3A_2, %dma_wait3A] : memref<1280x128xi32, #tpu.memory_space<hbm>> -> memref<40x128xi32, #tpu.memory_space<hbm>>
      %dma_wait3A_38 = arith.constant 0 : i32
      %dma_wait3A_39 = tpu.memref_slice %arg2[%mul3A_2, %dma_wait3A_38] : memref<1280x128xi32, #tpu.memory_space<hbm>> -> memref<40x128xi32, #tpu.memory_space<hbm>>
      tpu.wait_dma2 semaphore(%run_scoped3A : memref<!tpu.dma_semaphore, #tpu.memory_space<semaphore_mem>>) src(%dma_wait3A_39 : memref<40x128xi32, #tpu.memory_space<hbm>>) dst(%arg4 : memref<40x128xi32, #tpu.memory_space<vmem>>)
      tpu.yield
    }) : () -> ()
    %scan3A = arith.constant 0 : i32
    %scan3A_3 = arith.constant 128 : i32
    %scan3A_4 = arith.addi %scan3A, %scan3A_3 : i32
    %scan3A_5 = arith.constant 1 : i32
    scf.for %scan3A_34 = %scan3A to %scan3A_4 step %scan3A_5  : i32 {
      %mul3A_35 = arith.constant 1 : i32
      %mul3A_36 = arith.muli %scan3A_34, %mul3A_35 : i32
      %add3A_37 = arith.constant 0 : i32
      %add3A_38 = arith.addi %add3A_37, %mul3A_36 : i32
      %broadcast_in_dim3A = arith.constant 1.000000e+00 : f32
      %broadcast_in_dim3A_39 = vector.broadcast %broadcast_in_dim3A : f32 to vector<16xf32>
      %swap3A = arith.index_cast %add3A_38 : i32 to index
      %swap3A_40 = arith.constant 0 : index
      %swap3A_41 = tpu.vector_load %arg5[%swap3A, %swap3A_40] {strides = array<i32>} : memref<128x128xf32, #tpu.memory_space<vmem>>, vector<1x16xf32>,
      %swap3A_42 = vector.shape_cast %swap3A_41 : vector<1x16xf32> to vector<16xf32>
      %swap3A_43 = vector.shape_cast %broadcast_in_dim3A_39 : vector<16xf32> to vector<1x16xf32>
      tpu.vector_store %arg5[%swap3A, %swap3A_40], %swap3A_43 {strides = array<i32>} : memref<128x128xf32, #tpu.memory_space<vmem>>, vector<1x16xf32>,
      %broadcast_in_dim3A_44 = arith.constant 1.000000e+00 : f32
      %broadcast_in_dim3A_45 = vector.broadcast %broadcast_in_dim3A_44 : f32 to vector<16xf32>
      %swap3A_46 = arith.index_cast %add3A_38 : i32 to index
      %swap3A_47 = arith.constant 16 : index
      %swap3A_48 = tpu.vector_load %arg5[%swap3A_46, %swap3A_47] {strides = array<i32>} : memref<128x128xf32, #tpu.memory_space<vmem>>, vector<1x16xf32>,
      %swap3A_49 = vector.shape_cast %swap3A_48 : vector<1x16xf32> to vector<16xf32>
      %swap3A_50 = vector.shape_cast %broadcast_in_dim3A_45 : vector<16xf32> to vector<1x16xf32>
      tpu.vector_store %arg5[%swap3A_46, %swap3A_47], %swap3A_50 {strides = array<i32>} : memref<128x128xf32, #tpu.memory_space<vmem>>, vector<1x16xf32>,
      %broadcast_in_dim3A_51 = arith.constant 1.000000e+00 : f32
      %broadcast_in_dim3A_52 = vector.broadcast %broadcast_in_dim3A_51 : f32 to vector<16xf32>
      %swap3A_53 = arith.index_cast %add3A_38 : i32 to index
      %swap3A_54 = arith.constant 32 : index
      %swap3A_55 = tpu.vector_load %arg5[%swap3A_53, %swap3A_54] {strides = array<i32>} : memref<128x128xf32, #tpu.memory_space<vmem>>, vector<1x16xf32>,
      %swap3A_56 = vector.shape_cast %swap3A_55 : vector<1x16xf32> to vector<16xf32>
      %swap3A_57 = vector.shape_cast %broadcast_in_dim3A_52 : vector<16xf32> to vector<1x16xf32>
      tpu.vector_store %arg5[%swap3A_53, %swap3A_54], %swap3A_57 {strides = array<i32>} : memref<128x128xf32, #tpu.memory_space<vmem>>, vector<1x16xf32>,
      %broadcast_in_dim3A_58 = arith.constant 1.000000e+00 : f32
      %broadcast_in_dim3A_59 = vector.broadcast %broadcast_in_dim3A_58 : f32 to vector<16xf32>
      %swap3A_60 = arith.index_cast %add3A_38 : i32 to index
      %swap3A_61 = arith.constant 48 : index
      %swap3A_62 = tpu.vector_load %arg5[%swap3A_60, %swap3A_61] {strides = array<i32>} : memref<128x128xf32, #tpu.memory_space<vmem>>, vector<1x16xf32>,
      %swap3A_63 = vector.shape_cast %swap3A_62 : vector<1x16xf32> to vector<16xf32>
      %swap3A_64 = vector.shape_cast %broadcast_in_dim3A_59 : vector<16xf32> to vector<1x16xf32>
      tpu.vector_store %arg5[%swap3A_60, %swap3A_61], %swap3A_64 {strides = array<i32>} : memref<128x128xf32, #tpu.memory_space<vmem>>, vector<1x16xf32>,
      %broadcast_in_dim3A_65 = arith.constant 1.000000e+00 : f32
      %broadcast_in_dim3A_66 = vector.broadcast %broadcast_in_dim3A_65 : f32 to vector<16xf32>
      %swap3A_67 = arith.index_cast %add3A_38 : i32 to index
      %swap3A_68 = arith.constant 64 : index
      %swap3A_69 = tpu.vector_load %arg5[%swap3A_67, %swap3A_68] {strides = array<i32>} : memref<128x128xf32, #tpu.memory_space<vmem>>, vector<1x16xf32>,
      %swap3A_70 = vector.shape_cast %swap3A_69 : vector<1x16xf32> to vector<16xf32>
      %swap3A_71 = vector.shape_cast %broadcast_in_dim3A_66 : vector<16xf32> to vector<1x16xf32>
      tpu.vector_store %arg5[%swap3A_67, %swap3A_68], %swap3A_71 {strides = array<i32>} : memref<128x128xf32, #tpu.memory_space<vmem>>, vector<1x16xf32>,
      %broadcast_in_dim3A_72 = arith.constant 1.000000e+00 : f32
      %broadcast_in_dim3A_73 = vector.broadcast %broadcast_in_dim3A_72 : f32 to vector<16xf32>
      %swap3A_74 = arith.index_cast %add3A_38 : i32 to index
      %swap3A_75 = arith.constant 80 : index
      %swap3A_76 = tpu.vector_load %arg5[%swap3A_74, %swap3A_75] {strides = array<i32>} : memref<128x128xf32, #tpu.memory_space<vmem>>, vector<1x16xf32>,
      %swap3A_77 = vector.shape_cast %swap3A_76 : vector<1x16xf32> to vector<16xf32>
      %swap3A_78 = vector.shape_cast %broadcast_in_dim3A_73 : vector<16xf32> to vector<1x16xf32>
      tpu.vector_store %arg5[%swap3A_74, %swap3A_75], %swap3A_78 {strides = array<i32>} : memref<128x128xf32, #tpu.memory_space<vmem>>, vector<1x16xf32>,
      %broadcast_in_dim3A_79 = arith.constant 1.000000e+00 : f32
      %broadcast_in_dim3A_80 = vector.broadcast %broadcast_in_dim3A_79 : f32 to vector<16xf32>
      %swap3A_81 = arith.index_cast %add3A_38 : i32 to index
      %swap3A_82 = arith.constant 96 : index
      %swap3A_83 = tpu.vector_load %arg5[%swap3A_81, %swap3A_82] {strides = array<i32>} : memref<128x128xf32, #tpu.memory_space<vmem>>, vector<1x16xf32>,
      %swap3A_84 = vector.shape_cast %swap3A_83 : vector<1x16xf32> to vector<16xf32>
      %swap3A_85 = vector.shape_cast %broadcast_in_dim3A_80 : vector<16xf32> to vector<1x16xf32>
      tpu.vector_store %arg5[%swap3A_81, %swap3A_82], %swap3A_85 {strides = array<i32>} : memref<128x128xf32, #tpu.memory_space<vmem>>, vector<1x16xf32>,
      %broadcast_in_dim3A_86 = arith.constant 1.000000e+00 : f32
      %broadcast_in_dim3A_87 = vector.broadcast %broadcast_in_dim3A_86 : f32 to vector<16xf32>
      %swap3A_88 = arith.index_cast %add3A_38 : i32 to index
      %swap3A_89 = arith.constant 112 : index
      %swap3A_90 = tpu.vector_load %arg5[%swap3A_88, %swap3A_89] {strides = array<i32>} : memref<128x128xf32, #tpu.memory_space<vmem>>, vector<1x16xf32>,
      %swap3A_91 = vector.shape_cast %swap3A_90 : vector<1x16xf32> to vector<16xf32>
      %swap3A_92 = vector.shape_cast %broadcast_in_dim3A_87 : vector<16xf32> to vector<1x16xf32>
      tpu.vector_store %arg5[%swap3A_88, %swap3A_89], %swap3A_92 {strides = array<i32>} : memref<128x128xf32, #tpu.memory_space<vmem>>, vector<1x16xf32>,
    }
    %scan3A_6 = arith.constant 128 : i32
    %mul3A_7 = arith.constant 632 : i32
    %mul3A_8 = arith.muli %arg1, %mul3A_7 : i32
    %scan3A_9 = arith.constant 0 : i32
    %scan3A_10 = arith.constant 128 : i32
    %scan3A_11 = arith.addi %scan3A_9, %scan3A_10 : i32
    %scan3A_12 = arith.constant 1 : i32
    scf.for %scan3A_34 = %scan3A_9 to %scan3A_11 step %scan3A_12  : i32 {
      %mul3A_35 = arith.constant 1 : i32
      %mul3A_36 = arith.muli %scan3A_34, %mul3A_35 : i32
      %add3A_37 = arith.constant 0 : i32
      %add3A_38 = arith.addi %add3A_37, %mul3A_36 : i32
      %broadcast_in_dim3A = arith.constant 0.000000e+00 : f32
      %broadcast_in_dim3A_39 = vector.broadcast %broadcast_in_dim3A : f32 to vector<16xf32>
      %swap3A = arith.index_cast %add3A_38 : i32 to index
      %swap3A_40 = arith.constant 0 : index
      %swap3A_41 = tpu.vector_load %arg6[%swap3A, %swap3A_40] {strides = array<i32>} : memref<128x128xf32, #tpu.memory_space<vmem>>, vector<1x16xf32>,
      %swap3A_42 = vector.shape_cast %swap3A_41 : vector<1x16xf32> to vector<16xf32>
      %swap3A_43 = vector.shape_cast %broadcast_in_dim3A_39 : vector<16xf32> to vector<1x16xf32>
      tpu.vector_store %arg6[%swap3A, %swap3A_40], %swap3A_43 {strides = array<i32>} : memref<128x128xf32, #tpu.memory_space<vmem>>, vector<1x16xf32>,
      %broadcast_in_dim3A_44 = arith.constant 0.000000e+00 : f32
      %broadcast_in_dim3A_45 = vector.broadcast %broadcast_in_dim3A_44 : f32 to vector<16xf32>
      %swap3A_46 = arith.index_cast %add3A_38 : i32 to index
      %swap3A_47 = arith.constant 16 : index
      %swap3A_48 = tpu.vector_load %arg6[%swap3A_46, %swap3A_47] {strides = array<i32>} : memref<128x128xf32, #tpu.memory_space<vmem>>, vector<1x16xf32>,
      %swap3A_49 = vector.shape_cast %swap3A_48 : vector<1x16xf32> to vector<16xf32>
      %swap3A_50 = vector.shape_cast %broadcast_in_dim3A_45 : vector<16xf32> to vector<1x16xf32>
      tpu.vector_store %arg6[%swap3A_46, %swap3A_47], %swap3A_50 {strides = array<i32>} : memref<128x128xf32, #tpu.memory_space<vmem>>, vector<1x16xf32>,
      %broadcast_in_dim3A_51 = arith.constant 0.000000e+00 : f32
      %broadcast_in_dim3A_52 = vector.broadcast %broadcast_in_dim3A_51 : f32 to vector<16xf32>
      %swap3A_53 = arith.index_cast %add3A_38 : i32 to index
      %swap3A_54 = arith.constant 32 : index
      %swap3A_55 = tpu.vector_load %arg6[%swap3A_53, %swap3A_54] {strides = array<i32>} : memref<128x128xf32, #tpu.memory_space<vmem>>, vector<1x16xf32>,
      %swap3A_56 = vector.shape_cast %swap3A_55 : vector<1x16xf32> to vector<16xf32>
      %swap3A_57 = vector.shape_cast %broadcast_in_dim3A_52 : vector<16xf32> to vector<1x16xf32>
      tpu.vector_store %arg6[%swap3A_53, %swap3A_54], %swap3A_57 {strides = array<i32>} : memref<128x128xf32, #tpu.memory_space<vmem>>, vector<1x16xf32>,
      %broadcast_in_dim3A_58 = arith.constant 0.000000e+00 : f32
      %broadcast_in_dim3A_59 = vector.broadcast %broadcast_in_dim3A_58 : f32 to vector<16xf32>
      %swap3A_60 = arith.index_cast %add3A_38 : i32 to index
      %swap3A_61 = arith.constant 48 : index
      %swap3A_62 = tpu.vector_load %arg6[%swap3A_60, %swap3A_61] {strides = array<i32>} : memref<128x128xf32, #tpu.memory_space<vmem>>, vector<1x16xf32>,
      %swap3A_63 = vector.shape_cast %swap3A_62 : vector<1x16xf32> to vector<16xf32>
      %swap3A_64 = vector.shape_cast %broadcast_in_dim3A_59 : vector<16xf32> to vector<1x16xf32>
      tpu.vector_store %arg6[%swap3A_60, %swap3A_61], %swap3A_64 {strides = array<i32>} : memref<128x128xf32, #tpu.memory_space<vmem>>, vector<1x16xf32>,
      %broadcast_in_dim3A_65 = arith.constant 0.000000e+00 : f32
      %broadcast_in_dim3A_66 = vector.broadcast %broadcast_in_dim3A_65 : f32 to vector<16xf32>
      %swap3A_67 = arith.index_cast %add3A_38 : i32 to index
      %swap3A_68 = arith.constant 64 : index
      %swap3A_69 = tpu.vector_load %arg6[%swap3A_67, %swap3A_68] {strides = array<i32>} : memref<128x128xf32, #tpu.memory_space<vmem>>, vector<1x16xf32>,
      %swap3A_70 = vector.shape_cast %swap3A_69 : vector<1x16xf32> to vector<16xf32>
      %swap3A_71 = vector.shape_cast %broadcast_in_dim3A_66 : vector<16xf32> to vector<1x16xf32>
      tpu.vector_store %arg6[%swap3A_67, %swap3A_68], %swap3A_71 {strides = array<i32>} : memref<128x128xf32, #tpu.memory_space<vmem>>, vector<1x16xf32>,
      %broadcast_in_dim3A_72 = arith.constant 0.000000e+00 : f32
      %broadcast_in_dim3A_73 = vector.broadcast %broadcast_in_dim3A_72 : f32 to vector<16xf32>
      %swap3A_74 = arith.index_cast %add3A_38 : i32 to index
      %swap3A_75 = arith.constant 80 : index
      %swap3A_76 = tpu.vector_load %arg6[%swap3A_74, %swap3A_75] {strides = array<i32>} : memref<128x128xf32, #tpu.memory_space<vmem>>, vector<1x16xf32>,
      %swap3A_77 = vector.shape_cast %swap3A_76 : vector<1x16xf32> to vector<16xf32>
      %swap3A_78 = vector.shape_cast %broadcast_in_dim3A_73 : vector<16xf32> to vector<1x16xf32>
      tpu.vector_store %arg6[%swap3A_74, %swap3A_75], %swap3A_78 {strides = array<i32>} : memref<128x128xf32, #tpu.memory_space<vmem>>, vector<1x16xf32>,
      %broadcast_in_dim3A_79 = arith.constant 0.000000e+00 : f32
      %broadcast_in_dim3A_80 = vector.broadcast %broadcast_in_dim3A_79 : f32 to vector<16xf32>
      %swap3A_81 = arith.index_cast %add3A_38 : i32 to index
      %swap3A_82 = arith.constant 96 : index
      %swap3A_83 = tpu.vector_load %arg6[%swap3A_81, %swap3A_82] {strides = array<i32>} : memref<128x128xf32, #tpu.memory_space<vmem>>, vector<1x16xf32>,
      %swap3A_84 = vector.shape_cast %swap3A_83 : vector<1x16xf32> to vector<16xf32>
      %swap3A_85 = vector.shape_cast %broadcast_in_dim3A_80 : vector<16xf32> to vector<1x16xf32>
      tpu.vector_store %arg6[%swap3A_81, %swap3A_82], %swap3A_85 {strides = array<i32>} : memref<128x128xf32, #tpu.memory_space<vmem>>, vector<1x16xf32>,
      %broadcast_in_dim3A_86 = arith.constant 0.000000e+00 : f32
      %broadcast_in_dim3A_87 = vector.broadcast %broadcast_in_dim3A_86 : f32 to vector<16xf32>
      %swap3A_88 = arith.index_cast %add3A_38 : i32 to index
      %swap3A_89 = arith.constant 112 : index
      %swap3A_90 = tpu.vector_load %arg6[%swap3A_88, %swap3A_89] {strides = array<i32>} : memref<128x128xf32, #tpu.memory_space<vmem>>, vector<1x16xf32>,
      %swap3A_91 = vector.shape_cast %swap3A_90 : vector<1x16xf32> to vector<16xf32>
      %swap3A_92 = vector.shape_cast %broadcast_in_dim3A_87 : vector<16xf32> to vector<1x16xf32>
      tpu.vector_store %arg6[%swap3A_88, %swap3A_89], %swap3A_92 {strides = array<i32>} : memref<128x128xf32, #tpu.memory_space<vmem>>, vector<1x16xf32>,
    }
    %scan3A_13 = arith.constant 128 : i32
    %add3A_14 = arith.constant 0 : i32
    %add3A_15 = arith.addi %mul3A_8, %add3A_14 : i32
    "tpu.region"() ({
      %run_scoped3A = tpu.sem_alloc : memref<!tpu.dma_semaphore, #tpu.memory_space<semaphore_mem>>
      %dma_start3A = arith.constant 0 : i32
      %dma_start3A_34 = arith.constant 0 : i32
      %dma_start3A_35 = tpu.memref_slice %arg6[%dma_start3A, %dma_start3A_34] : memref<128x128xf32, #tpu.memory_space<vmem>> -> memref<128x128xf32, #tpu.memory_space<vmem>>
      %dma_start3A_36 = arith.constant 0 : i32
      %dma_start3A_37 = tpu.memref_slice %arg7[%add3A_15, %dma_start3A_36] : memref<10112x128xf32, #tpu.memory_space<vmem_shared>> -> memref<128x128xf32, #tpu.memory_space<vmem_shared>>
      %dma_start3A_38 = arith.constant 0 : i32
      %dma_start3A_39 = tpu.memref_slice %arg7[%add3A_15, %dma_start3A_38] : memref<10112x128xf32, #tpu.memory_space<vmem_shared>> -> memref<128x128xf32, #tpu.memory_space<vmem_shared>>
      %dma_start3A_40 = arith.constant 0 : i32
      %dma_start3A_41 = arith.constant 0 : i32
      %dma_start3A_42 = tpu.memref_slice %arg6[%dma_start3A_40, %dma_start3A_41] : memref<128x128xf32, #tpu.memory_space<vmem>> -> memref<128x128xf32, #tpu.memory_space<vmem>>
      tpu.enqueue_dma source(%dma_start3A_42 : memref<128x128xf32, #tpu.memory_space<vmem>>) target(%dma_start3A_39 : memref<128x128xf32, #tpu.memory_space<vmem_shared>>) target_semaphore(%run_scoped3A : memref<!tpu.dma_semaphore, #tpu.memory_space<semaphore_mem>>)
      %dma_wait3A = arith.constant 0 : i32
      %dma_wait3A_43 = arith.constant 0 : i32
      %dma_wait3A_44 = tpu.memref_slice %arg6[%dma_wait3A, %dma_wait3A_43] : memref<128x128xf32, #tpu.memory_space<vmem>> -> memref<128x128xf32, #tpu.memory_space<vmem>>
      %dma_wait3A_45 = arith.constant 0 : i32
      %dma_wait3A_46 = tpu.memref_slice %arg7[%add3A_15, %dma_wait3A_45] : memref<10112x128xf32, #tpu.memory_space<vmem_shared>> -> memref<128x128xf32, #tpu.memory_space<vmem_shared>>
      %dma_wait3A_47 = arith.constant 0 : i32
      %dma_wait3A_48 = tpu.memref_slice %arg7[%add3A_15, %dma_wait3A_47] : memref<10112x128xf32, #tpu.memory_space<vmem_shared>> -> memref<128x128xf32, #tpu.memory_space<vmem_shared>>
      %dma_wait3A_49 = arith.constant 0 : i32
      %dma_wait3A_50 = arith.constant 0 : i32
      %dma_wait3A_51 = tpu.memref_slice %arg6[%dma_wait3A_49, %dma_wait3A_50] : memref<128x128xf32, #tpu.memory_space<vmem>> -> memref<128x128xf32, #tpu.memory_space<vmem>>
      tpu.wait_dma2 semaphore(%run_scoped3A : memref<!tpu.dma_semaphore, #tpu.memory_space<semaphore_mem>>) src(%dma_wait3A_51 : memref<128x128xf32, #tpu.memory_space<vmem>>) dst(%dma_wait3A_48 : memref<128x128xf32, #tpu.memory_space<vmem_shared>>)
      tpu.yield
    }) : () -> ()
    %add3A_16 = arith.constant 128 : i32
    %add3A_17 = arith.addi %mul3A_8, %add3A_16 : i32
    "tpu.region"() ({
      %run_scoped3A = tpu.sem_alloc : memref<!tpu.dma_semaphore, #tpu.memory_space<semaphore_mem>>
      %dma_start3A = arith.constant 0 : i32
      %dma_start3A_34 = arith.constant 0 : i32
      %dma_start3A_35 = tpu.memref_slice %arg6[%dma_start3A, %dma_start3A_34] : memref<128x128xf32, #tpu.memory_space<vmem>> -> memref<128x128xf32, #tpu.memory_space<vmem>>
      %dma_start3A_36 = arith.constant 0 : i32
      %dma_start3A_37 = tpu.memref_slice %arg7[%add3A_17, %dma_start3A_36] : memref<10112x128xf32, #tpu.memory_space<vmem_shared>> -> memref<128x128xf32, #tpu.memory_space<vmem_shared>>
      %dma_start3A_38 = arith.constant 0 : i32
      %dma_start3A_39 = tpu.memref_slice %arg7[%add3A_17, %dma_start3A_38] : memref<10112x128xf32, #tpu.memory_space<vmem_shared>> -> memref<128x128xf32, #tpu.memory_space<vmem_shared>>
      %dma_start3A_40 = arith.constant 0 : i32
      %dma_start3A_41 = arith.constant 0 : i32
      %dma_start3A_42 = tpu.memref_slice %arg6[%dma_start3A_40, %dma_start3A_41] : memref<128x128xf32, #tpu.memory_space<vmem>> -> memref<128x128xf32, #tpu.memory_space<vmem>>
      tpu.enqueue_dma source(%dma_start3A_42 : memref<128x128xf32, #tpu.memory_space<vmem>>) target(%dma_start3A_39 : memref<128x128xf32, #tpu.memory_space<vmem_shared>>) target_semaphore(%run_scoped3A : memref<!tpu.dma_semaphore, #tpu.memory_space<semaphore_mem>>)
      %dma_wait3A = arith.constant 0 : i32
      %dma_wait3A_43 = arith.constant 0 : i32
      %dma_wait3A_44 = tpu.memref_slice %arg6[%dma_wait3A, %dma_wait3A_43] : memref<128x128xf32, #tpu.memory_space<vmem>> -> memref<128x128xf32, #tpu.memory_space<vmem>>
      %dma_wait3A_45 = arith.constant 0 : i32
      %dma_wait3A_46 = tpu.memref_slice %arg7[%add3A_17, %dma_wait3A_45] : memref<10112x128xf32, #tpu.memory_space<vmem_shared>> -> memref<128x128xf32, #tpu.memory_space<vmem_shared>>
      %dma_wait3A_47 = arith.constant 0 : i32
      %dma_wait3A_48 = tpu.memref_slice %arg7[%add3A_17, %dma_wait3A_47] : memref<10112x128xf32, #tpu.memory_space<vmem_shared>> -> memref<128x128xf32, #tpu.memory_space<vmem_shared>>
      %dma_wait3A_49 = arith.constant 0 : i32
      %dma_wait3A_50 = arith.constant 0 : i32
      %dma_wait3A_51 = tpu.memref_slice %arg6[%dma_wait3A_49, %dma_wait3A_50] : memref<128x128xf32, #tpu.memory_space<vmem>> -> memref<128x128xf32, #tpu.memory_space<vmem>>
      tpu.wait_dma2 semaphore(%run_scoped3A : memref<!tpu.dma_semaphore, #tpu.memory_space<semaphore_mem>>) src(%dma_wait3A_51 : memref<128x128xf32, #tpu.memory_space<vmem>>) dst(%dma_wait3A_48 : memref<128x128xf32, #tpu.memory_space<vmem_shared>>)
      tpu.yield
    }) : () -> ()
    %add3A_18 = arith.constant 256 : i32
    %add3A_19 = arith.addi %mul3A_8, %add3A_18 : i32
    "tpu.region"() ({
      %run_scoped3A = tpu.sem_alloc : memref<!tpu.dma_semaphore, #tpu.memory_space<semaphore_mem>>
      %dma_start3A = arith.constant 0 : i32
      %dma_start3A_34 = arith.constant 0 : i32
      %dma_start3A_35 = tpu.memref_slice %arg6[%dma_start3A, %dma_start3A_34] : memref<128x128xf32, #tpu.memory_space<vmem>> -> memref<128x128xf32, #tpu.memory_space<vmem>>
      %dma_start3A_36 = arith.constant 0 : i32
      %dma_start3A_37 = tpu.memref_slice %arg7[%add3A_19, %dma_start3A_36] : memref<10112x128xf32, #tpu.memory_space<vmem_shared>> -> memref<128x128xf32, #tpu.memory_space<vmem_shared>>
      %dma_start3A_38 = arith.constant 0 : i32
      %dma_start3A_39 = tpu.memref_slice %arg7[%add3A_19, %dma_start3A_38] : memref<10112x128xf32, #tpu.memory_space<vmem_shared>> -> memref<128x128xf32, #tpu.memory_space<vmem_shared>>
      %dma_start3A_40 = arith.constant 0 : i32
      %dma_start3A_41 = arith.constant 0 : i32
      %dma_start3A_42 = tpu.memref_slice %arg6[%dma_start3A_40, %dma_start3A_41] : memref<128x128xf32, #tpu.memory_space<vmem>> -> memref<128x128xf32, #tpu.memory_space<vmem>>
      tpu.enqueue_dma source(%dma_start3A_42 : memref<128x128xf32, #tpu.memory_space<vmem>>) target(%dma_start3A_39 : memref<128x128xf32, #tpu.memory_space<vmem_shared>>) target_semaphore(%run_scoped3A : memref<!tpu.dma_semaphore, #tpu.memory_space<semaphore_mem>>)
      %dma_wait3A = arith.constant 0 : i32
      %dma_wait3A_43 = arith.constant 0 : i32
      %dma_wait3A_44 = tpu.memref_slice %arg6[%dma_wait3A, %dma_wait3A_43] : memref<128x128xf32, #tpu.memory_space<vmem>> -> memref<128x128xf32, #tpu.memory_space<vmem>>
      %dma_wait3A_45 = arith.constant 0 : i32
      %dma_wait3A_46 = tpu.memref_slice %arg7[%add3A_19, %dma_wait3A_45] : memref<10112x128xf32, #tpu.memory_space<vmem_shared>> -> memref<128x128xf32, #tpu.memory_space<vmem_shared>>
      %dma_wait3A_47 = arith.constant 0 : i32
      %dma_wait3A_48 = tpu.memref_slice %arg7[%add3A_19, %dma_wait3A_47] : memref<10112x128xf32, #tpu.memory_space<vmem_shared>> -> memref<128x128xf32, #tpu.memory_space<vmem_shared>>
      %dma_wait3A_49 = arith.constant 0 : i32
      %dma_wait3A_50 = arith.constant 0 : i32
      %dma_wait3A_51 = tpu.memref_slice %arg6[%dma_wait3A_49, %dma_wait3A_50] : memref<128x128xf32, #tpu.memory_space<vmem>> -> memref<128x128xf32, #tpu.memory_space<vmem>>
      tpu.wait_dma2 semaphore(%run_scoped3A : memref<!tpu.dma_semaphore, #tpu.memory_space<semaphore_mem>>) src(%dma_wait3A_51 : memref<128x128xf32, #tpu.memory_space<vmem>>) dst(%dma_wait3A_48 : memref<128x128xf32, #tpu.memory_space<vmem_shared>>)
      tpu.yield
    }) : () -> ()
    %add3A_20 = arith.constant 384 : i32
    %add3A_21 = arith.addi %mul3A_8, %add3A_20 : i32
    "tpu.region"() ({
      %run_scoped3A = tpu.sem_alloc : memref<!tpu.dma_semaphore, #tpu.memory_space<semaphore_mem>>
      %dma_start3A = arith.constant 0 : i32
      %dma_start3A_34 = arith.constant 0 : i32
      %dma_start3A_35 = tpu.memref_slice %arg6[%dma_start3A, %dma_start3A_34] : memref<128x128xf32, #tpu.memory_space<vmem>> -> memref<128x128xf32, #tpu.memory_space<vmem>>
      %dma_start3A_36 = arith.constant 0 : i32
      %dma_start3A_37 = tpu.memref_slice %arg7[%add3A_21, %dma_start3A_36] : memref<10112x128xf32, #tpu.memory_space<vmem_shared>> -> memref<128x128xf32, #tpu.memory_space<vmem_shared>>
      %dma_start3A_38 = arith.constant 0 : i32
      %dma_start3A_39 = tpu.memref_slice %arg7[%add3A_21, %dma_start3A_38] : memref<10112x128xf32, #tpu.memory_space<vmem_shared>> -> memref<128x128xf32, #tpu.memory_space<vmem_shared>>
      %dma_start3A_40 = arith.constant 0 : i32
      %dma_start3A_41 = arith.constant 0 : i32
      %dma_start3A_42 = tpu.memref_slice %arg6[%dma_start3A_40, %dma_start3A_41] : memref<128x128xf32, #tpu.memory_space<vmem>> -> memref<128x128xf32, #tpu.memory_space<vmem>>
      tpu.enqueue_dma source(%dma_start3A_42 : memref<128x128xf32, #tpu.memory_space<vmem>>) target(%dma_start3A_39 : memref<128x128xf32, #tpu.memory_space<vmem_shared>>) target_semaphore(%run_scoped3A : memref<!tpu.dma_semaphore, #tpu.memory_space<semaphore_mem>>)
      %dma_wait3A = arith.constant 0 : i32
      %dma_wait3A_43 = arith.constant 0 : i32
      %dma_wait3A_44 = tpu.memref_slice %arg6[%dma_wait3A, %dma_wait3A_43] : memref<128x128xf32, #tpu.memory_space<vmem>> -> memref<128x128xf32, #tpu.memory_space<vmem>>
      %dma_wait3A_45 = arith.constant 0 : i32
      %dma_wait3A_46 = tpu.memref_slice %arg7[%add3A_21, %dma_wait3A_45] : memref<10112x128xf32, #tpu.memory_space<vmem_shared>> -> memref<128x128xf32, #tpu.memory_space<vmem_shared>>
      %dma_wait3A_47 = arith.constant 0 : i32
      %dma_wait3A_48 = tpu.memref_slice %arg7[%add3A_21, %dma_wait3A_47] : memref<10112x128xf32, #tpu.memory_space<vmem_shared>> -> memref<128x128xf32, #tpu.memory_space<vmem_shared>>
      %dma_wait3A_49 = arith.constant 0 : i32
      %dma_wait3A_50 = arith.constant 0 : i32
      %dma_wait3A_51 = tpu.memref_slice %arg6[%dma_wait3A_49, %dma_wait3A_50] : memref<128x128xf32, #tpu.memory_space<vmem>> -> memref<128x128xf32, #tpu.memory_space<vmem>>
      tpu.wait_dma2 semaphore(%run_scoped3A : memref<!tpu.dma_semaphore, #tpu.memory_space<semaphore_mem>>) src(%dma_wait3A_51 : memref<128x128xf32, #tpu.memory_space<vmem>>) dst(%dma_wait3A_48 : memref<128x128xf32, #tpu.memory_space<vmem_shared>>)
      tpu.yield
    }) : () -> ()
    %add3A_22 = arith.constant 512 : i32
    %add3A_23 = arith.addi %mul3A_8, %add3A_22 : i32
    "tpu.region"() ({
      %run_scoped3A = tpu.sem_alloc : memref<!tpu.dma_semaphore, #tpu.memory_space<semaphore_mem>>
      %dma_start3A = arith.constant 0 : i32
      %dma_start3A_34 = arith.constant 0 : i32
      %dma_start3A_35 = tpu.memref_slice %arg6[%dma_start3A, %dma_start3A_34] : memref<128x128xf32, #tpu.memory_space<vmem>> -> memref<120x128xf32, #tpu.memory_space<vmem>>
      %dma_start3A_36 = arith.constant 0 : i32
      %dma_start3A_37 = tpu.memref_slice %arg7[%add3A_23, %dma_start3A_36] : memref<10112x128xf32, #tpu.memory_space<vmem_shared>> -> memref<120x128xf32, #tpu.memory_space<vmem_shared>>
      %dma_start3A_38 = arith.constant 0 : i32
      %dma_start3A_39 = tpu.memref_slice %arg7[%add3A_23, %dma_start3A_38] : memref<10112x128xf32, #tpu.memory_space<vmem_shared>> -> memref<120x128xf32, #tpu.memory_space<vmem_shared>>
      %dma_start3A_40 = arith.constant 0 : i32
      %dma_start3A_41 = arith.constant 0 : i32
      %dma_start3A_42 = tpu.memref_slice %arg6[%dma_start3A_40, %dma_start3A_41] : memref<128x128xf32, #tpu.memory_space<vmem>> -> memref<120x128xf32, #tpu.memory_space<vmem>>
      tpu.enqueue_dma source(%dma_start3A_42 : memref<120x128xf32, #tpu.memory_space<vmem>>) target(%dma_start3A_39 : memref<120x128xf32, #tpu.memory_space<vmem_shared>>) target_semaphore(%run_scoped3A : memref<!tpu.dma_semaphore, #tpu.memory_space<semaphore_mem>>)
      %dma_wait3A = arith.constant 0 : i32
      %dma_wait3A_43 = arith.constant 0 : i32
      %dma_wait3A_44 = tpu.memref_slice %arg6[%dma_wait3A, %dma_wait3A_43] : memref<128x128xf32, #tpu.memory_space<vmem>> -> memref<120x128xf32, #tpu.memory_space<vmem>>
      %dma_wait3A_45 = arith.constant 0 : i32
      %dma_wait3A_46 = tpu.memref_slice %arg7[%add3A_23, %dma_wait3A_45] : memref<10112x128xf32, #tpu.memory_space<vmem_shared>> -> memref<120x128xf32, #tpu.memory_space<vmem_shared>>
      %dma_wait3A_47 = arith.constant 0 : i32
      %dma_wait3A_48 = tpu.memref_slice %arg7[%add3A_23, %dma_wait3A_47] : memref<10112x128xf32, #tpu.memory_space<vmem_shared>> -> memref<120x128xf32, #tpu.memory_space<vmem_shared>>
      %dma_wait3A_49 = arith.constant 0 : i32
      %dma_wait3A_50 = arith.constant 0 : i32
      %dma_wait3A_51 = tpu.memref_slice %arg6[%dma_wait3A_49, %dma_wait3A_50] : memref<128x128xf32, #tpu.memory_space<vmem>> -> memref<120x128xf32, #tpu.memory_space<vmem>>
      tpu.wait_dma2 semaphore(%run_scoped3A : memref<!tpu.dma_semaphore, #tpu.memory_space<semaphore_mem>>) src(%dma_wait3A_51 : memref<120x128xf32, #tpu.memory_space<vmem>>) dst(%dma_wait3A_48 : memref<120x128xf32, #tpu.memory_space<vmem_shared>>)
      tpu.yield
    }) : () -> ()
    %barrier3A = arith.constant 0 : index
    tpu.barrier barrier_id(%barrier3A)
    %scan3A_24 = arith.constant 0 : i32
    %scan3A_25 = arith.constant 40 : i32
    %scan3A_26 = arith.addi %scan3A_24, %scan3A_25 : i32
    %scan3A_27 = arith.constant 1 : i32
    scf.for %scan3A_34 = %scan3A_24 to %scan3A_26 step %scan3A_27  : i32 {
      %mul3A_35 = arith.constant 1 : i32
      %mul3A_36 = arith.muli %scan3A_34, %mul3A_35 : i32
      %add3A_37 = arith.constant 0 : i32
      %add3A_38 = arith.addi %add3A_37, %mul3A_36 : i32
      "tpu.region"() ({
        %run_scoped3A = tpu.sem_alloc : memref<!tpu.dma_semaphore, #tpu.memory_space<semaphore_mem>>
        %dma_start3A = arith.constant 0 : i32
        %dma_start3A_39 = tpu.memref_slice %arg4[%add3A_38, %dma_start3A] : memref<40x128xi32, #tpu.memory_space<vmem>> -> memref<1x128xi32, #tpu.memory_space<vmem>>
        %dma_start3A_40 = tpu.memref_squeeze %dma_start3A_39 : memref<1x128xi32, #tpu.memory_space<vmem>> -> memref<128xi32, #tpu.memory_space<vmem>>
        %dma_start3A_41 = arith.constant 0 : i32
        %dma_start3A_42 = arith.constant 0 : i32
        %dma_start3A_43 = tpu.memref_slice %arg7[%dma_start3A_41, %dma_start3A_42] : memref<10112x128xf32, #tpu.memory_space<vmem_shared>> -> memref<10112x128xf32, #tpu.memory_space<vmem_shared>>
        tpu.enqueue_indirect_dma source(%arg5 : memref<128x128xf32, #tpu.memory_space<vmem>>) target(%dma_start3A_43 : memref<10112x128xf32, #tpu.memory_space<vmem_shared>>) offsets(%dma_start3A_40 : memref<128xi32, #tpu.memory_space<vmem>>) semaphore(%run_scoped3A : memref<!tpu.dma_semaphore, #tpu.memory_space<semaphore_mem>>) {add = true}
        %dma_wait3A = arith.constant 0 : i32
        %dma_wait3A_44 = tpu.memref_slice %arg4[%add3A_38, %dma_wait3A] : memref<40x128xi32, #tpu.memory_space<vmem>> -> memref<1x128xi32, #tpu.memory_space<vmem>>
        %dma_wait3A_45 = tpu.memref_squeeze %dma_wait3A_44 : memref<1x128xi32, #tpu.memory_space<vmem>> -> memref<128xi32, #tpu.memory_space<vmem>>
        %dma_wait3A_46 = arith.constant 0 : i32
        %dma_wait3A_47 = arith.constant 0 : i32
        %dma_wait3A_48 = tpu.memref_slice %arg7[%dma_wait3A_46, %dma_wait3A_47] : memref<10112x128xf32, #tpu.memory_space<vmem_shared>> -> memref<10112x128xf32, #tpu.memory_space<vmem_shared>>
        tpu.wait_indirect_dma semaphore(%run_scoped3A : memref<!tpu.dma_semaphore, #tpu.memory_space<semaphore_mem>>) src(%arg5 : memref<128x128xf32, #tpu.memory_space<vmem>>) dst(%dma_wait3A_48 : memref<10112x128xf32, #tpu.memory_space<vmem_shared>>)
        tpu.yield
      }) : () -> ()
    }
    %scan3A_28 = arith.constant 40 : i32
    %barrier3A_29 = arith.constant 0 : index
    tpu.barrier barrier_id(%barrier3A_29)
    %mul3A_30 = arith.constant 632 : i32
    %mul3A_31 = arith.muli %arg1, %mul3A_30 : i32
    %mul3A_32 = arith.constant 632 : i32
    %mul3A_33 = arith.muli %arg1, %mul3A_32 : i32
    "tpu.region"() ({
      %run_scoped3A = tpu.sem_alloc : memref<!tpu.dma_semaphore, #tpu.memory_space<semaphore_mem>>
      %dma_start3A = arith.constant 0 : i32
      %dma_start3A_34 = tpu.memref_slice %arg3[%arg0, %mul3A_33, %dma_start3A] : memref<2x10112x128xf32, #tpu.memory_space<hbm>> -> memref<1x632x128xf32, #tpu.memory_space<hbm>>
      %dma_start3A_35 = tpu.memref_squeeze %dma_start3A_34 : memref<1x632x128xf32, #tpu.memory_space<hbm>> -> memref<632x128xf32, #tpu.memory_space<hbm>>
      %dma_start3A_36 = arith.constant 0 : i32
      %dma_start3A_37 = tpu.memref_slice %arg7[%mul3A_31, %dma_start3A_36] : memref<10112x128xf32, #tpu.memory_space<vmem_shared>> -> memref<632x128xf32, #tpu.memory_space<vmem_shared>>
      tpu.enqueue_dma source(%dma_start3A_37 : memref<632x128xf32, #tpu.memory_space<vmem_shared>>) target(%dma_start3A_35 : memref<632x128xf32, #tpu.memory_space<hbm>>) target_semaphore(%run_scoped3A : memref<!tpu.dma_semaphore, #tpu.memory_space<semaphore_mem>>)
      %dma_wait3A = arith.constant 0 : i32
      %dma_wait3A_38 = tpu.memref_slice %arg3[%arg0, %mul3A_33, %dma_wait3A] : memref<2x10112x128xf32, #tpu.memory_space<hbm>> -> memref<1x632x128xf32, #tpu.memory_space<hbm>>
      %dma_wait3A_39 = tpu.memref_squeeze %dma_wait3A_38 : memref<1x632x128xf32, #tpu.memory_space<hbm>> -> memref<632x128xf32, #tpu.memory_space<hbm>>
      %dma_wait3A_40 = arith.constant 0 : i32
      %dma_wait3A_41 = tpu.memref_slice %arg7[%mul3A_31, %dma_wait3A_40] : memref<10112x128xf32, #tpu.memory_space<vmem_shared>> -> memref<632x128xf32, #tpu.memory_space<vmem_shared>>
      tpu.wait_dma2 semaphore(%run_scoped3A : memref<!tpu.dma_semaphore, #tpu.memory_space<semaphore_mem>>) src(%dma_wait3A_41 : memref<632x128xf32, #tpu.memory_space<vmem_shared>>) dst(%dma_wait3A_39 : memref<632x128xf32, #tpu.memory_space<hbm>>)
      tpu.yield
    }) : () -> ()
    return
  }
}

#map = affine_map<(d0, d1) -> (0, 0)>
#map1 = affine_map<(d0, d1) -> (0, 0, 0)>
module attributes {stable_mosaic.version = 14 : i64} {
  func.func @body(%arg0: i32, %arg1: i32, %arg2: memref<10000x128xf32, #tpu.memory_space<hbm>>, %arg3: memref<1280x128xi32, #tpu.memory_space<hbm>>, %arg4: memref<1280x128xi32, #tpu.memory_space<hbm>>, %arg5: memref<2x10112x128xf32, #tpu.memory_space<hbm>>, %arg6: memref<40x128xi32, #tpu.memory_space<vmem>>, %arg7: memref<40x128xi32, #tpu.memory_space<vmem>>, %arg8: memref<128x128xf32, #tpu.memory_space<vmem>>, %arg9: memref<128x128xf32, #tpu.memory_space<vmem>>, %arg10: memref<32x128xf32, #tpu.memory_space<vmem>>, %arg11: memref<10112x128xf32, #tpu.memory_space<vmem_shared>>, %arg12: memref<!tpu.dma_semaphore, #tpu.memory_space<semaphore_mem>>, %arg13: memref<!tpu.dma_semaphore, #tpu.memory_space<semaphore_mem>>) attributes {dimension_semantics = [#tpu.dimension_semantics<core_parallel>, #tpu.dimension_semantics<subcore_parallel>], iteration_bounds = array<i64: 2, 16>, scalar_prefetch = 0 : i64, scratch_operands = 8 : i64, tpu.core_type = #tpu.core_type<sc_vector_subcore>, window_params = [{transform_indices = #map}, {transform_indices = #map}, {transform_indices = #map}, {transform_indices = #map1}]} {
    %mul3A = arith.constant 16 : i32
    %mul3A_0 = arith.muli %arg0, %mul3A : i32
    %add3A = arith.addi %mul3A_0, %arg1 : i32
    %mul3A_1 = arith.constant 40 : i32
    %mul3A_2 = arith.muli %add3A, %mul3A_1 : i32
    "tpu.region"() ({
      %run_scoped3A = tpu.sem_alloc : memref<!tpu.dma_semaphore, #tpu.memory_space<semaphore_mem>>
      %dma_start3A_67 = arith.constant 0 : i32
      %dma_start3A_68 = tpu.memref_slice %arg3[%mul3A_2, %dma_start3A_67] : memref<1280x128xi32, #tpu.memory_space<hbm>> -> memref<40x128xi32, #tpu.memory_space<hbm>>
      %dma_start3A_69 = arith.constant 0 : i32
      %dma_start3A_70 = tpu.memref_slice %arg3[%mul3A_2, %dma_start3A_69] : memref<1280x128xi32, #tpu.memory_space<hbm>> -> memref<40x128xi32, #tpu.memory_space<hbm>>
      tpu.enqueue_dma source(%dma_start3A_70 : memref<40x128xi32, #tpu.memory_space<hbm>>) target(%arg6 : memref<40x128xi32, #tpu.memory_space<vmem>>) target_semaphore(%run_scoped3A : memref<!tpu.dma_semaphore, #tpu.memory_space<semaphore_mem>>)
      %dma_wait3A = arith.constant 0 : i32
      %dma_wait3A_71 = tpu.memref_slice %arg3[%mul3A_2, %dma_wait3A] : memref<1280x128xi32, #tpu.memory_space<hbm>> -> memref<40x128xi32, #tpu.memory_space<hbm>>
      %dma_wait3A_72 = arith.constant 0 : i32
      %dma_wait3A_73 = tpu.memref_slice %arg3[%mul3A_2, %dma_wait3A_72] : memref<1280x128xi32, #tpu.memory_space<hbm>> -> memref<40x128xi32, #tpu.memory_space<hbm>>
      tpu.wait_dma2 semaphore(%run_scoped3A : memref<!tpu.dma_semaphore, #tpu.memory_space<semaphore_mem>>) src(%dma_wait3A_73 : memref<40x128xi32, #tpu.memory_space<hbm>>) dst(%arg6 : memref<40x128xi32, #tpu.memory_space<vmem>>)
      tpu.yield
    }) : () -> ()
    %mul3A_3 = arith.constant 40 : i32
    %mul3A_4 = arith.muli %add3A, %mul3A_3 : i32
    "tpu.region"() ({
      %run_scoped3A = tpu.sem_alloc : memref<!tpu.dma_semaphore, #tpu.memory_space<semaphore_mem>>
      %dma_start3A_67 = arith.constant 0 : i32
      %dma_start3A_68 = tpu.memref_slice %arg4[%mul3A_4, %dma_start3A_67] : memref<1280x128xi32, #tpu.memory_space<hbm>> -> memref<40x128xi32, #tpu.memory_space<hbm>>
      %dma_start3A_69 = arith.constant 0 : i32
      %dma_start3A_70 = tpu.memref_slice %arg4[%mul3A_4, %dma_start3A_69] : memref<1280x128xi32, #tpu.memory_space<hbm>> -> memref<40x128xi32, #tpu.memory_space<hbm>>
      tpu.enqueue_dma source(%dma_start3A_70 : memref<40x128xi32, #tpu.memory_space<hbm>>) target(%arg7 : memref<40x128xi32, #tpu.memory_space<vmem>>) target_semaphore(%run_scoped3A : memref<!tpu.dma_semaphore, #tpu.memory_space<semaphore_mem>>)
      %dma_wait3A = arith.constant 0 : i32
      %dma_wait3A_71 = tpu.memref_slice %arg4[%mul3A_4, %dma_wait3A] : memref<1280x128xi32, #tpu.memory_space<hbm>> -> memref<40x128xi32, #tpu.memory_space<hbm>>
      %dma_wait3A_72 = arith.constant 0 : i32
      %dma_wait3A_73 = tpu.memref_slice %arg4[%mul3A_4, %dma_wait3A_72] : memref<1280x128xi32, #tpu.memory_space<hbm>> -> memref<40x128xi32, #tpu.memory_space<hbm>>
      tpu.wait_dma2 semaphore(%run_scoped3A : memref<!tpu.dma_semaphore, #tpu.memory_space<semaphore_mem>>) src(%dma_wait3A_73 : memref<40x128xi32, #tpu.memory_space<hbm>>) dst(%arg7 : memref<40x128xi32, #tpu.memory_space<vmem>>)
      tpu.yield
    }) : () -> ()
    %mul3A_5 = arith.constant 632 : i32
    %mul3A_6 = arith.muli %arg1, %mul3A_5 : i32
    %scan3A = arith.constant 0 : i32
    %scan3A_7 = arith.constant 32 : i32
    %scan3A_8 = arith.addi %scan3A, %scan3A_7 : i32
    %scan3A_9 = arith.constant 1 : i32
    scf.for %scan3A_67 = %scan3A to %scan3A_8 step %scan3A_9  : i32 {
      %mul3A_68 = arith.constant 1 : i32
      %mul3A_69 = arith.muli %scan3A_67, %mul3A_68 : i32
      %add3A_70 = arith.constant 0 : i32
      %add3A_71 = arith.addi %add3A_70, %mul3A_69 : i32
      %broadcast_in_dim3A = arith.constant 0.000000e+00 : f32
      %broadcast_in_dim3A_72 = vector.broadcast %broadcast_in_dim3A : f32 to vector<16xf32>
      %swap3A = arith.index_cast %add3A_71 : i32 to index
      %swap3A_73 = arith.constant 0 : index
      %swap3A_74 = tpu.vector_load %arg10[%swap3A, %swap3A_73] {strides = array<i32>} : memref<32x128xf32, #tpu.memory_space<vmem>>, vector<1x16xf32>,
      %swap3A_75 = vector.shape_cast %swap3A_74 : vector<1x16xf32> to vector<16xf32>
      %swap3A_76 = vector.shape_cast %broadcast_in_dim3A_72 : vector<16xf32> to vector<1x16xf32>
      tpu.vector_store %arg10[%swap3A, %swap3A_73], %swap3A_76 {strides = array<i32>} : memref<32x128xf32, #tpu.memory_space<vmem>>, vector<1x16xf32>,
      %broadcast_in_dim3A_77 = arith.constant 0.000000e+00 : f32
      %broadcast_in_dim3A_78 = vector.broadcast %broadcast_in_dim3A_77 : f32 to vector<16xf32>
      %swap3A_79 = arith.index_cast %add3A_71 : i32 to index
      %swap3A_80 = arith.constant 16 : index
      %swap3A_81 = tpu.vector_load %arg10[%swap3A_79, %swap3A_80] {strides = array<i32>} : memref<32x128xf32, #tpu.memory_space<vmem>>, vector<1x16xf32>,
      %swap3A_82 = vector.shape_cast %swap3A_81 : vector<1x16xf32> to vector<16xf32>
      %swap3A_83 = vector.shape_cast %broadcast_in_dim3A_78 : vector<16xf32> to vector<1x16xf32>
      tpu.vector_store %arg10[%swap3A_79, %swap3A_80], %swap3A_83 {strides = array<i32>} : memref<32x128xf32, #tpu.memory_space<vmem>>, vector<1x16xf32>,
      %broadcast_in_dim3A_84 = arith.constant 0.000000e+00 : f32
      %broadcast_in_dim3A_85 = vector.broadcast %broadcast_in_dim3A_84 : f32 to vector<16xf32>
      %swap3A_86 = arith.index_cast %add3A_71 : i32 to index
      %swap3A_87 = arith.constant 32 : index
      %swap3A_88 = tpu.vector_load %arg10[%swap3A_86, %swap3A_87] {strides = array<i32>} : memref<32x128xf32, #tpu.memory_space<vmem>>, vector<1x16xf32>,
      %swap3A_89 = vector.shape_cast %swap3A_88 : vector<1x16xf32> to vector<16xf32>
      %swap3A_90 = vector.shape_cast %broadcast_in_dim3A_85 : vector<16xf32> to vector<1x16xf32>
      tpu.vector_store %arg10[%swap3A_86, %swap3A_87], %swap3A_90 {strides = array<i32>} : memref<32x128xf32, #tpu.memory_space<vmem>>, vector<1x16xf32>,
      %broadcast_in_dim3A_91 = arith.constant 0.000000e+00 : f32
      %broadcast_in_dim3A_92 = vector.broadcast %broadcast_in_dim3A_91 : f32 to vector<16xf32>
      %swap3A_93 = arith.index_cast %add3A_71 : i32 to index
      %swap3A_94 = arith.constant 48 : index
      %swap3A_95 = tpu.vector_load %arg10[%swap3A_93, %swap3A_94] {strides = array<i32>} : memref<32x128xf32, #tpu.memory_space<vmem>>, vector<1x16xf32>,
      %swap3A_96 = vector.shape_cast %swap3A_95 : vector<1x16xf32> to vector<16xf32>
      %swap3A_97 = vector.shape_cast %broadcast_in_dim3A_92 : vector<16xf32> to vector<1x16xf32>
      tpu.vector_store %arg10[%swap3A_93, %swap3A_94], %swap3A_97 {strides = array<i32>} : memref<32x128xf32, #tpu.memory_space<vmem>>, vector<1x16xf32>,
      %broadcast_in_dim3A_98 = arith.constant 0.000000e+00 : f32
      %broadcast_in_dim3A_99 = vector.broadcast %broadcast_in_dim3A_98 : f32 to vector<16xf32>
      %swap3A_100 = arith.index_cast %add3A_71 : i32 to index
      %swap3A_101 = arith.constant 64 : index
      %swap3A_102 = tpu.vector_load %arg10[%swap3A_100, %swap3A_101] {strides = array<i32>} : memref<32x128xf32, #tpu.memory_space<vmem>>, vector<1x16xf32>,
      %swap3A_103 = vector.shape_cast %swap3A_102 : vector<1x16xf32> to vector<16xf32>
      %swap3A_104 = vector.shape_cast %broadcast_in_dim3A_99 : vector<16xf32> to vector<1x16xf32>
      tpu.vector_store %arg10[%swap3A_100, %swap3A_101], %swap3A_104 {strides = array<i32>} : memref<32x128xf32, #tpu.memory_space<vmem>>, vector<1x16xf32>,
      %broadcast_in_dim3A_105 = arith.constant 0.000000e+00 : f32
      %broadcast_in_dim3A_106 = vector.broadcast %broadcast_in_dim3A_105 : f32 to vector<16xf32>
      %swap3A_107 = arith.index_cast %add3A_71 : i32 to index
      %swap3A_108 = arith.constant 80 : index
      %swap3A_109 = tpu.vector_load %arg10[%swap3A_107, %swap3A_108] {strides = array<i32>} : memref<32x128xf32, #tpu.memory_space<vmem>>, vector<1x16xf32>,
      %swap3A_110 = vector.shape_cast %swap3A_109 : vector<1x16xf32> to vector<16xf32>
      %swap3A_111 = vector.shape_cast %broadcast_in_dim3A_106 : vector<16xf32> to vector<1x16xf32>
      tpu.vector_store %arg10[%swap3A_107, %swap3A_108], %swap3A_111 {strides = array<i32>} : memref<32x128xf32, #tpu.memory_space<vmem>>, vector<1x16xf32>,
      %broadcast_in_dim3A_112 = arith.constant 0.000000e+00 : f32
      %broadcast_in_dim3A_113 = vector.broadcast %broadcast_in_dim3A_112 : f32 to vector<16xf32>
      %swap3A_114 = arith.index_cast %add3A_71 : i32 to index
      %swap3A_115 = arith.constant 96 : index
      %swap3A_116 = tpu.vector_load %arg10[%swap3A_114, %swap3A_115] {strides = array<i32>} : memref<32x128xf32, #tpu.memory_space<vmem>>, vector<1x16xf32>,
      %swap3A_117 = vector.shape_cast %swap3A_116 : vector<1x16xf32> to vector<16xf32>
      %swap3A_118 = vector.shape_cast %broadcast_in_dim3A_113 : vector<16xf32> to vector<1x16xf32>
      tpu.vector_store %arg10[%swap3A_114, %swap3A_115], %swap3A_118 {strides = array<i32>} : memref<32x128xf32, #tpu.memory_space<vmem>>, vector<1x16xf32>,
      %broadcast_in_dim3A_119 = arith.constant 0.000000e+00 : f32
      %broadcast_in_dim3A_120 = vector.broadcast %broadcast_in_dim3A_119 : f32 to vector<16xf32>
      %swap3A_121 = arith.index_cast %add3A_71 : i32 to index
      %swap3A_122 = arith.constant 112 : index
      %swap3A_123 = tpu.vector_load %arg10[%swap3A_121, %swap3A_122] {strides = array<i32>} : memref<32x128xf32, #tpu.memory_space<vmem>>, vector<1x16xf32>,
      %swap3A_124 = vector.shape_cast %swap3A_123 : vector<1x16xf32> to vector<16xf32>
      %swap3A_125 = vector.shape_cast %broadcast_in_dim3A_120 : vector<16xf32> to vector<1x16xf32>
      tpu.vector_store %arg10[%swap3A_121, %swap3A_122], %swap3A_125 {strides = array<i32>} : memref<32x128xf32, #tpu.memory_space<vmem>>, vector<1x16xf32>,
    }
    %scan3A_10 = arith.constant 32 : i32
    %add3A_11 = arith.constant 0 : i32
    %add3A_12 = arith.addi %mul3A_6, %add3A_11 : i32
    "tpu.region"() ({
      %run_scoped3A = tpu.sem_alloc : memref<!tpu.dma_semaphore, #tpu.memory_space<semaphore_mem>>
      %dma_start3A_67 = arith.constant 0 : i32
      %dma_start3A_68 = arith.constant 0 : i32
      %dma_start3A_69 = tpu.memref_slice %arg10[%dma_start3A_67, %dma_start3A_68] : memref<32x128xf32, #tpu.memory_space<vmem>> -> memref<32x128xf32, #tpu.memory_space<vmem>>
      %dma_start3A_70 = arith.constant 0 : i32
      %dma_start3A_71 = tpu.memref_slice %arg11[%add3A_12, %dma_start3A_70] : memref<10112x128xf32, #tpu.memory_space<vmem_shared>> -> memref<32x128xf32, #tpu.memory_space<vmem_shared>>
      %dma_start3A_72 = arith.constant 0 : i32
      %dma_start3A_73 = tpu.memref_slice %arg11[%add3A_12, %dma_start3A_72] : memref<10112x128xf32, #tpu.memory_space<vmem_shared>> -> memref<32x128xf32, #tpu.memory_space<vmem_shared>>
      %dma_start3A_74 = arith.constant 0 : i32
      %dma_start3A_75 = arith.constant 0 : i32
      %dma_start3A_76 = tpu.memref_slice %arg10[%dma_start3A_74, %dma_start3A_75] : memref<32x128xf32, #tpu.memory_space<vmem>> -> memref<32x128xf32, #tpu.memory_space<vmem>>
      tpu.enqueue_dma source(%dma_start3A_76 : memref<32x128xf32, #tpu.memory_space<vmem>>) target(%dma_start3A_73 : memref<32x128xf32, #tpu.memory_space<vmem_shared>>) target_semaphore(%run_scoped3A : memref<!tpu.dma_semaphore, #tpu.memory_space<semaphore_mem>>)
      %dma_wait3A = arith.constant 0 : i32
      %dma_wait3A_77 = arith.constant 0 : i32
      %dma_wait3A_78 = tpu.memref_slice %arg10[%dma_wait3A, %dma_wait3A_77] : memref<32x128xf32, #tpu.memory_space<vmem>> -> memref<32x128xf32, #tpu.memory_space<vmem>>
      %dma_wait3A_79 = arith.constant 0 : i32
      %dma_wait3A_80 = tpu.memref_slice %arg11[%add3A_12, %dma_wait3A_79] : memref<10112x128xf32, #tpu.memory_space<vmem_shared>> -> memref<32x128xf32, #tpu.memory_space<vmem_shared>>
      %dma_wait3A_81 = arith.constant 0 : i32
      %dma_wait3A_82 = tpu.memref_slice %arg11[%add3A_12, %dma_wait3A_81] : memref<10112x128xf32, #tpu.memory_space<vmem_shared>> -> memref<32x128xf32, #tpu.memory_space<vmem_shared>>
      %dma_wait3A_83 = arith.constant 0 : i32
      %dma_wait3A_84 = arith.constant 0 : i32
      %dma_wait3A_85 = tpu.memref_slice %arg10[%dma_wait3A_83, %dma_wait3A_84] : memref<32x128xf32, #tpu.memory_space<vmem>> -> memref<32x128xf32, #tpu.memory_space<vmem>>
      tpu.wait_dma2 semaphore(%run_scoped3A : memref<!tpu.dma_semaphore, #tpu.memory_space<semaphore_mem>>) src(%dma_wait3A_85 : memref<32x128xf32, #tpu.memory_space<vmem>>) dst(%dma_wait3A_82 : memref<32x128xf32, #tpu.memory_space<vmem_shared>>)
      tpu.yield
    }) : () -> ()
    %add3A_13 = arith.constant 32 : i32
    %add3A_14 = arith.addi %mul3A_6, %add3A_13 : i32
    "tpu.region"() ({
      %run_scoped3A = tpu.sem_alloc : memref<!tpu.dma_semaphore, #tpu.memory_space<semaphore_mem>>
      %dma_start3A_67 = arith.constant 0 : i32
      %dma_start3A_68 = arith.constant 0 : i32
      %dma_start3A_69 = tpu.memref_slice %arg10[%dma_start3A_67, %dma_start3A_68] : memref<32x128xf32, #tpu.memory_space<vmem>> -> memref<32x128xf32, #tpu.memory_space<vmem>>
      %dma_start3A_70 = arith.constant 0 : i32
      %dma_start3A_71 = tpu.memref_slice %arg11[%add3A_14, %dma_start3A_70] : memref<10112x128xf32, #tpu.memory_space<vmem_shared>> -> memref<32x128xf32, #tpu.memory_space<vmem_shared>>
      %dma_start3A_72 = arith.constant 0 : i32
      %dma_start3A_73 = tpu.memref_slice %arg11[%add3A_14, %dma_start3A_72] : memref<10112x128xf32, #tpu.memory_space<vmem_shared>> -> memref<32x128xf32, #tpu.memory_space<vmem_shared>>
      %dma_start3A_74 = arith.constant 0 : i32
      %dma_start3A_75 = arith.constant 0 : i32
      %dma_start3A_76 = tpu.memref_slice %arg10[%dma_start3A_74, %dma_start3A_75] : memref<32x128xf32, #tpu.memory_space<vmem>> -> memref<32x128xf32, #tpu.memory_space<vmem>>
      tpu.enqueue_dma source(%dma_start3A_76 : memref<32x128xf32, #tpu.memory_space<vmem>>) target(%dma_start3A_73 : memref<32x128xf32, #tpu.memory_space<vmem_shared>>) target_semaphore(%run_scoped3A : memref<!tpu.dma_semaphore, #tpu.memory_space<semaphore_mem>>)
      %dma_wait3A = arith.constant 0 : i32
      %dma_wait3A_77 = arith.constant 0 : i32
      %dma_wait3A_78 = tpu.memref_slice %arg10[%dma_wait3A, %dma_wait3A_77] : memref<32x128xf32, #tpu.memory_space<vmem>> -> memref<32x128xf32, #tpu.memory_space<vmem>>
      %dma_wait3A_79 = arith.constant 0 : i32
      %dma_wait3A_80 = tpu.memref_slice %arg11[%add3A_14, %dma_wait3A_79] : memref<10112x128xf32, #tpu.memory_space<vmem_shared>> -> memref<32x128xf32, #tpu.memory_space<vmem_shared>>
      %dma_wait3A_81 = arith.constant 0 : i32
      %dma_wait3A_82 = tpu.memref_slice %arg11[%add3A_14, %dma_wait3A_81] : memref<10112x128xf32, #tpu.memory_space<vmem_shared>> -> memref<32x128xf32, #tpu.memory_space<vmem_shared>>
      %dma_wait3A_83 = arith.constant 0 : i32
      %dma_wait3A_84 = arith.constant 0 : i32
      %dma_wait3A_85 = tpu.memref_slice %arg10[%dma_wait3A_83, %dma_wait3A_84] : memref<32x128xf32, #tpu.memory_space<vmem>> -> memref<32x128xf32, #tpu.memory_space<vmem>>
      tpu.wait_dma2 semaphore(%run_scoped3A : memref<!tpu.dma_semaphore, #tpu.memory_space<semaphore_mem>>) src(%dma_wait3A_85 : memref<32x128xf32, #tpu.memory_space<vmem>>) dst(%dma_wait3A_82 : memref<32x128xf32, #tpu.memory_space<vmem_shared>>)
      tpu.yield
    }) : () -> ()
    %add3A_15 = arith.constant 64 : i32
    %add3A_16 = arith.addi %mul3A_6, %add3A_15 : i32
    "tpu.region"() ({
      %run_scoped3A = tpu.sem_alloc : memref<!tpu.dma_semaphore, #tpu.memory_space<semaphore_mem>>
      %dma_start3A_67 = arith.constant 0 : i32
      %dma_start3A_68 = arith.constant 0 : i32
      %dma_start3A_69 = tpu.memref_slice %arg10[%dma_start3A_67, %dma_start3A_68] : memref<32x128xf32, #tpu.memory_space<vmem>> -> memref<32x128xf32, #tpu.memory_space<vmem>>
      %dma_start3A_70 = arith.constant 0 : i32
      %dma_start3A_71 = tpu.memref_slice %arg11[%add3A_16, %dma_start3A_70] : memref<10112x128xf32, #tpu.memory_space<vmem_shared>> -> memref<32x128xf32, #tpu.memory_space<vmem_shared>>
      %dma_start3A_72 = arith.constant 0 : i32
      %dma_start3A_73 = tpu.memref_slice %arg11[%add3A_16, %dma_start3A_72] : memref<10112x128xf32, #tpu.memory_space<vmem_shared>> -> memref<32x128xf32, #tpu.memory_space<vmem_shared>>
      %dma_start3A_74 = arith.constant 0 : i32
      %dma_start3A_75 = arith.constant 0 : i32
      %dma_start3A_76 = tpu.memref_slice %arg10[%dma_start3A_74, %dma_start3A_75] : memref<32x128xf32, #tpu.memory_space<vmem>> -> memref<32x128xf32, #tpu.memory_space<vmem>>
      tpu.enqueue_dma source(%dma_start3A_76 : memref<32x128xf32, #tpu.memory_space<vmem>>) target(%dma_start3A_73 : memref<32x128xf32, #tpu.memory_space<vmem_shared>>) target_semaphore(%run_scoped3A : memref<!tpu.dma_semaphore, #tpu.memory_space<semaphore_mem>>)
      %dma_wait3A = arith.constant 0 : i32
      %dma_wait3A_77 = arith.constant 0 : i32
      %dma_wait3A_78 = tpu.memref_slice %arg10[%dma_wait3A, %dma_wait3A_77] : memref<32x128xf32, #tpu.memory_space<vmem>> -> memref<32x128xf32, #tpu.memory_space<vmem>>
      %dma_wait3A_79 = arith.constant 0 : i32
      %dma_wait3A_80 = tpu.memref_slice %arg11[%add3A_16, %dma_wait3A_79] : memref<10112x128xf32, #tpu.memory_space<vmem_shared>> -> memref<32x128xf32, #tpu.memory_space<vmem_shared>>
      %dma_wait3A_81 = arith.constant 0 : i32
      %dma_wait3A_82 = tpu.memref_slice %arg11[%add3A_16, %dma_wait3A_81] : memref<10112x128xf32, #tpu.memory_space<vmem_shared>> -> memref<32x128xf32, #tpu.memory_space<vmem_shared>>
      %dma_wait3A_83 = arith.constant 0 : i32
      %dma_wait3A_84 = arith.constant 0 : i32
      %dma_wait3A_85 = tpu.memref_slice %arg10[%dma_wait3A_83, %dma_wait3A_84] : memref<32x128xf32, #tpu.memory_space<vmem>> -> memref<32x128xf32, #tpu.memory_space<vmem>>
      tpu.wait_dma2 semaphore(%run_scoped3A : memref<!tpu.dma_semaphore, #tpu.memory_space<semaphore_mem>>) src(%dma_wait3A_85 : memref<32x128xf32, #tpu.memory_space<vmem>>) dst(%dma_wait3A_82 : memref<32x128xf32, #tpu.memory_space<vmem_shared>>)
      tpu.yield
    }) : () -> ()
    %add3A_17 = arith.constant 96 : i32
    %add3A_18 = arith.addi %mul3A_6, %add3A_17 : i32
    "tpu.region"() ({
      %run_scoped3A = tpu.sem_alloc : memref<!tpu.dma_semaphore, #tpu.memory_space<semaphore_mem>>
      %dma_start3A_67 = arith.constant 0 : i32
      %dma_start3A_68 = arith.constant 0 : i32
      %dma_start3A_69 = tpu.memref_slice %arg10[%dma_start3A_67, %dma_start3A_68] : memref<32x128xf32, #tpu.memory_space<vmem>> -> memref<32x128xf32, #tpu.memory_space<vmem>>
      %dma_start3A_70 = arith.constant 0 : i32
      %dma_start3A_71 = tpu.memref_slice %arg11[%add3A_18, %dma_start3A_70] : memref<10112x128xf32, #tpu.memory_space<vmem_shared>> -> memref<32x128xf32, #tpu.memory_space<vmem_shared>>
      %dma_start3A_72 = arith.constant 0 : i32
      %dma_start3A_73 = tpu.memref_slice %arg11[%add3A_18, %dma_start3A_72] : memref<10112x128xf32, #tpu.memory_space<vmem_shared>> -> memref<32x128xf32, #tpu.memory_space<vmem_shared>>
      %dma_start3A_74 = arith.constant 0 : i32
      %dma_start3A_75 = arith.constant 0 : i32
      %dma_start3A_76 = tpu.memref_slice %arg10[%dma_start3A_74, %dma_start3A_75] : memref<32x128xf32, #tpu.memory_space<vmem>> -> memref<32x128xf32, #tpu.memory_space<vmem>>
      tpu.enqueue_dma source(%dma_start3A_76 : memref<32x128xf32, #tpu.memory_space<vmem>>) target(%dma_start3A_73 : memref<32x128xf32, #tpu.memory_space<vmem_shared>>) target_semaphore(%run_scoped3A : memref<!tpu.dma_semaphore, #tpu.memory_space<semaphore_mem>>)
      %dma_wait3A = arith.constant 0 : i32
      %dma_wait3A_77 = arith.constant 0 : i32
      %dma_wait3A_78 = tpu.memref_slice %arg10[%dma_wait3A, %dma_wait3A_77] : memref<32x128xf32, #tpu.memory_space<vmem>> -> memref<32x128xf32, #tpu.memory_space<vmem>>
      %dma_wait3A_79 = arith.constant 0 : i32
      %dma_wait3A_80 = tpu.memref_slice %arg11[%add3A_18, %dma_wait3A_79] : memref<10112x128xf32, #tpu.memory_space<vmem_shared>> -> memref<32x128xf32, #tpu.memory_space<vmem_shared>>
      %dma_wait3A_81 = arith.constant 0 : i32
      %dma_wait3A_82 = tpu.memref_slice %arg11[%add3A_18, %dma_wait3A_81] : memref<10112x128xf32, #tpu.memory_space<vmem_shared>> -> memref<32x128xf32, #tpu.memory_space<vmem_shared>>
      %dma_wait3A_83 = arith.constant 0 : i32
      %dma_wait3A_84 = arith.constant 0 : i32
      %dma_wait3A_85 = tpu.memref_slice %arg10[%dma_wait3A_83, %dma_wait3A_84] : memref<32x128xf32, #tpu.memory_space<vmem>> -> memref<32x128xf32, #tpu.memory_space<vmem>>
      tpu.wait_dma2 semaphore(%run_scoped3A : memref<!tpu.dma_semaphore, #tpu.memory_space<semaphore_mem>>) src(%dma_wait3A_85 : memref<32x128xf32, #tpu.memory_space<vmem>>) dst(%dma_wait3A_82 : memref<32x128xf32, #tpu.memory_space<vmem_shared>>)
      tpu.yield
    }) : () -> ()
    %add3A_19 = arith.constant 128 : i32
    %add3A_20 = arith.addi %mul3A_6, %add3A_19 : i32
    "tpu.region"() ({
      %run_scoped3A = tpu.sem_alloc : memref<!tpu.dma_semaphore, #tpu.memory_space<semaphore_mem>>
      %dma_start3A_67 = arith.constant 0 : i32
      %dma_start3A_68 = arith.constant 0 : i32
      %dma_start3A_69 = tpu.memref_slice %arg10[%dma_start3A_67, %dma_start3A_68] : memref<32x128xf32, #tpu.memory_space<vmem>> -> memref<32x128xf32, #tpu.memory_space<vmem>>
      %dma_start3A_70 = arith.constant 0 : i32
      %dma_start3A_71 = tpu.memref_slice %arg11[%add3A_20, %dma_start3A_70] : memref<10112x128xf32, #tpu.memory_space<vmem_shared>> -> memref<32x128xf32, #tpu.memory_space<vmem_shared>>
      %dma_start3A_72 = arith.constant 0 : i32
      %dma_start3A_73 = tpu.memref_slice %arg11[%add3A_20, %dma_start3A_72] : memref<10112x128xf32, #tpu.memory_space<vmem_shared>> -> memref<32x128xf32, #tpu.memory_space<vmem_shared>>
      %dma_start3A_74 = arith.constant 0 : i32
      %dma_start3A_75 = arith.constant 0 : i32
      %dma_start3A_76 = tpu.memref_slice %arg10[%dma_start3A_74, %dma_start3A_75] : memref<32x128xf32, #tpu.memory_space<vmem>> -> memref<32x128xf32, #tpu.memory_space<vmem>>
      tpu.enqueue_dma source(%dma_start3A_76 : memref<32x128xf32, #tpu.memory_space<vmem>>) target(%dma_start3A_73 : memref<32x128xf32, #tpu.memory_space<vmem_shared>>) target_semaphore(%run_scoped3A : memref<!tpu.dma_semaphore, #tpu.memory_space<semaphore_mem>>)
      %dma_wait3A = arith.constant 0 : i32
      %dma_wait3A_77 = arith.constant 0 : i32
      %dma_wait3A_78 = tpu.memref_slice %arg10[%dma_wait3A, %dma_wait3A_77] : memref<32x128xf32, #tpu.memory_space<vmem>> -> memref<32x128xf32, #tpu.memory_space<vmem>>
      %dma_wait3A_79 = arith.constant 0 : i32
      %dma_wait3A_80 = tpu.memref_slice %arg11[%add3A_20, %dma_wait3A_79] : memref<10112x128xf32, #tpu.memory_space<vmem_shared>> -> memref<32x128xf32, #tpu.memory_space<vmem_shared>>
      %dma_wait3A_81 = arith.constant 0 : i32
      %dma_wait3A_82 = tpu.memref_slice %arg11[%add3A_20, %dma_wait3A_81] : memref<10112x128xf32, #tpu.memory_space<vmem_shared>> -> memref<32x128xf32, #tpu.memory_space<vmem_shared>>
      %dma_wait3A_83 = arith.constant 0 : i32
      %dma_wait3A_84 = arith.constant 0 : i32
      %dma_wait3A_85 = tpu.memref_slice %arg10[%dma_wait3A_83, %dma_wait3A_84] : memref<32x128xf32, #tpu.memory_space<vmem>> -> memref<32x128xf32, #tpu.memory_space<vmem>>
      tpu.wait_dma2 semaphore(%run_scoped3A : memref<!tpu.dma_semaphore, #tpu.memory_space<semaphore_mem>>) src(%dma_wait3A_85 : memref<32x128xf32, #tpu.memory_space<vmem>>) dst(%dma_wait3A_82 : memref<32x128xf32, #tpu.memory_space<vmem_shared>>)
      tpu.yield
    }) : () -> ()
    %add3A_21 = arith.constant 160 : i32
    %add3A_22 = arith.addi %mul3A_6, %add3A_21 : i32
    "tpu.region"() ({
      %run_scoped3A = tpu.sem_alloc : memref<!tpu.dma_semaphore, #tpu.memory_space<semaphore_mem>>
      %dma_start3A_67 = arith.constant 0 : i32
      %dma_start3A_68 = arith.constant 0 : i32
      %dma_start3A_69 = tpu.memref_slice %arg10[%dma_start3A_67, %dma_start3A_68] : memref<32x128xf32, #tpu.memory_space<vmem>> -> memref<32x128xf32, #tpu.memory_space<vmem>>
      %dma_start3A_70 = arith.constant 0 : i32
      %dma_start3A_71 = tpu.memref_slice %arg11[%add3A_22, %dma_start3A_70] : memref<10112x128xf32, #tpu.memory_space<vmem_shared>> -> memref<32x128xf32, #tpu.memory_space<vmem_shared>>
      %dma_start3A_72 = arith.constant 0 : i32
      %dma_start3A_73 = tpu.memref_slice %arg11[%add3A_22, %dma_start3A_72] : memref<10112x128xf32, #tpu.memory_space<vmem_shared>> -> memref<32x128xf32, #tpu.memory_space<vmem_shared>>
      %dma_start3A_74 = arith.constant 0 : i32
      %dma_start3A_75 = arith.constant 0 : i32
      %dma_start3A_76 = tpu.memref_slice %arg10[%dma_start3A_74, %dma_start3A_75] : memref<32x128xf32, #tpu.memory_space<vmem>> -> memref<32x128xf32, #tpu.memory_space<vmem>>
      tpu.enqueue_dma source(%dma_start3A_76 : memref<32x128xf32, #tpu.memory_space<vmem>>) target(%dma_start3A_73 : memref<32x128xf32, #tpu.memory_space<vmem_shared>>) target_semaphore(%run_scoped3A : memref<!tpu.dma_semaphore, #tpu.memory_space<semaphore_mem>>)
      %dma_wait3A = arith.constant 0 : i32
      %dma_wait3A_77 = arith.constant 0 : i32
      %dma_wait3A_78 = tpu.memref_slice %arg10[%dma_wait3A, %dma_wait3A_77] : memref<32x128xf32, #tpu.memory_space<vmem>> -> memref<32x128xf32, #tpu.memory_space<vmem>>
      %dma_wait3A_79 = arith.constant 0 : i32
      %dma_wait3A_80 = tpu.memref_slice %arg11[%add3A_22, %dma_wait3A_79] : memref<10112x128xf32, #tpu.memory_space<vmem_shared>> -> memref<32x128xf32, #tpu.memory_space<vmem_shared>>
      %dma_wait3A_81 = arith.constant 0 : i32
      %dma_wait3A_82 = tpu.memref_slice %arg11[%add3A_22, %dma_wait3A_81] : memref<10112x128xf32, #tpu.memory_space<vmem_shared>> -> memref<32x128xf32, #tpu.memory_space<vmem_shared>>
      %dma_wait3A_83 = arith.constant 0 : i32
      %dma_wait3A_84 = arith.constant 0 : i32
      %dma_wait3A_85 = tpu.memref_slice %arg10[%dma_wait3A_83, %dma_wait3A_84] : memref<32x128xf32, #tpu.memory_space<vmem>> -> memref<32x128xf32, #tpu.memory_space<vmem>>
      tpu.wait_dma2 semaphore(%run_scoped3A : memref<!tpu.dma_semaphore, #tpu.memory_space<semaphore_mem>>) src(%dma_wait3A_85 : memref<32x128xf32, #tpu.memory_space<vmem>>) dst(%dma_wait3A_82 : memref<32x128xf32, #tpu.memory_space<vmem_shared>>)
      tpu.yield
    }) : () -> ()
    %add3A_23 = arith.constant 192 : i32
    %add3A_24 = arith.addi %mul3A_6, %add3A_23 : i32
    "tpu.region"() ({
      %run_scoped3A = tpu.sem_alloc : memref<!tpu.dma_semaphore, #tpu.memory_space<semaphore_mem>>
      %dma_start3A_67 = arith.constant 0 : i32
      %dma_start3A_68 = arith.constant 0 : i32
      %dma_start3A_69 = tpu.memref_slice %arg10[%dma_start3A_67, %dma_start3A_68] : memref<32x128xf32, #tpu.memory_space<vmem>> -> memref<32x128xf32, #tpu.memory_space<vmem>>
      %dma_start3A_70 = arith.constant 0 : i32
      %dma_start3A_71 = tpu.memref_slice %arg11[%add3A_24, %dma_start3A_70] : memref<10112x128xf32, #tpu.memory_space<vmem_shared>> -> memref<32x128xf32, #tpu.memory_space<vmem_shared>>
      %dma_start3A_72 = arith.constant 0 : i32
      %dma_start3A_73 = tpu.memref_slice %arg11[%add3A_24, %dma_start3A_72] : memref<10112x128xf32, #tpu.memory_space<vmem_shared>> -> memref<32x128xf32, #tpu.memory_space<vmem_shared>>
      %dma_start3A_74 = arith.constant 0 : i32
      %dma_start3A_75 = arith.constant 0 : i32
      %dma_start3A_76 = tpu.memref_slice %arg10[%dma_start3A_74, %dma_start3A_75] : memref<32x128xf32, #tpu.memory_space<vmem>> -> memref<32x128xf32, #tpu.memory_space<vmem>>
      tpu.enqueue_dma source(%dma_start3A_76 : memref<32x128xf32, #tpu.memory_space<vmem>>) target(%dma_start3A_73 : memref<32x128xf32, #tpu.memory_space<vmem_shared>>) target_semaphore(%run_scoped3A : memref<!tpu.dma_semaphore, #tpu.memory_space<semaphore_mem>>)
      %dma_wait3A = arith.constant 0 : i32
      %dma_wait3A_77 = arith.constant 0 : i32
      %dma_wait3A_78 = tpu.memref_slice %arg10[%dma_wait3A, %dma_wait3A_77] : memref<32x128xf32, #tpu.memory_space<vmem>> -> memref<32x128xf32, #tpu.memory_space<vmem>>
      %dma_wait3A_79 = arith.constant 0 : i32
      %dma_wait3A_80 = tpu.memref_slice %arg11[%add3A_24, %dma_wait3A_79] : memref<10112x128xf32, #tpu.memory_space<vmem_shared>> -> memref<32x128xf32, #tpu.memory_space<vmem_shared>>
      %dma_wait3A_81 = arith.constant 0 : i32
      %dma_wait3A_82 = tpu.memref_slice %arg11[%add3A_24, %dma_wait3A_81] : memref<10112x128xf32, #tpu.memory_space<vmem_shared>> -> memref<32x128xf32, #tpu.memory_space<vmem_shared>>
      %dma_wait3A_83 = arith.constant 0 : i32
      %dma_wait3A_84 = arith.constant 0 : i32
      %dma_wait3A_85 = tpu.memref_slice %arg10[%dma_wait3A_83, %dma_wait3A_84] : memref<32x128xf32, #tpu.memory_space<vmem>> -> memref<32x128xf32, #tpu.memory_space<vmem>>
      tpu.wait_dma2 semaphore(%run_scoped3A : memref<!tpu.dma_semaphore, #tpu.memory_space<semaphore_mem>>) src(%dma_wait3A_85 : memref<32x128xf32, #tpu.memory_space<vmem>>) dst(%dma_wait3A_82 : memref<32x128xf32, #tpu.memory_space<vmem_shared>>)
      tpu.yield
    }) : () -> ()
    %add3A_25 = arith.constant 224 : i32
    %add3A_26 = arith.addi %mul3A_6, %add3A_25 : i32
    "tpu.region"() ({
      %run_scoped3A = tpu.sem_alloc : memref<!tpu.dma_semaphore, #tpu.memory_space<semaphore_mem>>
      %dma_start3A_67 = arith.constant 0 : i32
      %dma_start3A_68 = arith.constant 0 : i32
      %dma_start3A_69 = tpu.memref_slice %arg10[%dma_start3A_67, %dma_start3A_68] : memref<32x128xf32, #tpu.memory_space<vmem>> -> memref<32x128xf32, #tpu.memory_space<vmem>>
      %dma_start3A_70 = arith.constant 0 : i32
      %dma_start3A_71 = tpu.memref_slice %arg11[%add3A_26, %dma_start3A_70] : memref<10112x128xf32, #tpu.memory_space<vmem_shared>> -> memref<32x128xf32, #tpu.memory_space<vmem_shared>>
      %dma_start3A_72 = arith.constant 0 : i32
      %dma_start3A_73 = tpu.memref_slice %arg11[%add3A_26, %dma_start3A_72] : memref<10112x128xf32, #tpu.memory_space<vmem_shared>> -> memref<32x128xf32, #tpu.memory_space<vmem_shared>>
      %dma_start3A_74 = arith.constant 0 : i32
      %dma_start3A_75 = arith.constant 0 : i32
      %dma_start3A_76 = tpu.memref_slice %arg10[%dma_start3A_74, %dma_start3A_75] : memref<32x128xf32, #tpu.memory_space<vmem>> -> memref<32x128xf32, #tpu.memory_space<vmem>>
      tpu.enqueue_dma source(%dma_start3A_76 : memref<32x128xf32, #tpu.memory_space<vmem>>) target(%dma_start3A_73 : memref<32x128xf32, #tpu.memory_space<vmem_shared>>) target_semaphore(%run_scoped3A : memref<!tpu.dma_semaphore, #tpu.memory_space<semaphore_mem>>)
      %dma_wait3A = arith.constant 0 : i32
      %dma_wait3A_77 = arith.constant 0 : i32
      %dma_wait3A_78 = tpu.memref_slice %arg10[%dma_wait3A, %dma_wait3A_77] : memref<32x128xf32, #tpu.memory_space<vmem>> -> memref<32x128xf32, #tpu.memory_space<vmem>>
      %dma_wait3A_79 = arith.constant 0 : i32
      %dma_wait3A_80 = tpu.memref_slice %arg11[%add3A_26, %dma_wait3A_79] : memref<10112x128xf32, #tpu.memory_space<vmem_shared>> -> memref<32x128xf32, #tpu.memory_space<vmem_shared>>
      %dma_wait3A_81 = arith.constant 0 : i32
      %dma_wait3A_82 = tpu.memref_slice %arg11[%add3A_26, %dma_wait3A_81] : memref<10112x128xf32, #tpu.memory_space<vmem_shared>> -> memref<32x128xf32, #tpu.memory_space<vmem_shared>>
      %dma_wait3A_83 = arith.constant 0 : i32
      %dma_wait3A_84 = arith.constant 0 : i32
      %dma_wait3A_85 = tpu.memref_slice %arg10[%dma_wait3A_83, %dma_wait3A_84] : memref<32x128xf32, #tpu.memory_space<vmem>> -> memref<32x128xf32, #tpu.memory_space<vmem>>
      tpu.wait_dma2 semaphore(%run_scoped3A : memref<!tpu.dma_semaphore, #tpu.memory_space<semaphore_mem>>) src(%dma_wait3A_85 : memref<32x128xf32, #tpu.memory_space<vmem>>) dst(%dma_wait3A_82 : memref<32x128xf32, #tpu.memory_space<vmem_shared>>)
      tpu.yield
    }) : () -> ()
    %add3A_27 = arith.constant 256 : i32
    %add3A_28 = arith.addi %mul3A_6, %add3A_27 : i32
    "tpu.region"() ({
      %run_scoped3A = tpu.sem_alloc : memref<!tpu.dma_semaphore, #tpu.memory_space<semaphore_mem>>
      %dma_start3A_67 = arith.constant 0 : i32
      %dma_start3A_68 = arith.constant 0 : i32
      %dma_start3A_69 = tpu.memref_slice %arg10[%dma_start3A_67, %dma_start3A_68] : memref<32x128xf32, #tpu.memory_space<vmem>> -> memref<32x128xf32, #tpu.memory_space<vmem>>
      %dma_start3A_70 = arith.constant 0 : i32
      %dma_start3A_71 = tpu.memref_slice %arg11[%add3A_28, %dma_start3A_70] : memref<10112x128xf32, #tpu.memory_space<vmem_shared>> -> memref<32x128xf32, #tpu.memory_space<vmem_shared>>
      %dma_start3A_72 = arith.constant 0 : i32
      %dma_start3A_73 = tpu.memref_slice %arg11[%add3A_28, %dma_start3A_72] : memref<10112x128xf32, #tpu.memory_space<vmem_shared>> -> memref<32x128xf32, #tpu.memory_space<vmem_shared>>
      %dma_start3A_74 = arith.constant 0 : i32
      %dma_start3A_75 = arith.constant 0 : i32
      %dma_start3A_76 = tpu.memref_slice %arg10[%dma_start3A_74, %dma_start3A_75] : memref<32x128xf32, #tpu.memory_space<vmem>> -> memref<32x128xf32, #tpu.memory_space<vmem>>
      tpu.enqueue_dma source(%dma_start3A_76 : memref<32x128xf32, #tpu.memory_space<vmem>>) target(%dma_start3A_73 : memref<32x128xf32, #tpu.memory_space<vmem_shared>>) target_semaphore(%run_scoped3A : memref<!tpu.dma_semaphore, #tpu.memory_space<semaphore_mem>>)
      %dma_wait3A = arith.constant 0 : i32
      %dma_wait3A_77 = arith.constant 0 : i32
      %dma_wait3A_78 = tpu.memref_slice %arg10[%dma_wait3A, %dma_wait3A_77] : memref<32x128xf32, #tpu.memory_space<vmem>> -> memref<32x128xf32, #tpu.memory_space<vmem>>
      %dma_wait3A_79 = arith.constant 0 : i32
      %dma_wait3A_80 = tpu.memref_slice %arg11[%add3A_28, %dma_wait3A_79] : memref<10112x128xf32, #tpu.memory_space<vmem_shared>> -> memref<32x128xf32, #tpu.memory_space<vmem_shared>>
      %dma_wait3A_81 = arith.constant 0 : i32
      %dma_wait3A_82 = tpu.memref_slice %arg11[%add3A_28, %dma_wait3A_81] : memref<10112x128xf32, #tpu.memory_space<vmem_shared>> -> memref<32x128xf32, #tpu.memory_space<vmem_shared>>
      %dma_wait3A_83 = arith.constant 0 : i32
      %dma_wait3A_84 = arith.constant 0 : i32
      %dma_wait3A_85 = tpu.memref_slice %arg10[%dma_wait3A_83, %dma_wait3A_84] : memref<32x128xf32, #tpu.memory_space<vmem>> -> memref<32x128xf32, #tpu.memory_space<vmem>>
      tpu.wait_dma2 semaphore(%run_scoped3A : memref<!tpu.dma_semaphore, #tpu.memory_space<semaphore_mem>>) src(%dma_wait3A_85 : memref<32x128xf32, #tpu.memory_space<vmem>>) dst(%dma_wait3A_82 : memref<32x128xf32, #tpu.memory_space<vmem_shared>>)
      tpu.yield
    }) : () -> ()
    %add3A_29 = arith.constant 288 : i32
    %add3A_30 = arith.addi %mul3A_6, %add3A_29 : i32
    "tpu.region"() ({
      %run_scoped3A = tpu.sem_alloc : memref<!tpu.dma_semaphore, #tpu.memory_space<semaphore_mem>>
      %dma_start3A_67 = arith.constant 0 : i32
      %dma_start3A_68 = arith.constant 0 : i32
      %dma_start3A_69 = tpu.memref_slice %arg10[%dma_start3A_67, %dma_start3A_68] : memref<32x128xf32, #tpu.memory_space<vmem>> -> memref<32x128xf32, #tpu.memory_space<vmem>>
      %dma_start3A_70 = arith.constant 0 : i32
      %dma_start3A_71 = tpu.memref_slice %arg11[%add3A_30, %dma_start3A_70] : memref<10112x128xf32, #tpu.memory_space<vmem_shared>> -> memref<32x128xf32, #tpu.memory_space<vmem_shared>>
      %dma_start3A_72 = arith.constant 0 : i32
      %dma_start3A_73 = tpu.memref_slice %arg11[%add3A_30, %dma_start3A_72] : memref<10112x128xf32, #tpu.memory_space<vmem_shared>> -> memref<32x128xf32, #tpu.memory_space<vmem_shared>>
      %dma_start3A_74 = arith.constant 0 : i32
      %dma_start3A_75 = arith.constant 0 : i32
      %dma_start3A_76 = tpu.memref_slice %arg10[%dma_start3A_74, %dma_start3A_75] : memref<32x128xf32, #tpu.memory_space<vmem>> -> memref<32x128xf32, #tpu.memory_space<vmem>>
      tpu.enqueue_dma source(%dma_start3A_76 : memref<32x128xf32, #tpu.memory_space<vmem>>) target(%dma_start3A_73 : memref<32x128xf32, #tpu.memory_space<vmem_shared>>) target_semaphore(%run_scoped3A : memref<!tpu.dma_semaphore, #tpu.memory_space<semaphore_mem>>)
      %dma_wait3A = arith.constant 0 : i32
      %dma_wait3A_77 = arith.constant 0 : i32
      %dma_wait3A_78 = tpu.memref_slice %arg10[%dma_wait3A, %dma_wait3A_77] : memref<32x128xf32, #tpu.memory_space<vmem>> -> memref<32x128xf32, #tpu.memory_space<vmem>>
      %dma_wait3A_79 = arith.constant 0 : i32
      %dma_wait3A_80 = tpu.memref_slice %arg11[%add3A_30, %dma_wait3A_79] : memref<10112x128xf32, #tpu.memory_space<vmem_shared>> -> memref<32x128xf32, #tpu.memory_space<vmem_shared>>
      %dma_wait3A_81 = arith.constant 0 : i32
      %dma_wait3A_82 = tpu.memref_slice %arg11[%add3A_30, %dma_wait3A_81] : memref<10112x128xf32, #tpu.memory_space<vmem_shared>> -> memref<32x128xf32, #tpu.memory_space<vmem_shared>>
      %dma_wait3A_83 = arith.constant 0 : i32
      %dma_wait3A_84 = arith.constant 0 : i32
      %dma_wait3A_85 = tpu.memref_slice %arg10[%dma_wait3A_83, %dma_wait3A_84] : memref<32x128xf32, #tpu.memory_space<vmem>> -> memref<32x128xf32, #tpu.memory_space<vmem>>
      tpu.wait_dma2 semaphore(%run_scoped3A : memref<!tpu.dma_semaphore, #tpu.memory_space<semaphore_mem>>) src(%dma_wait3A_85 : memref<32x128xf32, #tpu.memory_space<vmem>>) dst(%dma_wait3A_82 : memref<32x128xf32, #tpu.memory_space<vmem_shared>>)
      tpu.yield
    }) : () -> ()
    %add3A_31 = arith.constant 320 : i32
    %add3A_32 = arith.addi %mul3A_6, %add3A_31 : i32
    "tpu.region"() ({
      %run_scoped3A = tpu.sem_alloc : memref<!tpu.dma_semaphore, #tpu.memory_space<semaphore_mem>>
      %dma_start3A_67 = arith.constant 0 : i32
      %dma_start3A_68 = arith.constant 0 : i32
      %dma_start3A_69 = tpu.memref_slice %arg10[%dma_start3A_67, %dma_start3A_68] : memref<32x128xf32, #tpu.memory_space<vmem>> -> memref<32x128xf32, #tpu.memory_space<vmem>>
      %dma_start3A_70 = arith.constant 0 : i32
      %dma_start3A_71 = tpu.memref_slice %arg11[%add3A_32, %dma_start3A_70] : memref<10112x128xf32, #tpu.memory_space<vmem_shared>> -> memref<32x128xf32, #tpu.memory_space<vmem_shared>>
      %dma_start3A_72 = arith.constant 0 : i32
      %dma_start3A_73 = tpu.memref_slice %arg11[%add3A_32, %dma_start3A_72] : memref<10112x128xf32, #tpu.memory_space<vmem_shared>> -> memref<32x128xf32, #tpu.memory_space<vmem_shared>>
      %dma_start3A_74 = arith.constant 0 : i32
      %dma_start3A_75 = arith.constant 0 : i32
      %dma_start3A_76 = tpu.memref_slice %arg10[%dma_start3A_74, %dma_start3A_75] : memref<32x128xf32, #tpu.memory_space<vmem>> -> memref<32x128xf32, #tpu.memory_space<vmem>>
      tpu.enqueue_dma source(%dma_start3A_76 : memref<32x128xf32, #tpu.memory_space<vmem>>) target(%dma_start3A_73 : memref<32x128xf32, #tpu.memory_space<vmem_shared>>) target_semaphore(%run_scoped3A : memref<!tpu.dma_semaphore, #tpu.memory_space<semaphore_mem>>)
      %dma_wait3A = arith.constant 0 : i32
      %dma_wait3A_77 = arith.constant 0 : i32
      %dma_wait3A_78 = tpu.memref_slice %arg10[%dma_wait3A, %dma_wait3A_77] : memref<32x128xf32, #tpu.memory_space<vmem>> -> memref<32x128xf32, #tpu.memory_space<vmem>>
      %dma_wait3A_79 = arith.constant 0 : i32
      %dma_wait3A_80 = tpu.memref_slice %arg11[%add3A_32, %dma_wait3A_79] : memref<10112x128xf32, #tpu.memory_space<vmem_shared>> -> memref<32x128xf32, #tpu.memory_space<vmem_shared>>
      %dma_wait3A_81 = arith.constant 0 : i32
      %dma_wait3A_82 = tpu.memref_slice %arg11[%add3A_32, %dma_wait3A_81] : memref<10112x128xf32, #tpu.memory_space<vmem_shared>> -> memref<32x128xf32, #tpu.memory_space<vmem_shared>>
      %dma_wait3A_83 = arith.constant 0 : i32
      %dma_wait3A_84 = arith.constant 0 : i32
      %dma_wait3A_85 = tpu.memref_slice %arg10[%dma_wait3A_83, %dma_wait3A_84] : memref<32x128xf32, #tpu.memory_space<vmem>> -> memref<32x128xf32, #tpu.memory_space<vmem>>
      tpu.wait_dma2 semaphore(%run_scoped3A : memref<!tpu.dma_semaphore, #tpu.memory_space<semaphore_mem>>) src(%dma_wait3A_85 : memref<32x128xf32, #tpu.memory_space<vmem>>) dst(%dma_wait3A_82 : memref<32x128xf32, #tpu.memory_space<vmem_shared>>)
      tpu.yield
    }) : () -> ()
    %add3A_33 = arith.constant 352 : i32
    %add3A_34 = arith.addi %mul3A_6, %add3A_33 : i32
    "tpu.region"() ({
      %run_scoped3A = tpu.sem_alloc : memref<!tpu.dma_semaphore, #tpu.memory_space<semaphore_mem>>
      %dma_start3A_67 = arith.constant 0 : i32
      %dma_start3A_68 = arith.constant 0 : i32
      %dma_start3A_69 = tpu.memref_slice %arg10[%dma_start3A_67, %dma_start3A_68] : memref<32x128xf32, #tpu.memory_space<vmem>> -> memref<32x128xf32, #tpu.memory_space<vmem>>
      %dma_start3A_70 = arith.constant 0 : i32
      %dma_start3A_71 = tpu.memref_slice %arg11[%add3A_34, %dma_start3A_70] : memref<10112x128xf32, #tpu.memory_space<vmem_shared>> -> memref<32x128xf32, #tpu.memory_space<vmem_shared>>
      %dma_start3A_72 = arith.constant 0 : i32
      %dma_start3A_73 = tpu.memref_slice %arg11[%add3A_34, %dma_start3A_72] : memref<10112x128xf32, #tpu.memory_space<vmem_shared>> -> memref<32x128xf32, #tpu.memory_space<vmem_shared>>
      %dma_start3A_74 = arith.constant 0 : i32
      %dma_start3A_75 = arith.constant 0 : i32
      %dma_start3A_76 = tpu.memref_slice %arg10[%dma_start3A_74, %dma_start3A_75] : memref<32x128xf32, #tpu.memory_space<vmem>> -> memref<32x128xf32, #tpu.memory_space<vmem>>
      tpu.enqueue_dma source(%dma_start3A_76 : memref<32x128xf32, #tpu.memory_space<vmem>>) target(%dma_start3A_73 : memref<32x128xf32, #tpu.memory_space<vmem_shared>>) target_semaphore(%run_scoped3A : memref<!tpu.dma_semaphore, #tpu.memory_space<semaphore_mem>>)
      %dma_wait3A = arith.constant 0 : i32
      %dma_wait3A_77 = arith.constant 0 : i32
      %dma_wait3A_78 = tpu.memref_slice %arg10[%dma_wait3A, %dma_wait3A_77] : memref<32x128xf32, #tpu.memory_space<vmem>> -> memref<32x128xf32, #tpu.memory_space<vmem>>
      %dma_wait3A_79 = arith.constant 0 : i32
      %dma_wait3A_80 = tpu.memref_slice %arg11[%add3A_34, %dma_wait3A_79] : memref<10112x128xf32, #tpu.memory_space<vmem_shared>> -> memref<32x128xf32, #tpu.memory_space<vmem_shared>>
      %dma_wait3A_81 = arith.constant 0 : i32
      %dma_wait3A_82 = tpu.memref_slice %arg11[%add3A_34, %dma_wait3A_81] : memref<10112x128xf32, #tpu.memory_space<vmem_shared>> -> memref<32x128xf32, #tpu.memory_space<vmem_shared>>
      %dma_wait3A_83 = arith.constant 0 : i32
      %dma_wait3A_84 = arith.constant 0 : i32
      %dma_wait3A_85 = tpu.memref_slice %arg10[%dma_wait3A_83, %dma_wait3A_84] : memref<32x128xf32, #tpu.memory_space<vmem>> -> memref<32x128xf32, #tpu.memory_space<vmem>>
      tpu.wait_dma2 semaphore(%run_scoped3A : memref<!tpu.dma_semaphore, #tpu.memory_space<semaphore_mem>>) src(%dma_wait3A_85 : memref<32x128xf32, #tpu.memory_space<vmem>>) dst(%dma_wait3A_82 : memref<32x128xf32, #tpu.memory_space<vmem_shared>>)
      tpu.yield
    }) : () -> ()
    %add3A_35 = arith.constant 384 : i32
    %add3A_36 = arith.addi %mul3A_6, %add3A_35 : i32
    "tpu.region"() ({
      %run_scoped3A = tpu.sem_alloc : memref<!tpu.dma_semaphore, #tpu.memory_space<semaphore_mem>>
      %dma_start3A_67 = arith.constant 0 : i32
      %dma_start3A_68 = arith.constant 0 : i32
      %dma_start3A_69 = tpu.memref_slice %arg10[%dma_start3A_67, %dma_start3A_68] : memref<32x128xf32, #tpu.memory_space<vmem>> -> memref<32x128xf32, #tpu.memory_space<vmem>>
      %dma_start3A_70 = arith.constant 0 : i32
      %dma_start3A_71 = tpu.memref_slice %arg11[%add3A_36, %dma_start3A_70] : memref<10112x128xf32, #tpu.memory_space<vmem_shared>> -> memref<32x128xf32, #tpu.memory_space<vmem_shared>>
      %dma_start3A_72 = arith.constant 0 : i32
      %dma_start3A_73 = tpu.memref_slice %arg11[%add3A_36, %dma_start3A_72] : memref<10112x128xf32, #tpu.memory_space<vmem_shared>> -> memref<32x128xf32, #tpu.memory_space<vmem_shared>>
      %dma_start3A_74 = arith.constant 0 : i32
      %dma_start3A_75 = arith.constant 0 : i32
      %dma_start3A_76 = tpu.memref_slice %arg10[%dma_start3A_74, %dma_start3A_75] : memref<32x128xf32, #tpu.memory_space<vmem>> -> memref<32x128xf32, #tpu.memory_space<vmem>>
      tpu.enqueue_dma source(%dma_start3A_76 : memref<32x128xf32, #tpu.memory_space<vmem>>) target(%dma_start3A_73 : memref<32x128xf32, #tpu.memory_space<vmem_shared>>) target_semaphore(%run_scoped3A : memref<!tpu.dma_semaphore, #tpu.memory_space<semaphore_mem>>)
      %dma_wait3A = arith.constant 0 : i32
      %dma_wait3A_77 = arith.constant 0 : i32
      %dma_wait3A_78 = tpu.memref_slice %arg10[%dma_wait3A, %dma_wait3A_77] : memref<32x128xf32, #tpu.memory_space<vmem>> -> memref<32x128xf32, #tpu.memory_space<vmem>>
      %dma_wait3A_79 = arith.constant 0 : i32
      %dma_wait3A_80 = tpu.memref_slice %arg11[%add3A_36, %dma_wait3A_79] : memref<10112x128xf32, #tpu.memory_space<vmem_shared>> -> memref<32x128xf32, #tpu.memory_space<vmem_shared>>
      %dma_wait3A_81 = arith.constant 0 : i32
      %dma_wait3A_82 = tpu.memref_slice %arg11[%add3A_36, %dma_wait3A_81] : memref<10112x128xf32, #tpu.memory_space<vmem_shared>> -> memref<32x128xf32, #tpu.memory_space<vmem_shared>>
      %dma_wait3A_83 = arith.constant 0 : i32
      %dma_wait3A_84 = arith.constant 0 : i32
      %dma_wait3A_85 = tpu.memref_slice %arg10[%dma_wait3A_83, %dma_wait3A_84] : memref<32x128xf32, #tpu.memory_space<vmem>> -> memref<32x128xf32, #tpu.memory_space<vmem>>
      tpu.wait_dma2 semaphore(%run_scoped3A : memref<!tpu.dma_semaphore, #tpu.memory_space<semaphore_mem>>) src(%dma_wait3A_85 : memref<32x128xf32, #tpu.memory_space<vmem>>) dst(%dma_wait3A_82 : memref<32x128xf32, #tpu.memory_space<vmem_shared>>)
      tpu.yield
    }) : () -> ()
    %add3A_37 = arith.constant 416 : i32
    %add3A_38 = arith.addi %mul3A_6, %add3A_37 : i32
    "tpu.region"() ({
      %run_scoped3A = tpu.sem_alloc : memref<!tpu.dma_semaphore, #tpu.memory_space<semaphore_mem>>
      %dma_start3A_67 = arith.constant 0 : i32
      %dma_start3A_68 = arith.constant 0 : i32
      %dma_start3A_69 = tpu.memref_slice %arg10[%dma_start3A_67, %dma_start3A_68] : memref<32x128xf32, #tpu.memory_space<vmem>> -> memref<32x128xf32, #tpu.memory_space<vmem>>
      %dma_start3A_70 = arith.constant 0 : i32
      %dma_start3A_71 = tpu.memref_slice %arg11[%add3A_38, %dma_start3A_70] : memref<10112x128xf32, #tpu.memory_space<vmem_shared>> -> memref<32x128xf32, #tpu.memory_space<vmem_shared>>
      %dma_start3A_72 = arith.constant 0 : i32
      %dma_start3A_73 = tpu.memref_slice %arg11[%add3A_38, %dma_start3A_72] : memref<10112x128xf32, #tpu.memory_space<vmem_shared>> -> memref<32x128xf32, #tpu.memory_space<vmem_shared>>
      %dma_start3A_74 = arith.constant 0 : i32
      %dma_start3A_75 = arith.constant 0 : i32
      %dma_start3A_76 = tpu.memref_slice %arg10[%dma_start3A_74, %dma_start3A_75] : memref<32x128xf32, #tpu.memory_space<vmem>> -> memref<32x128xf32, #tpu.memory_space<vmem>>
      tpu.enqueue_dma source(%dma_start3A_76 : memref<32x128xf32, #tpu.memory_space<vmem>>) target(%dma_start3A_73 : memref<32x128xf32, #tpu.memory_space<vmem_shared>>) target_semaphore(%run_scoped3A : memref<!tpu.dma_semaphore, #tpu.memory_space<semaphore_mem>>)
      %dma_wait3A = arith.constant 0 : i32
      %dma_wait3A_77 = arith.constant 0 : i32
      %dma_wait3A_78 = tpu.memref_slice %arg10[%dma_wait3A, %dma_wait3A_77] : memref<32x128xf32, #tpu.memory_space<vmem>> -> memref<32x128xf32, #tpu.memory_space<vmem>>
      %dma_wait3A_79 = arith.constant 0 : i32
      %dma_wait3A_80 = tpu.memref_slice %arg11[%add3A_38, %dma_wait3A_79] : memref<10112x128xf32, #tpu.memory_space<vmem_shared>> -> memref<32x128xf32, #tpu.memory_space<vmem_shared>>
      %dma_wait3A_81 = arith.constant 0 : i32
      %dma_wait3A_82 = tpu.memref_slice %arg11[%add3A_38, %dma_wait3A_81] : memref<10112x128xf32, #tpu.memory_space<vmem_shared>> -> memref<32x128xf32, #tpu.memory_space<vmem_shared>>
      %dma_wait3A_83 = arith.constant 0 : i32
      %dma_wait3A_84 = arith.constant 0 : i32
      %dma_wait3A_85 = tpu.memref_slice %arg10[%dma_wait3A_83, %dma_wait3A_84] : memref<32x128xf32, #tpu.memory_space<vmem>> -> memref<32x128xf32, #tpu.memory_space<vmem>>
      tpu.wait_dma2 semaphore(%run_scoped3A : memref<!tpu.dma_semaphore, #tpu.memory_space<semaphore_mem>>) src(%dma_wait3A_85 : memref<32x128xf32, #tpu.memory_space<vmem>>) dst(%dma_wait3A_82 : memref<32x128xf32, #tpu.memory_space<vmem_shared>>)
      tpu.yield
    }) : () -> ()
    %add3A_39 = arith.constant 448 : i32
    %add3A_40 = arith.addi %mul3A_6, %add3A_39 : i32
    "tpu.region"() ({
      %run_scoped3A = tpu.sem_alloc : memref<!tpu.dma_semaphore, #tpu.memory_space<semaphore_mem>>
      %dma_start3A_67 = arith.constant 0 : i32
      %dma_start3A_68 = arith.constant 0 : i32
      %dma_start3A_69 = tpu.memref_slice %arg10[%dma_start3A_67, %dma_start3A_68] : memref<32x128xf32, #tpu.memory_space<vmem>> -> memref<32x128xf32, #tpu.memory_space<vmem>>
      %dma_start3A_70 = arith.constant 0 : i32
      %dma_start3A_71 = tpu.memref_slice %arg11[%add3A_40, %dma_start3A_70] : memref<10112x128xf32, #tpu.memory_space<vmem_shared>> -> memref<32x128xf32, #tpu.memory_space<vmem_shared>>
      %dma_start3A_72 = arith.constant 0 : i32
      %dma_start3A_73 = tpu.memref_slice %arg11[%add3A_40, %dma_start3A_72] : memref<10112x128xf32, #tpu.memory_space<vmem_shared>> -> memref<32x128xf32, #tpu.memory_space<vmem_shared>>
      %dma_start3A_74 = arith.constant 0 : i32
      %dma_start3A_75 = arith.constant 0 : i32
      %dma_start3A_76 = tpu.memref_slice %arg10[%dma_start3A_74, %dma_start3A_75] : memref<32x128xf32, #tpu.memory_space<vmem>> -> memref<32x128xf32, #tpu.memory_space<vmem>>
      tpu.enqueue_dma source(%dma_start3A_76 : memref<32x128xf32, #tpu.memory_space<vmem>>) target(%dma_start3A_73 : memref<32x128xf32, #tpu.memory_space<vmem_shared>>) target_semaphore(%run_scoped3A : memref<!tpu.dma_semaphore, #tpu.memory_space<semaphore_mem>>)
      %dma_wait3A = arith.constant 0 : i32
      %dma_wait3A_77 = arith.constant 0 : i32
      %dma_wait3A_78 = tpu.memref_slice %arg10[%dma_wait3A, %dma_wait3A_77] : memref<32x128xf32, #tpu.memory_space<vmem>> -> memref<32x128xf32, #tpu.memory_space<vmem>>
      %dma_wait3A_79 = arith.constant 0 : i32
      %dma_wait3A_80 = tpu.memref_slice %arg11[%add3A_40, %dma_wait3A_79] : memref<10112x128xf32, #tpu.memory_space<vmem_shared>> -> memref<32x128xf32, #tpu.memory_space<vmem_shared>>
      %dma_wait3A_81 = arith.constant 0 : i32
      %dma_wait3A_82 = tpu.memref_slice %arg11[%add3A_40, %dma_wait3A_81] : memref<10112x128xf32, #tpu.memory_space<vmem_shared>> -> memref<32x128xf32, #tpu.memory_space<vmem_shared>>
      %dma_wait3A_83 = arith.constant 0 : i32
      %dma_wait3A_84 = arith.constant 0 : i32
      %dma_wait3A_85 = tpu.memref_slice %arg10[%dma_wait3A_83, %dma_wait3A_84] : memref<32x128xf32, #tpu.memory_space<vmem>> -> memref<32x128xf32, #tpu.memory_space<vmem>>
      tpu.wait_dma2 semaphore(%run_scoped3A : memref<!tpu.dma_semaphore, #tpu.memory_space<semaphore_mem>>) src(%dma_wait3A_85 : memref<32x128xf32, #tpu.memory_space<vmem>>) dst(%dma_wait3A_82 : memref<32x128xf32, #tpu.memory_space<vmem_shared>>)
      tpu.yield
    }) : () -> ()
    %add3A_41 = arith.constant 480 : i32
    %add3A_42 = arith.addi %mul3A_6, %add3A_41 : i32
    "tpu.region"() ({
      %run_scoped3A = tpu.sem_alloc : memref<!tpu.dma_semaphore, #tpu.memory_space<semaphore_mem>>
      %dma_start3A_67 = arith.constant 0 : i32
      %dma_start3A_68 = arith.constant 0 : i32
      %dma_start3A_69 = tpu.memref_slice %arg10[%dma_start3A_67, %dma_start3A_68] : memref<32x128xf32, #tpu.memory_space<vmem>> -> memref<32x128xf32, #tpu.memory_space<vmem>>
      %dma_start3A_70 = arith.constant 0 : i32
      %dma_start3A_71 = tpu.memref_slice %arg11[%add3A_42, %dma_start3A_70] : memref<10112x128xf32, #tpu.memory_space<vmem_shared>> -> memref<32x128xf32, #tpu.memory_space<vmem_shared>>
      %dma_start3A_72 = arith.constant 0 : i32
      %dma_start3A_73 = tpu.memref_slice %arg11[%add3A_42, %dma_start3A_72] : memref<10112x128xf32, #tpu.memory_space<vmem_shared>> -> memref<32x128xf32, #tpu.memory_space<vmem_shared>>
      %dma_start3A_74 = arith.constant 0 : i32
      %dma_start3A_75 = arith.constant 0 : i32
      %dma_start3A_76 = tpu.memref_slice %arg10[%dma_start3A_74, %dma_start3A_75] : memref<32x128xf32, #tpu.memory_space<vmem>> -> memref<32x128xf32, #tpu.memory_space<vmem>>
      tpu.enqueue_dma source(%dma_start3A_76 : memref<32x128xf32, #tpu.memory_space<vmem>>) target(%dma_start3A_73 : memref<32x128xf32, #tpu.memory_space<vmem_shared>>) target_semaphore(%run_scoped3A : memref<!tpu.dma_semaphore, #tpu.memory_space<semaphore_mem>>)
      %dma_wait3A = arith.constant 0 : i32
      %dma_wait3A_77 = arith.constant 0 : i32
      %dma_wait3A_78 = tpu.memref_slice %arg10[%dma_wait3A, %dma_wait3A_77] : memref<32x128xf32, #tpu.memory_space<vmem>> -> memref<32x128xf32, #tpu.memory_space<vmem>>
      %dma_wait3A_79 = arith.constant 0 : i32
      %dma_wait3A_80 = tpu.memref_slice %arg11[%add3A_42, %dma_wait3A_79] : memref<10112x128xf32, #tpu.memory_space<vmem_shared>> -> memref<32x128xf32, #tpu.memory_space<vmem_shared>>
      %dma_wait3A_81 = arith.constant 0 : i32
      %dma_wait3A_82 = tpu.memref_slice %arg11[%add3A_42, %dma_wait3A_81] : memref<10112x128xf32, #tpu.memory_space<vmem_shared>> -> memref<32x128xf32, #tpu.memory_space<vmem_shared>>
      %dma_wait3A_83 = arith.constant 0 : i32
      %dma_wait3A_84 = arith.constant 0 : i32
      %dma_wait3A_85 = tpu.memref_slice %arg10[%dma_wait3A_83, %dma_wait3A_84] : memref<32x128xf32, #tpu.memory_space<vmem>> -> memref<32x128xf32, #tpu.memory_space<vmem>>
      tpu.wait_dma2 semaphore(%run_scoped3A : memref<!tpu.dma_semaphore, #tpu.memory_space<semaphore_mem>>) src(%dma_wait3A_85 : memref<32x128xf32, #tpu.memory_space<vmem>>) dst(%dma_wait3A_82 : memref<32x128xf32, #tpu.memory_space<vmem_shared>>)
      tpu.yield
    }) : () -> ()
    %add3A_43 = arith.constant 512 : i32
    %add3A_44 = arith.addi %mul3A_6, %add3A_43 : i32
    "tpu.region"() ({
      %run_scoped3A = tpu.sem_alloc : memref<!tpu.dma_semaphore, #tpu.memory_space<semaphore_mem>>
      %dma_start3A_67 = arith.constant 0 : i32
      %dma_start3A_68 = arith.constant 0 : i32
      %dma_start3A_69 = tpu.memref_slice %arg10[%dma_start3A_67, %dma_start3A_68] : memref<32x128xf32, #tpu.memory_space<vmem>> -> memref<32x128xf32, #tpu.memory_space<vmem>>
      %dma_start3A_70 = arith.constant 0 : i32
      %dma_start3A_71 = tpu.memref_slice %arg11[%add3A_44, %dma_start3A_70] : memref<10112x128xf32, #tpu.memory_space<vmem_shared>> -> memref<32x128xf32, #tpu.memory_space<vmem_shared>>
      %dma_start3A_72 = arith.constant 0 : i32
      %dma_start3A_73 = tpu.memref_slice %arg11[%add3A_44, %dma_start3A_72] : memref<10112x128xf32, #tpu.memory_space<vmem_shared>> -> memref<32x128xf32, #tpu.memory_space<vmem_shared>>
      %dma_start3A_74 = arith.constant 0 : i32
      %dma_start3A_75 = arith.constant 0 : i32
      %dma_start3A_76 = tpu.memref_slice %arg10[%dma_start3A_74, %dma_start3A_75] : memref<32x128xf32, #tpu.memory_space<vmem>> -> memref<32x128xf32, #tpu.memory_space<vmem>>
      tpu.enqueue_dma source(%dma_start3A_76 : memref<32x128xf32, #tpu.memory_space<vmem>>) target(%dma_start3A_73 : memref<32x128xf32, #tpu.memory_space<vmem_shared>>) target_semaphore(%run_scoped3A : memref<!tpu.dma_semaphore, #tpu.memory_space<semaphore_mem>>)
      %dma_wait3A = arith.constant 0 : i32
      %dma_wait3A_77 = arith.constant 0 : i32
      %dma_wait3A_78 = tpu.memref_slice %arg10[%dma_wait3A, %dma_wait3A_77] : memref<32x128xf32, #tpu.memory_space<vmem>> -> memref<32x128xf32, #tpu.memory_space<vmem>>
      %dma_wait3A_79 = arith.constant 0 : i32
      %dma_wait3A_80 = tpu.memref_slice %arg11[%add3A_44, %dma_wait3A_79] : memref<10112x128xf32, #tpu.memory_space<vmem_shared>> -> memref<32x128xf32, #tpu.memory_space<vmem_shared>>
      %dma_wait3A_81 = arith.constant 0 : i32
      %dma_wait3A_82 = tpu.memref_slice %arg11[%add3A_44, %dma_wait3A_81] : memref<10112x128xf32, #tpu.memory_space<vmem_shared>> -> memref<32x128xf32, #tpu.memory_space<vmem_shared>>
      %dma_wait3A_83 = arith.constant 0 : i32
      %dma_wait3A_84 = arith.constant 0 : i32
      %dma_wait3A_85 = tpu.memref_slice %arg10[%dma_wait3A_83, %dma_wait3A_84] : memref<32x128xf32, #tpu.memory_space<vmem>> -> memref<32x128xf32, #tpu.memory_space<vmem>>
      tpu.wait_dma2 semaphore(%run_scoped3A : memref<!tpu.dma_semaphore, #tpu.memory_space<semaphore_mem>>) src(%dma_wait3A_85 : memref<32x128xf32, #tpu.memory_space<vmem>>) dst(%dma_wait3A_82 : memref<32x128xf32, #tpu.memory_space<vmem_shared>>)
      tpu.yield
    }) : () -> ()
    %add3A_45 = arith.constant 544 : i32
    %add3A_46 = arith.addi %mul3A_6, %add3A_45 : i32
    "tpu.region"() ({
      %run_scoped3A = tpu.sem_alloc : memref<!tpu.dma_semaphore, #tpu.memory_space<semaphore_mem>>
      %dma_start3A_67 = arith.constant 0 : i32
      %dma_start3A_68 = arith.constant 0 : i32
      %dma_start3A_69 = tpu.memref_slice %arg10[%dma_start3A_67, %dma_start3A_68] : memref<32x128xf32, #tpu.memory_space<vmem>> -> memref<32x128xf32, #tpu.memory_space<vmem>>
      %dma_start3A_70 = arith.constant 0 : i32
      %dma_start3A_71 = tpu.memref_slice %arg11[%add3A_46, %dma_start3A_70] : memref<10112x128xf32, #tpu.memory_space<vmem_shared>> -> memref<32x128xf32, #tpu.memory_space<vmem_shared>>
      %dma_start3A_72 = arith.constant 0 : i32
      %dma_start3A_73 = tpu.memref_slice %arg11[%add3A_46, %dma_start3A_72] : memref<10112x128xf32, #tpu.memory_space<vmem_shared>> -> memref<32x128xf32, #tpu.memory_space<vmem_shared>>
      %dma_start3A_74 = arith.constant 0 : i32
      %dma_start3A_75 = arith.constant 0 : i32
      %dma_start3A_76 = tpu.memref_slice %arg10[%dma_start3A_74, %dma_start3A_75] : memref<32x128xf32, #tpu.memory_space<vmem>> -> memref<32x128xf32, #tpu.memory_space<vmem>>
      tpu.enqueue_dma source(%dma_start3A_76 : memref<32x128xf32, #tpu.memory_space<vmem>>) target(%dma_start3A_73 : memref<32x128xf32, #tpu.memory_space<vmem_shared>>) target_semaphore(%run_scoped3A : memref<!tpu.dma_semaphore, #tpu.memory_space<semaphore_mem>>)
      %dma_wait3A = arith.constant 0 : i32
      %dma_wait3A_77 = arith.constant 0 : i32
      %dma_wait3A_78 = tpu.memref_slice %arg10[%dma_wait3A, %dma_wait3A_77] : memref<32x128xf32, #tpu.memory_space<vmem>> -> memref<32x128xf32, #tpu.memory_space<vmem>>
      %dma_wait3A_79 = arith.constant 0 : i32
      %dma_wait3A_80 = tpu.memref_slice %arg11[%add3A_46, %dma_wait3A_79] : memref<10112x128xf32, #tpu.memory_space<vmem_shared>> -> memref<32x128xf32, #tpu.memory_space<vmem_shared>>
      %dma_wait3A_81 = arith.constant 0 : i32
      %dma_wait3A_82 = tpu.memref_slice %arg11[%add3A_46, %dma_wait3A_81] : memref<10112x128xf32, #tpu.memory_space<vmem_shared>> -> memref<32x128xf32, #tpu.memory_space<vmem_shared>>
      %dma_wait3A_83 = arith.constant 0 : i32
      %dma_wait3A_84 = arith.constant 0 : i32
      %dma_wait3A_85 = tpu.memref_slice %arg10[%dma_wait3A_83, %dma_wait3A_84] : memref<32x128xf32, #tpu.memory_space<vmem>> -> memref<32x128xf32, #tpu.memory_space<vmem>>
      tpu.wait_dma2 semaphore(%run_scoped3A : memref<!tpu.dma_semaphore, #tpu.memory_space<semaphore_mem>>) src(%dma_wait3A_85 : memref<32x128xf32, #tpu.memory_space<vmem>>) dst(%dma_wait3A_82 : memref<32x128xf32, #tpu.memory_space<vmem_shared>>)
      tpu.yield
    }) : () -> ()
    %add3A_47 = arith.constant 576 : i32
    %add3A_48 = arith.addi %mul3A_6, %add3A_47 : i32
    "tpu.region"() ({
      %run_scoped3A = tpu.sem_alloc : memref<!tpu.dma_semaphore, #tpu.memory_space<semaphore_mem>>
      %dma_start3A_67 = arith.constant 0 : i32
      %dma_start3A_68 = arith.constant 0 : i32
      %dma_start3A_69 = tpu.memref_slice %arg10[%dma_start3A_67, %dma_start3A_68] : memref<32x128xf32, #tpu.memory_space<vmem>> -> memref<32x128xf32, #tpu.memory_space<vmem>>
      %dma_start3A_70 = arith.constant 0 : i32
      %dma_start3A_71 = tpu.memref_slice %arg11[%add3A_48, %dma_start3A_70] : memref<10112x128xf32, #tpu.memory_space<vmem_shared>> -> memref<32x128xf32, #tpu.memory_space<vmem_shared>>
      %dma_start3A_72 = arith.constant 0 : i32
      %dma_start3A_73 = tpu.memref_slice %arg11[%add3A_48, %dma_start3A_72] : memref<10112x128xf32, #tpu.memory_space<vmem_shared>> -> memref<32x128xf32, #tpu.memory_space<vmem_shared>>
      %dma_start3A_74 = arith.constant 0 : i32
      %dma_start3A_75 = arith.constant 0 : i32
      %dma_start3A_76 = tpu.memref_slice %arg10[%dma_start3A_74, %dma_start3A_75] : memref<32x128xf32, #tpu.memory_space<vmem>> -> memref<32x128xf32, #tpu.memory_space<vmem>>
      tpu.enqueue_dma source(%dma_start3A_76 : memref<32x128xf32, #tpu.memory_space<vmem>>) target(%dma_start3A_73 : memref<32x128xf32, #tpu.memory_space<vmem_shared>>) target_semaphore(%run_scoped3A : memref<!tpu.dma_semaphore, #tpu.memory_space<semaphore_mem>>)
      %dma_wait3A = arith.constant 0 : i32
      %dma_wait3A_77 = arith.constant 0 : i32
      %dma_wait3A_78 = tpu.memref_slice %arg10[%dma_wait3A, %dma_wait3A_77] : memref<32x128xf32, #tpu.memory_space<vmem>> -> memref<32x128xf32, #tpu.memory_space<vmem>>
      %dma_wait3A_79 = arith.constant 0 : i32
      %dma_wait3A_80 = tpu.memref_slice %arg11[%add3A_48, %dma_wait3A_79] : memref<10112x128xf32, #tpu.memory_space<vmem_shared>> -> memref<32x128xf32, #tpu.memory_space<vmem_shared>>
      %dma_wait3A_81 = arith.constant 0 : i32
      %dma_wait3A_82 = tpu.memref_slice %arg11[%add3A_48, %dma_wait3A_81] : memref<10112x128xf32, #tpu.memory_space<vmem_shared>> -> memref<32x128xf32, #tpu.memory_space<vmem_shared>>
      %dma_wait3A_83 = arith.constant 0 : i32
      %dma_wait3A_84 = arith.constant 0 : i32
      %dma_wait3A_85 = tpu.memref_slice %arg10[%dma_wait3A_83, %dma_wait3A_84] : memref<32x128xf32, #tpu.memory_space<vmem>> -> memref<32x128xf32, #tpu.memory_space<vmem>>
      tpu.wait_dma2 semaphore(%run_scoped3A : memref<!tpu.dma_semaphore, #tpu.memory_space<semaphore_mem>>) src(%dma_wait3A_85 : memref<32x128xf32, #tpu.memory_space<vmem>>) dst(%dma_wait3A_82 : memref<32x128xf32, #tpu.memory_space<vmem_shared>>)
      tpu.yield
    }) : () -> ()
    %add3A_49 = arith.constant 608 : i32
    %add3A_50 = arith.addi %mul3A_6, %add3A_49 : i32
    "tpu.region"() ({
      %run_scoped3A = tpu.sem_alloc : memref<!tpu.dma_semaphore, #tpu.memory_space<semaphore_mem>>
      %dma_start3A_67 = arith.constant 0 : i32
      %dma_start3A_68 = arith.constant 0 : i32
      %dma_start3A_69 = tpu.memref_slice %arg10[%dma_start3A_67, %dma_start3A_68] : memref<32x128xf32, #tpu.memory_space<vmem>> -> memref<24x128xf32, #tpu.memory_space<vmem>>
      %dma_start3A_70 = arith.constant 0 : i32
      %dma_start3A_71 = tpu.memref_slice %arg11[%add3A_50, %dma_start3A_70] : memref<10112x128xf32, #tpu.memory_space<vmem_shared>> -> memref<24x128xf32, #tpu.memory_space<vmem_shared>>
      %dma_start3A_72 = arith.constant 0 : i32
      %dma_start3A_73 = tpu.memref_slice %arg11[%add3A_50, %dma_start3A_72] : memref<10112x128xf32, #tpu.memory_space<vmem_shared>> -> memref<24x128xf32, #tpu.memory_space<vmem_shared>>
      %dma_start3A_74 = arith.constant 0 : i32
      %dma_start3A_75 = arith.constant 0 : i32
      %dma_start3A_76 = tpu.memref_slice %arg10[%dma_start3A_74, %dma_start3A_75] : memref<32x128xf32, #tpu.memory_space<vmem>> -> memref<24x128xf32, #tpu.memory_space<vmem>>
      tpu.enqueue_dma source(%dma_start3A_76 : memref<24x128xf32, #tpu.memory_space<vmem>>) target(%dma_start3A_73 : memref<24x128xf32, #tpu.memory_space<vmem_shared>>) target_semaphore(%run_scoped3A : memref<!tpu.dma_semaphore, #tpu.memory_space<semaphore_mem>>)
      %dma_wait3A = arith.constant 0 : i32
      %dma_wait3A_77 = arith.constant 0 : i32
      %dma_wait3A_78 = tpu.memref_slice %arg10[%dma_wait3A, %dma_wait3A_77] : memref<32x128xf32, #tpu.memory_space<vmem>> -> memref<24x128xf32, #tpu.memory_space<vmem>>
      %dma_wait3A_79 = arith.constant 0 : i32
      %dma_wait3A_80 = tpu.memref_slice %arg11[%add3A_50, %dma_wait3A_79] : memref<10112x128xf32, #tpu.memory_space<vmem_shared>> -> memref<24x128xf32, #tpu.memory_space<vmem_shared>>
      %dma_wait3A_81 = arith.constant 0 : i32
      %dma_wait3A_82 = tpu.memref_slice %arg11[%add3A_50, %dma_wait3A_81] : memref<10112x128xf32, #tpu.memory_space<vmem_shared>> -> memref<24x128xf32, #tpu.memory_space<vmem_shared>>
      %dma_wait3A_83 = arith.constant 0 : i32
      %dma_wait3A_84 = arith.constant 0 : i32
      %dma_wait3A_85 = tpu.memref_slice %arg10[%dma_wait3A_83, %dma_wait3A_84] : memref<32x128xf32, #tpu.memory_space<vmem>> -> memref<24x128xf32, #tpu.memory_space<vmem>>
      tpu.wait_dma2 semaphore(%run_scoped3A : memref<!tpu.dma_semaphore, #tpu.memory_space<semaphore_mem>>) src(%dma_wait3A_85 : memref<24x128xf32, #tpu.memory_space<vmem>>) dst(%dma_wait3A_82 : memref<24x128xf32, #tpu.memory_space<vmem_shared>>)
      tpu.yield
    }) : () -> ()
    %barrier3A = arith.constant 0 : index
    tpu.barrier barrier_id(%barrier3A)
    %dma_start3A = arith.constant 0 : i32
    %dma_start3A_51 = arith.constant 0 : i32
    %dma_start3A_52 = tpu.memref_slice %arg6[%dma_start3A, %dma_start3A_51] : memref<40x128xi32, #tpu.memory_space<vmem>> -> memref<1x128xi32, #tpu.memory_space<vmem>>
    %dma_start3A_53 = tpu.memref_squeeze %dma_start3A_52 : memref<1x128xi32, #tpu.memory_space<vmem>> -> memref<128xi32, #tpu.memory_space<vmem>>
    %dma_start3A_54 = arith.constant 0 : i32
    %dma_start3A_55 = arith.constant 0 : i32
    %dma_start3A_56 = tpu.memref_slice %arg2[%dma_start3A_54, %dma_start3A_55] : memref<10000x128xf32, #tpu.memory_space<hbm>> -> memref<10000x128xf32, #tpu.memory_space<hbm>>
    tpu.enqueue_indirect_dma source(%dma_start3A_56 : memref<10000x128xf32, #tpu.memory_space<hbm>>) target(%arg8 : memref<128x128xf32, #tpu.memory_space<vmem>>) offsets(%dma_start3A_53 : memref<128xi32, #tpu.memory_space<vmem>>) semaphore(%arg12 : memref<!tpu.dma_semaphore, #tpu.memory_space<semaphore_mem>>)
    %scan3A_57 = arith.constant 0 : i32
    %scan3A_58 = arith.constant 20 : i32
    %scan3A_59 = arith.addi %scan3A_57, %scan3A_58 : i32
    %scan3A_60 = arith.constant 1 : i32
    scf.for %scan3A_67 = %scan3A_57 to %scan3A_59 step %scan3A_60  : i32 {
      %mul3A_68 = arith.constant 1 : i32
      %mul3A_69 = arith.muli %scan3A_67, %mul3A_68 : i32
      %add3A_70 = arith.constant 0 : i32
      %add3A_71 = arith.addi %add3A_70, %mul3A_69 : i32
      %mul3A_72 = arith.constant 2 : i32
      %mul3A_73 = arith.muli %add3A_71, %mul3A_72 : i32
      %add3A_74 = arith.constant 1 : i32
      %add3A_75 = arith.addi %mul3A_73, %add3A_74 : i32
      %dma_start3A_76 = arith.constant 0 : i32
      %dma_start3A_77 = tpu.memref_slice %arg6[%add3A_75, %dma_start3A_76] : memref<40x128xi32, #tpu.memory_space<vmem>> -> memref<1x128xi32, #tpu.memory_space<vmem>>
      %dma_start3A_78 = tpu.memref_squeeze %dma_start3A_77 : memref<1x128xi32, #tpu.memory_space<vmem>> -> memref<128xi32, #tpu.memory_space<vmem>>
      %dma_start3A_79 = arith.constant 0 : i32
      %dma_start3A_80 = arith.constant 0 : i32
      %dma_start3A_81 = tpu.memref_slice %arg2[%dma_start3A_79, %dma_start3A_80] : memref<10000x128xf32, #tpu.memory_space<hbm>> -> memref<10000x128xf32, #tpu.memory_space<hbm>>
      tpu.enqueue_indirect_dma source(%dma_start3A_81 : memref<10000x128xf32, #tpu.memory_space<hbm>>) target(%arg9 : memref<128x128xf32, #tpu.memory_space<vmem>>) offsets(%dma_start3A_78 : memref<128xi32, #tpu.memory_space<vmem>>) semaphore(%arg13 : memref<!tpu.dma_semaphore, #tpu.memory_space<semaphore_mem>>)
      %dma_wait3A = arith.constant 0 : i32
      %dma_wait3A_82 = arith.constant 0 : i32
      %dma_wait3A_83 = tpu.memref_slice %arg6[%dma_wait3A, %dma_wait3A_82] : memref<40x128xi32, #tpu.memory_space<vmem>> -> memref<1x128xi32, #tpu.memory_space<vmem>>
      %dma_wait3A_84 = tpu.memref_squeeze %dma_wait3A_83 : memref<1x128xi32, #tpu.memory_space<vmem>> -> memref<128xi32, #tpu.memory_space<vmem>>
      %dma_wait3A_85 = arith.constant 0 : i32
      %dma_wait3A_86 = arith.constant 0 : i32
      %dma_wait3A_87 = tpu.memref_slice %arg2[%dma_wait3A_85, %dma_wait3A_86] : memref<10000x128xf32, #tpu.memory_space<hbm>> -> memref<10000x128xf32, #tpu.memory_space<hbm>>
      tpu.wait_indirect_dma semaphore(%arg12 : memref<!tpu.dma_semaphore, #tpu.memory_space<semaphore_mem>>) src(%dma_wait3A_87 : memref<10000x128xf32, #tpu.memory_space<hbm>>) dst(%arg8 : memref<128x128xf32, #tpu.memory_space<vmem>>)
      "tpu.region"() ({
        %run_scoped3A = tpu.sem_alloc : memref<!tpu.dma_semaphore, #tpu.memory_space<semaphore_mem>>
        %dma_start3A_99 = arith.constant 0 : i32
        %dma_start3A_100 = tpu.memref_slice %arg7[%mul3A_73, %dma_start3A_99] : memref<40x128xi32, #tpu.memory_space<vmem>> -> memref<1x128xi32, #tpu.memory_space<vmem>>
        %dma_start3A_101 = tpu.memref_squeeze %dma_start3A_100 : memref<1x128xi32, #tpu.memory_space<vmem>> -> memref<128xi32, #tpu.memory_space<vmem>>
        %dma_start3A_102 = arith.constant 0 : i32
        %dma_start3A_103 = arith.constant 0 : i32
        %dma_start3A_104 = tpu.memref_slice %arg11[%dma_start3A_102, %dma_start3A_103] : memref<10112x128xf32, #tpu.memory_space<vmem_shared>> -> memref<10112x128xf32, #tpu.memory_space<vmem_shared>>
        tpu.enqueue_indirect_dma source(%arg8 : memref<128x128xf32, #tpu.memory_space<vmem>>) target(%dma_start3A_104 : memref<10112x128xf32, #tpu.memory_space<vmem_shared>>) offsets(%dma_start3A_101 : memref<128xi32, #tpu.memory_space<vmem>>) semaphore(%run_scoped3A : memref<!tpu.dma_semaphore, #tpu.memory_space<semaphore_mem>>) {add = true}
        %dma_wait3A_105 = arith.constant 0 : i32
        %dma_wait3A_106 = tpu.memref_slice %arg7[%mul3A_73, %dma_wait3A_105] : memref<40x128xi32, #tpu.memory_space<vmem>> -> memref<1x128xi32, #tpu.memory_space<vmem>>
        %dma_wait3A_107 = tpu.memref_squeeze %dma_wait3A_106 : memref<1x128xi32, #tpu.memory_space<vmem>> -> memref<128xi32, #tpu.memory_space<vmem>>
        %dma_wait3A_108 = arith.constant 0 : i32
        %dma_wait3A_109 = arith.constant 0 : i32
        %dma_wait3A_110 = tpu.memref_slice %arg11[%dma_wait3A_108, %dma_wait3A_109] : memref<10112x128xf32, #tpu.memory_space<vmem_shared>> -> memref<10112x128xf32, #tpu.memory_space<vmem_shared>>
        tpu.wait_indirect_dma semaphore(%run_scoped3A : memref<!tpu.dma_semaphore, #tpu.memory_space<semaphore_mem>>) src(%arg8 : memref<128x128xf32, #tpu.memory_space<vmem>>) dst(%dma_wait3A_110 : memref<10112x128xf32, #tpu.memory_space<vmem_shared>>)
        tpu.yield
      }) : () -> ()
      %lt3A = arith.constant 19 : i32
      %lt3A_88 = arith.cmpi slt, %add3A_71, %lt3A : i32
      %convert_element_type3A = arith.extui %lt3A_88 : i1 to i32
      %cond3A = arith.constant 0 : i32
      %cond3A_89 = arith.cmpi ne, %convert_element_type3A, %cond3A : i32
      scf.if %cond3A_89 {
        %add3A_99 = arith.constant 2 : i32
        %add3A_100 = arith.addi %mul3A_73, %add3A_99 : i32
        %dma_start3A_101 = arith.constant 0 : i32
        %dma_start3A_102 = tpu.memref_slice %arg6[%add3A_100, %dma_start3A_101] : memref<40x128xi32, #tpu.memory_space<vmem>> -> memref<1x128xi32, #tpu.memory_space<vmem>>
        %dma_start3A_103 = tpu.memref_squeeze %dma_start3A_102 : memref<1x128xi32, #tpu.memory_space<vmem>> -> memref<128xi32, #tpu.memory_space<vmem>>
        %dma_start3A_104 = arith.constant 0 : i32
        %dma_start3A_105 = arith.constant 0 : i32
        %dma_start3A_106 = tpu.memref_slice %arg2[%dma_start3A_104, %dma_start3A_105] : memref<10000x128xf32, #tpu.memory_space<hbm>> -> memref<10000x128xf32, #tpu.memory_space<hbm>>
        tpu.enqueue_indirect_dma source(%dma_start3A_106 : memref<10000x128xf32, #tpu.memory_space<hbm>>) target(%arg8 : memref<128x128xf32, #tpu.memory_space<vmem>>) offsets(%dma_start3A_103 : memref<128xi32, #tpu.memory_space<vmem>>) semaphore(%arg12 : memref<!tpu.dma_semaphore, #tpu.memory_space<semaphore_mem>>)
      } else {
      }
      %dma_wait3A_90 = arith.constant 0 : i32
      %dma_wait3A_91 = arith.constant 0 : i32
      %dma_wait3A_92 = tpu.memref_slice %arg6[%dma_wait3A_90, %dma_wait3A_91] : memref<40x128xi32, #tpu.memory_space<vmem>> -> memref<1x128xi32, #tpu.memory_space<vmem>>
      %dma_wait3A_93 = tpu.memref_squeeze %dma_wait3A_92 : memref<1x128xi32, #tpu.memory_space<vmem>> -> memref<128xi32, #tpu.memory_space<vmem>>
      %dma_wait3A_94 = arith.constant 0 : i32
      %dma_wait3A_95 = arith.constant 0 : i32
      %dma_wait3A_96 = tpu.memref_slice %arg2[%dma_wait3A_94, %dma_wait3A_95] : memref<10000x128xf32, #tpu.memory_space<hbm>> -> memref<10000x128xf32, #tpu.memory_space<hbm>>
      tpu.wait_indirect_dma semaphore(%arg13 : memref<!tpu.dma_semaphore, #tpu.memory_space<semaphore_mem>>) src(%dma_wait3A_96 : memref<10000x128xf32, #tpu.memory_space<hbm>>) dst(%arg9 : memref<128x128xf32, #tpu.memory_space<vmem>>)
      %add3A_97 = arith.constant 1 : i32
      %add3A_98 = arith.addi %mul3A_73, %add3A_97 : i32
      "tpu.region"() ({
        %run_scoped3A = tpu.sem_alloc : memref<!tpu.dma_semaphore, #tpu.memory_space<semaphore_mem>>
        %dma_start3A_99 = arith.constant 0 : i32
        %dma_start3A_100 = tpu.memref_slice %arg7[%add3A_98, %dma_start3A_99] : memref<40x128xi32, #tpu.memory_space<vmem>> -> memref<1x128xi32, #tpu.memory_space<vmem>>
        %dma_start3A_101 = tpu.memref_squeeze %dma_start3A_100 : memref<1x128xi32, #tpu.memory_space<vmem>> -> memref<128xi32, #tpu.memory_space<vmem>>
        %dma_start3A_102 = arith.constant 0 : i32
        %dma_start3A_103 = arith.constant 0 : i32
        %dma_start3A_104 = tpu.memref_slice %arg11[%dma_start3A_102, %dma_start3A_103] : memref<10112x128xf32, #tpu.memory_space<vmem_shared>> -> memref<10112x128xf32, #tpu.memory_space<vmem_shared>>
        tpu.enqueue_indirect_dma source(%arg9 : memref<128x128xf32, #tpu.memory_space<vmem>>) target(%dma_start3A_104 : memref<10112x128xf32, #tpu.memory_space<vmem_shared>>) offsets(%dma_start3A_101 : memref<128xi32, #tpu.memory_space<vmem>>) semaphore(%run_scoped3A : memref<!tpu.dma_semaphore, #tpu.memory_space<semaphore_mem>>) {add = true}
        %dma_wait3A_105 = arith.constant 0 : i32
        %dma_wait3A_106 = tpu.memref_slice %arg7[%add3A_98, %dma_wait3A_105] : memref<40x128xi32, #tpu.memory_space<vmem>> -> memref<1x128xi32, #tpu.memory_space<vmem>>
        %dma_wait3A_107 = tpu.memref_squeeze %dma_wait3A_106 : memref<1x128xi32, #tpu.memory_space<vmem>> -> memref<128xi32, #tpu.memory_space<vmem>>
        %dma_wait3A_108 = arith.constant 0 : i32
        %dma_wait3A_109 = arith.constant 0 : i32
        %dma_wait3A_110 = tpu.memref_slice %arg11[%dma_wait3A_108, %dma_wait3A_109] : memref<10112x128xf32, #tpu.memory_space<vmem_shared>> -> memref<10112x128xf32, #tpu.memory_space<vmem_shared>>
        tpu.wait_indirect_dma semaphore(%run_scoped3A : memref<!tpu.dma_semaphore, #tpu.memory_space<semaphore_mem>>) src(%arg9 : memref<128x128xf32, #tpu.memory_space<vmem>>) dst(%dma_wait3A_110 : memref<10112x128xf32, #tpu.memory_space<vmem_shared>>)
        tpu.yield
      }) : () -> ()
    }
    %scan3A_61 = arith.constant 20 : i32
    %barrier3A_62 = arith.constant 0 : index
    tpu.barrier barrier_id(%barrier3A_62)
    %mul3A_63 = arith.constant 632 : i32
    %mul3A_64 = arith.muli %arg1, %mul3A_63 : i32
    %mul3A_65 = arith.constant 632 : i32
    %mul3A_66 = arith.muli %arg1, %mul3A_65 : i32
    "tpu.region"() ({
      %run_scoped3A = tpu.sem_alloc : memref<!tpu.dma_semaphore, #tpu.memory_space<semaphore_mem>>
      %dma_start3A_67 = arith.constant 0 : i32
      %dma_start3A_68 = tpu.memref_slice %arg5[%arg0, %mul3A_66, %dma_start3A_67] : memref<2x10112x128xf32, #tpu.memory_space<hbm>> -> memref<1x632x128xf32, #tpu.memory_space<hbm>>
      %dma_start3A_69 = tpu.memref_squeeze %dma_start3A_68 : memref<1x632x128xf32, #tpu.memory_space<hbm>> -> memref<632x128xf32, #tpu.memory_space<hbm>>
      %dma_start3A_70 = arith.constant 0 : i32
      %dma_start3A_71 = tpu.memref_slice %arg11[%mul3A_64, %dma_start3A_70] : memref<10112x128xf32, #tpu.memory_space<vmem_shared>> -> memref<632x128xf32, #tpu.memory_space<vmem_shared>>
      tpu.enqueue_dma source(%dma_start3A_71 : memref<632x128xf32, #tpu.memory_space<vmem_shared>>) target(%dma_start3A_69 : memref<632x128xf32, #tpu.memory_space<hbm>>) target_semaphore(%run_scoped3A : memref<!tpu.dma_semaphore, #tpu.memory_space<semaphore_mem>>)
      %dma_wait3A = arith.constant 0 : i32
      %dma_wait3A_72 = tpu.memref_slice %arg5[%arg0, %mul3A_66, %dma_wait3A] : memref<2x10112x128xf32, #tpu.memory_space<hbm>> -> memref<1x632x128xf32, #tpu.memory_space<hbm>>
      %dma_wait3A_73 = tpu.memref_squeeze %dma_wait3A_72 : memref<1x632x128xf32, #tpu.memory_space<hbm>> -> memref<632x128xf32, #tpu.memory_space<hbm>>
      %dma_wait3A_74 = arith.constant 0 : i32
      %dma_wait3A_75 = tpu.memref_slice %arg11[%mul3A_64, %dma_wait3A_74] : memref<10112x128xf32, #tpu.memory_space<vmem_shared>> -> memref<632x128xf32, #tpu.memory_space<vmem_shared>>
      tpu.wait_dma2 semaphore(%run_scoped3A : memref<!tpu.dma_semaphore, #tpu.memory_space<semaphore_mem>>) src(%dma_wait3A_75 : memref<632x128xf32, #tpu.memory_space<vmem_shared>>) dst(%dma_wait3A_73 : memref<632x128xf32, #tpu.memory_space<hbm>>)
      tpu.yield
    }) : () -> ()
    return
  }
}

module attributes {stable_mosaic.version = 14 : i64} {
  func.func @_mid_body(%arg0: i32, %arg1: memref<2x1000x128xf32, #tpu.memory_space<vmem>>, %arg2: memref<1000x128xf32, #tpu.memory_space<vmem>>, %arg3: memref<1000x1xf32, #tpu.memory_space<vmem>>, %arg4: memref<1x128xf32, #tpu.memory_space<vmem>>, %arg5: memref<128x128xf32, #tpu.memory_space<vmem>>, %arg6: memref<1000x128xf32, #tpu.memory_space<vmem>>) attributes {dimension_semantics = [#tpu.dimension_semantics<arbitrary>], iteration_bounds = array<i64: 10>, scalar_prefetch = 0 : i64, scratch_operands = 0 : i64, tpu.core_type = #tpu.core_type<tc>, window_params = [{transform_indices = @transform_0, window_bounds = array<i64: 2, 1000, 128>}, {transform_indices = @transform_1, window_bounds = array<i64: 1000, 128>}, {transform_indices = @transform_2, window_bounds = array<i64: 1000, 1>}, {pipeline_mode = #tpu.pipeline_mode<synchronous>, transform_indices = @transform_3, window_bounds = array<i64: 1, 128>}, {pipeline_mode = #tpu.pipeline_mode<synchronous>, transform_indices = @transform_4, window_bounds = array<i64: 128, 128>}, {transform_indices = @transform_5, window_bounds = array<i64: 1000, 128>}]} {
    %get3A = arith.constant 0 : index
    %get3A_0 = arith.constant 0 : index
    %get3A_1 = vector.load %arg3[%get3A, %get3A_0] : memref<1000x1xf32, #tpu.memory_space<vmem>>, vector<1000x1xf32>
    %get3A_2 = arith.constant 0 : index
    %get3A_3 = arith.constant 0 : index
    %get3A_4 = arith.constant 0 : index
    %get3A_5 = vector.load %arg1[%get3A_2, %get3A_3, %get3A_4] : memref<2x1000x128xf32, #tpu.memory_space<vmem>>, vector<1x1000x128xf32>
    %get3A_6 = vector.shape_cast %get3A_5 : vector<1x1000x128xf32> to vector<1000x128xf32>
    %get3A_7 = arith.constant 1 : index
    %get3A_8 = arith.constant 0 : index
    %get3A_9 = arith.constant 0 : index
    %get3A_10 = vector.load %arg1[%get3A_7, %get3A_8, %get3A_9] : memref<2x1000x128xf32, #tpu.memory_space<vmem>>, vector<1x1000x128xf32>
    %get3A_11 = vector.shape_cast %get3A_10 : vector<1x1000x128xf32> to vector<1000x128xf32>
    %add3A = arith.addf %get3A_6, %get3A_11 : vector<1000x128xf32>
    %get3A_12 = arith.constant 0 : index
    %get3A_13 = arith.constant 0 : index
    %get3A_14 = vector.load %arg2[%get3A_12, %get3A_13] : memref<1000x128xf32, #tpu.memory_space<vmem>>, vector<1000x128xf32>
    %add3A_15 = arith.addf %add3A, %get3A_14 : vector<1000x128xf32>
    %mul3A = vector.broadcast %get3A_1 : vector<1000x1xf32> to vector<1000x128xf32>
    %mul3A_16 = arith.mulf %mul3A, %add3A_15 : vector<1000x128xf32>
    %get3A_17 = arith.constant 0 : index
    %get3A_18 = arith.constant 0 : index
    %get3A_19 = vector.load %arg4[%get3A_17, %get3A_18] : memref<1x128xf32, #tpu.memory_space<vmem>>, vector<1x128xf32>
    %add3A_20 = vector.broadcast %get3A_19 : vector<1x128xf32> to vector<1000x128xf32>
    %add3A_21 = arith.addf %mul3A_16, %add3A_20 : vector<1000x128xf32>
    %max3A = arith.constant 0.000000e+00 : f32
    %max3A_22 = vector.broadcast %max3A : f32 to vector<1000x128xf32>
    %max3A_23 = arith.maximumf %add3A_21, %max3A_22 : vector<1000x128xf32>
    %get3A_24 = arith.constant 0 : index
    %get3A_25 = arith.constant 0 : index
    %get3A_26 = vector.load %arg5[%get3A_24, %get3A_25] : memref<128x128xf32, #tpu.memory_space<vmem>>, vector<128x128xf32>
    %dot_general3A = arith.constant dense<0.000000e+00> : vector<1000x128xf32>
    %dot_general3A_27 = tpu.matmul %max3A_23, %get3A_26, %dot_general3A {dimension_numbers = #tpu.dot_dimension_numbers<[1], [0], [0], [1], [0, 0, 1, 1], [], []>, transpose_lhs_hint = false} : vector<1000x128xf32>, vector<128x128xf32>, vector<1000x128xf32> -> vector<1000x128xf32>
    %mul3A_28 = vector.broadcast %get3A_1 : vector<1000x1xf32> to vector<1000x128xf32>
    %mul3A_29 = arith.mulf %dot_general3A_27, %mul3A_28 : vector<1000x128xf32>
    %swap3A = arith.constant 0 : index
    %swap3A_30 = arith.constant 0 : index
    %swap3A_31 = vector.load %arg6[%swap3A, %swap3A_30] : memref<1000x128xf32, #tpu.memory_space<vmem>>, vector<1000x128xf32>
    tpu.vector_store %arg6[%swap3A, %swap3A_30], %mul3A_29 {strides = array<i32>} : memref<1000x128xf32, #tpu.memory_space<vmem>>, vector<1000x128xf32>,
    return
  }
  func.func @transform_0(%arg0: i32) -> (i32, i32, i32) {
    %c0_i32 = arith.constant 0 : i32
    %c0_i32_0 = arith.constant 0 : i32
    %c0_i32_1 = arith.constant 0 : i32
    return %c0_i32, %arg0, %c0_i32_0 : i32, i32, i32
  }
  func.func @transform_1(%arg0: i32) -> (i32, i32) {
    %c0_i32 = arith.constant 0 : i32
    %c0_i32_0 = arith.constant 0 : i32
    return %arg0, %c0_i32 : i32, i32
  }
  func.func @transform_2(%arg0: i32) -> (i32, i32) {
    %c0_i32 = arith.constant 0 : i32
    %c0_i32_0 = arith.constant 0 : i32
    return %arg0, %c0_i32 : i32, i32
  }
  func.func @transform_3(%arg0: i32) -> (i32, i32) {
    %c0_i32 = arith.constant 0 : i32
    %c0_i32_0 = arith.constant 0 : i32
    %c0_i32_1 = arith.constant 0 : i32
    return %c0_i32, %c0_i32_0 : i32, i32
  }
  func.func @transform_4(%arg0: i32) -> (i32, i32) {
    %c0_i32 = arith.constant 0 : i32
    %c0_i32_0 = arith.constant 0 : i32
    %c0_i32_1 = arith.constant 0 : i32
    return %c0_i32, %c0_i32_0 : i32, i32
  }
  func.func @transform_5(%arg0: i32) -> (i32, i32) {
    %c0_i32 = arith.constant 0 : i32
    %c0_i32_0 = arith.constant 0 : i32
    return %arg0, %c0_i32 : i32, i32
  }
}

module attributes {stable_mosaic.version = 14 : i64} {
  func.func @_prep_body(%arg0: i32, %arg1: memref<2x1000x128xf32, #tpu.memory_space<vmem>>, %arg2: memref<1000x512xf32, #tpu.memory_space<vmem>>, %arg3: memref<512x128xf32, #tpu.memory_space<vmem>>, %arg4: memref<1000x1xf32, #tpu.memory_space<vmem>>, %arg5: memref<1000x128xf32, #tpu.memory_space<vmem>>) attributes {dimension_semantics = [#tpu.dimension_semantics<arbitrary>], iteration_bounds = array<i64: 10>, scalar_prefetch = 0 : i64, scratch_operands = 0 : i64, tpu.core_type = #tpu.core_type<tc>, window_params = [{transform_indices = @transform_0, window_bounds = array<i64: 2, 1000, 128>}, {transform_indices = @transform_1, window_bounds = array<i64: 1000, 512>}, {pipeline_mode = #tpu.pipeline_mode<synchronous>, transform_indices = @transform_2, window_bounds = array<i64: 512, 128>}, {transform_indices = @transform_3, window_bounds = array<i64: 1000, 1>}, {transform_indices = @transform_4, window_bounds = array<i64: 1000, 128>}]} {
    %get3A = arith.constant 0 : index
    %get3A_0 = arith.constant 0 : index
    %get3A_1 = arith.constant 0 : index
    %get3A_2 = vector.load %arg1[%get3A, %get3A_0, %get3A_1] : memref<2x1000x128xf32, #tpu.memory_space<vmem>>, vector<1x1000x1xf32>
    %get3A_3 = vector.shape_cast %get3A_2 : vector<1x1000x1xf32> to vector<1000x1xf32>
    %get3A_4 = arith.constant 1 : index
    %get3A_5 = arith.constant 0 : index
    %get3A_6 = arith.constant 0 : index
    %get3A_7 = vector.load %arg1[%get3A_4, %get3A_5, %get3A_6] : memref<2x1000x128xf32, #tpu.memory_space<vmem>>, vector<1x1000x1xf32>
    %get3A_8 = vector.shape_cast %get3A_7 : vector<1x1000x1xf32> to vector<1000x1xf32>
    %add3A = arith.addf %get3A_3, %get3A_8 : vector<1000x1xf32>
    %add3A_9 = arith.constant 1.000000e+00 : f32
    %add3A_10 = vector.broadcast %add3A_9 : f32 to vector<1000x1xf32>
    %add3A_11 = arith.addf %add3A, %add3A_10 : vector<1000x1xf32>
    %rsqrt3A = math.rsqrt %add3A_11 : vector<1000x1xf32>
    %swap3A = arith.constant 0 : index
    %swap3A_12 = arith.constant 0 : index
    %swap3A_13 = vector.load %arg4[%swap3A, %swap3A_12] : memref<1000x1xf32, #tpu.memory_space<vmem>>, vector<1000x1xf32>
    tpu.vector_store %arg4[%swap3A, %swap3A_12], %rsqrt3A {strides = array<i32>} : memref<1000x1xf32, #tpu.memory_space<vmem>>, vector<1000x1xf32>,
    %get3A_14 = arith.constant 0 : index
    %get3A_15 = arith.constant 0 : index
    %get3A_16 = vector.load %arg2[%get3A_14, %get3A_15] : memref<1000x512xf32, #tpu.memory_space<vmem>>, vector<1000x512xf32>
    %get3A_17 = arith.constant 0 : index
    %get3A_18 = arith.constant 0 : index
    %get3A_19 = vector.load %arg3[%get3A_17, %get3A_18] : memref<512x128xf32, #tpu.memory_space<vmem>>, vector<512x128xf32>
    %dot_general3A = arith.constant dense<0.000000e+00> : vector<1000x128xf32>
    %dot_general3A_20 = tpu.matmul %get3A_16, %get3A_19, %dot_general3A {dimension_numbers = #tpu.dot_dimension_numbers<[1], [0], [0], [1], [0, 0, 1, 1], [], []>, transpose_lhs_hint = false} : vector<1000x512xf32>, vector<512x128xf32>, vector<1000x128xf32> -> vector<1000x128xf32>
    %mul3A = vector.broadcast %rsqrt3A : vector<1000x1xf32> to vector<1000x128xf32>
    %mul3A_21 = arith.mulf %dot_general3A_20, %mul3A : vector<1000x128xf32>
    %swap3A_22 = arith.constant 0 : index
    %swap3A_23 = arith.constant 0 : index
    %swap3A_24 = vector.load %arg5[%swap3A_22, %swap3A_23] : memref<1000x128xf32, #tpu.memory_space<vmem>>, vector<1000x128xf32>
    tpu.vector_store %arg5[%swap3A_22, %swap3A_23], %mul3A_21 {strides = array<i32>} : memref<1000x128xf32, #tpu.memory_space<vmem>>, vector<1000x128xf32>,
    return
  }
  func.func @transform_0(%arg0: i32) -> (i32, i32, i32) {
    %c0_i32 = arith.constant 0 : i32
    %c0_i32_0 = arith.constant 0 : i32
    %c0_i32_1 = arith.constant 0 : i32
    return %c0_i32, %arg0, %c0_i32_0 : i32, i32, i32
  }
  func.func @transform_1(%arg0: i32) -> (i32, i32) {
    %c0_i32 = arith.constant 0 : i32
    %c0_i32_0 = arith.constant 0 : i32
    return %arg0, %c0_i32 : i32, i32
  }
  func.func @transform_2(%arg0: i32) -> (i32, i32) {
    %c0_i32 = arith.constant 0 : i32
    %c0_i32_0 = arith.constant 0 : i32
    %c0_i32_1 = arith.constant 0 : i32
    return %c0_i32, %c0_i32_0 : i32, i32
  }
  func.func @transform_3(%arg0: i32) -> (i32, i32) {
    %c0_i32 = arith.constant 0 : i32
    %c0_i32_0 = arith.constant 0 : i32
    return %arg0, %c0_i32 : i32, i32
  }
  func.func @transform_4(%arg0: i32) -> (i32, i32) {
    %c0_i32 = arith.constant 0 : i32
    %c0_i32_0 = arith.constant 0 : i32
    return %arg0, %c0_i32 : i32, i32
  }
}

module attributes {stable_mosaic.version = 14 : i64} {
  func.func @_q_body(%arg0: i32, %arg1: memref<2x1000x128xf32, #tpu.memory_space<vmem>>, %arg2: memref<1000x128xf32, #tpu.memory_space<vmem>>, %arg3: memref<1000x1xf32, #tpu.memory_space<vmem>>, %arg4: memref<1x128xf32, #tpu.memory_space<vmem>>, %arg5: memref<1000x128xf32, #tpu.memory_space<vmem>>) attributes {dimension_semantics = [#tpu.dimension_semantics<arbitrary>], iteration_bounds = array<i64: 10>, scalar_prefetch = 0 : i64, scratch_operands = 0 : i64, tpu.core_type = #tpu.core_type<tc>, window_params = [{transform_indices = @transform_0, window_bounds = array<i64: 2, 1000, 128>}, {transform_indices = @transform_1, window_bounds = array<i64: 1000, 128>}, {transform_indices = @transform_2, window_bounds = array<i64: 1000, 1>}, {pipeline_mode = #tpu.pipeline_mode<synchronous>, transform_indices = @transform_3, window_bounds = array<i64: 1, 128>}, {transform_indices = @transform_4, window_bounds = array<i64: 1000, 128>}]} {
    %get3A = arith.constant 0 : index
    %get3A_0 = arith.constant 0 : index
    %get3A_1 = vector.load %arg3[%get3A, %get3A_0] : memref<1000x1xf32, #tpu.memory_space<vmem>>, vector<1000x1xf32>
    %get3A_2 = arith.constant 0 : index
    %get3A_3 = arith.constant 0 : index
    %get3A_4 = arith.constant 0 : index
    %get3A_5 = vector.load %arg1[%get3A_2, %get3A_3, %get3A_4] : memref<2x1000x128xf32, #tpu.memory_space<vmem>>, vector<1x1000x128xf32>
    %get3A_6 = vector.shape_cast %get3A_5 : vector<1x1000x128xf32> to vector<1000x128xf32>
    %get3A_7 = arith.constant 1 : index
    %get3A_8 = arith.constant 0 : index
    %get3A_9 = arith.constant 0 : index
    %get3A_10 = vector.load %arg1[%get3A_7, %get3A_8, %get3A_9] : memref<2x1000x128xf32, #tpu.memory_space<vmem>>, vector<1x1000x128xf32>
    %get3A_11 = vector.shape_cast %get3A_10 : vector<1x1000x128xf32> to vector<1000x128xf32>
    %add3A = arith.addf %get3A_6, %get3A_11 : vector<1000x128xf32>
    %get3A_12 = arith.constant 0 : index
    %get3A_13 = arith.constant 0 : index
    %get3A_14 = vector.load %arg2[%get3A_12, %get3A_13] : memref<1000x128xf32, #tpu.memory_space<vmem>>, vector<1000x128xf32>
    %add3A_15 = arith.addf %add3A, %get3A_14 : vector<1000x128xf32>
    %mul3A = vector.broadcast %get3A_1 : vector<1000x1xf32> to vector<1000x128xf32>
    %mul3A_16 = arith.mulf %mul3A, %add3A_15 : vector<1000x128xf32>
    %get3A_17 = arith.constant 0 : index
    %get3A_18 = arith.constant 0 : index
    %get3A_19 = vector.load %arg4[%get3A_17, %get3A_18] : memref<1x128xf32, #tpu.memory_space<vmem>>, vector<1x128xf32>
    %add3A_20 = vector.broadcast %get3A_19 : vector<1x128xf32> to vector<1000x128xf32>
    %add3A_21 = arith.addf %mul3A_16, %add3A_20 : vector<1000x128xf32>
    %max3A = arith.constant 0.000000e+00 : f32
    %max3A_22 = vector.broadcast %max3A : f32 to vector<1000x128xf32>
    %max3A_23 = arith.maximumf %add3A_21, %max3A_22 : vector<1000x128xf32>
    %mul3A_24 = vector.broadcast %get3A_1 : vector<1000x1xf32> to vector<1000x128xf32>
    %mul3A_25 = arith.mulf %max3A_23, %mul3A_24 : vector<1000x128xf32>
    %swap3A = arith.constant 0 : index
    %swap3A_26 = arith.constant 0 : index
    %swap3A_27 = vector.load %arg5[%swap3A, %swap3A_26] : memref<1000x128xf32, #tpu.memory_space<vmem>>, vector<1000x128xf32>
    tpu.vector_store %arg5[%swap3A, %swap3A_26], %mul3A_25 {strides = array<i32>} : memref<1000x128xf32, #tpu.memory_space<vmem>>, vector<1000x128xf32>,
    return
  }
  func.func @transform_0(%arg0: i32) -> (i32, i32, i32) {
    %c0_i32 = arith.constant 0 : i32
    %c0_i32_0 = arith.constant 0 : i32
    %c0_i32_1 = arith.constant 0 : i32
    return %c0_i32, %arg0, %c0_i32_0 : i32, i32, i32
  }
  func.func @transform_1(%arg0: i32) -> (i32, i32) {
    %c0_i32 = arith.constant 0 : i32
    %c0_i32_0 = arith.constant 0 : i32
    return %arg0, %c0_i32 : i32, i32
  }
  func.func @transform_2(%arg0: i32) -> (i32, i32) {
    %c0_i32 = arith.constant 0 : i32
    %c0_i32_0 = arith.constant 0 : i32
    return %arg0, %c0_i32 : i32, i32
  }
  func.func @transform_3(%arg0: i32) -> (i32, i32) {
    %c0_i32 = arith.constant 0 : i32
    %c0_i32_0 = arith.constant 0 : i32
    %c0_i32_1 = arith.constant 0 : i32
    return %c0_i32, %c0_i32_0 : i32, i32
  }
  func.func @transform_4(%arg0: i32) -> (i32, i32) {
    %c0_i32 = arith.constant 0 : i32
    %c0_i32_0 = arith.constant 0 : i32
    return %arg0, %c0_i32 : i32, i32
  }
}

module attributes {stable_mosaic.version = 14 : i64} {
  func.func @_out_body(%arg0: i32, %arg1: memref<2x1000x128xf32, #tpu.memory_space<vmem>>, %arg2: memref<1000x128xf32, #tpu.memory_space<vmem>>, %arg3: memref<1000x1xf32, #tpu.memory_space<vmem>>, %arg4: memref<128x1xf32, #tpu.memory_space<vmem>>, %arg5: memref<1x1xf32, #tpu.memory_space<vmem>>, %arg6: memref<1000x1xf32, #tpu.memory_space<vmem>>) attributes {dimension_semantics = [#tpu.dimension_semantics<arbitrary>], iteration_bounds = array<i64: 10>, scalar_prefetch = 0 : i64, scratch_operands = 0 : i64, tpu.core_type = #tpu.core_type<tc>, window_params = [{transform_indices = @transform_0, window_bounds = array<i64: 2, 1000, 128>}, {transform_indices = @transform_1, window_bounds = array<i64: 1000, 128>}, {transform_indices = @transform_2, window_bounds = array<i64: 1000, 1>}, {pipeline_mode = #tpu.pipeline_mode<synchronous>, transform_indices = @transform_3, window_bounds = array<i64: 128, 1>}, {pipeline_mode = #tpu.pipeline_mode<synchronous>, transform_indices = @transform_4, window_bounds = array<i64: 1, 1>}, {transform_indices = @transform_5, window_bounds = array<i64: 1000, 1>}]} {
    %get3A = arith.constant 0 : index
    %get3A_0 = arith.constant 0 : index
    %get3A_1 = arith.constant 0 : index
    %get3A_2 = vector.load %arg1[%get3A, %get3A_0, %get3A_1] : memref<2x1000x128xf32, #tpu.memory_space<vmem>>, vector<1x1000x128xf32>
    %get3A_3 = vector.shape_cast %get3A_2 : vector<1x1000x128xf32> to vector<1000x128xf32>
    %get3A_4 = arith.constant 1 : index
    %get3A_5 = arith.constant 0 : index
    %get3A_6 = arith.constant 0 : index
    %get3A_7 = vector.load %arg1[%get3A_4, %get3A_5, %get3A_6] : memref<2x1000x128xf32, #tpu.memory_space<vmem>>, vector<1x1000x128xf32>
    %get3A_8 = vector.shape_cast %get3A_7 : vector<1x1000x128xf32> to vector<1000x128xf32>
    %add3A = arith.addf %get3A_3, %get3A_8 : vector<1000x128xf32>
    %get3A_9 = arith.constant 0 : index
    %get3A_10 = arith.constant 0 : index
    %get3A_11 = vector.load %arg2[%get3A_9, %get3A_10] : memref<1000x128xf32, #tpu.memory_space<vmem>>, vector<1000x128xf32>
    %add3A_12 = arith.addf %add3A, %get3A_11 : vector<1000x128xf32>
    %get3A_13 = arith.constant 0 : index
    %get3A_14 = arith.constant 0 : index
    %get3A_15 = vector.load %arg4[%get3A_13, %get3A_14] : memref<128x1xf32, #tpu.memory_space<vmem>>, vector<128x1xf32>
    %dot_general3A = arith.constant dense<0.000000e+00> : vector<1000x1xf32>
    %dot_general3A_16 = tpu.matmul %add3A_12, %get3A_15, %dot_general3A {dimension_numbers = #tpu.dot_dimension_numbers<[1], [0], [0], [1], [0, 0, 1, 1], [], []>, transpose_lhs_hint = false} : vector<1000x128xf32>, vector<128x1xf32>, vector<1000x1xf32> -> vector<1000x1xf32>
    %get3A_17 = arith.constant 0 : index
    %get3A_18 = arith.constant 0 : index
    %get3A_19 = vector.load %arg3[%get3A_17, %get3A_18] : memref<1000x1xf32, #tpu.memory_space<vmem>>, vector<1000x1xf32>
    %mul3A = arith.mulf %get3A_19, %dot_general3A_16 : vector<1000x1xf32>
    %get3A_20 = arith.constant 0 : index
    %get3A_21 = arith.constant 0 : index
    %get3A_22 = vector.load %arg5[%get3A_20, %get3A_21] : memref<1x1xf32, #tpu.memory_space<vmem>>, vector<1x1xf32>
    %get3A_23 = vector.extract %get3A_22[0, 0] : f32 from vector<1x1xf32>
    %add3A_24 = vector.broadcast %get3A_23 : f32 to vector<1000x1xf32>
    %add3A_25 = arith.addf %mul3A, %add3A_24 : vector<1000x1xf32>
    %swap3A = arith.constant 0 : index
    %swap3A_26 = arith.constant 0 : index
    %swap3A_27 = vector.load %arg6[%swap3A, %swap3A_26] : memref<1000x1xf32, #tpu.memory_space<vmem>>, vector<1000x1xf32>
    tpu.vector_store %arg6[%swap3A, %swap3A_26], %add3A_25 {strides = array<i32>} : memref<1000x1xf32, #tpu.memory_space<vmem>>, vector<1000x1xf32>,
    return
  }
  func.func @transform_0(%arg0: i32) -> (i32, i32, i32) {
    %c0_i32 = arith.constant 0 : i32
    %c0_i32_0 = arith.constant 0 : i32
    %c0_i32_1 = arith.constant 0 : i32
    return %c0_i32, %arg0, %c0_i32_0 : i32, i32, i32
  }
  func.func @transform_1(%arg0: i32) -> (i32, i32) {
    %c0_i32 = arith.constant 0 : i32
    %c0_i32_0 = arith.constant 0 : i32
    return %arg0, %c0_i32 : i32, i32
  }
  func.func @transform_2(%arg0: i32) -> (i32, i32) {
    %c0_i32 = arith.constant 0 : i32
    %c0_i32_0 = arith.constant 0 : i32
    return %arg0, %c0_i32 : i32, i32
  }
  func.func @transform_3(%arg0: i32) -> (i32, i32) {
    %c0_i32 = arith.constant 0 : i32
    %c0_i32_0 = arith.constant 0 : i32
    %c0_i32_1 = arith.constant 0 : i32
    return %c0_i32, %c0_i32_0 : i32, i32
  }
  func.func @transform_4(%arg0: i32) -> (i32, i32) {
    %c0_i32 = arith.constant 0 : i32
    %c0_i32_0 = arith.constant 0 : i32
    %c0_i32_1 = arith.constant 0 : i32
    return %c0_i32, %c0_i32_0 : i32, i32
  }
  func.func @transform_5(%arg0: i32) -> (i32, i32) {
    %c0_i32 = arith.constant 0 : i32
    %c0_i32_0 = arith.constant 0 : i32
    return %arg0, %c0_i32 : i32, i32
  }
}

</mosaic_0001>

<sc_bundles>
// kernel: kernel.12.cloned.1.call-start
scs
__scs_entry_jumppad:
0x0: {  	(pc) =	sbr.rel $0x88, $3  }
0x1: {  	(tag) =	ssettag $0x0;
	lr =	simm.s32 $0x1  }
0x2: {  	[smem:$0x3F97] =	sst lr;
	_ =	strace $0xD0000000  }
0x3: {  	_ = 	snop  }
0x4: {  	_ = 	snop  }
0x5: {  	_ = 	snop  }
0x6: {  	_ = 	snop  }
0x7: {  	_ = 	snop  }
__scs_overlays_trampoline_lowered:
0x8: {  	[smem:$0x3FA6] =	sst s0  }
0x9: {  	[smem:$0x3FA7] =	sst s1  }
0xa: {  	[smem:$0x3FA8] =	sst s2  }
0xb: {  	[smem:$0x3FA9] =	sst s3  }
0xc: {  	[smem:$0x3FAA] =	sst s4  }
0xd: {  	[smem:$0x3FAB] =	sst s5  }
0xe: {  	[smem:$0x3FAC] =	sst s6  }
0xf: {  	[smem:$0x3FAD] =	sst s7  }
0x10: {  	[smem:$0x3FAE] =	sst s8  }
0x11: {  	[smem:$0x3FAF] =	sst s9;
	s0 =	simm.s32 @!p0 $0x0  }
0x12: {  	s1 =	sld [smem:$0x3F95];
	s0 =	simm.s32 @p0 $0x1  }
0x13: {  	[smem:$0x3FB0] =	sst s0;
	s0 =	simm.s32 @!p1 $0x0  }
0x14: {  	s2 =	sld [smem:$0x3F94];
	s0 =	simm.s32 @p1 $0x1  }
0x15: {  	[smem:$0x3FB1] =	sst s0;
	s0 =	simm.s32 @!p2 $0x0  }
0x16: {  	s3 =	sld [smem:$0x3FDB];
	s0 =	simm.s32 @p2 $0x1  }
0x17: {  	s4 =	simm.s32 $0x1BF5;
	[smem:$0x3FB3] =	sst s0  }
0x18: {  	s0 =	sld [smem:$0x3F96];
	_ =	swait.ge [sflag:s4], $0x0  }
0x19: {  	s7 =	sld [smem:$0x3F97]  }
0x1a: {  	s8 =	sadd.s32 $0xFFFFE003, lr  }
0x1b: {  	s9 =	sadd.s32 $0xFFFFFEF7, lr;
	s5 =	simm.s32 $0xFFFFFFFF;
	p2 =	slt.u32 s8, $0xFFFFF086  }
0x1c: {  	p1 =	slt.u32 s9, $0xF7A;
	s5 =	simm.s32 @!p2 $0x0  }
0x1d: {  	s5 =	simm.s32 @p1 $0x1;
	p0 =	seq.s32 s7, s2  }
0x1e: {  	s7 =	smul.u32 @!p0 $0xF7A, s2;
	p2 =	seq.s32 @!p0 s5, $0x0  }
0x1f: {  	s9 =	smul.u32 $0xF7A, s1;
	s8 =	simm.s32 @!p0 $0x1BF5;
	p2 =	por !p2, p0  }
0x20: {  	[sflag:s8] =	ssyncset.s32 @!p0 $0xFFFFF086;
	s6 =	sadd.s32 @!p0 s3, s7;
	s7 =	simm.s32 @!p0 $0x108  }
0x21: {  	s3 =	sadd.s32 s3, s9;
	s6 =	sadd.s32 @!p0 $0x88, s6;
	s7 =	simm.s32 @p2 $0x1082  }
0x22: {  	[simem:s7], [sflag:s8] =	dma.local @!p0 [hbm:s6], $0xF7A  }
0x23: {  	s9 =	sor.u32 $0xD0000000, s2;
	s6 =	simm.s32 $0x108;
	_ =	swait.ge @!p0 [sflag:s8], $0x0  }
0x24: {  	s3 =	sadd.s32 $0x88, s3;
	s6 =	simm.s32 @!p1 $0x1082;
	[sflag:s4] =	ssyncset.s32 $0xFFFFF086  }
0x25: {  	[simem:s6], [sflag:s4] =	dma.local [hbm:s3], $0xF7A  }
0x26: {  	[smem:$0x3F97] =	sst s1;
	(tag) =	ssettag s2;
	_ =	strace s9  }
0x27: {  	s1 =	sld [smem:$0x3FA7]  }
0x28: {  	s2 =	sld [smem:$0x3FA8]  }
0x29: {  	s4 =	sld [smem:$0x3FAA]  }
0x2a: {  	p0 =	seq.s32 s5, $0x0;
	s5 =	sld [smem:$0x3FAB]  }
0x2b: {  	s6 =	sld [smem:$0x3FAC]  }
0x2c: {  	s7 =	sld [smem:$0x3FAD]  }
0x2d: {  	s3 =	simm.s32 $0x108;
	s8 =	sld [smem:$0x3FAE]  }
0x2e: {  	s3 =	simm.s32 @!p0 $0x1082;
	s9 =	sld [smem:$0x3FAF]  }
0x2f: {  	lr =	sadd.s32 s0, s3;
	s0 =	sld [smem:$0x3FA6]  }
0x30: {  	s3 =	sld [smem:$0x3FA9]  }
0x31: {  	[smem:$0x3FB2] =	sst s10  }
0x32: {  	s10 =	sld [smem:$0x3FB0];
	_ =	sdelay $0x3  }
0x33: {  	p0 =	seq.s32 s10, $0x1;
	s10 =	sld [smem:$0x3FB2];
	_ =	sdelay $0x3  }
0x34: {  	[smem:$0x3FB2] =	sst s10  }
0x35: {  	s10 =	sld [smem:$0x3FB1];
	_ =	sdelay $0x3  }
0x36: {  	p1 =	seq.s32 s10, $0x1;
	s10 =	sld [smem:$0x3FB2];
	_ =	sdelay $0x3  }
0x37: {  	[smem:$0x3FB2] =	sst s10  }
0x38: {  	s10 =	sld [smem:$0x3FB3]  }
0x39: {  	_ = 	snop;
	(pc) =	sbr.ind lr, $3  }
0x3a: {  	_ = 	snop  }
0x3b: {  	_ = 	snop  }
0x3c: {  	p2 =	seq.s32 s10, $0x1;
	s10 =	sld [smem:$0x3FB2]  }
0x3d: {  	_ =	shalt  }
0x3e: {  	_ =	shalt  }
0x3f: {  	_ =	shalt  }
0x40: {  	_ =	shalt  }
0x41: {  	_ =	shalt  }
0x42: {  	_ =	shalt  }
0x43: {  	_ =	shalt  }
0x44: {  	_ =	shalt  }
0x45: {  	_ =	shalt  }
0x46: {  	_ =	shalt  }
0x47: {  	_ =	shalt  }
0x48: {  	_ =	shalt  }
0x49: {  	_ =	shalt  }
0x4a: {  	_ =	shalt  }
0x4b: {  	_ =	shalt  }
0x4c: {  	_ =	shalt  }
0x4d: {  	_ =	shalt  }
0x4e: {  	_ =	shalt  }
0x4f: {  	_ =	shalt  }
0x50: {  	_ =	shalt  }
0x51: {  	_ =	shalt  }
0x52: {  	_ =	shalt  }
0x53: {  	_ =	shalt  }
0x54: {  	_ =	shalt  }
0x55: {  	_ =	shalt  }
0x56: {  	_ =	shalt  }
0x57: {  	_ =	shalt  }
0x58: {  	_ =	shalt  }
0x59: {  	_ =	shalt  }
0x5a: {  	_ =	shalt  }
0x5b: {  	_ =	shalt  }
0x5c: {  	_ =	shalt  }
0x5d: {  	_ =	shalt  }
0x5e: {  	_ =	shalt  }
0x5f: {  	_ =	shalt  }
0x60: {  	_ =	shalt  }
0x61: {  	_ =	shalt  }
0x62: {  	_ =	shalt  }
0x63: {  	_ =	shalt  }
0x64: {  	_ =	shalt  }
0x65: {  	_ =	shalt  }
0x66: {  	_ =	shalt  }
0x67: {  	_ =	shalt  }
0x68: {  	_ =	shalt  }
0x69: {  	_ =	shalt  }
0x6a: {  	_ =	shalt  }
0x6b: {  	_ =	shalt  }
0x6c: {  	_ =	shalt  }
0x6d: {  	_ =	shalt  }
0x6e: {  	_ =	shalt  }
0x6f: {  	_ =	shalt  }
0x70: {  	_ =	shalt  }
0x71: {  	_ =	shalt  }
0x72: {  	_ =	shalt  }
0x73: {  	_ =	shalt  }
0x74: {  	_ =	shalt  }
0x75: {  	_ =	shalt  }
0x76: {  	_ =	shalt  }
0x77: {  	_ =	shalt  }
0x78: {  	_ =	shalt  }
0x79: {  	_ =	shalt  }
0x7a: {  	_ =	shalt  }
0x7b: {  	_ =	shalt  }
0x7c: {  	_ =	shalt  }
0x7d: {  	_ =	shalt  }
0x7e: {  	_ =	shalt  }
0x7f: {  	_ =	shalt  }
0x80: {  	_ =	shalt  }
0x81: {  	_ =	shalt  }
0x82: {  	_ =	shalt  }
0x83: {  	_ =	shalt  }
0x84: {  	_ =	shalt  }
0x85: {  	_ =	shalt  }
0x86: {  	_ =	shalt  }
0x87: {  	_ =	shalt  }
.Lfunc_end0:
.L_simem_size_0:
called_computation_lowered:
.L_overlay_start_0:
0x88: {  	s2 =	sld [smem:$0x3FD9]  }
0x89: {  	s3 =	sld [smem:$0x3FFE];
	_ =	sdelay $0x1  }
0x8a: {  	s1 =	srdreg.scid  }
0x8b: {  	s0 =	sand.u32 $0x1, s1  }
0x8c: {  	s16 =	sshll.u32 s0, $0xA;
	s2 =	sadd.s32 s3, s2  }
0x8d: {  	s2 =	sadd.s32 s2, s16  }
0x8e: {  	[smem:$0x3FBE] =	sst s2  }
0x8f: {  	_ = 	snop  }
0x90: {  	(tm) =	ssettm $0x1  }
0x91: {  	s17 =	sld [smem:$0x3FFB];
	_ =	sdelay $0x3  }
0x92: {  	_ =	strace s17  }
0x93: {  	s2 =	sld [smem:$0x3FFC];
	_ =	sdelay $0x3  }
0x94: {  	_ =	strace s2  }
0x95: {  	s2 =	sld [smem:$0x3FFD];
	_ =	sdelay $0x3  }
0x96: {  	_ =	strace s2  }
0x97: {  	_ =	strace $0x8FFFFFFF  }
0x98: {  	s18 =	sld [smem:$0x3FDB];
	_ =	sdelay $0x1  }
0x99: {  	s19 =	simm.s32 $_scs_section_size  }
0x9a: {  	s4 =	simm.s32 $_size__tile_overlayer_lowered;
	s5 =	simm.s32 $_tile_overlayer_lowered  }
0x9b: {  	s22 =	simm.s32 $0x1BFF;
	s21 =	sshll.u32 s5, $0x1;
	s2 =	sadd.s32 s19, s18  }
0x9c: {  	s6 =	simm.s32 $0x0;
	s20 =	sshll.u32 s4, $0x1;
	s4 =	sadd.s32 s21, s2  }
0x9d: {  	[timem:s6], [sflag:s22] =	dma.local [hbm:s4], s20  }
0x9e: {  	_ =	swait.ge [sflag:s22], s20  }
0x9f: {  	s3 =	ssub.s32 $0x0, s20;
	[sflag:s22] =	ssyncset.done $0x0  }
0xa0: {  	[sflag:s22] =	ssyncadd.s32 s3;
	_ =	sdelay $0x1  }
0xa1: {  	s23 =	simm.s32 $0x1B8B  }
0xa2: {  	_ =	swait.ge [sflag:s23], $0x1  }
0xa3: {  	[sflag:s23] =	ssyncset.done $0x0  }
0xa4: {  	s25 =	simm.s32 $0x1B8E;
	s24 =	sld [smem:$0x3FFE];
	[sflag:s23] =	ssyncadd.s32 $0xFFFFFFFF  }
0xa5: {  	s26 =	simm.s32 $execute0_lowered;
	[smem:$0x3FD2] =	sst s25  }
0xa6: {  	s4 =	sshll.u32 s26, $0x1;
	_ =	strace $0x80000046;
	[dreg:$0x1] =	wrdreg $0xFFFFFFFF  }
0xa7: {  	s28 =	simm.s32 $_size_execute0_lowered;
	s2 =	sadd.s32 s2, s4;
	[dreg:$0x0] =	wrdreg $0x0  }
0xa8: {  	s4 =	sshll.u32 s28, $0x1;
	[dreg:$0x2] =	wrdreg s2  }
0xa9: {  	[dreg:$0x3] =	wrdreg s4  }
0xaa: {  	[dreg:$0x4] =	wrdreg $0xC0  }
0xab: {  	_ =	task [dreg:s6], $0x5FFFF  }
0xac: {  	[dreg:$0x1] =	wrdreg $0xFFFFFFFF  }
0xad: {  	[dreg:$0x0] =	wrdreg $0x60  }
0xae: {  	[dreg:$0x2] =	wrdreg s24  }
0xaf: {  	[dreg:$0x3] =	wrdreg $0x94000  }
0xb0: {  	[dreg:$0x4] =	wrdreg $0x9  }
0xb1: {  	_ =	task.clear_ibuf [dreg:s6], $0x5FFFF;
	_ =	strace $0x90000046  }
0xb2: {  	s29 =	simm.s32 $0x9;
	_ =	strace $0x80000048  }
0xb3: {  	_ =	swait.ge [sflag:s29], $0x1  }
0xb4: {  	[sflag:s29] =	ssyncadd.s32 $0xFFFFFFFF  }
0xb5: {  	_ =	strace $0x90000048  }
0xb6: {  	_ =	sfence  }
0xb7: {  	s30 =	sld [smem:$0x0];
	_ =	sdelay $0x2  }
0xb8: {  	s31 =	sshll.u32 s1, $0xD;
	s1 =	sshrl.u32 s1, $0x2  }
0xb9: {  	s3 =	sand.u32 $0x4000, s31;
	s1 =	sadd.s32 s1, s30  }
0xba: {  	s0 =	sor.u32 s3, s0;
	s1 =	sshll.u32 s1, $0x11  }
0xbb: {  	s0 =	sor.u32 s1, s0  }
0xbc: {  	s0 =	sadd.s32 $0x8F2B, s0  }
0xbd: {  	[sflag:s0] =	ssyncadd.remote.s32 $0x1  }
0xbe: {  	_ =	sfence.sel $0xFFFF  }
0xbf: {  	[dreg:$0x0] =	wrdreg $0xFFFFFFFF;
	(pc) =	sbr.abs _section_cstart, $3  }
0xc0: {  	[dreg:$0x1] =	wrdreg $0xFFFFFFFF  }
0xc1: {  	_ =	task.clear_ibuf [dreg:s6], $0x2FFFF;
	_ =	strace $0x9FFFFFFF  }
0xc2: {  	(tm) =	ssettm $0x7FFFFFFF  }
0xc3: {  	_ =	shalt  }
tec
execute0_lowered:
.L_overlay_start_1:
0x0: {  	(tag) =	ssettag $0x1  }
0x1: {  	s5 =	rddreg [dreg:$0x0]  }
0x2: {  	s0 =	srdreg.scid;
	s2 =	rddreg [dreg:$0x1]  }
0x3: {  	s3 =	simm.s32 $0x0;
	s12 =	simm.s32 $0x1;
	s13 =	simm.s32 $0x5400  }
0x4: {  	s14 =	simm.s32 $0x80;
	s15 =	simm.s32 $0x1400;
	s4 =	sand.u32 $0x1, s0  }
0x5: {  	s18 =	simm.s32 $0x0;
	s0 =	stileid.u32;
	s7 =	smul.u32 $0x13C000, s4  }
0x6: {  	[smem:$0x7FF] =	sst s3;
	s1 =	sshll.u32 s4, $0x4;
	s8 =	smul.u32 $0x13C00, s0  }
0x7: {  	s9 =	smul.u32 $0x4F000, s0;
	s4 =	ssub.s32 $0x2, s4;
	s16 =	sshll.u32 s0, $0x6  }
0x8: {  	s1 =	sor.u32 s0, s1;
	s31 =	sshrl.u32 s4, $0x1;
	s16 =	sor.u32 $0x1C01, s16  }
0x9: {  	s6 =	smul.u32 $0x280, s1;
	s1 =	rddreg [dreg:$0x2];
	_ =	strace $0x80000047  }
0xa: {  	s7 =	sadd.s32 s8, s7;
	s9 =	sshrl.u32 s9, $0x2;
	s11 =	ssub.s32 s4, s31  }
0xb: {  	s7 =	sshrl.u32 s7, $0x3;
	s4 =	sadd.s32 s9, s2;
	s11 =	smax.u32 s11, $0x1  }
0xc: {  	s6 =	sadd.s32 s6, s5;
	s10 =	sadd.s32 s7, s5;
	s7 =	sadd.s32 $0x8000, s4  }
0xd: {  	s8 =	sadd.s32 $0xC000, s4;
	s9 =	sadd.s32 $0x10000, s4;
	s17 =	sshrl.u32 s4, $0x3  }
0xe: {  	v0 =	vimm.f32 $1.000000000e+00;
	v1 =	vimm.f32 $0.0e+00;
	s5 =	sadd.s32 $0x3000, s6;
	s6 =	sadd.s32 $0x4000, s4;
	s10 =	sadd.s32 $0xD000, s10  }
.LBB2_1:
0xf: {  	[tilespmem:s3], [sflag:$0x1] =	stream.linear.gather [hbm4b:s5+s3], $0x1400, $0x38;
	[tilespmem:$0x1D000] =	vst v63  }
0x10: {  	_ =	swait.ge [sflag:s12], $0x1400  }
0x11: {  	[sflag:s12] =	ssyncset.done $0x0  }
0x12: {  	s19 =	simm.s32 $0x0;
	s20 =	simm.s32 $0x200;
	[sflag:s12] =	ssyncadd.s32 $0xFFFFEC00  }
.LBB2_2:
0x13: {  	p0 =	sne.s32 s20, $0xFE00;
	[tilespmem:s19+$0x1470] =	vst v0  }
0x14: {  	[tilespmem:s19+$0x1400] =	vst v0  }
0x15: {  	[tilespmem:s19+$0x1410] =	vst v0  }
.Ltmp0:
0x16: {  	[tilespmem:s19+$0x1420] =	vst v0;
	(pc) =	sbr.rel @p0 .LBB2_2-.Ltmp0, $4  }
0x17: {  	[tilespmem:s19+$0x1430] =	vst v0  }
0x18: {  	[tilespmem:s19+$0x1440] =	vst v0  }
0x19: {  	[tilespmem:s19+$0x1450] =	vst v0  }
0x1a: {  	[tilespmem:s19+$0x1460] =	vst v0;
	s19 =	sshra.s32 s20, $0x2;
	s20 =	sadd.s32 $0x200, s20  }
0x1b: {  	[tilespmem:s19+$0x1470] =	vst v0  }
0x1c: {  	[tilespmem:s19+$0x1400] =	vst v0  }
0x1d: {  	[tilespmem:s19+$0x1410] =	vst v0  }
0x1e: {  	[tilespmem:s19+$0x1420] =	vst v0  }
0x1f: {  	[tilespmem:s19+$0x1430] =	vst v0  }
0x20: {  	[tilespmem:s19+$0x1440] =	vst v0  }
0x21: {  	[tilespmem:s19+$0x1450] =	vst v0  }
0x22: {  	[tilespmem:s19+$0x1460] =	vst v0;
	s19 =	simm.s32 $0x0;
	s20 =	simm.s32 $0x200  }
.LBB2_4:
0x23: {  	p0 =	sne.s32 s20, $0xFE00;
	[tilespmem:s19+$0x5470] =	vst v1  }
0x24: {  	[tilespmem:s19+$0x5400] =	vst v1  }
0x25: {  	[tilespmem:s19+$0x5410] =	vst v1  }
.Ltmp1:
0x26: {  	[tilespmem:s19+$0x5420] =	vst v1;
	(pc) =	sbr.rel @p0 .LBB2_4-.Ltmp1, $4  }
0x27: {  	[tilespmem:s19+$0x5430] =	vst v1  }
0x28: {  	[tilespmem:s19+$0x5440] =	vst v1  }
0x29: {  	[tilespmem:s19+$0x5450] =	vst v1  }
0x2a: {  	[tilespmem:s19+$0x5460] =	vst v1;
	s19 =	sshra.s32 s20, $0x2;
	s20 =	sadd.s32 $0x200, s20  }
0x2b: {  	[tilespmem:s19+$0x5470] =	vst v1  }
0x2c: {  	[tilespmem:s19+$0x5400] =	vst v1  }
0x2d: {  	[tilespmem:s19+$0x5410] =	vst v1  }
0x2e: {  	[tilespmem:s19+$0x5420] =	vst v1  }
0x2f: {  	[tilespmem:s19+$0x5430] =	vst v1  }
0x30: {  	[tilespmem:s19+$0x5440] =	vst v1  }
0x31: {  	[tilespmem:s19+$0x5450] =	vst v1  }
0x32: {  	[tilespmem:s19+$0x5460] =	vst v1  }
0x33: {  	[spmem:s4] =	stream.linear.scatter [tilespmem:s13], [sflag:$0x1], $0x4000, $0x38;
	[tilespmem:$0x1D000] =	vst v63  }
0x34: {  	_ =	swait.ge [sflag:s12], $0x4000  }
0x35: {  	[sflag:s12] =	ssyncset.done $0x0  }
0x36: {  	[sflag:s12] =	ssyncadd.s32 $0xFFFFC000  }
0x37: {  	[spmem:s6] =	stream.linear.scatter [tilespmem:s13], [sflag:$0x1], $0x4000, $0x38;
	[tilespmem:$0x1D000] =	vst v63  }
0x38: {  	_ =	swait.ge [sflag:s12], $0x4000  }
0x39: {  	[sflag:s12] =	ssyncset.done $0x0  }
0x3a: {  	[sflag:s12] =	ssyncadd.s32 $0xFFFFC000  }
0x3b: {  	[spmem:s7] =	stream.linear.scatter [tilespmem:s13], [sflag:$0x1], $0x4000, $0x38;
	[tilespmem:$0x1D000] =	vst v63  }
0x3c: {  	_ =	swait.ge [sflag:s12], $0x4000  }
0x3d: {  	[sflag:s12] =	ssyncset.done $0x0  }
0x3e: {  	[sflag:s12] =	ssyncadd.s32 $0xFFFFC000  }
0x3f: {  	[spmem:s8] =	stream.linear.scatter [tilespmem:s13], [sflag:$0x1], $0x4000, $0x38;
	[tilespmem:$0x1D000] =	vst v63  }
0x40: {  	_ =	swait.ge [sflag:s12], $0x4000  }
0x41: {  	[sflag:s12] =	ssyncset.done $0x0  }
0x42: {  	[sflag:s12] =	ssyncadd.s32 $0xFFFFC000  }
0x43: {  	[spmem:s9] =	stream.linear.scatter [tilespmem:s13], [sflag:$0x1], $0x3C00, $0x38;
	[tilespmem:$0x1D000] =	vst v63  }
0x44: {  	_ =	swait.ge [sflag:s12], $0x3C00  }
0x45: {  	[sflag:s12] =	ssyncset.done $0x0  }
0x46: {  	[sflag:s12] =	ssyncadd.s32 $0xFFFFC400  }
0x47: {  	s31 =	simm.s32 $0x0;
	[bflag:$0x0] =	sbarrier.arrive $0xFFFF  }
0x48: {  	[spmem:s2] =	stream.indirect.scatter.add.f32 [tilespmem:s15], [sflag:$0x1], $0x80, s31, s14, $0xb8;
	[tilespmem:$0x1D000] =	vst v63  }
0x49: {  	_ =	swait.ge [sflag:s12], $0x4000  }
0x4a: {  	s19 =	simm.s32 $0x200;
	[sflag:s12] =	ssyncset.done $0x0  }
.LBB2_6:
0x4b: {  	s20 =	sshra.s32 s19, $0x2;
	[sflag:s12] =	ssyncadd.s32 $0xFFFFC000;
	p0 =	sne.s32 s19, $0x4E00  }
0x4c: {  	[spmem:s2] =	stream.indirect.scatter.add.f32 [tilespmem:s15], [sflag:$0x1], $0x80, s20, s14, $0xb8;
	[tilespmem:$0x1D000] =	vst v63  }
.Ltmp2:
0x4d: {  	_ = 	snop;
	(pc) =	sbr.rel @p0 .LBB2_6-.Ltmp2, $4  }
0x4e: {  	_ = 	snop  }
0x4f: {  	s19 =	sadd.s32 $0x200, s19  }
0x50: {  	_ =	swait.ge [sflag:s12], $0x4000  }
0x51: {  	[sflag:s12] =	ssyncset.done $0x0  }
0x52: {  	s18 =	sadd.s32 $0x1, s18  }
0x53: {  	[sflag:s12] =	ssyncadd.s32 $0xFFFFC000;
	p0 =	sne.s32 s18, s11  }
.Ltmp3:
0x54: {  	[bflag:$0x0] =	sbarrier.arrive $0xFFFF;
	(pc) =	sbr.rel @p0 .LBB2_1-.Ltmp3, $4  }
0x55: {  	[hbm:s10], [sflag:s16] =	dma.local [spmem:s17], $0x2780  }
0x56: {  	_ =	swait.ge [sflag:s12], $0x2780  }
0x57: {  	[sflag:s12] =	ssyncset.done $0x0  }
0x58: {  	[sflag:s12] =	ssyncadd.s32 $0xFFFFD880  }
0x59: {  	_ =	sfence.sel $0x180000  }
0x5a: {  	[bflag:$0x0] =	sbarrier.arrive $0xFFFF  }
0x5b: {  	p0 =	sne.s32 s0, $0x0;
	_ =	strace $0x90000047  }
0x5c: {  	s0 =	sadd.s32 @!p0 $0x100000, s1;
	[bflag:$0x2] =	sbarrier.arrive $0xFFFF  }
0x5d: {  	[sflag:s0] =	ssyncadd.tile.s32 @!p0 $0x1;
	_ =	shalt  }
.Lfunc_end2:
_tile_overlayer_lowered:
.L_overlay_start_2:
0x5e: {  	(tag) =	ssettag $0x2  }
0x5f: {  	s0 =	rddreg [dreg:$0x0];
	s2 =	stileid.u32  }
0x60: {  	s1 =	rddreg [dreg:$0x1];
	p0 =	sne.s32 s2, $0x0  }
0x61: {  	s3 =	rddreg [dreg:$0x2];
	[bflag:$0x3] =	sbarrier.arrive $0xFFFF;
	s2 =	simm.s32 @!p0 $0x1C01  }
0x62: {  	[timem:s3], [sflag:s2] =	dma.local @!p0 [hbm:s0], s1  }
0x63: {  	s0 =	simm.s32 @!p0 $0x1  }
0x64: {  	_ =	swait.ge @!p0 [sflag:s0], s1  }
0x65: {  	s1 =	ssub.s32 @!p0 $0x0, s1;
	[sflag:s0] =	ssyncset.done @!p0 $0x0  }
0x66: {  	[sflag:s0] =	ssyncadd.s32 @!p0 s1  }
0x67: {  	[bflag:$0x3] =	sbarrier.arrive $0xFFFF  }
0x68: {  	_ =	shalt  }

// kernel: kernel.15.cloned.1.call-start
scs
__scs_entry_jumppad:
0x0: {  	(pc) =	sbr.rel $0x88, $3  }
0x1: {  	(tag) =	ssettag $0x0;
	lr =	simm.s32 $0x1  }
0x2: {  	[smem:$0x3F97] =	sst lr;
	_ =	strace $0xD0000000  }
0x3: {  	_ = 	snop  }
0x4: {  	_ = 	snop  }
0x5: {  	_ = 	snop  }
0x6: {  	_ = 	snop  }
0x7: {  	_ = 	snop  }
__scs_overlays_trampoline_lowered:
0x8: {  	[smem:$0x3FA6] =	sst s0  }
0x9: {  	[smem:$0x3FA7] =	sst s1  }
0xa: {  	[smem:$0x3FA8] =	sst s2  }
0xb: {  	[smem:$0x3FA9] =	sst s3  }
0xc: {  	[smem:$0x3FAA] =	sst s4  }
0xd: {  	[smem:$0x3FAB] =	sst s5  }
0xe: {  	[smem:$0x3FAC] =	sst s6  }
0xf: {  	[smem:$0x3FAD] =	sst s7  }
0x10: {  	[smem:$0x3FAE] =	sst s8  }
0x11: {  	[smem:$0x3FAF] =	sst s9;
	s0 =	simm.s32 @!p0 $0x0  }
0x12: {  	s1 =	sld [smem:$0x3F95];
	s0 =	simm.s32 @p0 $0x1  }
0x13: {  	[smem:$0x3FB0] =	sst s0;
	s0 =	simm.s32 @!p1 $0x0  }
0x14: {  	s2 =	sld [smem:$0x3F94];
	s0 =	simm.s32 @p1 $0x1  }
0x15: {  	[smem:$0x3FB1] =	sst s0;
	s0 =	simm.s32 @!p2 $0x0  }
0x16: {  	s3 =	sld [smem:$0x3FDB];
	s0 =	simm.s32 @p2 $0x1  }
0x17: {  	s4 =	simm.s32 $0x1BF5;
	[smem:$0x3FB3] =	sst s0  }
0x18: {  	s0 =	sld [smem:$0x3F96];
	_ =	swait.ge [sflag:s4], $0x0  }
0x19: {  	s7 =	sld [smem:$0x3F97]  }
0x1a: {  	s8 =	sadd.s32 $0xFFFFE003, lr  }
0x1b: {  	s9 =	sadd.s32 $0xFFFFFEF7, lr;
	s5 =	simm.s32 $0xFFFFFFFF;
	p2 =	slt.u32 s8, $0xFFFFF086  }
0x1c: {  	p1 =	slt.u32 s9, $0xF7A;
	s5 =	simm.s32 @!p2 $0x0  }
0x1d: {  	s5 =	simm.s32 @p1 $0x1;
	p0 =	seq.s32 s7, s2  }
0x1e: {  	s7 =	smul.u32 @!p0 $0xF7A, s2;
	p2 =	seq.s32 @!p0 s5, $0x0  }
0x1f: {  	s9 =	smul.u32 $0xF7A, s1;
	s8 =	simm.s32 @!p0 $0x1BF5;
	p2 =	por !p2, p0  }
0x20: {  	[sflag:s8] =	ssyncset.s32 @!p0 $0xFFFFF086;
	s6 =	sadd.s32 @!p0 s3, s7;
	s7 =	simm.s32 @!p0 $0x108  }
0x21: {  	s3 =	sadd.s32 s3, s9;
	s6 =	sadd.s32 @!p0 $0x88, s6;
	s7 =	simm.s32 @p2 $0x1082  }
0x22: {  	[simem:s7], [sflag:s8] =	dma.local @!p0 [hbm:s6], $0xF7A  }
0x23: {  	s9 =	sor.u32 $0xD0000000, s2;
	s6 =	simm.s32 $0x108;
	_ =	swait.ge @!p0 [sflag:s8], $0x0  }
0x24: {  	s3 =	sadd.s32 $0x88, s3;
	s6 =	simm.s32 @!p1 $0x1082;
	[sflag:s4] =	ssyncset.s32 $0xFFFFF086  }
0x25: {  	[simem:s6], [sflag:s4] =	dma.local [hbm:s3], $0xF7A  }
0x26: {  	[smem:$0x3F97] =	sst s1;
	(tag) =	ssettag s2;
	_ =	strace s9  }
0x27: {  	s1 =	sld [smem:$0x3FA7]  }
0x28: {  	s2 =	sld [smem:$0x3FA8]  }
0x29: {  	s4 =	sld [smem:$0x3FAA]  }
0x2a: {  	p0 =	seq.s32 s5, $0x0;
	s5 =	sld [smem:$0x3FAB]  }
0x2b: {  	s6 =	sld [smem:$0x3FAC]  }
0x2c: {  	s7 =	sld [smem:$0x3FAD]  }
0x2d: {  	s3 =	simm.s32 $0x108;
	s8 =	sld [smem:$0x3FAE]  }
0x2e: {  	s3 =	simm.s32 @!p0 $0x1082;
	s9 =	sld [smem:$0x3FAF]  }
0x2f: {  	lr =	sadd.s32 s0, s3;
	s0 =	sld [smem:$0x3FA6]  }
0x30: {  	s3 =	sld [smem:$0x3FA9]  }
0x31: {  	[smem:$0x3FB2] =	sst s10  }
0x32: {  	s10 =	sld [smem:$0x3FB0];
	_ =	sdelay $0x3  }
0x33: {  	p0 =	seq.s32 s10, $0x1;
	s10 =	sld [smem:$0x3FB2];
	_ =	sdelay $0x3  }
0x34: {  	[smem:$0x3FB2] =	sst s10  }
0x35: {  	s10 =	sld [smem:$0x3FB1];
	_ =	sdelay $0x3  }
0x36: {  	p1 =	seq.s32 s10, $0x1;
	s10 =	sld [smem:$0x3FB2];
	_ =	sdelay $0x3  }
0x37: {  	[smem:$0x3FB2] =	sst s10  }
0x38: {  	s10 =	sld [smem:$0x3FB3]  }
0x39: {  	_ = 	snop;
	(pc) =	sbr.ind lr, $3  }
0x3a: {  	_ = 	snop  }
0x3b: {  	_ = 	snop  }
0x3c: {  	p2 =	seq.s32 s10, $0x1;
	s10 =	sld [smem:$0x3FB2]  }
0x3d: {  	_ =	shalt  }
0x3e: {  	_ =	shalt  }
0x3f: {  	_ =	shalt  }
0x40: {  	_ =	shalt  }
0x41: {  	_ =	shalt  }
0x42: {  	_ =	shalt  }
0x43: {  	_ =	shalt  }
0x44: {  	_ =	shalt  }
0x45: {  	_ =	shalt  }
0x46: {  	_ =	shalt  }
0x47: {  	_ =	shalt  }
0x48: {  	_ =	shalt  }
0x49: {  	_ =	shalt  }
0x4a: {  	_ =	shalt  }
0x4b: {  	_ =	shalt  }
0x4c: {  	_ =	shalt  }
0x4d: {  	_ =	shalt  }
0x4e: {  	_ =	shalt  }
0x4f: {  	_ =	shalt  }
0x50: {  	_ =	shalt  }
0x51: {  	_ =	shalt  }
0x52: {  	_ =	shalt  }
0x53: {  	_ =	shalt  }
0x54: {  	_ =	shalt  }
0x55: {  	_ =	shalt  }
0x56: {  	_ =	shalt  }
0x57: {  	_ =	shalt  }
0x58: {  	_ =	shalt  }
0x59: {  	_ =	shalt  }
0x5a: {  	_ =	shalt  }
0x5b: {  	_ =	shalt  }
0x5c: {  	_ =	shalt  }
0x5d: {  	_ =	shalt  }
0x5e: {  	_ =	shalt  }
0x5f: {  	_ =	shalt  }
0x60: {  	_ =	shalt  }
0x61: {  	_ =	shalt  }
0x62: {  	_ =	shalt  }
0x63: {  	_ =	shalt  }
0x64: {  	_ =	shalt  }
0x65: {  	_ =	shalt  }
0x66: {  	_ =	shalt  }
0x67: {  	_ =	shalt  }
0x68: {  	_ =	shalt  }
0x69: {  	_ =	shalt  }
0x6a: {  	_ =	shalt  }
0x6b: {  	_ =	shalt  }
0x6c: {  	_ =	shalt  }
0x6d: {  	_ =	shalt  }
0x6e: {  	_ =	shalt  }
0x6f: {  	_ =	shalt  }
0x70: {  	_ =	shalt  }
0x71: {  	_ =	shalt  }
0x72: {  	_ =	shalt  }
0x73: {  	_ =	shalt  }
0x74: {  	_ =	shalt  }
0x75: {  	_ =	shalt  }
0x76: {  	_ =	shalt  }
0x77: {  	_ =	shalt  }
0x78: {  	_ =	shalt  }
0x79: {  	_ =	shalt  }
0x7a: {  	_ =	shalt  }
0x7b: {  	_ =	shalt  }
0x7c: {  	_ =	shalt  }
0x7d: {  	_ =	shalt  }
0x7e: {  	_ =	shalt  }
0x7f: {  	_ =	shalt  }
0x80: {  	_ =	shalt  }
0x81: {  	_ =	shalt  }
0x82: {  	_ =	shalt  }
0x83: {  	_ =	shalt  }
0x84: {  	_ =	shalt  }
0x85: {  	_ =	shalt  }
0x86: {  	_ =	shalt  }
0x87: {  	_ =	shalt  }
.Lfunc_end0:
.L_simem_size_0:
called_computation.1_lowered:
.L_overlay_start_0:
0x88: {  	s2 =	sld [smem:$0x3FD9]  }
0x89: {  	s3 =	sld [smem:$0x3FFE];
	_ =	sdelay $0x1  }
0x8a: {  	s1 =	srdreg.scid  }
0x8b: {  	s0 =	sand.u32 $0x1, s1  }
0x8c: {  	s16 =	sshll.u32 s0, $0xA;
	s2 =	sadd.s32 s3, s2  }
0x8d: {  	s2 =	sadd.s32 s2, s16  }
0x8e: {  	[smem:$0x3FBE] =	sst s2  }
0x8f: {  	_ = 	snop  }
0x90: {  	(tm) =	ssettm $0x1  }
0x91: {  	s17 =	sld [smem:$0x3FFB];
	_ =	sdelay $0x3  }
0x92: {  	_ =	strace s17  }
0x93: {  	s2 =	sld [smem:$0x3FFC];
	_ =	sdelay $0x3  }
0x94: {  	_ =	strace s2  }
0x95: {  	s2 =	sld [smem:$0x3FFD];
	_ =	sdelay $0x3  }
0x96: {  	_ =	strace s2  }
0x97: {  	_ =	strace $0x8FFFFFFF  }
0x98: {  	s18 =	sld [smem:$0x3FDB];
	_ =	sdelay $0x1  }
0x99: {  	s19 =	simm.s32 $_scs_section_size  }
0x9a: {  	s4 =	simm.s32 $_size__tile_overlayer_lowered;
	s5 =	simm.s32 $_tile_overlayer_lowered  }
0x9b: {  	s22 =	simm.s32 $0x1BFF;
	s21 =	sshll.u32 s5, $0x1;
	s2 =	sadd.s32 s19, s18  }
0x9c: {  	s6 =	simm.s32 $0x0;
	s20 =	sshll.u32 s4, $0x1;
	s4 =	sadd.s32 s21, s2  }
0x9d: {  	[timem:s6], [sflag:s22] =	dma.local [hbm:s4], s20  }
0x9e: {  	_ =	swait.ge [sflag:s22], s20  }
0x9f: {  	s3 =	ssub.s32 $0x0, s20;
	[sflag:s22] =	ssyncset.done $0x0  }
0xa0: {  	[sflag:s22] =	ssyncadd.s32 s3;
	_ =	sdelay $0x1  }
0xa1: {  	s23 =	simm.s32 $0x1B8B  }
0xa2: {  	_ =	swait.ge [sflag:s23], $0x1  }
0xa3: {  	[sflag:s23] =	ssyncset.done $0x0  }
0xa4: {  	s25 =	simm.s32 $0x1B8E;
	s24 =	sld [smem:$0x3FFE];
	[sflag:s23] =	ssyncadd.s32 $0xFFFFFFFF  }
0xa5: {  	s26 =	simm.s32 $execute0_lowered;
	[smem:$0x3FD2] =	sst s25  }
0xa6: {  	s4 =	sshll.u32 s26, $0x1;
	_ =	strace $0x80000049;
	[dreg:$0x1] =	wrdreg $0xFFFFFFFF  }
0xa7: {  	s28 =	simm.s32 $_size_execute0_lowered;
	s2 =	sadd.s32 s2, s4;
	[dreg:$0x0] =	wrdreg $0x0  }
0xa8: {  	s4 =	sshll.u32 s28, $0x1;
	[dreg:$0x2] =	wrdreg s2  }
0xa9: {  	[dreg:$0x3] =	wrdreg s4  }
0xaa: {  	[dreg:$0x4] =	wrdreg $0xC0  }
0xab: {  	_ =	task [dreg:s6], $0x5FFFF  }
0xac: {  	[dreg:$0x1] =	wrdreg $0xFFFFFFFF  }
0xad: {  	[dreg:$0x0] =	wrdreg $0x60  }
0xae: {  	[dreg:$0x2] =	wrdreg s24  }
0xaf: {  	[dreg:$0x3] =	wrdreg $0xB8000  }
0xb0: {  	[dreg:$0x4] =	wrdreg $0x9  }
0xb1: {  	_ =	task.clear_ibuf [dreg:s6], $0x5FFFF;
	_ =	strace $0x90000049  }
0xb2: {  	s29 =	simm.s32 $0x9;
	_ =	strace $0x8000004B  }
0xb3: {  	_ =	swait.ge [sflag:s29], $0x1  }
0xb4: {  	[sflag:s29] =	ssyncadd.s32 $0xFFFFFFFF  }
0xb5: {  	_ =	strace $0x9000004B  }
0xb6: {  	_ =	sfence  }
0xb7: {  	s30 =	sld [smem:$0x0];
	_ =	sdelay $0x2  }
0xb8: {  	s31 =	sshll.u32 s1, $0xD;
	s1 =	sshrl.u32 s1, $0x2  }
0xb9: {  	s3 =	sand.u32 $0x4000, s31;
	s1 =	sadd.s32 s1, s30  }
0xba: {  	s0 =	sor.u32 s3, s0;
	s1 =	sshll.u32 s1, $0x11  }
0xbb: {  	s0 =	sor.u32 s1, s0  }
0xbc: {  	s0 =	sadd.s32 $0x8F2B, s0  }
0xbd: {  	[sflag:s0] =	ssyncadd.remote.s32 $0x1  }
0xbe: {  	_ =	sfence.sel $0xFFFF  }
0xbf: {  	[dreg:$0x0] =	wrdreg $0xFFFFFFFF;
	(pc) =	sbr.abs _section_cstart, $3  }
0xc0: {  	[dreg:$0x1] =	wrdreg $0xFFFFFFFF  }
0xc1: {  	_ =	task.clear_ibuf [dreg:s6], $0x2FFFF;
	_ =	strace $0x9FFFFFFF  }
0xc2: {  	(tm) =	ssettm $0x7FFFFFFF  }
0xc3: {  	_ =	shalt  }
tec
execute0_lowered:
.L_overlay_start_1:
0x0: {  	(tag) =	ssettag $0x1  }
0x1: {  	s0 =	rddreg [dreg:$0x0]  }
0x2: {  	s1 =	rddreg [dreg:$0x1];
	s2 =	srdreg.scid  }
0x3: {  	s4 =	simm.s32 $0x0;
	s7 =	stileid.u32;
	s30 =	simm.s32 $0x3  }
0x4: {  	s31 =	simm.s32 $0x2800;
	s8 =	simm.s32 $0x0;
	s6 =	smul.u32 $0x13C00, s7  }
0x5: {  	s2 =	sand.u32 $0x1, s2;
	[smem:$0x7FF] =	sst s4;
	s17 =	smul.u32 $0x4F000, s7  }
0x6: {  	s4 =	sadd.s32 $0xD000, s0;
	s3 =	sshll.u32 s2, $0x4;
	s5 =	smul.u32 $0x13C000, s2  }
0x7: {  	_ =	strace $0x8000004A;
	s2 =	ssub.s32 $0x2, s2;
	s3 =	sor.u32 s7, s3  }
0x8: {  	s18 =	sshrl.u32 s2, $0x1;
	s19 =	sshrl.u32 s17, $0x2;
	s3 =	smul.u32 $0x280, s3  }
0x9: {  	s5 =	sadd.s32 s6, s5;
	s2 =	ssub.s32 s2, s18;
	s7 =	sadd.s32 s19, s1  }
0xa: {  	s6 =	simm.s32 $0x2;
	s5 =	sshrl.u32 s5, $0x3;
	s21 =	sadd.s32 $0x1000, s7  }
0xb: {  	s22 =	sadd.s32 $0x2000, s7;
	s23 =	sadd.s32 $0x3000, s7;
	s24 =	sadd.s32 $0x4000, s7  }
0xc: {  	s25 =	sadd.s32 $0x5000, s7;
	s26 =	sadd.s32 $0x6000, s7;
	[dreg:$0x5] =	wrdreg s21  }
0xd: {  	s14 =	sadd.s32 $0x7000, s7;
	s15 =	sadd.s32 $0x8000, s7;
	[dreg:$0x6] =	wrdreg s22  }
0xe: {  	s16 =	sadd.s32 $0x9000, s7;
	s17 =	sadd.s32 $0xA000, s7;
	[dreg:$0x7] =	wrdreg s23  }
0xf: {  	s18 =	sadd.s32 $0xB000, s7;
	s19 =	sadd.s32 $0xC000, s7;
	[dreg:$0x8] =	wrdreg s24  }
0x10: {  	s28 =	sadd.s32 $0x12000, s7;
	s29 =	sadd.s32 $0x13000, s7;
	[dreg:$0x9] =	wrdreg s25  }
0x11: {  	s3 =	sadd.s32 s3, s0;
	s0 =	sadd.s32 s5, s0;
	[dreg:$0xa] =	wrdreg s26  }
0x12: {  	s21 =	sadd.s32 $0xE000, s7;
	s22 =	sadd.s32 $0xF000, s7;
	s23 =	sadd.s32 $0x10000, s7  }
0x13: {  	s25 =	smax.u32 s2, $0x1;
	s26 =	sadd.s32 $0x11000, s7;
	s2 =	simm.s32 $0x80  }
0x14: {  	s5 =	simm.s32 $0x1;
	s20 =	sadd.s32 $0x8000, s3;
	s3 =	sadd.s32 $0x3000, s3  }
0x15: {  	s24 =	sadd.s32 $0x34200, s0;
	s0 =	simm.s32 $0xA800;
	[dreg:$0x3] =	wrdreg s20  }
0x16: {  	v0 =	vimm.f32 $0.0e+00;
	[dreg:$0x4] =	wrdreg s3;
	s20 =	sadd.s32 $0xD000, s7;
	s3 =	simm.s32 $0x6800  }
.LBB2_1:
0x17: {  	s9 =	simm.s32 $0x0;
	s10 =	rddreg [dreg:$0x3]  }
0x18: {  	[tilespmem:s9], [sflag:$0x3] =	stream.linear.gather [hbm4b:s10+s9], $0x1400, $0x38;
	[tilespmem:$0x1F400] =	vst v63  }
0x19: {  	_ =	swait.ge [sflag:s30], $0x1400  }
0x1a: {  	[sflag:s30] =	ssyncset.done $0x0  }
0x1b: {  	s11 =	simm.s32 $0x1400;
	s13 =	rddreg [dreg:$0x4];
	[sflag:s30] =	ssyncadd.s32 $0xFFFFEC00  }
0x1c: {  	[tilespmem:s11], [sflag:$0x3] =	stream.linear.gather [hbm4b:s13+s9], $0x1400, $0x38;
	[tilespmem:$0x1F400] =	vst v63  }
0x1d: {  	_ =	swait.ge [sflag:s30], $0x1400  }
0x1e: {  	[sflag:s30] =	ssyncset.done $0x0  }
0x1f: {  	s10 =	simm.s32 $0x200;
	s9 =	simm.s32 $0x0;
	[sflag:s30] =	ssyncadd.s32 $0xFFFFEC00  }
.LBB2_2:
0x20: {  	p0 =	sne.s32 s10, $0x3E00;
	[tilespmem:s9+$0xA870] =	vst v0  }
0x21: {  	[tilespmem:s9+$0xA800] =	vst v0  }
0x22: {  	[tilespmem:s9+$0xA810] =	vst v0  }
.Ltmp0:
0x23: {  	[tilespmem:s9+$0xA820] =	vst v0;
	(pc) =	sbr.rel @p0 .LBB2_2-.Ltmp0, $4  }
0x24: {  	[tilespmem:s9+$0xA830] =	vst v0  }
0x25: {  	[tilespmem:s9+$0xA840] =	vst v0  }
0x26: {  	[tilespmem:s9+$0xA850] =	vst v0  }
0x27: {  	[tilespmem:s9+$0xA860] =	vst v0;
	s9 =	sshra.s32 s10, $0x2;
	s10 =	sadd.s32 $0x200, s10  }
0x28: {  	[tilespmem:s9+$0xA870] =	vst v0  }
0x29: {  	[tilespmem:s9+$0xA800] =	vst v0  }
0x2a: {  	[tilespmem:s9+$0xA810] =	vst v0  }
0x2b: {  	[tilespmem:s9+$0xA820] =	vst v0  }
0x2c: {  	[tilespmem:s9+$0xA830] =	vst v0  }
0x2d: {  	[tilespmem:s9+$0xA840] =	vst v0  }
0x2e: {  	[tilespmem:s9+$0xA850] =	vst v0  }
0x2f: {  	[tilespmem:s9+$0xA860] =	vst v0  }
0x30: {  	[spmem:s7] =	stream.linear.scatter [tilespmem:s0], [sflag:$0x3], $0x1000, $0x38;
	[tilespmem:$0x1F400] =	vst v63  }
0x31: {  	_ =	swait.ge [sflag:s30], $0x1000  }
0x32: {  	[sflag:s30] =	ssyncset.done $0x0  }
0x33: {  	s11 =	rddreg [dreg:$0x5];
	[sflag:s30] =	ssyncadd.s32 $0xFFFFF000  }
0x34: {  	[spmem:s11] =	stream.linear.scatter [tilespmem:s0], [sflag:$0x3], $0x1000, $0x38;
	[tilespmem:$0x1F400] =	vst v63  }
0x35: {  	_ =	swait.ge [sflag:s30], $0x1000  }
0x36: {  	[sflag:s30] =	ssyncset.done $0x0  }
0x37: {  	s12 =	rddreg [dreg:$0x6];
	[sflag:s30] =	ssyncadd.s32 $0xFFFFF000  }
0x38: {  	[spmem:s12] =	stream.linear.scatter [tilespmem:s0], [sflag:$0x3], $0x1000, $0x38;
	[tilespmem:$0x1F400] =	vst v63  }
0x39: {  	_ =	swait.ge [sflag:s30], $0x1000  }
0x3a: {  	[sflag:s30] =	ssyncset.done $0x0  }
0x3b: {  	s13 =	rddreg [dreg:$0x7];
	[sflag:s30] =	ssyncadd.s32 $0xFFFFF000  }
0x3c: {  	[spmem:s13] =	stream.linear.scatter [tilespmem:s0], [sflag:$0x3], $0x1000, $0x38;
	[tilespmem:$0x1F400] =	vst v63  }
0x3d: {  	_ =	swait.ge [sflag:s30], $0x1000  }
0x3e: {  	[sflag:s30] =	ssyncset.done $0x0  }
0x3f: {  	s10 =	rddreg [dreg:$0x8];
	[sflag:s30] =	ssyncadd.s32 $0xFFFFF000  }
0x40: {  	[spmem:s10] =	stream.linear.scatter [tilespmem:s0], [sflag:$0x3], $0x1000, $0x38;
	[tilespmem:$0x1F400] =	vst v63  }
0x41: {  	_ =	swait.ge [sflag:s30], $0x1000  }
0x42: {  	[sflag:s30] =	ssyncset.done $0x0  }
0x43: {  	s11 =	rddreg [dreg:$0x9];
	[sflag:s30] =	ssyncadd.s32 $0xFFFFF000  }
0x44: {  	[spmem:s11] =	stream.linear.scatter [tilespmem:s0], [sflag:$0x3], $0x1000, $0x38;
	[tilespmem:$0x1F400] =	vst v63  }
0x45: {  	_ =	swait.ge [sflag:s30], $0x1000  }
0x46: {  	[sflag:s30] =	ssyncset.done $0x0  }
0x47: {  	s12 =	rddreg [dreg:$0xa];
	[sflag:s30] =	ssyncadd.s32 $0xFFFFF000  }
0x48: {  	[spmem:s12] =	stream.linear.scatter [tilespmem:s0], [sflag:$0x3], $0x1000, $0x38;
	[tilespmem:$0x1F400] =	vst v63  }
0x49: {  	_ =	swait.ge [sflag:s30], $0x1000  }
0x4a: {  	[sflag:s30] =	ssyncset.done $0x0  }
0x4b: {  	[sflag:s30] =	ssyncadd.s32 $0xFFFFF000  }
0x4c: {  	[spmem:s14] =	stream.linear.scatter [tilespmem:s0], [sflag:$0x3], $0x1000, $0x38;
	[tilespmem:$0x1F400] =	vst v63  }
0x4d: {  	_ =	swait.ge [sflag:s30], $0x1000  }
0x4e: {  	[sflag:s30] =	ssyncset.done $0x0  }
0x4f: {  	[sflag:s30] =	ssyncadd.s32 $0xFFFFF000  }
0x50: {  	[spmem:s15] =	stream.linear.scatter [tilespmem:s0], [sflag:$0x3], $0x1000, $0x38;
	[tilespmem:$0x1F400] =	vst v63  }
0x51: {  	_ =	swait.ge [sflag:s30], $0x1000  }
0x52: {  	[sflag:s30] =	ssyncset.done $0x0  }
0x53: {  	[sflag:s30] =	ssyncadd.s32 $0xFFFFF000  }
0x54: {  	[spmem:s16] =	stream.linear.scatter [tilespmem:s0], [sflag:$0x3], $0x1000, $0x38;
	[tilespmem:$0x1F400] =	vst v63  }
0x55: {  	_ =	swait.ge [sflag:s30], $0x1000  }
0x56: {  	[sflag:s30] =	ssyncset.done $0x0  }
0x57: {  	[sflag:s30] =	ssyncadd.s32 $0xFFFFF000  }
0x58: {  	[spmem:s17] =	stream.linear.scatter [tilespmem:s0], [sflag:$0x3], $0x1000, $0x38;
	[tilespmem:$0x1F400] =	vst v63  }
0x59: {  	_ =	swait.ge [sflag:s30], $0x1000  }
0x5a: {  	[sflag:s30] =	ssyncset.done $0x0  }
0x5b: {  	[sflag:s30] =	ssyncadd.s32 $0xFFFFF000  }
0x5c: {  	[spmem:s18] =	stream.linear.scatter [tilespmem:s0], [sflag:$0x3], $0x1000, $0x38;
	[tilespmem:$0x1F400] =	vst v63  }
0x5d: {  	_ =	swait.ge [sflag:s30], $0x1000  }
0x5e: {  	[sflag:s30] =	ssyncset.done $0x0  }
0x5f: {  	[sflag:s30] =	ssyncadd.s32 $0xFFFFF000  }
0x60: {  	[spmem:s19] =	stream.linear.scatter [tilespmem:s0], [sflag:$0x3], $0x1000, $0x38;
	[tilespmem:$0x1F400] =	vst v63  }
0x61: {  	_ =	swait.ge [sflag:s30], $0x1000  }
0x62: {  	[sflag:s30] =	ssyncset.done $0x0  }
0x63: {  	[sflag:s30] =	ssyncadd.s32 $0xFFFFF000  }
0x64: {  	[spmem:s20] =	stream.linear.scatter [tilespmem:s0], [sflag:$0x3], $0x1000, $0x38;
	[tilespmem:$0x1F400] =	vst v63  }
0x65: {  	_ =	swait.ge [sflag:s30], $0x1000  }
0x66: {  	[sflag:s30] =	ssyncset.done $0x0  }
0x67: {  	[sflag:s30] =	ssyncadd.s32 $0xFFFFF000  }
0x68: {  	[spmem:s21] =	stream.linear.scatter [tilespmem:s0], [sflag:$0x3], $0x1000, $0x38;
	[tilespmem:$0x1F400] =	vst v63  }
0x69: {  	_ =	swait.ge [sflag:s30], $0x1000  }
0x6a: {  	[sflag:s30] =	ssyncset.done $0x0  }
0x6b: {  	[sflag:s30] =	ssyncadd.s32 $0xFFFFF000  }
0x6c: {  	[spmem:s22] =	stream.linear.scatter [tilespmem:s0], [sflag:$0x3], $0x1000, $0x38;
	[tilespmem:$0x1F400] =	vst v63  }
0x6d: {  	_ =	swait.ge [sflag:s30], $0x1000  }
0x6e: {  	[sflag:s30] =	ssyncset.done $0x0  }
0x6f: {  	[sflag:s30] =	ssyncadd.s32 $0xFFFFF000  }
0x70: {  	[spmem:s23] =	stream.linear.scatter [tilespmem:s0], [sflag:$0x3], $0x1000, $0x38;
	[tilespmem:$0x1F400] =	vst v63  }
0x71: {  	_ =	swait.ge [sflag:s30], $0x1000  }
0x72: {  	[sflag:s30] =	ssyncset.done $0x0  }
0x73: {  	[sflag:s30] =	ssyncadd.s32 $0xFFFFF000  }
0x74: {  	[spmem:s26] =	stream.linear.scatter [tilespmem:s0], [sflag:$0x3], $0x1000, $0x38;
	[tilespmem:$0x1F400] =	vst v63  }
0x75: {  	_ =	swait.ge [sflag:s30], $0x1000  }
0x76: {  	[sflag:s30] =	ssyncset.done $0x0  }
0x77: {  	[sflag:s30] =	ssyncadd.s32 $0xFFFFF000  }
0x78: {  	[spmem:s28] =	stream.linear.scatter [tilespmem:s0], [sflag:$0x3], $0x1000, $0x38;
	[tilespmem:$0x1F400] =	vst v63  }
0x79: {  	_ =	swait.ge [sflag:s30], $0x1000  }
0x7a: {  	[sflag:s30] =	ssyncset.done $0x0  }
0x7b: {  	[sflag:s30] =	ssyncadd.s32 $0xFFFFF000  }
0x7c: {  	[spmem:s29] =	stream.linear.scatter [tilespmem:s0], [sflag:$0x3], $0xC00, $0x38;
	[tilespmem:$0x1F400] =	vst v63  }
0x7d: {  	_ =	swait.ge [sflag:s30], $0xC00  }
0x7e: {  	[sflag:s30] =	ssyncset.done $0x0  }
0x7f: {  	[sflag:s30] =	ssyncadd.s32 $0xFFFFF400  }
0x80: {  	s13 =	simm.s32 $0x0;
	[bflag:$0x0] =	sbarrier.arrive $0xFFFF  }
0x81: {  	[tilespmem:s31], [sflag:$0x1] =	stream.indirect.gather [hbm4b:s4+s2], $0x80, s13, s2, $0xb8;
	[tilespmem:$0x1F400] =	vst v63  }
0x82: {  	s10 =	simm.s32 $0x80  }
0x83: {  	[tilespmem:s3], [sflag:$0x2] =	stream.indirect.gather [hbm4b:s4+s2], $0x80, s10, s2, $0xb8;
	[tilespmem:$0x1F400] =	vst v63  }
0x84: {  	_ =	swait.ge [sflag:s5], $0x4000  }
0x85: {  	[sflag:s5] =	ssyncset.done $0x0  }
0x86: {  	s11 =	simm.s32 $0x1400;
	[sflag:s5] =	ssyncadd.s32 $0xFFFFC000  }
0x87: {  	[spmem:s1] =	stream.indirect.scatter.add.f32 [tilespmem:s31], [sflag:$0x3], $0x80, s11, s2, $0xb8;
	[tilespmem:$0x1F400] =	vst v63  }
0x88: {  	_ =	swait.ge [sflag:s30], $0x4000  }
0x89: {  	[sflag:s30] =	ssyncset.done $0x0  }
0x8a: {  	s12 =	simm.s32 $0x100;
	[sflag:s30] =	ssyncadd.s32 $0xFFFFC000  }
0x8b: {  	[tilespmem:s31], [sflag:$0x1] =	stream.indirect.gather [hbm4b:s4+s2], $0x80, s12, s2, $0xb8;
	[tilespmem:$0x1F400] =	vst v63  }
0x8c: {  	_ =	swait.ge [sflag:s6], $0x4000  }
0x8d: {  	[sflag:s6] =	ssyncset.done $0x0  }
0x8e: {  	s13 =	simm.s32 $0x1480;
	[sflag:s6] =	ssyncadd.s32 $0xFFFFC000  }
0x8f: {  	[spmem:s1] =	stream.indirect.scatter.add.f32 [tilespmem:s3], [sflag:$0x3], $0x80, s13, s2, $0xb8;
	[tilespmem:$0x1F400] =	vst v63  }
0x90: {  	_ =	swait.ge [sflag:s30], $0x4000  }
0x91: {  	s9 =	simm.s32 $0x100;
	s10 =	simm.s32 $0x800;
	[sflag:s30] =	ssyncset.done $0x0  }
.LBB2_4:
0x92: {  	s11 =	sadd.s32 $0x80, s9  }
0x93: {  	[sflag:s30] =	ssyncadd.s32 $0xFFFFC000;
	s12 =	smov.u32 s10;
	s13 =	sadd.s32 $0x400, s10  }
0x94: {  	[tilespmem:s3], [sflag:$0x2] =	stream.indirect.gather [hbm4b:s4+s2], $0x80, s11, s2, $0xb8;
	[tilespmem:$0x1F400] =	vst v63  }
0x95: {  	p0 =	sne.s32 s10, $0x4800;
	_ =	swait.ge [sflag:s5], $0x4000  }
0x96: {  	[sflag:s5] =	ssyncset.done $0x0  }
0x97: {  	s10 =	sadd.s32 $0x1400, s9;
	[sflag:s5] =	ssyncadd.s32 $0xFFFFC000  }
0x98: {  	[spmem:s1] =	stream.indirect.scatter.add.f32 [tilespmem:s31], [sflag:$0x3], $0x80, s10, s2, $0xb8;
	[tilespmem:$0x1F400] =	vst v63  }
0x99: {  	_ =	swait.ge [sflag:s30], $0x4000  }
0x9a: {  	[sflag:s30] =	ssyncset.done $0x0  }
0x9b: {  	s10 =	sadd.s32 $0x100, s9;
	[sflag:s30] =	ssyncadd.s32 $0xFFFFC000  }
0x9c: {  	[tilespmem:s31], [sflag:$0x1] =	stream.indirect.gather [hbm4b:s4+s2], $0x80, s10, s2, $0xb8;
	[tilespmem:$0x1F400] =	vst v63  }
0x9d: {  	_ =	swait.ge [sflag:s6], $0x4000  }
.Ltmp1:
0x9e: {  	[sflag:s6] =	ssyncset.done $0x0;
	(pc) =	sbr.rel @p0 .LBB2_4-.Ltmp1, $4  }
0x9f: {  	s9 =	sadd.s32 $0x1480, s9;
	[sflag:s6] =	ssyncadd.s32 $0xFFFFC000  }
0xa0: {  	[spmem:s1] =	stream.indirect.scatter.add.f32 [tilespmem:s3], [sflag:$0x3], $0x80, s9, s2, $0xb8;
	[tilespmem:$0x1F400] =	vst v63  }
0xa1: {  	_ =	swait.ge [sflag:s30], $0x4000  }
0xa2: {  	s10 =	smov.u32 s13;
	s9 =	sshra.s32 s12, $0x2;
	[sflag:s30] =	ssyncset.done $0x0  }
0xa3: {  	s10 =	sadd.s32 $0x80, s9;
	[sflag:s30] =	ssyncadd.s32 $0xFFFFC000  }
0xa4: {  	[tilespmem:s3], [sflag:$0x2] =	stream.indirect.gather [hbm4b:s4+s2], $0x80, s10, s2, $0xb8;
	[tilespmem:$0x1F400] =	vst v63  }
0xa5: {  	_ =	swait.ge [sflag:s5], $0x4000  }
0xa6: {  	[sflag:s5] =	ssyncset.done $0x0  }
0xa7: {  	s13 =	sadd.s32 $0x1400, s9;
	[sflag:s5] =	ssyncadd.s32 $0xFFFFC000  }
0xa8: {  	[spmem:s1] =	stream.indirect.scatter.add.f32 [tilespmem:s31], [sflag:$0x3], $0x80, s13, s2, $0xb8;
	[tilespmem:$0x1F400] =	vst v63  }
0xa9: {  	_ =	swait.ge [sflag:s30], $0x4000  }
0xaa: {  	[sflag:s30] =	ssyncset.done $0x0  }
0xab: {  	s11 =	sadd.s32 $0x100, s9;
	[sflag:s30] =	ssyncadd.s32 $0xFFFFC000  }
0xac: {  	[tilespmem:s31], [sflag:$0x1] =	stream.indirect.gather [hbm4b:s4+s2], $0x80, s11, s2, $0xb8;
	[tilespmem:$0x1F400] =	vst v63  }
0xad: {  	_ =	swait.ge [sflag:s6], $0x4000  }
0xae: {  	[sflag:s6] =	ssyncset.done $0x0  }
0xaf: {  	s12 =	sadd.s32 $0x1480, s9;
	[sflag:s6] =	ssyncadd.s32 $0xFFFFC000  }
0xb0: {  	[spmem:s1] =	stream.indirect.scatter.add.f32 [tilespmem:s3], [sflag:$0x3], $0x80, s12, s2, $0xb8;
	[tilespmem:$0x1F400] =	vst v63  }
0xb1: {  	_ =	swait.ge [sflag:s30], $0x4000  }
0xb2: {  	[sflag:s30] =	ssyncset.done $0x0  }
0xb3: {  	s13 =	simm.s32 $0x1380;
	[sflag:s30] =	ssyncadd.s32 $0xFFFFC000  }
0xb4: {  	[tilespmem:s3], [sflag:$0x2] =	stream.indirect.gather [hbm4b:s4+s2], $0x80, s13, s2, $0xb8;
	[tilespmem:$0x1F400] =	vst v63  }
0xb5: {  	_ =	swait.ge [sflag:s5], $0x4000  }
0xb6: {  	[sflag:s5] =	ssyncset.done $0x0  }
0xb7: {  	s10 =	simm.s32 $0x2700;
	[sflag:s5] =	ssyncadd.s32 $0xFFFFC000  }
0xb8: {  	[spmem:s1] =	stream.indirect.scatter.add.f32 [tilespmem:s31], [sflag:$0x3], $0x80, s10, s2, $0xb8;
	[tilespmem:$0x1F400] =	vst v63  }
0xb9: {  	_ =	swait.ge [sflag:s30], $0x4000  }
0xba: {  	[sflag:s30] =	ssyncset.done $0x0  }
0xbb: {  	[sflag:s30] =	ssyncadd.s32 $0xFFFFC000  }
0xbc: {  	_ =	swait.ge [sflag:s6], $0x4000  }
0xbd: {  	[sflag:s6] =	ssyncset.done $0x0  }
0xbe: {  	s11 =	simm.s32 $0x2780;
	[sflag:s6] =	ssyncadd.s32 $0xFFFFC000  }
0xbf: {  	[spmem:s1] =	stream.indirect.scatter.add.f32 [tilespmem:s3], [sflag:$0x3], $0x80, s11, s2, $0xb8;
	[tilespmem:$0x1F400] =	vst v63  }
0xc0: {  	s12 =	stileid.u32;
	_ =	swait.ge [sflag:s30], $0x4000  }
0xc1: {  	s8 =	sadd.s32 $0x1, s8;
	s9 =	sshll.u32 s12, $0x6;
	[sflag:s30] =	ssyncset.done $0x0  }
0xc2: {  	p0 =	sne.s32 s8, s25;
	s9 =	sor.u32 $0x1C03, s9;
	[sflag:s30] =	ssyncadd.s32 $0xFFFFC000  }
.Ltmp2:
0xc3: {  	s13 =	sshrl.u32 s7, $0x3;
	[bflag:$0x0] =	sbarrier.arrive $0xFFFF;
	(pc) =	sbr.rel @p0 .LBB2_1-.Ltmp2, $4  }
0xc4: {  	[hbm:s24], [sflag:s9] =	dma.local [spmem:s13], $0x2780  }
0xc5: {  	_ =	swait.ge [sflag:s30], $0x2780  }
0xc6: {  	[sflag:s30] =	ssyncset.done $0x0  }
0xc7: {  	[sflag:s30] =	ssyncadd.s32 $0xFFFFD880  }
0xc8: {  	_ =	sfence.sel $0x180000  }
0xc9: {  	[bflag:$0x0] =	sbarrier.arrive $0xFFFF  }
0xca: {  	_ =	strace $0x9000004A  }
0xcb: {  	s0 =	stileid.u32;
	[bflag:$0x2] =	sbarrier.arrive $0xFFFF  }
0xcc: {  	p0 =	sne.s32 s0, $0x0;
	s0 =	rddreg [dreg:$0x2]  }
0xcd: {  	s0 =	sadd.s32 @!p0 $0x100000, s0  }
0xce: {  	[sflag:s0] =	ssyncadd.tile.s32 @!p0 $0x1;
	_ =	shalt  }
.Lfunc_end2:
_tile_overlayer_lowered:
.L_overlay_start_2:
0xcf: {  	(tag) =	ssettag $0x2  }
0xd0: {  	s0 =	rddreg [dreg:$0x0];
	s2 =	stileid.u32  }
0xd1: {  	s1 =	rddreg [dreg:$0x1];
	p0 =	sne.s32 s2, $0x0  }
0xd2: {  	s3 =	rddreg [dreg:$0x2];
	[bflag:$0x3] =	sbarrier.arrive $0xFFFF;
	s2 =	simm.s32 @!p0 $0x1C03  }
0xd3: {  	[timem:s3], [sflag:s2] =	dma.local @!p0 [hbm:s0], s1  }
0xd4: {  	s0 =	simm.s32 @!p0 $0x3  }
0xd5: {  	_ =	swait.ge @!p0 [sflag:s0], s1  }
0xd6: {  	s1 =	ssub.s32 @!p0 $0x0, s1;
	[sflag:s0] =	ssyncset.done @!p0 $0x0  }
0xd7: {  	[sflag:s0] =	ssyncadd.s32 @!p0 s1  }
0xd8: {  	[bflag:$0x3] =	sbarrier.arrive $0xFFFF  }
0xd9: {  	_ =	shalt  }

// kernel: kernel.18.cloned.1.call-start
scs
__scs_entry_jumppad:
0x0: {  	(pc) =	sbr.rel $0x88, $3  }
0x1: {  	(tag) =	ssettag $0x0;
	lr =	simm.s32 $0x1  }
0x2: {  	[smem:$0x3F97] =	sst lr;
	_ =	strace $0xD0000000  }
0x3: {  	_ = 	snop  }
0x4: {  	_ = 	snop  }
0x5: {  	_ = 	snop  }
0x6: {  	_ = 	snop  }
0x7: {  	_ = 	snop  }
__scs_overlays_trampoline_lowered:
0x8: {  	[smem:$0x3FA6] =	sst s0  }
0x9: {  	[smem:$0x3FA7] =	sst s1  }
0xa: {  	[smem:$0x3FA8] =	sst s2  }
0xb: {  	[smem:$0x3FA9] =	sst s3  }
0xc: {  	[smem:$0x3FAA] =	sst s4  }
0xd: {  	[smem:$0x3FAB] =	sst s5  }
0xe: {  	[smem:$0x3FAC] =	sst s6  }
0xf: {  	[smem:$0x3FAD] =	sst s7  }
0x10: {  	[smem:$0x3FAE] =	sst s8  }
0x11: {  	[smem:$0x3FAF] =	sst s9;
	s0 =	simm.s32 @!p0 $0x0  }
0x12: {  	s1 =	sld [smem:$0x3F95];
	s0 =	simm.s32 @p0 $0x1  }
0x13: {  	[smem:$0x3FB0] =	sst s0;
	s0 =	simm.s32 @!p1 $0x0  }
0x14: {  	s2 =	sld [smem:$0x3F94];
	s0 =	simm.s32 @p1 $0x1  }
0x15: {  	[smem:$0x3FB1] =	sst s0;
	s0 =	simm.s32 @!p2 $0x0  }
0x16: {  	s3 =	sld [smem:$0x3FDB];
	s0 =	simm.s32 @p2 $0x1  }
0x17: {  	s4 =	simm.s32 $0x1BF5;
	[smem:$0x3FB3] =	sst s0  }
0x18: {  	s0 =	sld [smem:$0x3F96];
	_ =	swait.ge [sflag:s4], $0x0  }
0x19: {  	s7 =	sld [smem:$0x3F97]  }
0x1a: {  	s8 =	sadd.s32 $0xFFFFE003, lr  }
0x1b: {  	s9 =	sadd.s32 $0xFFFFFEF7, lr;
	s5 =	simm.s32 $0xFFFFFFFF;
	p2 =	slt.u32 s8, $0xFFFFF086  }
0x1c: {  	p1 =	slt.u32 s9, $0xF7A;
	s5 =	simm.s32 @!p2 $0x0  }
0x1d: {  	s5 =	simm.s32 @p1 $0x1;
	p0 =	seq.s32 s7, s2  }
0x1e: {  	s7 =	smul.u32 @!p0 $0xF7A, s2;
	p2 =	seq.s32 @!p0 s5, $0x0  }
0x1f: {  	s9 =	smul.u32 $0xF7A, s1;
	s8 =	simm.s32 @!p0 $0x1BF5;
	p2 =	por !p2, p0  }
0x20: {  	[sflag:s8] =	ssyncset.s32 @!p0 $0xFFFFF086;
	s6 =	sadd.s32 @!p0 s3, s7;
	s7 =	simm.s32 @!p0 $0x108  }
0x21: {  	s3 =	sadd.s32 s3, s9;
	s6 =	sadd.s32 @!p0 $0x88, s6;
	s7 =	simm.s32 @p2 $0x1082  }
0x22: {  	[simem:s7], [sflag:s8] =	dma.local @!p0 [hbm:s6], $0xF7A  }
0x23: {  	s9 =	sor.u32 $0xD0000000, s2;
	s6 =	simm.s32 $0x108;
	_ =	swait.ge @!p0 [sflag:s8], $0x0  }
0x24: {  	s3 =	sadd.s32 $0x88, s3;
	s6 =	simm.s32 @!p1 $0x1082;
	[sflag:s4] =	ssyncset.s32 $0xFFFFF086  }
0x25: {  	[simem:s6], [sflag:s4] =	dma.local [hbm:s3], $0xF7A  }
0x26: {  	[smem:$0x3F97] =	sst s1;
	(tag) =	ssettag s2;
	_ =	strace s9  }
0x27: {  	s1 =	sld [smem:$0x3FA7]  }
0x28: {  	s2 =	sld [smem:$0x3FA8]  }
0x29: {  	s4 =	sld [smem:$0x3FAA]  }
0x2a: {  	p0 =	seq.s32 s5, $0x0;
	s5 =	sld [smem:$0x3FAB]  }
0x2b: {  	s6 =	sld [smem:$0x3FAC]  }
0x2c: {  	s7 =	sld [smem:$0x3FAD]  }
0x2d: {  	s3 =	simm.s32 $0x108;
	s8 =	sld [smem:$0x3FAE]  }
0x2e: {  	s3 =	simm.s32 @!p0 $0x1082;
	s9 =	sld [smem:$0x3FAF]  }
0x2f: {  	lr =	sadd.s32 s0, s3;
	s0 =	sld [smem:$0x3FA6]  }
0x30: {  	s3 =	sld [smem:$0x3FA9]  }
0x31: {  	[smem:$0x3FB2] =	sst s10  }
0x32: {  	s10 =	sld [smem:$0x3FB0];
	_ =	sdelay $0x3  }
0x33: {  	p0 =	seq.s32 s10, $0x1;
	s10 =	sld [smem:$0x3FB2];
	_ =	sdelay $0x3  }
0x34: {  	[smem:$0x3FB2] =	sst s10  }
0x35: {  	s10 =	sld [smem:$0x3FB1];
	_ =	sdelay $0x3  }
0x36: {  	p1 =	seq.s32 s10, $0x1;
	s10 =	sld [smem:$0x3FB2];
	_ =	sdelay $0x3  }
0x37: {  	[smem:$0x3FB2] =	sst s10  }
0x38: {  	s10 =	sld [smem:$0x3FB3]  }
0x39: {  	_ = 	snop;
	(pc) =	sbr.ind lr, $3  }
0x3a: {  	_ = 	snop  }
0x3b: {  	_ = 	snop  }
0x3c: {  	p2 =	seq.s32 s10, $0x1;
	s10 =	sld [smem:$0x3FB2]  }
0x3d: {  	_ =	shalt  }
0x3e: {  	_ =	shalt  }
0x3f: {  	_ =	shalt  }
0x40: {  	_ =	shalt  }
0x41: {  	_ =	shalt  }
0x42: {  	_ =	shalt  }
0x43: {  	_ =	shalt  }
0x44: {  	_ =	shalt  }
0x45: {  	_ =	shalt  }
0x46: {  	_ =	shalt  }
0x47: {  	_ =	shalt  }
0x48: {  	_ =	shalt  }
0x49: {  	_ =	shalt  }
0x4a: {  	_ =	shalt  }
0x4b: {  	_ =	shalt  }
0x4c: {  	_ =	shalt  }
0x4d: {  	_ =	shalt  }
0x4e: {  	_ =	shalt  }
0x4f: {  	_ =	shalt  }
0x50: {  	_ =	shalt  }
0x51: {  	_ =	shalt  }
0x52: {  	_ =	shalt  }
0x53: {  	_ =	shalt  }
0x54: {  	_ =	shalt  }
0x55: {  	_ =	shalt  }
0x56: {  	_ =	shalt  }
0x57: {  	_ =	shalt  }
0x58: {  	_ =	shalt  }
0x59: {  	_ =	shalt  }
0x5a: {  	_ =	shalt  }
0x5b: {  	_ =	shalt  }
0x5c: {  	_ =	shalt  }
0x5d: {  	_ =	shalt  }
0x5e: {  	_ =	shalt  }
0x5f: {  	_ =	shalt  }
0x60: {  	_ =	shalt  }
0x61: {  	_ =	shalt  }
0x62: {  	_ =	shalt  }
0x63: {  	_ =	shalt  }
0x64: {  	_ =	shalt  }
0x65: {  	_ =	shalt  }
0x66: {  	_ =	shalt  }
0x67: {  	_ =	shalt  }
0x68: {  	_ =	shalt  }
0x69: {  	_ =	shalt  }
0x6a: {  	_ =	shalt  }
0x6b: {  	_ =	shalt  }
0x6c: {  	_ =	shalt  }
0x6d: {  	_ =	shalt  }
0x6e: {  	_ =	shalt  }
0x6f: {  	_ =	shalt  }
0x70: {  	_ =	shalt  }
0x71: {  	_ =	shalt  }
0x72: {  	_ =	shalt  }
0x73: {  	_ =	shalt  }
0x74: {  	_ =	shalt  }
0x75: {  	_ =	shalt  }
0x76: {  	_ =	shalt  }
0x77: {  	_ =	shalt  }
0x78: {  	_ =	shalt  }
0x79: {  	_ =	shalt  }
0x7a: {  	_ =	shalt  }
0x7b: {  	_ =	shalt  }
0x7c: {  	_ =	shalt  }
0x7d: {  	_ =	shalt  }
0x7e: {  	_ =	shalt  }
0x7f: {  	_ =	shalt  }
0x80: {  	_ =	shalt  }
0x81: {  	_ =	shalt  }
0x82: {  	_ =	shalt  }
0x83: {  	_ =	shalt  }
0x84: {  	_ =	shalt  }
0x85: {  	_ =	shalt  }
0x86: {  	_ =	shalt  }
0x87: {  	_ =	shalt  }
.Lfunc_end0:
.L_simem_size_0:
called_computation.2_lowered:
.L_overlay_start_0:
0x88: {  	s2 =	sld [smem:$0x3FD9]  }
0x89: {  	s3 =	sld [smem:$0x3FFE];
	_ =	sdelay $0x1  }
0x8a: {  	s1 =	srdreg.scid  }
0x8b: {  	s0 =	sand.u32 $0x1, s1  }
0x8c: {  	s16 =	sshll.u32 s0, $0xA;
	s2 =	sadd.s32 s3, s2  }
0x8d: {  	s2 =	sadd.s32 s2, s16  }
0x8e: {  	[smem:$0x3FBE] =	sst s2  }
0x8f: {  	_ = 	snop  }
0x90: {  	(tm) =	ssettm $0x1  }
0x91: {  	s17 =	sld [smem:$0x3FFB];
	_ =	sdelay $0x3  }
0x92: {  	_ =	strace s17  }
0x93: {  	s2 =	sld [smem:$0x3FFC];
	_ =	sdelay $0x3  }
0x94: {  	_ =	strace s2  }
0x95: {  	s2 =	sld [smem:$0x3FFD];
	_ =	sdelay $0x3  }
0x96: {  	_ =	strace s2  }
0x97: {  	_ =	strace $0x8FFFFFFF  }
0x98: {  	s18 =	sld [smem:$0x3FDB];
	_ =	sdelay $0x1  }
0x99: {  	s19 =	simm.s32 $_scs_section_size  }
0x9a: {  	s4 =	simm.s32 $_size__tile_overlayer_lowered;
	s5 =	simm.s32 $_tile_overlayer_lowered  }
0x9b: {  	s22 =	simm.s32 $0x1BFF;
	s21 =	sshll.u32 s5, $0x1;
	s2 =	sadd.s32 s19, s18  }
0x9c: {  	s6 =	simm.s32 $0x0;
	s20 =	sshll.u32 s4, $0x1;
	s4 =	sadd.s32 s21, s2  }
0x9d: {  	[timem:s6], [sflag:s22] =	dma.local [hbm:s4], s20  }
0x9e: {  	_ =	swait.ge [sflag:s22], s20  }
0x9f: {  	s3 =	ssub.s32 $0x0, s20;
	[sflag:s22] =	ssyncset.done $0x0  }
0xa0: {  	[sflag:s22] =	ssyncadd.s32 s3;
	_ =	sdelay $0x1  }
0xa1: {  	s23 =	simm.s32 $0x1B8B  }
0xa2: {  	_ =	swait.ge [sflag:s23], $0x1  }
0xa3: {  	[sflag:s23] =	ssyncset.done $0x0  }
0xa4: {  	s25 =	simm.s32 $0x1B8E;
	s24 =	sld [smem:$0x3FFE];
	[sflag:s23] =	ssyncadd.s32 $0xFFFFFFFF  }
0xa5: {  	s26 =	simm.s32 $execute0_lowered;
	[smem:$0x3FD2] =	sst s25  }
0xa6: {  	s4 =	sshll.u32 s26, $0x1;
	_ =	strace $0x8000004C;
	[dreg:$0x1] =	wrdreg $0xFFFFFFFF  }
0xa7: {  	s28 =	simm.s32 $_size_execute0_lowered;
	s2 =	sadd.s32 s2, s4;
	[dreg:$0x0] =	wrdreg $0x0  }
0xa8: {  	s4 =	sshll.u32 s28, $0x1;
	[dreg:$0x2] =	wrdreg s2  }
0xa9: {  	[dreg:$0x3] =	wrdreg s4  }
0xaa: {  	[dreg:$0x4] =	wrdreg $0xC0  }
0xab: {  	_ =	task [dreg:s6], $0x5FFFF  }
0xac: {  	[dreg:$0x1] =	wrdreg $0xFFFFFFFF  }
0xad: {  	[dreg:$0x0] =	wrdreg $0x60  }
0xae: {  	[dreg:$0x2] =	wrdreg s24  }
0xaf: {  	[dreg:$0x3] =	wrdreg $0xB8000  }
0xb0: {  	[dreg:$0x4] =	wrdreg $0x9  }
0xb1: {  	_ =	task.clear_ibuf [dreg:s6], $0x5FFFF;
	_ =	strace $0x9000004C  }
0xb2: {  	s29 =	simm.s32 $0x9;
	_ =	strace $0x8000004E  }
0xb3: {  	_ =	swait.ge [sflag:s29], $0x1  }
0xb4: {  	[sflag:s29] =	ssyncadd.s32 $0xFFFFFFFF  }
0xb5: {  	_ =	strace $0x9000004E  }
0xb6: {  	_ =	sfence  }
0xb7: {  	s30 =	sld [smem:$0x0];
	_ =	sdelay $0x2  }
0xb8: {  	s31 =	sshll.u32 s1, $0xD;
	s1 =	sshrl.u32 s1, $0x2  }
0xb9: {  	s3 =	sand.u32 $0x4000, s31;
	s1 =	sadd.s32 s1, s30  }
0xba: {  	s0 =	sor.u32 s3, s0;
	s1 =	sshll.u32 s1, $0x11  }
0xbb: {  	s0 =	sor.u32 s1, s0  }
0xbc: {  	s0 =	sadd.s32 $0x8F2B, s0  }
0xbd: {  	[sflag:s0] =	ssyncadd.remote.s32 $0x1  }
0xbe: {  	_ =	sfence.sel $0xFFFF  }
0xbf: {  	[dreg:$0x0] =	wrdreg $0xFFFFFFFF;
	(pc) =	sbr.abs _section_cstart, $3  }
0xc0: {  	[dreg:$0x1] =	wrdreg $0xFFFFFFFF  }
0xc1: {  	_ =	task.clear_ibuf [dreg:s6], $0x2FFFF;
	_ =	strace $0x9FFFFFFF  }
0xc2: {  	(tm) =	ssettm $0x7FFFFFFF  }
0xc3: {  	_ =	shalt  }
tec
execute0_lowered:
.L_overlay_start_1:
0x0: {  	(tag) =	ssettag $0x1  }
0x1: {  	s0 =	rddreg [dreg:$0x0]  }
0x2: {  	s1 =	rddreg [dreg:$0x1];
	s2 =	srdreg.scid  }
0x3: {  	s4 =	simm.s32 $0x0;
	s7 =	stileid.u32;
	s30 =	simm.s32 $0x3  }
0x4: {  	s31 =	simm.s32 $0x2800;
	s8 =	simm.s32 $0x0;
	s6 =	smul.u32 $0x13C00, s7  }
0x5: {  	s2 =	sand.u32 $0x1, s2;
	[smem:$0x7FF] =	sst s4;
	s17 =	smul.u32 $0x4F000, s7  }
0x6: {  	s4 =	sadd.s32 $0xD000, s0;
	s3 =	sshll.u32 s2, $0x4;
	s5 =	smul.u32 $0x13C000, s2  }
0x7: {  	_ =	strace $0x8000004D;
	s2 =	ssub.s32 $0x2, s2;
	s3 =	sor.u32 s7, s3  }
0x8: {  	s18 =	sshrl.u32 s2, $0x1;
	s19 =	sshrl.u32 s17, $0x2;
	s3 =	smul.u32 $0x280, s3  }
0x9: {  	s5 =	sadd.s32 s6, s5;
	s2 =	ssub.s32 s2, s18;
	s7 =	sadd.s32 s19, s1  }
0xa: {  	s6 =	simm.s32 $0x2;
	s5 =	sshrl.u32 s5, $0x3;
	s21 =	sadd.s32 $0x1000, s7  }
0xb: {  	s22 =	sadd.s32 $0x2000, s7;
	s23 =	sadd.s32 $0x3000, s7;
	s24 =	sadd.s32 $0x4000, s7  }
0xc: {  	s25 =	sadd.s32 $0x5000, s7;
	s26 =	sadd.s32 $0x6000, s7;
	[dreg:$0x5] =	wrdreg s21  }
0xd: {  	s14 =	sadd.s32 $0x7000, s7;
	s15 =	sadd.s32 $0x8000, s7;
	[dreg:$0x6] =	wrdreg s22  }
0xe: {  	s16 =	sadd.s32 $0x9000, s7;
	s17 =	sadd.s32 $0xA000, s7;
	[dreg:$0x7] =	wrdreg s23  }
0xf: {  	s18 =	sadd.s32 $0xB000, s7;
	s19 =	sadd.s32 $0xC000, s7;
	[dreg:$0x8] =	wrdreg s24  }
0x10: {  	s28 =	sadd.s32 $0x12000, s7;
	s29 =	sadd.s32 $0x13000, s7;
	[dreg:$0x9] =	wrdreg s25  }
0x11: {  	s3 =	sadd.s32 s3, s0;
	s0 =	sadd.s32 s5, s0;
	[dreg:$0xa] =	wrdreg s26  }
0x12: {  	s21 =	sadd.s32 $0xE000, s7;
	s22 =	sadd.s32 $0xF000, s7;
	s23 =	sadd.s32 $0x10000, s7  }
0x13: {  	s25 =	smax.u32 s2, $0x1;
	s26 =	sadd.s32 $0x11000, s7;
	s2 =	simm.s32 $0x80  }
0x14: {  	s5 =	simm.s32 $0x1;
	s20 =	sadd.s32 $0x8000, s3;
	s3 =	sadd.s32 $0x3000, s3  }
0x15: {  	s24 =	sadd.s32 $0x34200, s0;
	s0 =	simm.s32 $0xA800;
	[dreg:$0x3] =	wrdreg s20  }
0x16: {  	v0 =	vimm.f32 $0.0e+00;
	[dreg:$0x4] =	wrdreg s3;
	s20 =	sadd.s32 $0xD000, s7;
	s3 =	simm.s32 $0x6800  }
.LBB2_1:
0x17: {  	s9 =	simm.s32 $0x0;
	s10 =	rddreg [dreg:$0x3]  }
0x18: {  	[tilespmem:s9], [sflag:$0x3] =	stream.linear.gather [hbm4b:s10+s9], $0x1400, $0x38;
	[tilespmem:$0x1F400] =	vst v63  }
0x19: {  	_ =	swait.ge [sflag:s30], $0x1400  }
0x1a: {  	[sflag:s30] =	ssyncset.done $0x0  }
0x1b: {  	s11 =	simm.s32 $0x1400;
	s13 =	rddreg [dreg:$0x4];
	[sflag:s30] =	ssyncadd.s32 $0xFFFFEC00  }
0x1c: {  	[tilespmem:s11], [sflag:$0x3] =	stream.linear.gather [hbm4b:s13+s9], $0x1400, $0x38;
	[tilespmem:$0x1F400] =	vst v63  }
0x1d: {  	_ =	swait.ge [sflag:s30], $0x1400  }
0x1e: {  	[sflag:s30] =	ssyncset.done $0x0  }
0x1f: {  	s10 =	simm.s32 $0x200;
	s9 =	simm.s32 $0x0;
	[sflag:s30] =	ssyncadd.s32 $0xFFFFEC00  }
.LBB2_2:
0x20: {  	p0 =	sne.s32 s10, $0x3E00;
	[tilespmem:s9+$0xA870] =	vst v0  }
0x21: {  	[tilespmem:s9+$0xA800] =	vst v0  }
0x22: {  	[tilespmem:s9+$0xA810] =	vst v0  }
.Ltmp0:
0x23: {  	[tilespmem:s9+$0xA820] =	vst v0;
	(pc) =	sbr.rel @p0 .LBB2_2-.Ltmp0, $4  }
0x24: {  	[tilespmem:s9+$0xA830] =	vst v0  }
0x25: {  	[tilespmem:s9+$0xA840] =	vst v0  }
0x26: {  	[tilespmem:s9+$0xA850] =	vst v0  }
0x27: {  	[tilespmem:s9+$0xA860] =	vst v0;
	s9 =	sshra.s32 s10, $0x2;
	s10 =	sadd.s32 $0x200, s10  }
0x28: {  	[tilespmem:s9+$0xA870] =	vst v0  }
0x29: {  	[tilespmem:s9+$0xA800] =	vst v0  }
0x2a: {  	[tilespmem:s9+$0xA810] =	vst v0  }
0x2b: {  	[tilespmem:s9+$0xA820] =	vst v0  }
0x2c: {  	[tilespmem:s9+$0xA830] =	vst v0  }
0x2d: {  	[tilespmem:s9+$0xA840] =	vst v0  }
0x2e: {  	[tilespmem:s9+$0xA850] =	vst v0  }
0x2f: {  	[tilespmem:s9+$0xA860] =	vst v0  }
0x30: {  	[spmem:s7] =	stream.linear.scatter [tilespmem:s0], [sflag:$0x3], $0x1000, $0x38;
	[tilespmem:$0x1F400] =	vst v63  }
0x31: {  	_ =	swait.ge [sflag:s30], $0x1000  }
0x32: {  	[sflag:s30] =	ssyncset.done $0x0  }
0x33: {  	s11 =	rddreg [dreg:$0x5];
	[sflag:s30] =	ssyncadd.s32 $0xFFFFF000  }
0x34: {  	[spmem:s11] =	stream.linear.scatter [tilespmem:s0], [sflag:$0x3], $0x1000, $0x38;
	[tilespmem:$0x1F400] =	vst v63  }
0x35: {  	_ =	swait.ge [sflag:s30], $0x1000  }
0x36: {  	[sflag:s30] =	ssyncset.done $0x0  }
0x37: {  	s12 =	rddreg [dreg:$0x6];
	[sflag:s30] =	ssyncadd.s32 $0xFFFFF000  }
0x38: {  	[spmem:s12] =	stream.linear.scatter [tilespmem:s0], [sflag:$0x3], $0x1000, $0x38;
	[tilespmem:$0x1F400] =	vst v63  }
0x39: {  	_ =	swait.ge [sflag:s30], $0x1000  }
0x3a: {  	[sflag:s30] =	ssyncset.done $0x0  }
0x3b: {  	s13 =	rddreg [dreg:$0x7];
	[sflag:s30] =	ssyncadd.s32 $0xFFFFF000  }
0x3c: {  	[spmem:s13] =	stream.linear.scatter [tilespmem:s0], [sflag:$0x3], $0x1000, $0x38;
	[tilespmem:$0x1F400] =	vst v63  }
0x3d: {  	_ =	swait.ge [sflag:s30], $0x1000  }
0x3e: {  	[sflag:s30] =	ssyncset.done $0x0  }
0x3f: {  	s10 =	rddreg [dreg:$0x8];
	[sflag:s30] =	ssyncadd.s32 $0xFFFFF000  }
0x40: {  	[spmem:s10] =	stream.linear.scatter [tilespmem:s0], [sflag:$0x3], $0x1000, $0x38;
	[tilespmem:$0x1F400] =	vst v63  }
0x41: {  	_ =	swait.ge [sflag:s30], $0x1000  }
0x42: {  	[sflag:s30] =	ssyncset.done $0x0  }
0x43: {  	s11 =	rddreg [dreg:$0x9];
	[sflag:s30] =	ssyncadd.s32 $0xFFFFF000  }
0x44: {  	[spmem:s11] =	stream.linear.scatter [tilespmem:s0], [sflag:$0x3], $0x1000, $0x38;
	[tilespmem:$0x1F400] =	vst v63  }
0x45: {  	_ =	swait.ge [sflag:s30], $0x1000  }
0x46: {  	[sflag:s30] =	ssyncset.done $0x0  }
0x47: {  	s12 =	rddreg [dreg:$0xa];
	[sflag:s30] =	ssyncadd.s32 $0xFFFFF000  }
0x48: {  	[spmem:s12] =	stream.linear.scatter [tilespmem:s0], [sflag:$0x3], $0x1000, $0x38;
	[tilespmem:$0x1F400] =	vst v63  }
0x49: {  	_ =	swait.ge [sflag:s30], $0x1000  }
0x4a: {  	[sflag:s30] =	ssyncset.done $0x0  }
0x4b: {  	[sflag:s30] =	ssyncadd.s32 $0xFFFFF000  }
0x4c: {  	[spmem:s14] =	stream.linear.scatter [tilespmem:s0], [sflag:$0x3], $0x1000, $0x38;
	[tilespmem:$0x1F400] =	vst v63  }
0x4d: {  	_ =	swait.ge [sflag:s30], $0x1000  }
0x4e: {  	[sflag:s30] =	ssyncset.done $0x0  }
0x4f: {  	[sflag:s30] =	ssyncadd.s32 $0xFFFFF000  }
0x50: {  	[spmem:s15] =	stream.linear.scatter [tilespmem:s0], [sflag:$0x3], $0x1000, $0x38;
	[tilespmem:$0x1F400] =	vst v63  }
0x51: {  	_ =	swait.ge [sflag:s30], $0x1000  }
0x52: {  	[sflag:s30] =	ssyncset.done $0x0  }
0x53: {  	[sflag:s30] =	ssyncadd.s32 $0xFFFFF000  }
0x54: {  	[spmem:s16] =	stream.linear.scatter [tilespmem:s0], [sflag:$0x3], $0x1000, $0x38;
	[tilespmem:$0x1F400] =	vst v63  }
0x55: {  	_ =	swait.ge [sflag:s30], $0x1000  }
0x56: {  	[sflag:s30] =	ssyncset.done $0x0  }
0x57: {  	[sflag:s30] =	ssyncadd.s32 $0xFFFFF000  }
0x58: {  	[spmem:s17] =	stream.linear.scatter [tilespmem:s0], [sflag:$0x3], $0x1000, $0x38;
	[tilespmem:$0x1F400] =	vst v63  }
0x59: {  	_ =	swait.ge [sflag:s30], $0x1000  }
0x5a: {  	[sflag:s30] =	ssyncset.done $0x0  }
0x5b: {  	[sflag:s30] =	ssyncadd.s32 $0xFFFFF000  }
0x5c: {  	[spmem:s18] =	stream.linear.scatter [tilespmem:s0], [sflag:$0x3], $0x1000, $0x38;
	[tilespmem:$0x1F400] =	vst v63  }
0x5d: {  	_ =	swait.ge [sflag:s30], $0x1000  }
0x5e: {  	[sflag:s30] =	ssyncset.done $0x0  }
0x5f: {  	[sflag:s30] =	ssyncadd.s32 $0xFFFFF000  }
0x60: {  	[spmem:s19] =	stream.linear.scatter [tilespmem:s0], [sflag:$0x3], $0x1000, $0x38;
	[tilespmem:$0x1F400] =	vst v63  }
0x61: {  	_ =	swait.ge [sflag:s30], $0x1000  }
0x62: {  	[sflag:s30] =	ssyncset.done $0x0  }
0x63: {  	[sflag:s30] =	ssyncadd.s32 $0xFFFFF000  }
0x64: {  	[spmem:s20] =	stream.linear.scatter [tilespmem:s0], [sflag:$0x3], $0x1000, $0x38;
	[tilespmem:$0x1F400] =	vst v63  }
0x65: {  	_ =	swait.ge [sflag:s30], $0x1000  }
0x66: {  	[sflag:s30] =	ssyncset.done $0x0  }
0x67: {  	[sflag:s30] =	ssyncadd.s32 $0xFFFFF000  }
0x68: {  	[spmem:s21] =	stream.linear.scatter [tilespmem:s0], [sflag:$0x3], $0x1000, $0x38;
	[tilespmem:$0x1F400] =	vst v63  }
0x69: {  	_ =	swait.ge [sflag:s30], $0x1000  }
0x6a: {  	[sflag:s30] =	ssyncset.done $0x0  }
0x6b: {  	[sflag:s30] =	ssyncadd.s32 $0xFFFFF000  }
0x6c: {  	[spmem:s22] =	stream.linear.scatter [tilespmem:s0], [sflag:$0x3], $0x1000, $0x38;
	[tilespmem:$0x1F400] =	vst v63  }
0x6d: {  	_ =	swait.ge [sflag:s30], $0x1000  }
0x6e: {  	[sflag:s30] =	ssyncset.done $0x0  }
0x6f: {  	[sflag:s30] =	ssyncadd.s32 $0xFFFFF000  }
0x70: {  	[spmem:s23] =	stream.linear.scatter [tilespmem:s0], [sflag:$0x3], $0x1000, $0x38;
	[tilespmem:$0x1F400] =	vst v63  }
0x71: {  	_ =	swait.ge [sflag:s30], $0x1000  }
0x72: {  	[sflag:s30] =	ssyncset.done $0x0  }
0x73: {  	[sflag:s30] =	ssyncadd.s32 $0xFFFFF000  }
0x74: {  	[spmem:s26] =	stream.linear.scatter [tilespmem:s0], [sflag:$0x3], $0x1000, $0x38;
	[tilespmem:$0x1F400] =	vst v63  }
0x75: {  	_ =	swait.ge [sflag:s30], $0x1000  }
0x76: {  	[sflag:s30] =	ssyncset.done $0x0  }
0x77: {  	[sflag:s30] =	ssyncadd.s32 $0xFFFFF000  }
0x78: {  	[spmem:s28] =	stream.linear.scatter [tilespmem:s0], [sflag:$0x3], $0x1000, $0x38;
	[tilespmem:$0x1F400] =	vst v63  }
0x79: {  	_ =	swait.ge [sflag:s30], $0x1000  }
0x7a: {  	[sflag:s30] =	ssyncset.done $0x0  }
0x7b: {  	[sflag:s30] =	ssyncadd.s32 $0xFFFFF000  }
0x7c: {  	[spmem:s29] =	stream.linear.scatter [tilespmem:s0], [sflag:$0x3], $0xC00, $0x38;
	[tilespmem:$0x1F400] =	vst v63  }
0x7d: {  	_ =	swait.ge [sflag:s30], $0xC00  }
0x7e: {  	[sflag:s30] =	ssyncset.done $0x0  }
0x7f: {  	[sflag:s30] =	ssyncadd.s32 $0xFFFFF400  }
0x80: {  	s13 =	simm.s32 $0x0;
	[bflag:$0x0] =	sbarrier.arrive $0xFFFF  }
0x81: {  	[tilespmem:s31], [sflag:$0x1] =	stream.indirect.gather [hbm4b:s4+s2], $0x80, s13, s2, $0xb8;
	[tilespmem:$0x1F400] =	vst v63  }
0x82: {  	s10 =	simm.s32 $0x80  }
0x83: {  	[tilespmem:s3], [sflag:$0x2] =	stream.indirect.gather [hbm4b:s4+s2], $0x80, s10, s2, $0xb8;
	[tilespmem:$0x1F400] =	vst v63  }
0x84: {  	_ =	swait.ge [sflag:s5], $0x4000  }
0x85: {  	[sflag:s5] =	ssyncset.done $0x0  }
0x86: {  	s11 =	simm.s32 $0x1400;
	[sflag:s5] =	ssyncadd.s32 $0xFFFFC000  }
0x87: {  	[spmem:s1] =	stream.indirect.scatter.add.f32 [tilespmem:s31], [sflag:$0x3], $0x80, s11, s2, $0xb8;
	[tilespmem:$0x1F400] =	vst v63  }
0x88: {  	_ =	swait.ge [sflag:s30], $0x4000  }
0x89: {  	[sflag:s30] =	ssyncset.done $0x0  }
0x8a: {  	s12 =	simm.s32 $0x100;
	[sflag:s30] =	ssyncadd.s32 $0xFFFFC000  }
0x8b: {  	[tilespmem:s31], [sflag:$0x1] =	stream.indirect.gather [hbm4b:s4+s2], $0x80, s12, s2, $0xb8;
	[tilespmem:$0x1F400] =	vst v63  }
0x8c: {  	_ =	swait.ge [sflag:s6], $0x4000  }
0x8d: {  	[sflag:s6] =	ssyncset.done $0x0  }
0x8e: {  	s13 =	simm.s32 $0x1480;
	[sflag:s6] =	ssyncadd.s32 $0xFFFFC000  }
0x8f: {  	[spmem:s1] =	stream.indirect.scatter.add.f32 [tilespmem:s3], [sflag:$0x3], $0x80, s13, s2, $0xb8;
	[tilespmem:$0x1F400] =	vst v63  }
0x90: {  	_ =	swait.ge [sflag:s30], $0x4000  }
0x91: {  	s9 =	simm.s32 $0x100;
	s10 =	simm.s32 $0x800;
	[sflag:s30] =	ssyncset.done $0x0  }
.LBB2_4:
0x92: {  	s11 =	sadd.s32 $0x80, s9  }
0x93: {  	[sflag:s30] =	ssyncadd.s32 $0xFFFFC000;
	s12 =	smov.u32 s10;
	s13 =	sadd.s32 $0x400, s10  }
0x94: {  	[tilespmem:s3], [sflag:$0x2] =	stream.indirect.gather [hbm4b:s4+s2], $0x80, s11, s2, $0xb8;
	[tilespmem:$0x1F400] =	vst v63  }
0x95: {  	p0 =	sne.s32 s10, $0x4800;
	_ =	swait.ge [sflag:s5], $0x4000  }
0x96: {  	[sflag:s5] =	ssyncset.done $0x0  }
0x97: {  	s10 =	sadd.s32 $0x1400, s9;
	[sflag:s5] =	ssyncadd.s32 $0xFFFFC000  }
0x98: {  	[spmem:s1] =	stream.indirect.scatter.add.f32 [tilespmem:s31], [sflag:$0x3], $0x80, s10, s2, $0xb8;
	[tilespmem:$0x1F400] =	vst v63  }
0x99: {  	_ =	swait.ge [sflag:s30], $0x4000  }
0x9a: {  	[sflag:s30] =	ssyncset.done $0x0  }
0x9b: {  	s10 =	sadd.s32 $0x100, s9;
	[sflag:s30] =	ssyncadd.s32 $0xFFFFC000  }
0x9c: {  	[tilespmem:s31], [sflag:$0x1] =	stream.indirect.gather [hbm4b:s4+s2], $0x80, s10, s2, $0xb8;
	[tilespmem:$0x1F400] =	vst v63  }
0x9d: {  	_ =	swait.ge [sflag:s6], $0x4000  }
.Ltmp1:
0x9e: {  	[sflag:s6] =	ssyncset.done $0x0;
	(pc) =	sbr.rel @p0 .LBB2_4-.Ltmp1, $4  }
0x9f: {  	s9 =	sadd.s32 $0x1480, s9;
	[sflag:s6] =	ssyncadd.s32 $0xFFFFC000  }
0xa0: {  	[spmem:s1] =	stream.indirect.scatter.add.f32 [tilespmem:s3], [sflag:$0x3], $0x80, s9, s2, $0xb8;
	[tilespmem:$0x1F400] =	vst v63  }
0xa1: {  	_ =	swait.ge [sflag:s30], $0x4000  }
0xa2: {  	s10 =	smov.u32 s13;
	s9 =	sshra.s32 s12, $0x2;
	[sflag:s30] =	ssyncset.done $0x0  }
0xa3: {  	s10 =	sadd.s32 $0x80, s9;
	[sflag:s30] =	ssyncadd.s32 $0xFFFFC000  }
0xa4: {  	[tilespmem:s3], [sflag:$0x2] =	stream.indirect.gather [hbm4b:s4+s2], $0x80, s10, s2, $0xb8;
	[tilespmem:$0x1F400] =	vst v63  }
0xa5: {  	_ =	swait.ge [sflag:s5], $0x4000  }
0xa6: {  	[sflag:s5] =	ssyncset.done $0x0  }
0xa7: {  	s13 =	sadd.s32 $0x1400, s9;
	[sflag:s5] =	ssyncadd.s32 $0xFFFFC000  }
0xa8: {  	[spmem:s1] =	stream.indirect.scatter.add.f32 [tilespmem:s31], [sflag:$0x3], $0x80, s13, s2, $0xb8;
	[tilespmem:$0x1F400] =	vst v63  }
0xa9: {  	_ =	swait.ge [sflag:s30], $0x4000  }
0xaa: {  	[sflag:s30] =	ssyncset.done $0x0  }
0xab: {  	s11 =	sadd.s32 $0x100, s9;
	[sflag:s30] =	ssyncadd.s32 $0xFFFFC000  }
0xac: {  	[tilespmem:s31], [sflag:$0x1] =	stream.indirect.gather [hbm4b:s4+s2], $0x80, s11, s2, $0xb8;
	[tilespmem:$0x1F400] =	vst v63  }
0xad: {  	_ =	swait.ge [sflag:s6], $0x4000  }
0xae: {  	[sflag:s6] =	ssyncset.done $0x0  }
0xaf: {  	s12 =	sadd.s32 $0x1480, s9;
	[sflag:s6] =	ssyncadd.s32 $0xFFFFC000  }
0xb0: {  	[spmem:s1] =	stream.indirect.scatter.add.f32 [tilespmem:s3], [sflag:$0x3], $0x80, s12, s2, $0xb8;
	[tilespmem:$0x1F400] =	vst v63  }
0xb1: {  	_ =	swait.ge [sflag:s30], $0x4000  }
0xb2: {  	[sflag:s30] =	ssyncset.done $0x0  }
0xb3: {  	s13 =	simm.s32 $0x1380;
	[sflag:s30] =	ssyncadd.s32 $0xFFFFC000  }
0xb4: {  	[tilespmem:s3], [sflag:$0x2] =	stream.indirect.gather [hbm4b:s4+s2], $0x80, s13, s2, $0xb8;
	[tilespmem:$0x1F400] =	vst v63  }
0xb5: {  	_ =	swait.ge [sflag:s5], $0x4000  }
0xb6: {  	[sflag:s5] =	ssyncset.done $0x0  }
0xb7: {  	s10 =	simm.s32 $0x2700;
	[sflag:s5] =	ssyncadd.s32 $0xFFFFC000  }
0xb8: {  	[spmem:s1] =	stream.indirect.scatter.add.f32 [tilespmem:s31], [sflag:$0x3], $0x80, s10, s2, $0xb8;
	[tilespmem:$0x1F400] =	vst v63  }
0xb9: {  	_ =	swait.ge [sflag:s30], $0x4000  }
0xba: {  	[sflag:s30] =	ssyncset.done $0x0  }
0xbb: {  	[sflag:s30] =	ssyncadd.s32 $0xFFFFC000  }
0xbc: {  	_ =	swait.ge [sflag:s6], $0x4000  }
0xbd: {  	[sflag:s6] =	ssyncset.done $0x0  }
0xbe: {  	s11 =	simm.s32 $0x2780;
	[sflag:s6] =	ssyncadd.s32 $0xFFFFC000  }
0xbf: {  	[spmem:s1] =	stream.indirect.scatter.add.f32 [tilespmem:s3], [sflag:$0x3], $0x80, s11, s2, $0xb8;
	[tilespmem:$0x1F400] =	vst v63  }
0xc0: {  	s12 =	stileid.u32;
	_ =	swait.ge [sflag:s30], $0x4000  }
0xc1: {  	s8 =	sadd.s32 $0x1, s8;
	s9 =	sshll.u32 s12, $0x6;
	[sflag:s30] =	ssyncset.done $0x0  }
0xc2: {  	p0 =	sne.s32 s8, s25;
	s9 =	sor.u32 $0x1C03, s9;
	[sflag:s30] =	ssyncadd.s32 $0xFFFFC000  }
.Ltmp2:
0xc3: {  	s13 =	sshrl.u32 s7, $0x3;
	[bflag:$0x0] =	sbarrier.arrive $0xFFFF;
	(pc) =	sbr.rel @p0 .LBB2_1-.Ltmp2, $4  }
0xc4: {  	[hbm:s24], [sflag:s9] =	dma.local [spmem:s13], $0x2780  }
0xc5: {  	_ =	swait.ge [sflag:s30], $0x2780  }
0xc6: {  	[sflag:s30] =	ssyncset.done $0x0  }
0xc7: {  	[sflag:s30] =	ssyncadd.s32 $0xFFFFD880  }
0xc8: {  	_ =	sfence.sel $0x180000  }
0xc9: {  	[bflag:$0x0] =	sbarrier.arrive $0xFFFF  }
0xca: {  	_ =	strace $0x9000004D  }
0xcb: {  	s0 =	stileid.u32;
	[bflag:$0x2] =	sbarrier.arrive $0xFFFF  }
0xcc: {  	p0 =	sne.s32 s0, $0x0;
	s0 =	rddreg [dreg:$0x2]  }
0xcd: {  	s0 =	sadd.s32 @!p0 $0x100000, s0  }
0xce: {  	[sflag:s0] =	ssyncadd.tile.s32 @!p0 $0x1;
	_ =	shalt  }
.Lfunc_end2:
_tile_overlayer_lowered:
.L_overlay_start_2:
0xcf: {  	(tag) =	ssettag $0x2  }
0xd0: {  	s0 =	rddreg [dreg:$0x0];
	s2 =	stileid.u32  }
0xd1: {  	s1 =	rddreg [dreg:$0x1];
	p0 =	sne.s32 s2, $0x0  }
0xd2: {  	s3 =	rddreg [dreg:$0x2];
	[bflag:$0x3] =	sbarrier.arrive $0xFFFF;
	s2 =	simm.s32 @!p0 $0x1C03  }
0xd3: {  	[timem:s3], [sflag:s2] =	dma.local @!p0 [hbm:s0], s1  }
0xd4: {  	s0 =	simm.s32 @!p0 $0x3  }
0xd5: {  	_ =	swait.ge @!p0 [sflag:s0], s1  }
0xd6: {  	s1 =	ssub.s32 @!p0 $0x0, s1;
	[sflag:s0] =	ssyncset.done @!p0 $0x0  }
0xd7: {  	[sflag:s0] =	ssyncadd.s32 @!p0 s1  }
0xd8: {  	[bflag:$0x3] =	sbarrier.arrive $0xFFFF  }
0xd9: {  	_ =	shalt  }

// kernel: kernel.21.cloned.1.call-start
scs
__scs_entry_jumppad:
0x0: {  	(pc) =	sbr.rel $0x88, $3  }
0x1: {  	(tag) =	ssettag $0x0;
	lr =	simm.s32 $0x1  }
0x2: {  	[smem:$0x3F97] =	sst lr;
	_ =	strace $0xD0000000  }
0x3: {  	_ = 	snop  }
0x4: {  	_ = 	snop  }
0x5: {  	_ = 	snop  }
0x6: {  	_ = 	snop  }
0x7: {  	_ = 	snop  }
__scs_overlays_trampoline_lowered:
0x8: {  	[smem:$0x3FA6] =	sst s0  }
0x9: {  	[smem:$0x3FA7] =	sst s1  }
0xa: {  	[smem:$0x3FA8] =	sst s2  }
0xb: {  	[smem:$0x3FA9] =	sst s3  }
0xc: {  	[smem:$0x3FAA] =	sst s4  }
0xd: {  	[smem:$0x3FAB] =	sst s5  }
0xe: {  	[smem:$0x3FAC] =	sst s6  }
0xf: {  	[smem:$0x3FAD] =	sst s7  }
0x10: {  	[smem:$0x3FAE] =	sst s8  }
0x11: {  	[smem:$0x3FAF] =	sst s9;
	s0 =	simm.s32 @!p0 $0x0  }
0x12: {  	s1 =	sld [smem:$0x3F95];
	s0 =	simm.s32 @p0 $0x1  }
0x13: {  	[smem:$0x3FB0] =	sst s0;
	s0 =	simm.s32 @!p1 $0x0  }
0x14: {  	s2 =	sld [smem:$0x3F94];
	s0 =	simm.s32 @p1 $0x1  }
0x15: {  	[smem:$0x3FB1] =	sst s0;
	s0 =	simm.s32 @!p2 $0x0  }
0x16: {  	s3 =	sld [smem:$0x3FDB];
	s0 =	simm.s32 @p2 $0x1  }
0x17: {  	s4 =	simm.s32 $0x1BF5;
	[smem:$0x3FB3] =	sst s0  }
0x18: {  	s0 =	sld [smem:$0x3F96];
	_ =	swait.ge [sflag:s4], $0x0  }
0x19: {  	s7 =	sld [smem:$0x3F97]  }
0x1a: {  	s8 =	sadd.s32 $0xFFFFE003, lr  }
0x1b: {  	s9 =	sadd.s32 $0xFFFFFEF7, lr;
	s5 =	simm.s32 $0xFFFFFFFF;
	p2 =	slt.u32 s8, $0xFFFFF086  }
0x1c: {  	p1 =	slt.u32 s9, $0xF7A;
	s5 =	simm.s32 @!p2 $0x0  }
0x1d: {  	s5 =	simm.s32 @p1 $0x1;
	p0 =	seq.s32 s7, s2  }
0x1e: {  	s7 =	smul.u32 @!p0 $0xF7A, s2;
	p2 =	seq.s32 @!p0 s5, $0x0  }
0x1f: {  	s9 =	smul.u32 $0xF7A, s1;
	s8 =	simm.s32 @!p0 $0x1BF5;
	p2 =	por !p2, p0  }
0x20: {  	[sflag:s8] =	ssyncset.s32 @!p0 $0xFFFFF086;
	s6 =	sadd.s32 @!p0 s3, s7;
	s7 =	simm.s32 @!p0 $0x108  }
0x21: {  	s3 =	sadd.s32 s3, s9;
	s6 =	sadd.s32 @!p0 $0x88, s6;
	s7 =	simm.s32 @p2 $0x1082  }
0x22: {  	[simem:s7], [sflag:s8] =	dma.local @!p0 [hbm:s6], $0xF7A  }
0x23: {  	s9 =	sor.u32 $0xD0000000, s2;
	s6 =	simm.s32 $0x108;
	_ =	swait.ge @!p0 [sflag:s8], $0x0  }
0x24: {  	s3 =	sadd.s32 $0x88, s3;
	s6 =	simm.s32 @!p1 $0x1082;
	[sflag:s4] =	ssyncset.s32 $0xFFFFF086  }
0x25: {  	[simem:s6], [sflag:s4] =	dma.local [hbm:s3], $0xF7A  }
0x26: {  	[smem:$0x3F97] =	sst s1;
	(tag) =	ssettag s2;
	_ =	strace s9  }
0x27: {  	s1 =	sld [smem:$0x3FA7]  }
0x28: {  	s2 =	sld [smem:$0x3FA8]  }
0x29: {  	s4 =	sld [smem:$0x3FAA]  }
0x2a: {  	p0 =	seq.s32 s5, $0x0;
	s5 =	sld [smem:$0x3FAB]  }
0x2b: {  	s6 =	sld [smem:$0x3FAC]  }
0x2c: {  	s7 =	sld [smem:$0x3FAD]  }
0x2d: {  	s3 =	simm.s32 $0x108;
	s8 =	sld [smem:$0x3FAE]  }
0x2e: {  	s3 =	simm.s32 @!p0 $0x1082;
	s9 =	sld [smem:$0x3FAF]  }
0x2f: {  	lr =	sadd.s32 s0, s3;
	s0 =	sld [smem:$0x3FA6]  }
0x30: {  	s3 =	sld [smem:$0x3FA9]  }
0x31: {  	[smem:$0x3FB2] =	sst s10  }
0x32: {  	s10 =	sld [smem:$0x3FB0];
	_ =	sdelay $0x3  }
0x33: {  	p0 =	seq.s32 s10, $0x1;
	s10 =	sld [smem:$0x3FB2];
	_ =	sdelay $0x3  }
0x34: {  	[smem:$0x3FB2] =	sst s10  }
0x35: {  	s10 =	sld [smem:$0x3FB1];
	_ =	sdelay $0x3  }
0x36: {  	p1 =	seq.s32 s10, $0x1;
	s10 =	sld [smem:$0x3FB2];
	_ =	sdelay $0x3  }
0x37: {  	[smem:$0x3FB2] =	sst s10  }
0x38: {  	s10 =	sld [smem:$0x3FB3]  }
0x39: {  	_ = 	snop;
	(pc) =	sbr.ind lr, $3  }
0x3a: {  	_ = 	snop  }
0x3b: {  	_ = 	snop  }
0x3c: {  	p2 =	seq.s32 s10, $0x1;
	s10 =	sld [smem:$0x3FB2]  }
0x3d: {  	_ =	shalt  }
0x3e: {  	_ =	shalt  }
0x3f: {  	_ =	shalt  }
0x40: {  	_ =	shalt  }
0x41: {  	_ =	shalt  }
0x42: {  	_ =	shalt  }
0x43: {  	_ =	shalt  }
0x44: {  	_ =	shalt  }
0x45: {  	_ =	shalt  }
0x46: {  	_ =	shalt  }
0x47: {  	_ =	shalt  }
0x48: {  	_ =	shalt  }
0x49: {  	_ =	shalt  }
0x4a: {  	_ =	shalt  }
0x4b: {  	_ =	shalt  }
0x4c: {  	_ =	shalt  }
0x4d: {  	_ =	shalt  }
0x4e: {  	_ =	shalt  }
0x4f: {  	_ =	shalt  }
0x50: {  	_ =	shalt  }
0x51: {  	_ =	shalt  }
0x52: {  	_ =	shalt  }
0x53: {  	_ =	shalt  }
0x54: {  	_ =	shalt  }
0x55: {  	_ =	shalt  }
0x56: {  	_ =	shalt  }
0x57: {  	_ =	shalt  }
0x58: {  	_ =	shalt  }
0x59: {  	_ =	shalt  }
0x5a: {  	_ =	shalt  }
0x5b: {  	_ =	shalt  }
0x5c: {  	_ =	shalt  }
0x5d: {  	_ =	shalt  }
0x5e: {  	_ =	shalt  }
0x5f: {  	_ =	shalt  }
0x60: {  	_ =	shalt  }
0x61: {  	_ =	shalt  }
0x62: {  	_ =	shalt  }
0x63: {  	_ =	shalt  }
0x64: {  	_ =	shalt  }
0x65: {  	_ =	shalt  }
0x66: {  	_ =	shalt  }
0x67: {  	_ =	shalt  }
0x68: {  	_ =	shalt  }
0x69: {  	_ =	shalt  }
0x6a: {  	_ =	shalt  }
0x6b: {  	_ =	shalt  }
0x6c: {  	_ =	shalt  }
0x6d: {  	_ =	shalt  }
0x6e: {  	_ =	shalt  }
0x6f: {  	_ =	shalt  }
0x70: {  	_ =	shalt  }
0x71: {  	_ =	shalt  }
0x72: {  	_ =	shalt  }
0x73: {  	_ =	shalt  }
0x74: {  	_ =	shalt  }
0x75: {  	_ =	shalt  }
0x76: {  	_ =	shalt  }
0x77: {  	_ =	shalt  }
0x78: {  	_ =	shalt  }
0x79: {  	_ =	shalt  }
0x7a: {  	_ =	shalt  }
0x7b: {  	_ =	shalt  }
0x7c: {  	_ =	shalt  }
0x7d: {  	_ =	shalt  }
0x7e: {  	_ =	shalt  }
0x7f: {  	_ =	shalt  }
0x80: {  	_ =	shalt  }
0x81: {  	_ =	shalt  }
0x82: {  	_ =	shalt  }
0x83: {  	_ =	shalt  }
0x84: {  	_ =	shalt  }
0x85: {  	_ =	shalt  }
0x86: {  	_ =	shalt  }
0x87: {  	_ =	shalt  }
.Lfunc_end0:
.L_simem_size_0:
called_computation.3_lowered:
.L_overlay_start_0:
0x88: {  	s2 =	sld [smem:$0x3FD9]  }
0x89: {  	s3 =	sld [smem:$0x3FFE];
	_ =	sdelay $0x1  }
0x8a: {  	s1 =	srdreg.scid  }
0x8b: {  	s0 =	sand.u32 $0x1, s1  }
0x8c: {  	s16 =	sshll.u32 s0, $0xA;
	s2 =	sadd.s32 s3, s2  }
0x8d: {  	s2 =	sadd.s32 s2, s16  }
0x8e: {  	[smem:$0x3FBE] =	sst s2  }
0x8f: {  	_ = 	snop  }
0x90: {  	(tm) =	ssettm $0x1  }
0x91: {  	s17 =	sld [smem:$0x3FFB];
	_ =	sdelay $0x3  }
0x92: {  	_ =	strace s17  }
0x93: {  	s2 =	sld [smem:$0x3FFC];
	_ =	sdelay $0x3  }
0x94: {  	_ =	strace s2  }
0x95: {  	s2 =	sld [smem:$0x3FFD];
	_ =	sdelay $0x3  }
0x96: {  	_ =	strace s2  }
0x97: {  	_ =	strace $0x8FFFFFFF  }
0x98: {  	s18 =	sld [smem:$0x3FDB];
	_ =	sdelay $0x1  }
0x99: {  	s19 =	simm.s32 $_scs_section_size  }
0x9a: {  	s4 =	simm.s32 $_size__tile_overlayer_lowered;
	s5 =	simm.s32 $_tile_overlayer_lowered  }
0x9b: {  	s22 =	simm.s32 $0x1BFF;
	s21 =	sshll.u32 s5, $0x1;
	s2 =	sadd.s32 s19, s18  }
0x9c: {  	s6 =	simm.s32 $0x0;
	s20 =	sshll.u32 s4, $0x1;
	s4 =	sadd.s32 s21, s2  }
0x9d: {  	[timem:s6], [sflag:s22] =	dma.local [hbm:s4], s20  }
0x9e: {  	_ =	swait.ge [sflag:s22], s20  }
0x9f: {  	s3 =	ssub.s32 $0x0, s20;
	[sflag:s22] =	ssyncset.done $0x0  }
0xa0: {  	[sflag:s22] =	ssyncadd.s32 s3;
	_ =	sdelay $0x1  }
0xa1: {  	s23 =	simm.s32 $0x1B8B  }
0xa2: {  	_ =	swait.ge [sflag:s23], $0x1  }
0xa3: {  	[sflag:s23] =	ssyncset.done $0x0  }
0xa4: {  	s25 =	simm.s32 $0x1B8E;
	s24 =	sld [smem:$0x3FFE];
	[sflag:s23] =	ssyncadd.s32 $0xFFFFFFFF  }
0xa5: {  	s26 =	simm.s32 $execute0_lowered;
	[smem:$0x3FD2] =	sst s25  }
0xa6: {  	s4 =	sshll.u32 s26, $0x1;
	_ =	strace $0x8000004F;
	[dreg:$0x1] =	wrdreg $0xFFFFFFFF  }
0xa7: {  	s28 =	simm.s32 $_size_execute0_lowered;
	s2 =	sadd.s32 s2, s4;
	[dreg:$0x0] =	wrdreg $0x0  }
0xa8: {  	s4 =	sshll.u32 s28, $0x1;
	[dreg:$0x2] =	wrdreg s2  }
0xa9: {  	[dreg:$0x3] =	wrdreg s4  }
0xaa: {  	[dreg:$0x4] =	wrdreg $0xC0  }
0xab: {  	_ =	task [dreg:s6], $0x5FFFF  }
0xac: {  	[dreg:$0x1] =	wrdreg $0xFFFFFFFF  }
0xad: {  	[dreg:$0x0] =	wrdreg $0x60  }
0xae: {  	[dreg:$0x2] =	wrdreg s24  }
0xaf: {  	[dreg:$0x3] =	wrdreg $0xB8000  }
0xb0: {  	[dreg:$0x4] =	wrdreg $0x9  }
0xb1: {  	_ =	task.clear_ibuf [dreg:s6], $0x5FFFF;
	_ =	strace $0x9000004F  }
0xb2: {  	s29 =	simm.s32 $0x9;
	_ =	strace $0x80000051  }
0xb3: {  	_ =	swait.ge [sflag:s29], $0x1  }
0xb4: {  	[sflag:s29] =	ssyncadd.s32 $0xFFFFFFFF  }
0xb5: {  	_ =	strace $0x90000051  }
0xb6: {  	_ =	sfence  }
0xb7: {  	s30 =	sld [smem:$0x0];
	_ =	sdelay $0x2  }
0xb8: {  	s31 =	sshll.u32 s1, $0xD;
	s1 =	sshrl.u32 s1, $0x2  }
0xb9: {  	s3 =	sand.u32 $0x4000, s31;
	s1 =	sadd.s32 s1, s30  }
0xba: {  	s0 =	sor.u32 s3, s0;
	s1 =	sshll.u32 s1, $0x11  }
0xbb: {  	s0 =	sor.u32 s1, s0  }
0xbc: {  	s0 =	sadd.s32 $0x8F2B, s0  }
0xbd: {  	[sflag:s0] =	ssyncadd.remote.s32 $0x1  }
0xbe: {  	_ =	sfence.sel $0xFFFF  }
0xbf: {  	[dreg:$0x0] =	wrdreg $0xFFFFFFFF;
	(pc) =	sbr.abs _section_cstart, $3  }
0xc0: {  	[dreg:$0x1] =	wrdreg $0xFFFFFFFF  }
0xc1: {  	_ =	task.clear_ibuf [dreg:s6], $0x2FFFF;
	_ =	strace $0x9FFFFFFF  }
0xc2: {  	(tm) =	ssettm $0x7FFFFFFF  }
0xc3: {  	_ =	shalt  }
tec
execute0_lowered:
.L_overlay_start_1:
0x0: {  	(tag) =	ssettag $0x1  }
0x1: {  	s0 =	rddreg [dreg:$0x0]  }
0x2: {  	s1 =	rddreg [dreg:$0x1];
	s2 =	srdreg.scid  }
0x3: {  	s4 =	simm.s32 $0x0;
	s7 =	stileid.u32;
	s30 =	simm.s32 $0x3  }
0x4: {  	s31 =	simm.s32 $0x2800;
	s8 =	simm.s32 $0x0;
	s6 =	smul.u32 $0x13C00, s7  }
0x5: {  	s2 =	sand.u32 $0x1, s2;
	[smem:$0x7FF] =	sst s4;
	s17 =	smul.u32 $0x4F000, s7  }
0x6: {  	s4 =	sadd.s32 $0xD000, s0;
	s3 =	sshll.u32 s2, $0x4;
	s5 =	smul.u32 $0x13C000, s2  }
0x7: {  	_ =	strace $0x80000050;
	s2 =	ssub.s32 $0x2, s2;
	s3 =	sor.u32 s7, s3  }
0x8: {  	s18 =	sshrl.u32 s2, $0x1;
	s19 =	sshrl.u32 s17, $0x2;
	s3 =	smul.u32 $0x280, s3  }
0x9: {  	s5 =	sadd.s32 s6, s5;
	s2 =	ssub.s32 s2, s18;
	s7 =	sadd.s32 s19, s1  }
0xa: {  	s6 =	simm.s32 $0x2;
	s5 =	sshrl.u32 s5, $0x3;
	s21 =	sadd.s32 $0x1000, s7  }
0xb: {  	s22 =	sadd.s32 $0x2000, s7;
	s23 =	sadd.s32 $0x3000, s7;
	s24 =	sadd.s32 $0x4000, s7  }
0xc: {  	s25 =	sadd.s32 $0x5000, s7;
	s26 =	sadd.s32 $0x6000, s7;
	[dreg:$0x5] =	wrdreg s21  }
0xd: {  	s14 =	sadd.s32 $0x7000, s7;
	s15 =	sadd.s32 $0x8000, s7;
	[dreg:$0x6] =	wrdreg s22  }
0xe: {  	s16 =	sadd.s32 $0x9000, s7;
	s17 =	sadd.s32 $0xA000, s7;
	[dreg:$0x7] =	wrdreg s23  }
0xf: {  	s18 =	sadd.s32 $0xB000, s7;
	s19 =	sadd.s32 $0xC000, s7;
	[dreg:$0x8] =	wrdreg s24  }
0x10: {  	s28 =	sadd.s32 $0x12000, s7;
	s29 =	sadd.s32 $0x13000, s7;
	[dreg:$0x9] =	wrdreg s25  }
0x11: {  	s3 =	sadd.s32 s3, s0;
	s0 =	sadd.s32 s5, s0;
	[dreg:$0xa] =	wrdreg s26  }
0x12: {  	s21 =	sadd.s32 $0xE000, s7;
	s22 =	sadd.s32 $0xF000, s7;
	s23 =	sadd.s32 $0x10000, s7  }
0x13: {  	s25 =	smax.u32 s2, $0x1;
	s26 =	sadd.s32 $0x11000, s7;
	s2 =	simm.s32 $0x80  }
0x14: {  	s5 =	simm.s32 $0x1;
	s20 =	sadd.s32 $0x8000, s3;
	s3 =	sadd.s32 $0x3000, s3  }
0x15: {  	s24 =	sadd.s32 $0x34200, s0;
	s0 =	simm.s32 $0xA800;
	[dreg:$0x3] =	wrdreg s20  }
0x16: {  	v0 =	vimm.f32 $0.0e+00;
	[dreg:$0x4] =	wrdreg s3;
	s20 =	sadd.s32 $0xD000, s7;
	s3 =	simm.s32 $0x6800  }
.LBB2_1:
0x17: {  	s9 =	simm.s32 $0x0;
	s10 =	rddreg [dreg:$0x3]  }
0x18: {  	[tilespmem:s9], [sflag:$0x3] =	stream.linear.gather [hbm4b:s10+s9], $0x1400, $0x38;
	[tilespmem:$0x1F400] =	vst v63  }
0x19: {  	_ =	swait.ge [sflag:s30], $0x1400  }
0x1a: {  	[sflag:s30] =	ssyncset.done $0x0  }
0x1b: {  	s11 =	simm.s32 $0x1400;
	s13 =	rddreg [dreg:$0x4];
	[sflag:s30] =	ssyncadd.s32 $0xFFFFEC00  }
0x1c: {  	[tilespmem:s11], [sflag:$0x3] =	stream.linear.gather [hbm4b:s13+s9], $0x1400, $0x38;
	[tilespmem:$0x1F400] =	vst v63  }
0x1d: {  	_ =	swait.ge [sflag:s30], $0x1400  }
0x1e: {  	[sflag:s30] =	ssyncset.done $0x0  }
0x1f: {  	s10 =	simm.s32 $0x200;
	s9 =	simm.s32 $0x0;
	[sflag:s30] =	ssyncadd.s32 $0xFFFFEC00  }
.LBB2_2:
0x20: {  	p0 =	sne.s32 s10, $0x3E00;
	[tilespmem:s9+$0xA870] =	vst v0  }
0x21: {  	[tilespmem:s9+$0xA800] =	vst v0  }
0x22: {  	[tilespmem:s9+$0xA810] =	vst v0  }
.Ltmp0:
0x23: {  	[tilespmem:s9+$0xA820] =	vst v0;
	(pc) =	sbr.rel @p0 .LBB2_2-.Ltmp0, $4  }
0x24: {  	[tilespmem:s9+$0xA830] =	vst v0  }
0x25: {  	[tilespmem:s9+$0xA840] =	vst v0  }
0x26: {  	[tilespmem:s9+$0xA850] =	vst v0  }
0x27: {  	[tilespmem:s9+$0xA860] =	vst v0;
	s9 =	sshra.s32 s10, $0x2;
	s10 =	sadd.s32 $0x200, s10  }
0x28: {  	[tilespmem:s9+$0xA870] =	vst v0  }
0x29: {  	[tilespmem:s9+$0xA800] =	vst v0  }
0x2a: {  	[tilespmem:s9+$0xA810] =	vst v0  }
0x2b: {  	[tilespmem:s9+$0xA820] =	vst v0  }
0x2c: {  	[tilespmem:s9+$0xA830] =	vst v0  }
0x2d: {  	[tilespmem:s9+$0xA840] =	vst v0  }
0x2e: {  	[tilespmem:s9+$0xA850] =	vst v0  }
0x2f: {  	[tilespmem:s9+$0xA860] =	vst v0  }
0x30: {  	[spmem:s7] =	stream.linear.scatter [tilespmem:s0], [sflag:$0x3], $0x1000, $0x38;
	[tilespmem:$0x1F400] =	vst v63  }
0x31: {  	_ =	swait.ge [sflag:s30], $0x1000  }
0x32: {  	[sflag:s30] =	ssyncset.done $0x0  }
0x33: {  	s11 =	rddreg [dreg:$0x5];
	[sflag:s30] =	ssyncadd.s32 $0xFFFFF000  }
0x34: {  	[spmem:s11] =	stream.linear.scatter [tilespmem:s0], [sflag:$0x3], $0x1000, $0x38;
	[tilespmem:$0x1F400] =	vst v63  }
0x35: {  	_ =	swait.ge [sflag:s30], $0x1000  }
0x36: {  	[sflag:s30] =	ssyncset.done $0x0  }
0x37: {  	s12 =	rddreg [dreg:$0x6];
	[sflag:s30] =	ssyncadd.s32 $0xFFFFF000  }
0x38: {  	[spmem:s12] =	stream.linear.scatter [tilespmem:s0], [sflag:$0x3], $0x1000, $0x38;
	[tilespmem:$0x1F400] =	vst v63  }
0x39: {  	_ =	swait.ge [sflag:s30], $0x1000  }
0x3a: {  	[sflag:s30] =	ssyncset.done $0x0  }
0x3b: {  	s13 =	rddreg [dreg:$0x7];
	[sflag:s30] =	ssyncadd.s32 $0xFFFFF000  }
0x3c: {  	[spmem:s13] =	stream.linear.scatter [tilespmem:s0], [sflag:$0x3], $0x1000, $0x38;
	[tilespmem:$0x1F400] =	vst v63  }
0x3d: {  	_ =	swait.ge [sflag:s30], $0x1000  }
0x3e: {  	[sflag:s30] =	ssyncset.done $0x0  }
0x3f: {  	s10 =	rddreg [dreg:$0x8];
	[sflag:s30] =	ssyncadd.s32 $0xFFFFF000  }
0x40: {  	[spmem:s10] =	stream.linear.scatter [tilespmem:s0], [sflag:$0x3], $0x1000, $0x38;
	[tilespmem:$0x1F400] =	vst v63  }
0x41: {  	_ =	swait.ge [sflag:s30], $0x1000  }
0x42: {  	[sflag:s30] =	ssyncset.done $0x0  }
0x43: {  	s11 =	rddreg [dreg:$0x9];
	[sflag:s30] =	ssyncadd.s32 $0xFFFFF000  }
0x44: {  	[spmem:s11] =	stream.linear.scatter [tilespmem:s0], [sflag:$0x3], $0x1000, $0x38;
	[tilespmem:$0x1F400] =	vst v63  }
0x45: {  	_ =	swait.ge [sflag:s30], $0x1000  }
0x46: {  	[sflag:s30] =	ssyncset.done $0x0  }
0x47: {  	s12 =	rddreg [dreg:$0xa];
	[sflag:s30] =	ssyncadd.s32 $0xFFFFF000  }
0x48: {  	[spmem:s12] =	stream.linear.scatter [tilespmem:s0], [sflag:$0x3], $0x1000, $0x38;
	[tilespmem:$0x1F400] =	vst v63  }
0x49: {  	_ =	swait.ge [sflag:s30], $0x1000  }
0x4a: {  	[sflag:s30] =	ssyncset.done $0x0  }
0x4b: {  	[sflag:s30] =	ssyncadd.s32 $0xFFFFF000  }
0x4c: {  	[spmem:s14] =	stream.linear.scatter [tilespmem:s0], [sflag:$0x3], $0x1000, $0x38;
	[tilespmem:$0x1F400] =	vst v63  }
0x4d: {  	_ =	swait.ge [sflag:s30], $0x1000  }
0x4e: {  	[sflag:s30] =	ssyncset.done $0x0  }
0x4f: {  	[sflag:s30] =	ssyncadd.s32 $0xFFFFF000  }
0x50: {  	[spmem:s15] =	stream.linear.scatter [tilespmem:s0], [sflag:$0x3], $0x1000, $0x38;
	[tilespmem:$0x1F400] =	vst v63  }
0x51: {  	_ =	swait.ge [sflag:s30], $0x1000  }
0x52: {  	[sflag:s30] =	ssyncset.done $0x0  }
0x53: {  	[sflag:s30] =	ssyncadd.s32 $0xFFFFF000  }
0x54: {  	[spmem:s16] =	stream.linear.scatter [tilespmem:s0], [sflag:$0x3], $0x1000, $0x38;
	[tilespmem:$0x1F400] =	vst v63  }
0x55: {  	_ =	swait.ge [sflag:s30], $0x1000  }
0x56: {  	[sflag:s30] =	ssyncset.done $0x0  }
0x57: {  	[sflag:s30] =	ssyncadd.s32 $0xFFFFF000  }
0x58: {  	[spmem:s17] =	stream.linear.scatter [tilespmem:s0], [sflag:$0x3], $0x1000, $0x38;
	[tilespmem:$0x1F400] =	vst v63  }
0x59: {  	_ =	swait.ge [sflag:s30], $0x1000  }
0x5a: {  	[sflag:s30] =	ssyncset.done $0x0  }
0x5b: {  	[sflag:s30] =	ssyncadd.s32 $0xFFFFF000  }
0x5c: {  	[spmem:s18] =	stream.linear.scatter [tilespmem:s0], [sflag:$0x3], $0x1000, $0x38;
	[tilespmem:$0x1F400] =	vst v63  }
0x5d: {  	_ =	swait.ge [sflag:s30], $0x1000  }
0x5e: {  	[sflag:s30] =	ssyncset.done $0x0  }
0x5f: {  	[sflag:s30] =	ssyncadd.s32 $0xFFFFF000  }
0x60: {  	[spmem:s19] =	stream.linear.scatter [tilespmem:s0], [sflag:$0x3], $0x1000, $0x38;
	[tilespmem:$0x1F400] =	vst v63  }
0x61: {  	_ =	swait.ge [sflag:s30], $0x1000  }
0x62: {  	[sflag:s30] =	ssyncset.done $0x0  }
0x63: {  	[sflag:s30] =	ssyncadd.s32 $0xFFFFF000  }
0x64: {  	[spmem:s20] =	stream.linear.scatter [tilespmem:s0], [sflag:$0x3], $0x1000, $0x38;
	[tilespmem:$0x1F400] =	vst v63  }
0x65: {  	_ =	swait.ge [sflag:s30], $0x1000  }
0x66: {  	[sflag:s30] =	ssyncset.done $0x0  }
0x67: {  	[sflag:s30] =	ssyncadd.s32 $0xFFFFF000  }
0x68: {  	[spmem:s21] =	stream.linear.scatter [tilespmem:s0], [sflag:$0x3], $0x1000, $0x38;
	[tilespmem:$0x1F400] =	vst v63  }
0x69: {  	_ =	swait.ge [sflag:s30], $0x1000  }
0x6a: {  	[sflag:s30] =	ssyncset.done $0x0  }
0x6b: {  	[sflag:s30] =	ssyncadd.s32 $0xFFFFF000  }
0x6c: {  	[spmem:s22] =	stream.linear.scatter [tilespmem:s0], [sflag:$0x3], $0x1000, $0x38;
	[tilespmem:$0x1F400] =	vst v63  }
0x6d: {  	_ =	swait.ge [sflag:s30], $0x1000  }
0x6e: {  	[sflag:s30] =	ssyncset.done $0x0  }
0x6f: {  	[sflag:s30] =	ssyncadd.s32 $0xFFFFF000  }
0x70: {  	[spmem:s23] =	stream.linear.scatter [tilespmem:s0], [sflag:$0x3], $0x1000, $0x38;
	[tilespmem:$0x1F400] =	vst v63  }
0x71: {  	_ =	swait.ge [sflag:s30], $0x1000  }
0x72: {  	[sflag:s30] =	ssyncset.done $0x0  }
0x73: {  	[sflag:s30] =	ssyncadd.s32 $0xFFFFF000  }
0x74: {  	[spmem:s26] =	stream.linear.scatter [tilespmem:s0], [sflag:$0x3], $0x1000, $0x38;
	[tilespmem:$0x1F400] =	vst v63  }
0x75: {  	_ =	swait.ge [sflag:s30], $0x1000  }
0x76: {  	[sflag:s30] =	ssyncset.done $0x0  }
0x77: {  	[sflag:s30] =	ssyncadd.s32 $0xFFFFF000  }
0x78: {  	[spmem:s28] =	stream.linear.scatter [tilespmem:s0], [sflag:$0x3], $0x1000, $0x38;
	[tilespmem:$0x1F400] =	vst v63  }
0x79: {  	_ =	swait.ge [sflag:s30], $0x1000  }
0x7a: {  	[sflag:s30] =	ssyncset.done $0x0  }
0x7b: {  	[sflag:s30] =	ssyncadd.s32 $0xFFFFF000  }
0x7c: {  	[spmem:s29] =	stream.linear.scatter [tilespmem:s0], [sflag:$0x3], $0xC00, $0x38;
	[tilespmem:$0x1F400] =	vst v63  }
0x7d: {  	_ =	swait.ge [sflag:s30], $0xC00  }
0x7e: {  	[sflag:s30] =	ssyncset.done $0x0  }
0x7f: {  	[sflag:s30] =	ssyncadd.s32 $0xFFFFF400  }
0x80: {  	s13 =	simm.s32 $0x0;
	[bflag:$0x0] =	sbarrier.arrive $0xFFFF  }
0x81: {  	[tilespmem:s31], [sflag:$0x1] =	stream.indirect.gather [hbm4b:s4+s2], $0x80, s13, s2, $0xb8;
	[tilespmem:$0x1F400] =	vst v63  }
0x82: {  	s10 =	simm.s32 $0x80  }
0x83: {  	[tilespmem:s3], [sflag:$0x2] =	stream.indirect.gather [hbm4b:s4+s2], $0x80, s10, s2, $0xb8;
	[tilespmem:$0x1F400] =	vst v63  }
0x84: {  	_ =	swait.ge [sflag:s5], $0x4000  }
0x85: {  	[sflag:s5] =	ssyncset.done $0x0  }
0x86: {  	s11 =	simm.s32 $0x1400;
	[sflag:s5] =	ssyncadd.s32 $0xFFFFC000  }
0x87: {  	[spmem:s1] =	stream.indirect.scatter.add.f32 [tilespmem:s31], [sflag:$0x3], $0x80, s11, s2, $0xb8;
	[tilespmem:$0x1F400] =	vst v63  }
0x88: {  	_ =	swait.ge [sflag:s30], $0x4000  }
0x89: {  	[sflag:s30] =	ssyncset.done $0x0  }
0x8a: {  	s12 =	simm.s32 $0x100;
	[sflag:s30] =	ssyncadd.s32 $0xFFFFC000  }
0x8b: {  	[tilespmem:s31], [sflag:$0x1] =	stream.indirect.gather [hbm4b:s4+s2], $0x80, s12, s2, $0xb8;
	[tilespmem:$0x1F400] =	vst v63  }
0x8c: {  	_ =	swait.ge [sflag:s6], $0x4000  }
0x8d: {  	[sflag:s6] =	ssyncset.done $0x0  }
0x8e: {  	s13 =	simm.s32 $0x1480;
	[sflag:s6] =	ssyncadd.s32 $0xFFFFC000  }
0x8f: {  	[spmem:s1] =	stream.indirect.scatter.add.f32 [tilespmem:s3], [sflag:$0x3], $0x80, s13, s2, $0xb8;
	[tilespmem:$0x1F400] =	vst v63  }
0x90: {  	_ =	swait.ge [sflag:s30], $0x4000  }
0x91: {  	s9 =	simm.s32 $0x100;
	s10 =	simm.s32 $0x800;
	[sflag:s30] =	ssyncset.done $0x0  }
.LBB2_4:
0x92: {  	s11 =	sadd.s32 $0x80, s9  }
0x93: {  	[sflag:s30] =	ssyncadd.s32 $0xFFFFC000;
	s12 =	smov.u32 s10;
	s13 =	sadd.s32 $0x400, s10  }
0x94: {  	[tilespmem:s3], [sflag:$0x2] =	stream.indirect.gather [hbm4b:s4+s2], $0x80, s11, s2, $0xb8;
	[tilespmem:$0x1F400] =	vst v63  }
0x95: {  	p0 =	sne.s32 s10, $0x4800;
	_ =	swait.ge [sflag:s5], $0x4000  }
0x96: {  	[sflag:s5] =	ssyncset.done $0x0  }
0x97: {  	s10 =	sadd.s32 $0x1400, s9;
	[sflag:s5] =	ssyncadd.s32 $0xFFFFC000  }
0x98: {  	[spmem:s1] =	stream.indirect.scatter.add.f32 [tilespmem:s31], [sflag:$0x3], $0x80, s10, s2, $0xb8;
	[tilespmem:$0x1F400] =	vst v63  }
0x99: {  	_ =	swait.ge [sflag:s30], $0x4000  }
0x9a: {  	[sflag:s30] =	ssyncset.done $0x0  }
0x9b: {  	s10 =	sadd.s32 $0x100, s9;
	[sflag:s30] =	ssyncadd.s32 $0xFFFFC000  }
0x9c: {  	[tilespmem:s31], [sflag:$0x1] =	stream.indirect.gather [hbm4b:s4+s2], $0x80, s10, s2, $0xb8;
	[tilespmem:$0x1F400] =	vst v63  }
0x9d: {  	_ =	swait.ge [sflag:s6], $0x4000  }
.Ltmp1:
0x9e: {  	[sflag:s6] =	ssyncset.done $0x0;
	(pc) =	sbr.rel @p0 .LBB2_4-.Ltmp1, $4  }
0x9f: {  	s9 =	sadd.s32 $0x1480, s9;
	[sflag:s6] =	ssyncadd.s32 $0xFFFFC000  }
0xa0: {  	[spmem:s1] =	stream.indirect.scatter.add.f32 [tilespmem:s3], [sflag:$0x3], $0x80, s9, s2, $0xb8;
	[tilespmem:$0x1F400] =	vst v63  }
0xa1: {  	_ =	swait.ge [sflag:s30], $0x4000  }
0xa2: {  	s10 =	smov.u32 s13;
	s9 =	sshra.s32 s12, $0x2;
	[sflag:s30] =	ssyncset.done $0x0  }
0xa3: {  	s10 =	sadd.s32 $0x80, s9;
	[sflag:s30] =	ssyncadd.s32 $0xFFFFC000  }
0xa4: {  	[tilespmem:s3], [sflag:$0x2] =	stream.indirect.gather [hbm4b:s4+s2], $0x80, s10, s2, $0xb8;
	[tilespmem:$0x1F400] =	vst v63  }
0xa5: {  	_ =	swait.ge [sflag:s5], $0x4000  }
0xa6: {  	[sflag:s5] =	ssyncset.done $0x0  }
0xa7: {  	s13 =	sadd.s32 $0x1400, s9;
	[sflag:s5] =	ssyncadd.s32 $0xFFFFC000  }
0xa8: {  	[spmem:s1] =	stream.indirect.scatter.add.f32 [tilespmem:s31], [sflag:$0x3], $0x80, s13, s2, $0xb8;
	[tilespmem:$0x1F400] =	vst v63  }
0xa9: {  	_ =	swait.ge [sflag:s30], $0x4000  }
0xaa: {  	[sflag:s30] =	ssyncset.done $0x0  }
0xab: {  	s11 =	sadd.s32 $0x100, s9;
	[sflag:s30] =	ssyncadd.s32 $0xFFFFC000  }
0xac: {  	[tilespmem:s31], [sflag:$0x1] =	stream.indirect.gather [hbm4b:s4+s2], $0x80, s11, s2, $0xb8;
	[tilespmem:$0x1F400] =	vst v63  }
0xad: {  	_ =	swait.ge [sflag:s6], $0x4000  }
0xae: {  	[sflag:s6] =	ssyncset.done $0x0  }
0xaf: {  	s12 =	sadd.s32 $0x1480, s9;
	[sflag:s6] =	ssyncadd.s32 $0xFFFFC000  }
0xb0: {  	[spmem:s1] =	stream.indirect.scatter.add.f32 [tilespmem:s3], [sflag:$0x3], $0x80, s12, s2, $0xb8;
	[tilespmem:$0x1F400] =	vst v63  }
0xb1: {  	_ =	swait.ge [sflag:s30], $0x4000  }
0xb2: {  	[sflag:s30] =	ssyncset.done $0x0  }
0xb3: {  	s13 =	simm.s32 $0x1380;
	[sflag:s30] =	ssyncadd.s32 $0xFFFFC000  }
0xb4: {  	[tilespmem:s3], [sflag:$0x2] =	stream.indirect.gather [hbm4b:s4+s2], $0x80, s13, s2, $0xb8;
	[tilespmem:$0x1F400] =	vst v63  }
0xb5: {  	_ =	swait.ge [sflag:s5], $0x4000  }
0xb6: {  	[sflag:s5] =	ssyncset.done $0x0  }
0xb7: {  	s10 =	simm.s32 $0x2700;
	[sflag:s5] =	ssyncadd.s32 $0xFFFFC000  }
0xb8: {  	[spmem:s1] =	stream.indirect.scatter.add.f32 [tilespmem:s31], [sflag:$0x3], $0x80, s10, s2, $0xb8;
	[tilespmem:$0x1F400] =	vst v63  }
0xb9: {  	_ =	swait.ge [sflag:s30], $0x4000  }
0xba: {  	[sflag:s30] =	ssyncset.done $0x0  }
0xbb: {  	[sflag:s30] =	ssyncadd.s32 $0xFFFFC000  }
0xbc: {  	_ =	swait.ge [sflag:s6], $0x4000  }
0xbd: {  	[sflag:s6] =	ssyncset.done $0x0  }
0xbe: {  	s11 =	simm.s32 $0x2780;
	[sflag:s6] =	ssyncadd.s32 $0xFFFFC000  }
0xbf: {  	[spmem:s1] =	stream.indirect.scatter.add.f32 [tilespmem:s3], [sflag:$0x3], $0x80, s11, s2, $0xb8;
	[tilespmem:$0x1F400] =	vst v63  }
0xc0: {  	s12 =	stileid.u32;
	_ =	swait.ge [sflag:s30], $0x4000  }
0xc1: {  	s8 =	sadd.s32 $0x1, s8;
	s9 =	sshll.u32 s12, $0x6;
	[sflag:s30] =	ssyncset.done $0x0  }
0xc2: {  	p0 =	sne.s32 s8, s25;
	s9 =	sor.u32 $0x1C03, s9;
	[sflag:s30] =	ssyncadd.s32 $0xFFFFC000  }
.Ltmp2:
0xc3: {  	s13 =	sshrl.u32 s7, $0x3;
	[bflag:$0x0] =	sbarrier.arrive $0xFFFF;
	(pc) =	sbr.rel @p0 .LBB2_1-.Ltmp2, $4  }
0xc4: {  	[hbm:s24], [sflag:s9] =	dma.local [spmem:s13], $0x2780  }
0xc5: {  	_ =	swait.ge [sflag:s30], $0x2780  }
0xc6: {  	[sflag:s30] =	ssyncset.done $0x0  }
0xc7: {  	[sflag:s30] =	ssyncadd.s32 $0xFFFFD880  }
0xc8: {  	_ =	sfence.sel $0x180000  }
0xc9: {  	[bflag:$0x0] =	sbarrier.arrive $0xFFFF  }
0xca: {  	_ =	strace $0x90000050  }
0xcb: {  	s0 =	stileid.u32;
	[bflag:$0x2] =	sbarrier.arrive $0xFFFF  }
0xcc: {  	p0 =	sne.s32 s0, $0x0;
	s0 =	rddreg [dreg:$0x2]  }
0xcd: {  	s0 =	sadd.s32 @!p0 $0x100000, s0  }
0xce: {  	[sflag:s0] =	ssyncadd.tile.s32 @!p0 $0x1;
	_ =	shalt  }
.Lfunc_end2:
_tile_overlayer_lowered:
.L_overlay_start_2:
0xcf: {  	(tag) =	ssettag $0x2  }
0xd0: {  	s0 =	rddreg [dreg:$0x0];
	s2 =	stileid.u32  }
0xd1: {  	s1 =	rddreg [dreg:$0x1];
	p0 =	sne.s32 s2, $0x0  }
0xd2: {  	s3 =	rddreg [dreg:$0x2];
	[bflag:$0x3] =	sbarrier.arrive $0xFFFF;
	s2 =	simm.s32 @!p0 $0x1C03  }
0xd3: {  	[timem:s3], [sflag:s2] =	dma.local @!p0 [hbm:s0], s1  }
0xd4: {  	s0 =	simm.s32 @!p0 $0x3  }
0xd5: {  	_ =	swait.ge @!p0 [sflag:s0], s1  }
0xd6: {  	s1 =	ssub.s32 @!p0 $0x0, s1;
	[sflag:s0] =	ssyncset.done @!p0 $0x0  }
0xd7: {  	[sflag:s0] =	ssyncadd.s32 @!p0 s1  }
0xd8: {  	[bflag:$0x3] =	sbarrier.arrive $0xFFFF  }
0xd9: {  	_ =	shalt  }

// kernel: kernel.24.cloned.1.call-start
scs
__scs_entry_jumppad:
0x0: {  	(pc) =	sbr.rel $0x88, $3  }
0x1: {  	(tag) =	ssettag $0x0;
	lr =	simm.s32 $0x1  }
0x2: {  	[smem:$0x3F97] =	sst lr;
	_ =	strace $0xD0000000  }
0x3: {  	_ = 	snop  }
0x4: {  	_ = 	snop  }
0x5: {  	_ = 	snop  }
0x6: {  	_ = 	snop  }
0x7: {  	_ = 	snop  }
__scs_overlays_trampoline_lowered:
0x8: {  	[smem:$0x3FA6] =	sst s0  }
0x9: {  	[smem:$0x3FA7] =	sst s1  }
0xa: {  	[smem:$0x3FA8] =	sst s2  }
0xb: {  	[smem:$0x3FA9] =	sst s3  }
0xc: {  	[smem:$0x3FAA] =	sst s4  }
0xd: {  	[smem:$0x3FAB] =	sst s5  }
0xe: {  	[smem:$0x3FAC] =	sst s6  }
0xf: {  	[smem:$0x3FAD] =	sst s7  }
0x10: {  	[smem:$0x3FAE] =	sst s8  }
0x11: {  	[smem:$0x3FAF] =	sst s9;
	s0 =	simm.s32 @!p0 $0x0  }
0x12: {  	s1 =	sld [smem:$0x3F95];
	s0 =	simm.s32 @p0 $0x1  }
0x13: {  	[smem:$0x3FB0] =	sst s0;
	s0 =	simm.s32 @!p1 $0x0  }
0x14: {  	s2 =	sld [smem:$0x3F94];
	s0 =	simm.s32 @p1 $0x1  }
0x15: {  	[smem:$0x3FB1] =	sst s0;
	s0 =	simm.s32 @!p2 $0x0  }
0x16: {  	s3 =	sld [smem:$0x3FDB];
	s0 =	simm.s32 @p2 $0x1  }
0x17: {  	s4 =	simm.s32 $0x1BF5;
	[smem:$0x3FB3] =	sst s0  }
0x18: {  	s0 =	sld [smem:$0x3F96];
	_ =	swait.ge [sflag:s4], $0x0  }
0x19: {  	s7 =	sld [smem:$0x3F97]  }
0x1a: {  	s8 =	sadd.s32 $0xFFFFE003, lr  }
0x1b: {  	s9 =	sadd.s32 $0xFFFFFEF7, lr;
	s5 =	simm.s32 $0xFFFFFFFF;
	p2 =	slt.u32 s8, $0xFFFFF086  }
0x1c: {  	p1 =	slt.u32 s9, $0xF7A;
	s5 =	simm.s32 @!p2 $0x0  }
0x1d: {  	s5 =	simm.s32 @p1 $0x1;
	p0 =	seq.s32 s7, s2  }
0x1e: {  	s7 =	smul.u32 @!p0 $0xF7A, s2;
	p2 =	seq.s32 @!p0 s5, $0x0  }
0x1f: {  	s9 =	smul.u32 $0xF7A, s1;
	s8 =	simm.s32 @!p0 $0x1BF5;
	p2 =	por !p2, p0  }
0x20: {  	[sflag:s8] =	ssyncset.s32 @!p0 $0xFFFFF086;
	s6 =	sadd.s32 @!p0 s3, s7;
	s7 =	simm.s32 @!p0 $0x108  }
0x21: {  	s3 =	sadd.s32 s3, s9;
	s6 =	sadd.s32 @!p0 $0x88, s6;
	s7 =	simm.s32 @p2 $0x1082  }
0x22: {  	[simem:s7], [sflag:s8] =	dma.local @!p0 [hbm:s6], $0xF7A  }
0x23: {  	s9 =	sor.u32 $0xD0000000, s2;
	s6 =	simm.s32 $0x108;
	_ =	swait.ge @!p0 [sflag:s8], $0x0  }
0x24: {  	s3 =	sadd.s32 $0x88, s3;
	s6 =	simm.s32 @!p1 $0x1082;
	[sflag:s4] =	ssyncset.s32 $0xFFFFF086  }
0x25: {  	[simem:s6], [sflag:s4] =	dma.local [hbm:s3], $0xF7A  }
0x26: {  	[smem:$0x3F97] =	sst s1;
	(tag) =	ssettag s2;
	_ =	strace s9  }
0x27: {  	s1 =	sld [smem:$0x3FA7]  }
0x28: {  	s2 =	sld [smem:$0x3FA8]  }
0x29: {  	s4 =	sld [smem:$0x3FAA]  }
0x2a: {  	p0 =	seq.s32 s5, $0x0;
	s5 =	sld [smem:$0x3FAB]  }
0x2b: {  	s6 =	sld [smem:$0x3FAC]  }
0x2c: {  	s7 =	sld [smem:$0x3FAD]  }
0x2d: {  	s3 =	simm.s32 $0x108;
	s8 =	sld [smem:$0x3FAE]  }
0x2e: {  	s3 =	simm.s32 @!p0 $0x1082;
	s9 =	sld [smem:$0x3FAF]  }
0x2f: {  	lr =	sadd.s32 s0, s3;
	s0 =	sld [smem:$0x3FA6]  }
0x30: {  	s3 =	sld [smem:$0x3FA9]  }
0x31: {  	[smem:$0x3FB2] =	sst s10  }
0x32: {  	s10 =	sld [smem:$0x3FB0];
	_ =	sdelay $0x3  }
0x33: {  	p0 =	seq.s32 s10, $0x1;
	s10 =	sld [smem:$0x3FB2];
	_ =	sdelay $0x3  }
0x34: {  	[smem:$0x3FB2] =	sst s10  }
0x35: {  	s10 =	sld [smem:$0x3FB1];
	_ =	sdelay $0x3  }
0x36: {  	p1 =	seq.s32 s10, $0x1;
	s10 =	sld [smem:$0x3FB2];
	_ =	sdelay $0x3  }
0x37: {  	[smem:$0x3FB2] =	sst s10  }
0x38: {  	s10 =	sld [smem:$0x3FB3]  }
0x39: {  	_ = 	snop;
	(pc) =	sbr.ind lr, $3  }
0x3a: {  	_ = 	snop  }
0x3b: {  	_ = 	snop  }
0x3c: {  	p2 =	seq.s32 s10, $0x1;
	s10 =	sld [smem:$0x3FB2]  }
0x3d: {  	_ =	shalt  }
0x3e: {  	_ =	shalt  }
0x3f: {  	_ =	shalt  }
0x40: {  	_ =	shalt  }
0x41: {  	_ =	shalt  }
0x42: {  	_ =	shalt  }
0x43: {  	_ =	shalt  }
0x44: {  	_ =	shalt  }
0x45: {  	_ =	shalt  }
0x46: {  	_ =	shalt  }
0x47: {  	_ =	shalt  }
0x48: {  	_ =	shalt  }
0x49: {  	_ =	shalt  }
0x4a: {  	_ =	shalt  }
0x4b: {  	_ =	shalt  }
0x4c: {  	_ =	shalt  }
0x4d: {  	_ =	shalt  }
0x4e: {  	_ =	shalt  }
0x4f: {  	_ =	shalt  }
0x50: {  	_ =	shalt  }
0x51: {  	_ =	shalt  }
0x52: {  	_ =	shalt  }
0x53: {  	_ =	shalt  }
0x54: {  	_ =	shalt  }
0x55: {  	_ =	shalt  }
0x56: {  	_ =	shalt  }
0x57: {  	_ =	shalt  }
0x58: {  	_ =	shalt  }
0x59: {  	_ =	shalt  }
0x5a: {  	_ =	shalt  }
0x5b: {  	_ =	shalt  }
0x5c: {  	_ =	shalt  }
0x5d: {  	_ =	shalt  }
0x5e: {  	_ =	shalt  }
0x5f: {  	_ =	shalt  }
0x60: {  	_ =	shalt  }
0x61: {  	_ =	shalt  }
0x62: {  	_ =	shalt  }
0x63: {  	_ =	shalt  }
0x64: {  	_ =	shalt  }
0x65: {  	_ =	shalt  }
0x66: {  	_ =	shalt  }
0x67: {  	_ =	shalt  }
0x68: {  	_ =	shalt  }
0x69: {  	_ =	shalt  }
0x6a: {  	_ =	shalt  }
0x6b: {  	_ =	shalt  }
0x6c: {  	_ =	shalt  }
0x6d: {  	_ =	shalt  }
0x6e: {  	_ =	shalt  }
0x6f: {  	_ =	shalt  }
0x70: {  	_ =	shalt  }
0x71: {  	_ =	shalt  }
0x72: {  	_ =	shalt  }
0x73: {  	_ =	shalt  }
0x74: {  	_ =	shalt  }
0x75: {  	_ =	shalt  }
0x76: {  	_ =	shalt  }
0x77: {  	_ =	shalt  }
0x78: {  	_ =	shalt  }
0x79: {  	_ =	shalt  }
0x7a: {  	_ =	shalt  }
0x7b: {  	_ =	shalt  }
0x7c: {  	_ =	shalt  }
0x7d: {  	_ =	shalt  }
0x7e: {  	_ =	shalt  }
0x7f: {  	_ =	shalt  }
0x80: {  	_ =	shalt  }
0x81: {  	_ =	shalt  }
0x82: {  	_ =	shalt  }
0x83: {  	_ =	shalt  }
0x84: {  	_ =	shalt  }
0x85: {  	_ =	shalt  }
0x86: {  	_ =	shalt  }
0x87: {  	_ =	shalt  }
.Lfunc_end0:
.L_simem_size_0:
called_computation.4_lowered:
.L_overlay_start_0:
0x88: {  	s2 =	sld [smem:$0x3FD9]  }
0x89: {  	s3 =	sld [smem:$0x3FFE];
	_ =	sdelay $0x1  }
0x8a: {  	s1 =	srdreg.scid  }
0x8b: {  	s0 =	sand.u32 $0x1, s1  }
0x8c: {  	s16 =	sshll.u32 s0, $0xA;
	s2 =	sadd.s32 s3, s2  }
0x8d: {  	s2 =	sadd.s32 s2, s16  }
0x8e: {  	[smem:$0x3FBE] =	sst s2  }
0x8f: {  	_ = 	snop  }
0x90: {  	(tm) =	ssettm $0x1  }
0x91: {  	s17 =	sld [smem:$0x3FFB];
	_ =	sdelay $0x3  }
0x92: {  	_ =	strace s17  }
0x93: {  	s2 =	sld [smem:$0x3FFC];
	_ =	sdelay $0x3  }
0x94: {  	_ =	strace s2  }
0x95: {  	s2 =	sld [smem:$0x3FFD];
	_ =	sdelay $0x3  }
0x96: {  	_ =	strace s2  }
0x97: {  	_ =	strace $0x8FFFFFFF  }
0x98: {  	s18 =	sld [smem:$0x3FDB];
	_ =	sdelay $0x1  }
0x99: {  	s19 =	simm.s32 $_scs_section_size  }
0x9a: {  	s4 =	simm.s32 $_size__tile_overlayer_lowered;
	s5 =	simm.s32 $_tile_overlayer_lowered  }
0x9b: {  	s22 =	simm.s32 $0x1BFF;
	s21 =	sshll.u32 s5, $0x1;
	s2 =	sadd.s32 s19, s18  }
0x9c: {  	s6 =	simm.s32 $0x0;
	s20 =	sshll.u32 s4, $0x1;
	s4 =	sadd.s32 s21, s2  }
0x9d: {  	[timem:s6], [sflag:s22] =	dma.local [hbm:s4], s20  }
0x9e: {  	_ =	swait.ge [sflag:s22], s20  }
0x9f: {  	s3 =	ssub.s32 $0x0, s20;
	[sflag:s22] =	ssyncset.done $0x0  }
0xa0: {  	[sflag:s22] =	ssyncadd.s32 s3;
	_ =	sdelay $0x1  }
0xa1: {  	s23 =	simm.s32 $0x1B8B  }
0xa2: {  	_ =	swait.ge [sflag:s23], $0x1  }
0xa3: {  	[sflag:s23] =	ssyncset.done $0x0  }
0xa4: {  	s25 =	simm.s32 $0x1B8E;
	s24 =	sld [smem:$0x3FFE];
	[sflag:s23] =	ssyncadd.s32 $0xFFFFFFFF  }
0xa5: {  	s26 =	simm.s32 $execute0_lowered;
	[smem:$0x3FD2] =	sst s25  }
0xa6: {  	s4 =	sshll.u32 s26, $0x1;
	_ =	strace $0x80000052;
	[dreg:$0x1] =	wrdreg $0xFFFFFFFF  }
0xa7: {  	s28 =	simm.s32 $_size_execute0_lowered;
	s2 =	sadd.s32 s2, s4;
	[dreg:$0x0] =	wrdreg $0x0  }
0xa8: {  	s4 =	sshll.u32 s28, $0x1;
	[dreg:$0x2] =	wrdreg s2  }
0xa9: {  	[dreg:$0x3] =	wrdreg s4  }
0xaa: {  	[dreg:$0x4] =	wrdreg $0xC0  }
0xab: {  	_ =	task [dreg:s6], $0x5FFFF  }
0xac: {  	[dreg:$0x1] =	wrdreg $0xFFFFFFFF  }
0xad: {  	[dreg:$0x0] =	wrdreg $0x60  }
0xae: {  	[dreg:$0x2] =	wrdreg s24  }
0xaf: {  	[dreg:$0x3] =	wrdreg $0xB8000  }
0xb0: {  	[dreg:$0x4] =	wrdreg $0x9  }
0xb1: {  	_ =	task.clear_ibuf [dreg:s6], $0x5FFFF;
	_ =	strace $0x90000052  }
0xb2: {  	s29 =	simm.s32 $0x9;
	_ =	strace $0x80000054  }
0xb3: {  	_ =	swait.ge [sflag:s29], $0x1  }
0xb4: {  	[sflag:s29] =	ssyncadd.s32 $0xFFFFFFFF  }
0xb5: {  	_ =	strace $0x90000054  }
0xb6: {  	_ =	sfence  }
0xb7: {  	s30 =	sld [smem:$0x0];
	_ =	sdelay $0x2  }
0xb8: {  	s31 =	sshll.u32 s1, $0xD;
	s1 =	sshrl.u32 s1, $0x2  }
0xb9: {  	s3 =	sand.u32 $0x4000, s31;
	s1 =	sadd.s32 s1, s30  }
0xba: {  	s0 =	sor.u32 s3, s0;
	s1 =	sshll.u32 s1, $0x11  }
0xbb: {  	s0 =	sor.u32 s1, s0  }
0xbc: {  	s0 =	sadd.s32 $0x8F2B, s0  }
0xbd: {  	[sflag:s0] =	ssyncadd.remote.s32 $0x1  }
0xbe: {  	_ =	sfence.sel $0xFFFF  }
0xbf: {  	[dreg:$0x0] =	wrdreg $0xFFFFFFFF;
	(pc) =	sbr.abs _section_cstart, $3  }
0xc0: {  	[dreg:$0x1] =	wrdreg $0xFFFFFFFF  }
0xc1: {  	_ =	task.clear_ibuf [dreg:s6], $0x2FFFF;
	_ =	strace $0x9FFFFFFF  }
0xc2: {  	(tm) =	ssettm $0x7FFFFFFF  }
0xc3: {  	_ =	shalt  }
tec
execute0_lowered:
.L_overlay_start_1:
0x0: {  	(tag) =	ssettag $0x1  }
0x1: {  	s0 =	rddreg [dreg:$0x0]  }
0x2: {  	s1 =	rddreg [dreg:$0x1];
	s2 =	srdreg.scid  }
0x3: {  	s4 =	simm.s32 $0x0;
	s7 =	stileid.u32;
	s30 =	simm.s32 $0x3  }
0x4: {  	s31 =	simm.s32 $0x2800;
	s8 =	simm.s32 $0x0;
	s6 =	smul.u32 $0x13C00, s7  }
0x5: {  	s2 =	sand.u32 $0x1, s2;
	[smem:$0x7FF] =	sst s4;
	s17 =	smul.u32 $0x4F000, s7  }
0x6: {  	s4 =	sadd.s32 $0xD000, s0;
	s3 =	sshll.u32 s2, $0x4;
	s5 =	smul.u32 $0x13C000, s2  }
0x7: {  	_ =	strace $0x80000053;
	s2 =	ssub.s32 $0x2, s2;
	s3 =	sor.u32 s7, s3  }
0x8: {  	s18 =	sshrl.u32 s2, $0x1;
	s19 =	sshrl.u32 s17, $0x2;
	s3 =	smul.u32 $0x280, s3  }
0x9: {  	s5 =	sadd.s32 s6, s5;
	s2 =	ssub.s32 s2, s18;
	s7 =	sadd.s32 s19, s1  }
0xa: {  	s6 =	simm.s32 $0x2;
	s5 =	sshrl.u32 s5, $0x3;
	s21 =	sadd.s32 $0x1000, s7  }
0xb: {  	s22 =	sadd.s32 $0x2000, s7;
	s23 =	sadd.s32 $0x3000, s7;
	s24 =	sadd.s32 $0x4000, s7  }
0xc: {  	s25 =	sadd.s32 $0x5000, s7;
	s26 =	sadd.s32 $0x6000, s7;
	[dreg:$0x5] =	wrdreg s21  }
0xd: {  	s14 =	sadd.s32 $0x7000, s7;
	s15 =	sadd.s32 $0x8000, s7;
	[dreg:$0x6] =	wrdreg s22  }
0xe: {  	s16 =	sadd.s32 $0x9000, s7;
	s17 =	sadd.s32 $0xA000, s7;
	[dreg:$0x7] =	wrdreg s23  }
0xf: {  	s18 =	sadd.s32 $0xB000, s7;
	s19 =	sadd.s32 $0xC000, s7;
	[dreg:$0x8] =	wrdreg s24  }
0x10: {  	s28 =	sadd.s32 $0x12000, s7;
	s29 =	sadd.s32 $0x13000, s7;
	[dreg:$0x9] =	wrdreg s25  }
0x11: {  	s3 =	sadd.s32 s3, s0;
	s0 =	sadd.s32 s5, s0;
	[dreg:$0xa] =	wrdreg s26  }
0x12: {  	s21 =	sadd.s32 $0xE000, s7;
	s22 =	sadd.s32 $0xF000, s7;
	s23 =	sadd.s32 $0x10000, s7  }
0x13: {  	s25 =	smax.u32 s2, $0x1;
	s26 =	sadd.s32 $0x11000, s7;
	s2 =	simm.s32 $0x80  }
0x14: {  	s5 =	simm.s32 $0x1;
	s20 =	sadd.s32 $0x8000, s3;
	s3 =	sadd.s32 $0x3000, s3  }
0x15: {  	s24 =	sadd.s32 $0x34200, s0;
	s0 =	simm.s32 $0xA800;
	[dreg:$0x3] =	wrdreg s20  }
0x16: {  	v0 =	vimm.f32 $0.0e+00;
	[dreg:$0x4] =	wrdreg s3;
	s20 =	sadd.s32 $0xD000, s7;
	s3 =	simm.s32 $0x6800  }
.LBB2_1:
0x17: {  	s9 =	simm.s32 $0x0;
	s10 =	rddreg [dreg:$0x3]  }
0x18: {  	[tilespmem:s9], [sflag:$0x3] =	stream.linear.gather [hbm4b:s10+s9], $0x1400, $0x38;
	[tilespmem:$0x1F400] =	vst v63  }
0x19: {  	_ =	swait.ge [sflag:s30], $0x1400  }
0x1a: {  	[sflag:s30] =	ssyncset.done $0x0  }
0x1b: {  	s11 =	simm.s32 $0x1400;
	s13 =	rddreg [dreg:$0x4];
	[sflag:s30] =	ssyncadd.s32 $0xFFFFEC00  }
0x1c: {  	[tilespmem:s11], [sflag:$0x3] =	stream.linear.gather [hbm4b:s13+s9], $0x1400, $0x38;
	[tilespmem:$0x1F400] =	vst v63  }
0x1d: {  	_ =	swait.ge [sflag:s30], $0x1400  }
0x1e: {  	[sflag:s30] =	ssyncset.done $0x0  }
0x1f: {  	s10 =	simm.s32 $0x200;
	s9 =	simm.s32 $0x0;
	[sflag:s30] =	ssyncadd.s32 $0xFFFFEC00  }
.LBB2_2:
0x20: {  	p0 =	sne.s32 s10, $0x3E00;
	[tilespmem:s9+$0xA870] =	vst v0  }
0x21: {  	[tilespmem:s9+$0xA800] =	vst v0  }
0x22: {  	[tilespmem:s9+$0xA810] =	vst v0  }
.Ltmp0:
0x23: {  	[tilespmem:s9+$0xA820] =	vst v0;
	(pc) =	sbr.rel @p0 .LBB2_2-.Ltmp0, $4  }
0x24: {  	[tilespmem:s9+$0xA830] =	vst v0  }
0x25: {  	[tilespmem:s9+$0xA840] =	vst v0  }
0x26: {  	[tilespmem:s9+$0xA850] =	vst v0  }
0x27: {  	[tilespmem:s9+$0xA860] =	vst v0;
	s9 =	sshra.s32 s10, $0x2;
	s10 =	sadd.s32 $0x200, s10  }
0x28: {  	[tilespmem:s9+$0xA870] =	vst v0  }
0x29: {  	[tilespmem:s9+$0xA800] =	vst v0  }
0x2a: {  	[tilespmem:s9+$0xA810] =	vst v0  }
0x2b: {  	[tilespmem:s9+$0xA820] =	vst v0  }
0x2c: {  	[tilespmem:s9+$0xA830] =	vst v0  }
0x2d: {  	[tilespmem:s9+$0xA840] =	vst v0  }
0x2e: {  	[tilespmem:s9+$0xA850] =	vst v0  }
0x2f: {  	[tilespmem:s9+$0xA860] =	vst v0  }
0x30: {  	[spmem:s7] =	stream.linear.scatter [tilespmem:s0], [sflag:$0x3], $0x1000, $0x38;
	[tilespmem:$0x1F400] =	vst v63  }
0x31: {  	_ =	swait.ge [sflag:s30], $0x1000  }
0x32: {  	[sflag:s30] =	ssyncset.done $0x0  }
0x33: {  	s11 =	rddreg [dreg:$0x5];
	[sflag:s30] =	ssyncadd.s32 $0xFFFFF000  }
0x34: {  	[spmem:s11] =	stream.linear.scatter [tilespmem:s0], [sflag:$0x3], $0x1000, $0x38;
	[tilespmem:$0x1F400] =	vst v63  }
0x35: {  	_ =	swait.ge [sflag:s30], $0x1000  }
0x36: {  	[sflag:s30] =	ssyncset.done $0x0  }
0x37: {  	s12 =	rddreg [dreg:$0x6];
	[sflag:s30] =	ssyncadd.s32 $0xFFFFF000  }
0x38: {  	[spmem:s12] =	stream.linear.scatter [tilespmem:s0], [sflag:$0x3], $0x1000, $0x38;
	[tilespmem:$0x1F400] =	vst v63  }
0x39: {  	_ =	swait.ge [sflag:s30], $0x1000  }
0x3a: {  	[sflag:s30] =	ssyncset.done $0x0  }
0x3b: {  	s13 =	rddreg [dreg:$0x7];
	[sflag:s30] =	ssyncadd.s32 $0xFFFFF000  }
0x3c: {  	[spmem:s13] =	stream.linear.scatter [tilespmem:s0], [sflag:$0x3], $0x1000, $0x38;
	[tilespmem:$0x1F400] =	vst v63  }
0x3d: {  	_ =	swait.ge [sflag:s30], $0x1000  }
0x3e: {  	[sflag:s30] =	ssyncset.done $0x0  }
0x3f: {  	s10 =	rddreg [dreg:$0x8];
	[sflag:s30] =	ssyncadd.s32 $0xFFFFF000  }
0x40: {  	[spmem:s10] =	stream.linear.scatter [tilespmem:s0], [sflag:$0x3], $0x1000, $0x38;
	[tilespmem:$0x1F400] =	vst v63  }
0x41: {  	_ =	swait.ge [sflag:s30], $0x1000  }
0x42: {  	[sflag:s30] =	ssyncset.done $0x0  }
0x43: {  	s11 =	rddreg [dreg:$0x9];
	[sflag:s30] =	ssyncadd.s32 $0xFFFFF000  }
0x44: {  	[spmem:s11] =	stream.linear.scatter [tilespmem:s0], [sflag:$0x3], $0x1000, $0x38;
	[tilespmem:$0x1F400] =	vst v63  }
0x45: {  	_ =	swait.ge [sflag:s30], $0x1000  }
0x46: {  	[sflag:s30] =	ssyncset.done $0x0  }
0x47: {  	s12 =	rddreg [dreg:$0xa];
	[sflag:s30] =	ssyncadd.s32 $0xFFFFF000  }
0x48: {  	[spmem:s12] =	stream.linear.scatter [tilespmem:s0], [sflag:$0x3], $0x1000, $0x38;
	[tilespmem:$0x1F400] =	vst v63  }
0x49: {  	_ =	swait.ge [sflag:s30], $0x1000  }
0x4a: {  	[sflag:s30] =	ssyncset.done $0x0  }
0x4b: {  	[sflag:s30] =	ssyncadd.s32 $0xFFFFF000  }
0x4c: {  	[spmem:s14] =	stream.linear.scatter [tilespmem:s0], [sflag:$0x3], $0x1000, $0x38;
	[tilespmem:$0x1F400] =	vst v63  }
0x4d: {  	_ =	swait.ge [sflag:s30], $0x1000  }
0x4e: {  	[sflag:s30] =	ssyncset.done $0x0  }
0x4f: {  	[sflag:s30] =	ssyncadd.s32 $0xFFFFF000  }
0x50: {  	[spmem:s15] =	stream.linear.scatter [tilespmem:s0], [sflag:$0x3], $0x1000, $0x38;
	[tilespmem:$0x1F400] =	vst v63  }
0x51: {  	_ =	swait.ge [sflag:s30], $0x1000  }
0x52: {  	[sflag:s30] =	ssyncset.done $0x0  }
0x53: {  	[sflag:s30] =	ssyncadd.s32 $0xFFFFF000  }
0x54: {  	[spmem:s16] =	stream.linear.scatter [tilespmem:s0], [sflag:$0x3], $0x1000, $0x38;
	[tilespmem:$0x1F400] =	vst v63  }
0x55: {  	_ =	swait.ge [sflag:s30], $0x1000  }
0x56: {  	[sflag:s30] =	ssyncset.done $0x0  }
0x57: {  	[sflag:s30] =	ssyncadd.s32 $0xFFFFF000  }
0x58: {  	[spmem:s17] =	stream.linear.scatter [tilespmem:s0], [sflag:$0x3], $0x1000, $0x38;
	[tilespmem:$0x1F400] =	vst v63  }
0x59: {  	_ =	swait.ge [sflag:s30], $0x1000  }
0x5a: {  	[sflag:s30] =	ssyncset.done $0x0  }
0x5b: {  	[sflag:s30] =	ssyncadd.s32 $0xFFFFF000  }
0x5c: {  	[spmem:s18] =	stream.linear.scatter [tilespmem:s0], [sflag:$0x3], $0x1000, $0x38;
	[tilespmem:$0x1F400] =	vst v63  }
0x5d: {  	_ =	swait.ge [sflag:s30], $0x1000  }
0x5e: {  	[sflag:s30] =	ssyncset.done $0x0  }
0x5f: {  	[sflag:s30] =	ssyncadd.s32 $0xFFFFF000  }
0x60: {  	[spmem:s19] =	stream.linear.scatter [tilespmem:s0], [sflag:$0x3], $0x1000, $0x38;
	[tilespmem:$0x1F400] =	vst v63  }
0x61: {  	_ =	swait.ge [sflag:s30], $0x1000  }
0x62: {  	[sflag:s30] =	ssyncset.done $0x0  }
0x63: {  	[sflag:s30] =	ssyncadd.s32 $0xFFFFF000  }
0x64: {  	[spmem:s20] =	stream.linear.scatter [tilespmem:s0], [sflag:$0x3], $0x1000, $0x38;
	[tilespmem:$0x1F400] =	vst v63  }
0x65: {  	_ =	swait.ge [sflag:s30], $0x1000  }
0x66: {  	[sflag:s30] =	ssyncset.done $0x0  }
0x67: {  	[sflag:s30] =	ssyncadd.s32 $0xFFFFF000  }
0x68: {  	[spmem:s21] =	stream.linear.scatter [tilespmem:s0], [sflag:$0x3], $0x1000, $0x38;
	[tilespmem:$0x1F400] =	vst v63  }
0x69: {  	_ =	swait.ge [sflag:s30], $0x1000  }
0x6a: {  	[sflag:s30] =	ssyncset.done $0x0  }
0x6b: {  	[sflag:s30] =	ssyncadd.s32 $0xFFFFF000  }
0x6c: {  	[spmem:s22] =	stream.linear.scatter [tilespmem:s0], [sflag:$0x3], $0x1000, $0x38;
	[tilespmem:$0x1F400] =	vst v63  }
0x6d: {  	_ =	swait.ge [sflag:s30], $0x1000  }
0x6e: {  	[sflag:s30] =	ssyncset.done $0x0  }
0x6f: {  	[sflag:s30] =	ssyncadd.s32 $0xFFFFF000  }
0x70: {  	[spmem:s23] =	stream.linear.scatter [tilespmem:s0], [sflag:$0x3], $0x1000, $0x38;
	[tilespmem:$0x1F400] =	vst v63  }
0x71: {  	_ =	swait.ge [sflag:s30], $0x1000  }
0x72: {  	[sflag:s30] =	ssyncset.done $0x0  }
0x73: {  	[sflag:s30] =	ssyncadd.s32 $0xFFFFF000  }
0x74: {  	[spmem:s26] =	stream.linear.scatter [tilespmem:s0], [sflag:$0x3], $0x1000, $0x38;
	[tilespmem:$0x1F400] =	vst v63  }
0x75: {  	_ =	swait.ge [sflag:s30], $0x1000  }
0x76: {  	[sflag:s30] =	ssyncset.done $0x0  }
0x77: {  	[sflag:s30] =	ssyncadd.s32 $0xFFFFF000  }
0x78: {  	[spmem:s28] =	stream.linear.scatter [tilespmem:s0], [sflag:$0x3], $0x1000, $0x38;
	[tilespmem:$0x1F400] =	vst v63  }
0x79: {  	_ =	swait.ge [sflag:s30], $0x1000  }
0x7a: {  	[sflag:s30] =	ssyncset.done $0x0  }
0x7b: {  	[sflag:s30] =	ssyncadd.s32 $0xFFFFF000  }
0x7c: {  	[spmem:s29] =	stream.linear.scatter [tilespmem:s0], [sflag:$0x3], $0xC00, $0x38;
	[tilespmem:$0x1F400] =	vst v63  }
0x7d: {  	_ =	swait.ge [sflag:s30], $0xC00  }
0x7e: {  	[sflag:s30] =	ssyncset.done $0x0  }
0x7f: {  	[sflag:s30] =	ssyncadd.s32 $0xFFFFF400  }
0x80: {  	s13 =	simm.s32 $0x0;
	[bflag:$0x0] =	sbarrier.arrive $0xFFFF  }
0x81: {  	[tilespmem:s31], [sflag:$0x1] =	stream.indirect.gather [hbm4b:s4+s2], $0x80, s13, s2, $0xb8;
	[tilespmem:$0x1F400] =	vst v63  }
0x82: {  	s10 =	simm.s32 $0x80  }
0x83: {  	[tilespmem:s3], [sflag:$0x2] =	stream.indirect.gather [hbm4b:s4+s2], $0x80, s10, s2, $0xb8;
	[tilespmem:$0x1F400] =	vst v63  }
0x84: {  	_ =	swait.ge [sflag:s5], $0x4000  }
0x85: {  	[sflag:s5] =	ssyncset.done $0x0  }
0x86: {  	s11 =	simm.s32 $0x1400;
	[sflag:s5] =	ssyncadd.s32 $0xFFFFC000  }
0x87: {  	[spmem:s1] =	stream.indirect.scatter.add.f32 [tilespmem:s31], [sflag:$0x3], $0x80, s11, s2, $0xb8;
	[tilespmem:$0x1F400] =	vst v63  }
0x88: {  	_ =	swait.ge [sflag:s30], $0x4000  }
0x89: {  	[sflag:s30] =	ssyncset.done $0x0  }
0x8a: {  	s12 =	simm.s32 $0x100;
	[sflag:s30] =	ssyncadd.s32 $0xFFFFC000  }
0x8b: {  	[tilespmem:s31], [sflag:$0x1] =	stream.indirect.gather [hbm4b:s4+s2], $0x80, s12, s2, $0xb8;
	[tilespmem:$0x1F400] =	vst v63  }
0x8c: {  	_ =	swait.ge [sflag:s6], $0x4000  }
0x8d: {  	[sflag:s6] =	ssyncset.done $0x0  }
0x8e: {  	s13 =	simm.s32 $0x1480;
	[sflag:s6] =	ssyncadd.s32 $0xFFFFC000  }
0x8f: {  	[spmem:s1] =	stream.indirect.scatter.add.f32 [tilespmem:s3], [sflag:$0x3], $0x80, s13, s2, $0xb8;
	[tilespmem:$0x1F400] =	vst v63  }
0x90: {  	_ =	swait.ge [sflag:s30], $0x4000  }
0x91: {  	s9 =	simm.s32 $0x100;
	s10 =	simm.s32 $0x800;
	[sflag:s30] =	ssyncset.done $0x0  }
.LBB2_4:
0x92: {  	s11 =	sadd.s32 $0x80, s9  }
0x93: {  	[sflag:s30] =	ssyncadd.s32 $0xFFFFC000;
	s12 =	smov.u32 s10;
	s13 =	sadd.s32 $0x400, s10  }
0x94: {  	[tilespmem:s3], [sflag:$0x2] =	stream.indirect.gather [hbm4b:s4+s2], $0x80, s11, s2, $0xb8;
	[tilespmem:$0x1F400] =	vst v63  }
0x95: {  	p0 =	sne.s32 s10, $0x4800;
	_ =	swait.ge [sflag:s5], $0x4000  }
0x96: {  	[sflag:s5] =	ssyncset.done $0x0  }
0x97: {  	s10 =	sadd.s32 $0x1400, s9;
	[sflag:s5] =	ssyncadd.s32 $0xFFFFC000  }
0x98: {  	[spmem:s1] =	stream.indirect.scatter.add.f32 [tilespmem:s31], [sflag:$0x3], $0x80, s10, s2, $0xb8;
	[tilespmem:$0x1F400] =	vst v63  }
0x99: {  	_ =	swait.ge [sflag:s30], $0x4000  }
0x9a: {  	[sflag:s30] =	ssyncset.done $0x0  }
0x9b: {  	s10 =	sadd.s32 $0x100, s9;
	[sflag:s30] =	ssyncadd.s32 $0xFFFFC000  }
0x9c: {  	[tilespmem:s31], [sflag:$0x1] =	stream.indirect.gather [hbm4b:s4+s2], $0x80, s10, s2, $0xb8;
	[tilespmem:$0x1F400] =	vst v63  }
0x9d: {  	_ =	swait.ge [sflag:s6], $0x4000  }
.Ltmp1:
0x9e: {  	[sflag:s6] =	ssyncset.done $0x0;
	(pc) =	sbr.rel @p0 .LBB2_4-.Ltmp1, $4  }
0x9f: {  	s9 =	sadd.s32 $0x1480, s9;
	[sflag:s6] =	ssyncadd.s32 $0xFFFFC000  }
0xa0: {  	[spmem:s1] =	stream.indirect.scatter.add.f32 [tilespmem:s3], [sflag:$0x3], $0x80, s9, s2, $0xb8;
	[tilespmem:$0x1F400] =	vst v63  }
0xa1: {  	_ =	swait.ge [sflag:s30], $0x4000  }
0xa2: {  	s10 =	smov.u32 s13;
	s9 =	sshra.s32 s12, $0x2;
	[sflag:s30] =	ssyncset.done $0x0  }
0xa3: {  	s10 =	sadd.s32 $0x80, s9;
	[sflag:s30] =	ssyncadd.s32 $0xFFFFC000  }
0xa4: {  	[tilespmem:s3], [sflag:$0x2] =	stream.indirect.gather [hbm4b:s4+s2], $0x80, s10, s2, $0xb8;
	[tilespmem:$0x1F400] =	vst v63  }
0xa5: {  	_ =	swait.ge [sflag:s5], $0x4000  }
0xa6: {  	[sflag:s5] =	ssyncset.done $0x0  }
0xa7: {  	s13 =	sadd.s32 $0x1400, s9;
	[sflag:s5] =	ssyncadd.s32 $0xFFFFC000  }
0xa8: {  	[spmem:s1] =	stream.indirect.scatter.add.f32 [tilespmem:s31], [sflag:$0x3], $0x80, s13, s2, $0xb8;
	[tilespmem:$0x1F400] =	vst v63  }
0xa9: {  	_ =	swait.ge [sflag:s30], $0x4000  }
0xaa: {  	[sflag:s30] =	ssyncset.done $0x0  }
0xab: {  	s11 =	sadd.s32 $0x100, s9;
	[sflag:s30] =	ssyncadd.s32 $0xFFFFC000  }
0xac: {  	[tilespmem:s31], [sflag:$0x1] =	stream.indirect.gather [hbm4b:s4+s2], $0x80, s11, s2, $0xb8;
	[tilespmem:$0x1F400] =	vst v63  }
0xad: {  	_ =	swait.ge [sflag:s6], $0x4000  }
0xae: {  	[sflag:s6] =	ssyncset.done $0x0  }
0xaf: {  	s12 =	sadd.s32 $0x1480, s9;
	[sflag:s6] =	ssyncadd.s32 $0xFFFFC000  }
0xb0: {  	[spmem:s1] =	stream.indirect.scatter.add.f32 [tilespmem:s3], [sflag:$0x3], $0x80, s12, s2, $0xb8;
	[tilespmem:$0x1F400] =	vst v63  }
0xb1: {  	_ =	swait.ge [sflag:s30], $0x4000  }
0xb2: {  	[sflag:s30] =	ssyncset.done $0x0  }
0xb3: {  	s13 =	simm.s32 $0x1380;
	[sflag:s30] =	ssyncadd.s32 $0xFFFFC000  }
0xb4: {  	[tilespmem:s3], [sflag:$0x2] =	stream.indirect.gather [hbm4b:s4+s2], $0x80, s13, s2, $0xb8;
	[tilespmem:$0x1F400] =	vst v63  }
0xb5: {  	_ =	swait.ge [sflag:s5], $0x4000  }
0xb6: {  	[sflag:s5] =	ssyncset.done $0x0  }
0xb7: {  	s10 =	simm.s32 $0x2700;
	[sflag:s5] =	ssyncadd.s32 $0xFFFFC000  }
0xb8: {  	[spmem:s1] =	stream.indirect.scatter.add.f32 [tilespmem:s31], [sflag:$0x3], $0x80, s10, s2, $0xb8;
	[tilespmem:$0x1F400] =	vst v63  }
0xb9: {  	_ =	swait.ge [sflag:s30], $0x4000  }
0xba: {  	[sflag:s30] =	ssyncset.done $0x0  }
0xbb: {  	[sflag:s30] =	ssyncadd.s32 $0xFFFFC000  }
0xbc: {  	_ =	swait.ge [sflag:s6], $0x4000  }
0xbd: {  	[sflag:s6] =	ssyncset.done $0x0  }
0xbe: {  	s11 =	simm.s32 $0x2780;
	[sflag:s6] =	ssyncadd.s32 $0xFFFFC000  }
0xbf: {  	[spmem:s1] =	stream.indirect.scatter.add.f32 [tilespmem:s3], [sflag:$0x3], $0x80, s11, s2, $0xb8;
	[tilespmem:$0x1F400] =	vst v63  }
0xc0: {  	s12 =	stileid.u32;
	_ =	swait.ge [sflag:s30], $0x4000  }
0xc1: {  	s8 =	sadd.s32 $0x1, s8;
	s9 =	sshll.u32 s12, $0x6;
	[sflag:s30] =	ssyncset.done $0x0  }
0xc2: {  	p0 =	sne.s32 s8, s25;
	s9 =	sor.u32 $0x1C03, s9;
	[sflag:s30] =	ssyncadd.s32 $0xFFFFC000  }
.Ltmp2:
0xc3: {  	s13 =	sshrl.u32 s7, $0x3;
	[bflag:$0x0] =	sbarrier.arrive $0xFFFF;
	(pc) =	sbr.rel @p0 .LBB2_1-.Ltmp2, $4  }
0xc4: {  	[hbm:s24], [sflag:s9] =	dma.local [spmem:s13], $0x2780  }
0xc5: {  	_ =	swait.ge [sflag:s30], $0x2780  }
0xc6: {  	[sflag:s30] =	ssyncset.done $0x0  }
0xc7: {  	[sflag:s30] =	ssyncadd.s32 $0xFFFFD880  }
0xc8: {  	_ =	sfence.sel $0x180000  }
0xc9: {  	[bflag:$0x0] =	sbarrier.arrive $0xFFFF  }
0xca: {  	_ =	strace $0x90000053  }
0xcb: {  	s0 =	stileid.u32;
	[bflag:$0x2] =	sbarrier.arrive $0xFFFF  }
0xcc: {  	p0 =	sne.s32 s0, $0x0;
	s0 =	rddreg [dreg:$0x2]  }
0xcd: {  	s0 =	sadd.s32 @!p0 $0x100000, s0  }
0xce: {  	[sflag:s0] =	ssyncadd.tile.s32 @!p0 $0x1;
	_ =	shalt  }
.Lfunc_end2:
_tile_overlayer_lowered:
.L_overlay_start_2:
0xcf: {  	(tag) =	ssettag $0x2  }
0xd0: {  	s0 =	rddreg [dreg:$0x0];
	s2 =	stileid.u32  }
0xd1: {  	s1 =	rddreg [dreg:$0x1];
	p0 =	sne.s32 s2, $0x0  }
0xd2: {  	s3 =	rddreg [dreg:$0x2];
	[bflag:$0x3] =	sbarrier.arrive $0xFFFF;
	s2 =	simm.s32 @!p0 $0x1C03  }
0xd3: {  	[timem:s3], [sflag:s2] =	dma.local @!p0 [hbm:s0], s1  }
0xd4: {  	s0 =	simm.s32 @!p0 $0x3  }
0xd5: {  	_ =	swait.ge @!p0 [sflag:s0], s1  }
0xd6: {  	s1 =	ssub.s32 @!p0 $0x0, s1;
	[sflag:s0] =	ssyncset.done @!p0 $0x0  }
0xd7: {  	[sflag:s0] =	ssyncadd.s32 @!p0 s1  }
0xd8: {  	[bflag:$0x3] =	sbarrier.arrive $0xFFFF  }
0xd9: {  	_ =	shalt  }

</sc_bundles>
